<compile_context>
chip_gen: v7x
topology: tpu7x:2x2x1
jax: 0.10.2.dev20260603
libtpu: 0.0.44.dev20260713+nightly
codegen_flags: <defaults>
</compile_context>

<pallas_src>
import functools

import jax
import jax.numpy as jnp
from jax import lax
from jax.experimental import pallas as pl
from jax.experimental.pallas import tpu as pltpu
from jax.experimental.pallas import tpu_sc as plsc

N = 10000
E = 320000
D = 128
OUT = 51
OUTP = 64
NPAD = 10240
NC, NS = 2, 16
NT = NC * NS
C = 80
CPT = E // (NT * C)
RPT = NPAD // NS
DSEG = NPAD // NS
RB = 1024
GRID = (N + RB - 1) // RB

_mesh = plsc.VectorSubcoreMesh(
    core_axis_name="c", subcore_axis_name="s", num_cores=NC, num_subcores=NS
)

_Z16 = functools.partial(jnp.zeros, (16,), jnp.float32)


@functools.partial(
    pl.kernel,
    out_type=jax.ShapeDtypeStruct((NC, NPAD), jnp.float32),
    mesh=_mesh,
    scratch_types=[
        pltpu.VMEM((CPT, C), jnp.int32),
        pltpu.VMEM((C,), jnp.float32),
        pltpu.VMEM((DSEG,), jnp.float32),
        pltpu.VMEM_SHARED((NPAD,), jnp.float32),
        pltpu.SemaphoreType.DMA,
    ],
)
def _degree_kernel(dst_hbm, out_hbm, dst_v, ones_v, zbuf_v, deg_sh, dsem):
    cid = lax.axis_index("c")
    sid = lax.axis_index("s")
    tid = cid * NS + sid

    pltpu.sync_copy(dst_hbm.at[tid], dst_v)

    def _zfill(i, _):
        zbuf_v[pl.ds(i * 16, 16)] = _Z16()
        return 0

    lax.fori_loop(0, DSEG // 16, _zfill, 0)

    def _ofill(i, _):
        ones_v[pl.ds(i * 16, 16)] = jnp.ones((16,), jnp.float32)
        return 0

    lax.fori_loop(0, C // 16, _ofill, 0)

    pltpu.sync_copy(zbuf_v, deg_sh.at[pl.ds(sid * DSEG, DSEG)])
    plsc.subcore_barrier()

    def _scat(r, _):
        pltpu.async_copy(ones_v, deg_sh.at[dst_v.at[r]], dsem, add=True)
        return 0

    lax.fori_loop(0, CPT, _scat, 0)

    def _drain(r, _):
        pltpu.make_async_copy(ones_v, deg_sh.at[dst_v.at[r]], dsem).wait()
        return 0

    lax.fori_loop(0, CPT, _drain, 0)
    plsc.subcore_barrier()

    pltpu.sync_copy(
        deg_sh.at[pl.ds(sid * DSEG, DSEG)],
        out_hbm.at[cid, pl.ds(sid * DSEG, DSEG)],
    )


@functools.partial(
    pl.kernel,
    out_type=jax.ShapeDtypeStruct((NC, NPAD, D), jnp.float32),
    mesh=_mesh,
    scratch_types=[
        pltpu.VMEM((4, 2, C), jnp.int32),
        pltpu.VMEM((C, D), jnp.float32),
        pltpu.VMEM((C, D), jnp.float32),
        pltpu.VMEM((C, D), jnp.float32),
        pltpu.VMEM((8, D), jnp.float32),
        pltpu.VMEM_SHARED((NPAD, D), jnp.float32),
        pltpu.SemaphoreType.DMA,
        pltpu.SemaphoreType.DMA,
        pltpu.SemaphoreType.DMA,
        pltpu.SemaphoreType.DMA,
        pltpu.SemaphoreType.DMA,
        pltpu.SemaphoreType.DMA,
        pltpu.SemaphoreType.DMA,
        pltpu.SemaphoreType.DMA,
        pltpu.SemaphoreType.DMA,
        pltpu.SemaphoreType.DMA,
    ],
)
def _agg_kernel(u_hbm, edges_hbm, out_hbm,
                idx_v, rows0, rows1, rows2, zbuf, agg_sh,
                gsem0, gsem1, gsem2, ssem0, ssem1, ssem2,
                isem0, isem1, isem2, isem3):
    cid = lax.axis_index("c")
    sid = lax.axis_index("s")
    tid = cid * NS + sid

    gsems = (gsem0, gsem1, gsem2)
    ssems = (ssem0, ssem1, ssem2)
    isems = (isem0, isem1, isem2, isem3)
    rbufs = (rows0, rows1, rows2)

    def _zfill(i, _):
        for k in range(D // 16):
            zbuf[i, pl.ds(k * 16, 16)] = _Z16()
        return 0

    lax.fori_loop(0, 8, _zfill, 0)

    def _zcopy(i, _):
        pltpu.async_copy(
            zbuf, agg_sh.at[pl.ds(sid * RPT + i * 8, 8)], gsem0
        )
        return 0

    lax.fori_loop(0, RPT // 8, _zcopy, 0)

    def _zdrain(i, _):
        pltpu.make_async_copy(
            zbuf, agg_sh.at[pl.ds(sid * RPT + i * 8, 8)], gsem0
        ).wait()
        return 0

    lax.fori_loop(0, RPT // 8, _zdrain, 0)
    plsc.subcore_barrier()

    def _issue_idx(a, s):
        pltpu.async_copy(edges_hbm.at[tid, a], idx_v.at[s % 4], isems[s % 4])

    def _wait_idx(a, s):
        pltpu.make_async_copy(
            edges_hbm.at[tid, a], idx_v.at[s % 4], isems[s % 4]
        ).wait()

    def _issue_gather(s):
        pltpu.async_copy(
            u_hbm.at[idx_v.at[s % 4, 0]], rbufs[s % 3], gsems[s % 3]
        )

    def _wait_gather(s):
        pltpu.make_async_copy(
            u_hbm.at[idx_v.at[s % 4, 0]], rbufs[s % 3], gsems[s % 3]
        ).wait()

    def _issue_scatter(s):
        pltpu.async_copy(
            rbufs[s % 3], agg_sh.at[idx_v.at[s % 4, 1]], ssems[s % 3],
            add=True,
        )

    def _wait_scatter(s):
        pltpu.make_async_copy(
            rbufs[s % 3], agg_sh.at[idx_v.at[s % 4, 1]], ssems[s % 3]
        ).wait()

    def _step(a, s, first=False, g2=True, i3=True):
        _wait_gather(s)
        _issue_scatter(s)
        if not first:
            _wait_scatter(s - 1)
        if g2:
            _wait_idx(a + 2, s + 2)
            _issue_gather(s + 2)
        if i3:
            _issue_idx(a + 3, s + 3)

    for a in range(3):
        _issue_idx(a, a)
    _wait_idx(0, 0)
    _issue_gather(0)
    _wait_idx(1, 1)
    _issue_gather(1)

    _step(0, 0, first=True)

    def _body(j, _):
        a12 = 12 * j
        for k in range(12):
            _step(a12 + k + 1, k + 1)
        return 0

    lax.fori_loop(0, (CPT - 5) // 12, _body, 0)
    _step(CPT - 4, CPT - 4)
    _step(CPT - 3, CPT - 3, i3=False)
    _step(CPT - 2, CPT - 2, g2=False, i3=False)
    _step(CPT - 1, CPT - 1, g2=False, i3=False)
    _wait_scatter(CPT - 1)

    plsc.subcore_barrier()
    pltpu.sync_copy(
        agg_sh.at[pl.ds(sid * RPT, RPT)],
        out_hbm.at[cid, pl.ds(sid * RPT, RPT)],
    )


def _tc1_body(degp, x, w1, t_out, u_out, isd_out, sw_out):
    deg = degp[0, :] + degp[1, :] + 1.0
    isd = lax.rsqrt(deg)[:, None]
    sw = (1.0 / deg)[:, None]
    t = jnp.dot(x[...], w1[...], preferred_element_type=jnp.float32)
    t_out[...] = t
    u_out[...] = t * isd
    isd_out[...] = isd
    sw_out[...] = sw


def _tc1(degp, x, w1):
    return pl.pallas_call(
        _tc1_body,
        grid=(GRID,),
        in_specs=[
            pl.BlockSpec((NC, RB), lambda i: (0, i)),
            pl.BlockSpec((RB, D), lambda i: (i, 0)),
            pl.BlockSpec((D, D), lambda i: (0, 0)),
        ],
        out_specs=[
            pl.BlockSpec((RB, D), lambda i: (i, 0)),
            pl.BlockSpec((RB, D), lambda i: (i, 0)),
            pl.BlockSpec((RB, 1), lambda i: (i, 0)),
            pl.BlockSpec((RB, 1), lambda i: (i, 0)),
        ],
        out_shape=[
            jax.ShapeDtypeStruct((N, D), jnp.float32),
            jax.ShapeDtypeStruct((N, D), jnp.float32),
            jax.ShapeDtypeStruct((N, 1), jnp.float32),
            jax.ShapeDtypeStruct((N, 1), jnp.float32),
        ],
    )(degp, x, w1)


def _tc2_body(sp, tp, isd, sw, w, t_out, u_out):
    s = sp[0] + sp[1]
    h = jnp.maximum(isd[...] * s + sw[...] * tp[...], 0.0)
    t = jnp.dot(h, w[...], preferred_element_type=jnp.float32)
    t_out[...] = t
    u_out[...] = t * isd[...]


def _tc2(sp, tp, isd, sw, w):
    return pl.pallas_call(
        _tc2_body,
        grid=(GRID,),
        in_specs=[
            pl.BlockSpec((NC, RB, D), lambda i: (0, i, 0)),
            pl.BlockSpec((RB, D), lambda i: (i, 0)),
            pl.BlockSpec((RB, 1), lambda i: (i, 0)),
            pl.BlockSpec((RB, 1), lambda i: (i, 0)),
            pl.BlockSpec((D, D), lambda i: (0, 0)),
        ],
        out_specs=[
            pl.BlockSpec((RB, D), lambda i: (i, 0)),
            pl.BlockSpec((RB, D), lambda i: (i, 0)),
        ],
        out_shape=[
            jax.ShapeDtypeStruct((N, D), jnp.float32),
            jax.ShapeDtypeStruct((N, D), jnp.float32),
        ],
    )(sp, tp, isd, sw, w)


def _tc3_body(sp, tp, isd, sw, wd, out):
    i = pl.program_id(0)
    s = sp[0] + sp[1]
    h = jnp.maximum(isd[...] * s + sw[...] * tp[...], 0.0)
    t3 = jnp.maximum(
        jnp.dot(h, wd[...], preferred_element_type=jnp.float32), 0.0
    )
    rows = i * RB + lax.broadcasted_iota(jnp.int32, (RB, 1), 0)
    t3 = jnp.where(rows < N, t3, 0.0)
    part = jnp.sum(t3, axis=0, keepdims=True)

    @pl.when(i == 0)
    def _():
        out[...] = jnp.zeros_like(out)

    out[...] += part


def _tc3(sp, tp, isd, sw, wd):
    return pl.pallas_call(
        _tc3_body,
        grid=(GRID,),
        in_specs=[
            pl.BlockSpec((NC, RB, D), lambda i: (0, i, 0)),
            pl.BlockSpec((RB, D), lambda i: (i, 0)),
            pl.BlockSpec((RB, 1), lambda i: (i, 0)),
            pl.BlockSpec((RB, 1), lambda i: (i, 0)),
            pl.BlockSpec((D, OUTP), lambda i: (0, 0)),
        ],
        out_specs=pl.BlockSpec((1, OUTP), lambda i: (0, 0)),
        out_shape=jax.ShapeDtypeStruct((1, OUTP), jnp.float32),
    )(sp, tp, isd, sw, wd)


def kernel(x, edge_index, W1, W2, Wd):
    dst = edge_index[1].reshape(NT, CPT, C)
    edges = edge_index.reshape(2, NT, CPT, C).transpose(1, 2, 0, 3)
    degp = _degree_kernel(dst)
    t1, u1, isd, sw = _tc1(degp, x, W1)
    s1 = _agg_kernel(u1, edges)
    t2, u2 = _tc2(s1, t1, isd, sw, W2)
    s2 = _agg_kernel(u2, edges)
    wdp = jnp.pad(Wd, ((0, 0), (0, OUTP - OUT)))
    out = _tc3(s2, t2, isd, sw, wdp)
    return out.reshape(OUTP)[:OUT]

# --- scband reference (transcript-rebuilt; emitter-appended) ---
"""Pipeline reference for scband-gcnmodel-11897059410630 (READ-ONLY COPY).

The authoritative reference and input builder live on the scoring server;
editing this copy changes nothing except your own understanding.
"""

import jax, jax.numpy as jnp
import numpy as np

N = 10000
E = 320000
D = 128
H1 = 128
H2 = 128
OUT = 51

def _he_uniform(key, shape):
    fan_in = shape[0]
    limit = np.sqrt(6.0 / fan_in)
    return jax.random.uniform(key, shape, dtype=jnp.float32, minval=-limit, maxval=limit)

def setup_inputs(seed: int = 0) -> dict:
    key = jax.random.key(seed)
    k1, k2, k3, k4, k5 = jax.random.split(key, 5)
    x = jax.random.normal(k1, (N, D), dtype=jnp.float32)
    edge_index = jax.random.randint(k2, (2, E), 0, N, dtype=jnp.int32)
    W1 = _he_uniform(k3, (D, H1))
    W2 = _he_uniform(k4, (H1, H2))
    Wd = _he_uniform(k5, (H2, OUT))
    return {"x": x, "edge_index": edge_index, "W1": W1, "W2": W2, "Wd": Wd}

def reference(x, edge_index, W1, W2, Wd):
    src = edge_index[0]
    dst = edge_index[1]
    # Symmetric GCN normalization with self-loops: A_hat = D^-1/2 (A + I) D^-1/2
    deg = jnp.zeros((N,), dtype=jnp.float32).at[dst].add(1.0) + 1.0
    inv_sqrt_deg = 1.0 / jnp.sqrt(deg)
    edge_w = inv_sqrt_deg[src] * inv_sqrt_deg[dst]
    self_w = inv_sqrt_deg * inv_sqrt_deg  # self-loop weight 1/deg_i

    def gcn_conv(h, W):
        h = h @ W
        msg = h[src] * edge_w[:, None]
        agg = jnp.zeros_like(h).at[dst].add(msg)
        agg = agg + h * self_w[:, None]
        return jax.nn.relu(agg)

    h = gcn_conv(x, W1)
    h = gcn_conv(h, W2)
    h = jax.nn.relu(h @ Wd)
    # GlobalSumPool over node axis
    return jnp.sum(h, axis=0)

if __name__ == "__main__":
    import jax
    _d = setup_inputs()
    print(jax.jit(kernel)(*tuple(_d.values())))

</pallas_src>

<mosaic_0001>
#map = affine_map<(d0, d1) -> (0, 0)>
#map1 = affine_map<(d0, d1) -> (0, 0, 0, 0)>
#map2 = affine_map<(d0, d1) -> (0, 0, 0)>
module attributes {stable_mosaic.version = 14 : i64} {
  func.func @_agg_kernel(%arg0: i32, %arg1: i32, %arg2: memref<10000x128xf32, #tpu.memory_space<hbm>>, %arg3: memref<32x125x2x80xi32, #tpu.memory_space<hbm>>, %arg4: memref<2x10240x128xf32, #tpu.memory_space<hbm>>, %arg5: memref<4x2x80xi32, #tpu.memory_space<vmem>>, %arg6: memref<80x128xf32, #tpu.memory_space<vmem>>, %arg7: memref<80x128xf32, #tpu.memory_space<vmem>>, %arg8: memref<80x128xf32, #tpu.memory_space<vmem>>, %arg9: memref<8x128xf32, #tpu.memory_space<vmem>>, %arg10: memref<10240x128xf32, #tpu.memory_space<vmem_shared>>, %arg11: memref<!tpu.dma_semaphore, #tpu.memory_space<semaphore_mem>>, %arg12: memref<!tpu.dma_semaphore, #tpu.memory_space<semaphore_mem>>, %arg13: memref<!tpu.dma_semaphore, #tpu.memory_space<semaphore_mem>>, %arg14: memref<!tpu.dma_semaphore, #tpu.memory_space<semaphore_mem>>, %arg15: memref<!tpu.dma_semaphore, #tpu.memory_space<semaphore_mem>>, %arg16: memref<!tpu.dma_semaphore, #tpu.memory_space<semaphore_mem>>, %arg17: memref<!tpu.dma_semaphore, #tpu.memory_space<semaphore_mem>>, %arg18: memref<!tpu.dma_semaphore, #tpu.memory_space<semaphore_mem>>, %arg19: memref<!tpu.dma_semaphore, #tpu.memory_space<semaphore_mem>>, %arg20: memref<!tpu.dma_semaphore, #tpu.memory_space<semaphore_mem>>) attributes {dimension_semantics = [#tpu.dimension_semantics<core_parallel>, #tpu.dimension_semantics<subcore_parallel>], iteration_bounds = array<i64: 2, 16>, scalar_prefetch = 0 : i64, scratch_operands = 16 : i64, tpu.core_type = #tpu.core_type<sc_vector_subcore>, window_params = [{transform_indices = #map}, {transform_indices = #map1}, {transform_indices = #map2}]} {
    %mul3A = arith.constant 16 : i32
    %mul3A_0 = arith.muli %arg0, %mul3A : i32
    %add3A = arith.addi %mul3A_0, %arg1 : i32
    %scan3A = arith.constant 0 : i32
    %scan3A_1 = arith.constant 0 : i32
    %scan3A_2 = arith.constant 8 : i32
    %scan3A_3 = arith.addi %scan3A_1, %scan3A_2 : i32
    %scan3A_4 = arith.constant 1 : i32
    %scan3A_5 = scf.for %scan3A_371 = %scan3A_1 to %scan3A_3 step %scan3A_4 iter_args(%scan3A_372 = %scan3A) -> (i32)  : i32 {
      %broadcast_in_dim3A = arith.constant 0.000000e+00 : f32
      %broadcast_in_dim3A_373 = vector.broadcast %broadcast_in_dim3A : f32 to vector<16xf32>
      %swap3A = arith.index_cast %scan3A_371 : i32 to index
      %swap3A_374 = arith.constant 0 : index
      %swap3A_375 = tpu.vector_load %arg9[%swap3A, %swap3A_374] {strides = array<i32>} : memref<8x128xf32, #tpu.memory_space<vmem>>, vector<1x16xf32>,
      %swap3A_376 = vector.shape_cast %swap3A_375 : vector<1x16xf32> to vector<16xf32>
      %swap3A_377 = vector.shape_cast %broadcast_in_dim3A_373 : vector<16xf32> to vector<1x16xf32>
      tpu.vector_store %arg9[%swap3A, %swap3A_374], %swap3A_377 {strides = array<i32>} : memref<8x128xf32, #tpu.memory_space<vmem>>, vector<1x16xf32>,
      %broadcast_in_dim3A_378 = arith.constant 0.000000e+00 : f32
      %broadcast_in_dim3A_379 = vector.broadcast %broadcast_in_dim3A_378 : f32 to vector<16xf32>
      %swap3A_380 = arith.index_cast %scan3A_371 : i32 to index
      %swap3A_381 = arith.constant 16 : index
      %swap3A_382 = tpu.vector_load %arg9[%swap3A_380, %swap3A_381] {strides = array<i32>} : memref<8x128xf32, #tpu.memory_space<vmem>>, vector<1x16xf32>,
      %swap3A_383 = vector.shape_cast %swap3A_382 : vector<1x16xf32> to vector<16xf32>
      %swap3A_384 = vector.shape_cast %broadcast_in_dim3A_379 : vector<16xf32> to vector<1x16xf32>
      tpu.vector_store %arg9[%swap3A_380, %swap3A_381], %swap3A_384 {strides = array<i32>} : memref<8x128xf32, #tpu.memory_space<vmem>>, vector<1x16xf32>,
      %broadcast_in_dim3A_385 = arith.constant 0.000000e+00 : f32
      %broadcast_in_dim3A_386 = vector.broadcast %broadcast_in_dim3A_385 : f32 to vector<16xf32>
      %swap3A_387 = arith.index_cast %scan3A_371 : i32 to index
      %swap3A_388 = arith.constant 32 : index
      %swap3A_389 = tpu.vector_load %arg9[%swap3A_387, %swap3A_388] {strides = array<i32>} : memref<8x128xf32, #tpu.memory_space<vmem>>, vector<1x16xf32>,
      %swap3A_390 = vector.shape_cast %swap3A_389 : vector<1x16xf32> to vector<16xf32>
      %swap3A_391 = vector.shape_cast %broadcast_in_dim3A_386 : vector<16xf32> to vector<1x16xf32>
      tpu.vector_store %arg9[%swap3A_387, %swap3A_388], %swap3A_391 {strides = array<i32>} : memref<8x128xf32, #tpu.memory_space<vmem>>, vector<1x16xf32>,
      %broadcast_in_dim3A_392 = arith.constant 0.000000e+00 : f32
      %broadcast_in_dim3A_393 = vector.broadcast %broadcast_in_dim3A_392 : f32 to vector<16xf32>
      %swap3A_394 = arith.index_cast %scan3A_371 : i32 to index
      %swap3A_395 = arith.constant 48 : index
      %swap3A_396 = tpu.vector_load %arg9[%swap3A_394, %swap3A_395] {strides = array<i32>} : memref<8x128xf32, #tpu.memory_space<vmem>>, vector<1x16xf32>,
      %swap3A_397 = vector.shape_cast %swap3A_396 : vector<1x16xf32> to vector<16xf32>
      %swap3A_398 = vector.shape_cast %broadcast_in_dim3A_393 : vector<16xf32> to vector<1x16xf32>
      tpu.vector_store %arg9[%swap3A_394, %swap3A_395], %swap3A_398 {strides = array<i32>} : memref<8x128xf32, #tpu.memory_space<vmem>>, vector<1x16xf32>,
      %broadcast_in_dim3A_399 = arith.constant 0.000000e+00 : f32
      %broadcast_in_dim3A_400 = vector.broadcast %broadcast_in_dim3A_399 : f32 to vector<16xf32>
      %swap3A_401 = arith.index_cast %scan3A_371 : i32 to index
      %swap3A_402 = arith.constant 64 : index
      %swap3A_403 = tpu.vector_load %arg9[%swap3A_401, %swap3A_402] {strides = array<i32>} : memref<8x128xf32, #tpu.memory_space<vmem>>, vector<1x16xf32>,
      %swap3A_404 = vector.shape_cast %swap3A_403 : vector<1x16xf32> to vector<16xf32>
      %swap3A_405 = vector.shape_cast %broadcast_in_dim3A_400 : vector<16xf32> to vector<1x16xf32>
      tpu.vector_store %arg9[%swap3A_401, %swap3A_402], %swap3A_405 {strides = array<i32>} : memref<8x128xf32, #tpu.memory_space<vmem>>, vector<1x16xf32>,
      %broadcast_in_dim3A_406 = arith.constant 0.000000e+00 : f32
      %broadcast_in_dim3A_407 = vector.broadcast %broadcast_in_dim3A_406 : f32 to vector<16xf32>
      %swap3A_408 = arith.index_cast %scan3A_371 : i32 to index
      %swap3A_409 = arith.constant 80 : index
      %swap3A_410 = tpu.vector_load %arg9[%swap3A_408, %swap3A_409] {strides = array<i32>} : memref<8x128xf32, #tpu.memory_space<vmem>>, vector<1x16xf32>,
      %swap3A_411 = vector.shape_cast %swap3A_410 : vector<1x16xf32> to vector<16xf32>
      %swap3A_412 = vector.shape_cast %broadcast_in_dim3A_407 : vector<16xf32> to vector<1x16xf32>
      tpu.vector_store %arg9[%swap3A_408, %swap3A_409], %swap3A_412 {strides = array<i32>} : memref<8x128xf32, #tpu.memory_space<vmem>>, vector<1x16xf32>,
      %broadcast_in_dim3A_413 = arith.constant 0.000000e+00 : f32
      %broadcast_in_dim3A_414 = vector.broadcast %broadcast_in_dim3A_413 : f32 to vector<16xf32>
      %swap3A_415 = arith.index_cast %scan3A_371 : i32 to index
      %swap3A_416 = arith.constant 96 : index
      %swap3A_417 = tpu.vector_load %arg9[%swap3A_415, %swap3A_416] {strides = array<i32>} : memref<8x128xf32, #tpu.memory_space<vmem>>, vector<1x16xf32>,
      %swap3A_418 = vector.shape_cast %swap3A_417 : vector<1x16xf32> to vector<16xf32>
      %swap3A_419 = vector.shape_cast %broadcast_in_dim3A_414 : vector<16xf32> to vector<1x16xf32>
      tpu.vector_store %arg9[%swap3A_415, %swap3A_416], %swap3A_419 {strides = array<i32>} : memref<8x128xf32, #tpu.memory_space<vmem>>, vector<1x16xf32>,
      %broadcast_in_dim3A_420 = arith.constant 0.000000e+00 : f32
      %broadcast_in_dim3A_421 = vector.broadcast %broadcast_in_dim3A_420 : f32 to vector<16xf32>
      %swap3A_422 = arith.index_cast %scan3A_371 : i32 to index
      %swap3A_423 = arith.constant 112 : index
      %swap3A_424 = tpu.vector_load %arg9[%swap3A_422, %swap3A_423] {strides = array<i32>} : memref<8x128xf32, #tpu.memory_space<vmem>>, vector<1x16xf32>,
      %swap3A_425 = vector.shape_cast %swap3A_424 : vector<1x16xf32> to vector<16xf32>
      %swap3A_426 = vector.shape_cast %broadcast_in_dim3A_421 : vector<16xf32> to vector<1x16xf32>
      tpu.vector_store %arg9[%swap3A_422, %swap3A_423], %swap3A_426 {strides = array<i32>} : memref<8x128xf32, #tpu.memory_space<vmem>>, vector<1x16xf32>,
      %scan3A_427 = arith.constant 0 : i32
      scf.yield %scan3A_427 : i32
    }
    %scan3A_6 = arith.constant 8 : i32
    %scan3A_7 = arith.constant 0 : i32
    %scan3A_8 = arith.constant 0 : i32
    %scan3A_9 = arith.constant 80 : i32
    %scan3A_10 = arith.addi %scan3A_8, %scan3A_9 : i32
    %scan3A_11 = arith.constant 1 : i32
    %scan3A_12 = scf.for %scan3A_371 = %scan3A_8 to %scan3A_10 step %scan3A_11 iter_args(%scan3A_372 = %scan3A_7) -> (i32)  : i32 {
      %mul3A_373 = arith.constant 640 : i32
      %mul3A_374 = arith.muli %arg1, %mul3A_373 : i32
      %mul3A_375 = arith.constant 8 : i32
      %mul3A_376 = arith.muli %scan3A_371, %mul3A_375 : i32
      %add3A_377 = arith.addi %mul3A_374, %mul3A_376 : i32
      %dma_start3A_378 = arith.constant 0 : i32
      %dma_start3A_379 = tpu.memref_slice %arg10[%add3A_377, %dma_start3A_378] : memref<10240x128xf32, #tpu.memory_space<vmem_shared>> -> memref<8x128xf32, #tpu.memory_space<vmem_shared>>
      %dma_start3A_380 = arith.constant 0 : i32
      %dma_start3A_381 = tpu.memref_slice %arg10[%add3A_377, %dma_start3A_380] : memref<10240x128xf32, #tpu.memory_space<vmem_shared>> -> memref<8x128xf32, #tpu.memory_space<vmem_shared>>
      tpu.enqueue_dma source(%arg9 : memref<8x128xf32, #tpu.memory_space<vmem>>) target(%dma_start3A_381 : memref<8x128xf32, #tpu.memory_space<vmem_shared>>) target_semaphore(%arg11 : memref<!tpu.dma_semaphore, #tpu.memory_space<semaphore_mem>>)
      %scan3A_382 = arith.constant 0 : i32
      scf.yield %scan3A_382 : i32
    }
    %scan3A_13 = arith.constant 80 : i32
    %scan3A_14 = arith.constant 0 : i32
    %scan3A_15 = arith.constant 0 : i32
    %scan3A_16 = arith.constant 80 : i32
    %scan3A_17 = arith.addi %scan3A_15, %scan3A_16 : i32
    %scan3A_18 = arith.constant 1 : i32
    %scan3A_19 = scf.for %scan3A_371 = %scan3A_15 to %scan3A_17 step %scan3A_18 iter_args(%scan3A_372 = %scan3A_14) -> (i32)  : i32 {
      %mul3A_373 = arith.constant 640 : i32
      %mul3A_374 = arith.muli %arg1, %mul3A_373 : i32
      %mul3A_375 = arith.constant 8 : i32
      %mul3A_376 = arith.muli %scan3A_371, %mul3A_375 : i32
      %add3A_377 = arith.addi %mul3A_374, %mul3A_376 : i32
      %dma_wait3A_378 = arith.constant 0 : i32
      %dma_wait3A_379 = tpu.memref_slice %arg10[%add3A_377, %dma_wait3A_378] : memref<10240x128xf32, #tpu.memory_space<vmem_shared>> -> memref<8x128xf32, #tpu.memory_space<vmem_shared>>
      %dma_wait3A_380 = arith.constant 0 : i32
      %dma_wait3A_381 = tpu.memref_slice %arg10[%add3A_377, %dma_wait3A_380] : memref<10240x128xf32, #tpu.memory_space<vmem_shared>> -> memref<8x128xf32, #tpu.memory_space<vmem_shared>>
      tpu.wait_dma2 semaphore(%arg11 : memref<!tpu.dma_semaphore, #tpu.memory_space<semaphore_mem>>) src(%arg9 : memref<8x128xf32, #tpu.memory_space<vmem>>) dst(%dma_wait3A_381 : memref<8x128xf32, #tpu.memory_space<vmem_shared>>)
      %scan3A_382 = arith.constant 0 : i32
      scf.yield %scan3A_382 : i32
    }
    %scan3A_20 = arith.constant 80 : i32
    %barrier3A = arith.constant 0 : index
    tpu.barrier barrier_id(%barrier3A)
    %dma_start3A = arith.constant 0 : i32
    %dma_start3A_21 = arith.constant 0 : i32
    %dma_start3A_22 = arith.constant 0 : i32
    %dma_start3A_23 = arith.constant 0 : i32
    %dma_start3A_24 = tpu.memref_slice %arg5[%dma_start3A_21, %dma_start3A_22, %dma_start3A_23] : memref<4x2x80xi32, #tpu.memory_space<vmem>> -> memref<1x2x80xi32, #tpu.memory_space<vmem>>
    %dma_start3A_25 = tpu.memref_squeeze %dma_start3A_24 : memref<1x2x80xi32, #tpu.memory_space<vmem>> -> memref<2x80xi32, #tpu.memory_space<vmem>>
    %dma_start3A_26 = arith.constant 0 : i32
    %dma_start3A_27 = arith.constant 0 : i32
    %dma_start3A_28 = tpu.memref_slice %arg3[%add3A, %dma_start3A, %dma_start3A_26, %dma_start3A_27] : memref<32x125x2x80xi32, #tpu.memory_space<hbm>> -> memref<1x1x2x80xi32, #tpu.memory_space<hbm>>
    %dma_start3A_29 = tpu.memref_squeeze %dma_start3A_28 : memref<1x1x2x80xi32, #tpu.memory_space<hbm>> -> memref<2x80xi32, #tpu.memory_space<hbm>>
    %dma_start3A_30 = arith.constant 0 : i32
    %dma_start3A_31 = arith.constant 0 : i32
    %dma_start3A_32 = tpu.memref_slice %arg5[%dma_start3A_21, %dma_start3A_30, %dma_start3A_31] : memref<4x2x80xi32, #tpu.memory_space<vmem>> -> memref<1x2x80xi32, #tpu.memory_space<vmem>>
    %dma_start3A_33 = tpu.memref_squeeze %dma_start3A_32 : memref<1x2x80xi32, #tpu.memory_space<vmem>> -> memref<2x80xi32, #tpu.memory_space<vmem>>
    %dma_start3A_34 = arith.constant 0 : i32
    %dma_start3A_35 = arith.constant 0 : i32
    %dma_start3A_36 = tpu.memref_slice %arg3[%add3A, %dma_start3A, %dma_start3A_34, %dma_start3A_35] : memref<32x125x2x80xi32, #tpu.memory_space<hbm>> -> memref<1x1x2x80xi32, #tpu.memory_space<hbm>>
    %dma_start3A_37 = tpu.memref_squeeze %dma_start3A_36 : memref<1x1x2x80xi32, #tpu.memory_space<hbm>> -> memref<2x80xi32, #tpu.memory_space<hbm>>
    tpu.enqueue_dma source(%dma_start3A_37 : memref<2x80xi32, #tpu.memory_space<hbm>>) target(%dma_start3A_33 : memref<2x80xi32, #tpu.memory_space<vmem>>) target_semaphore(%arg17 : memref<!tpu.dma_semaphore, #tpu.memory_space<semaphore_mem>>)
    %dma_start3A_38 = arith.constant 1 : i32
    %dma_start3A_39 = arith.constant 1 : i32
    %dma_start3A_40 = arith.constant 0 : i32
    %dma_start3A_41 = arith.constant 0 : i32
    %dma_start3A_42 = tpu.memref_slice %arg5[%dma_start3A_39, %dma_start3A_40, %dma_start3A_41] : memref<4x2x80xi32, #tpu.memory_space<vmem>> -> memref<1x2x80xi32, #tpu.memory_space<vmem>>
    %dma_start3A_43 = tpu.memref_squeeze %dma_start3A_42 : memref<1x2x80xi32, #tpu.memory_space<vmem>> -> memref<2x80xi32, #tpu.memory_space<vmem>>
    %dma_start3A_44 = arith.constant 0 : i32
    %dma_start3A_45 = arith.constant 0 : i32
    %dma_start3A_46 = tpu.memref_slice %arg3[%add3A, %dma_start3A_38, %dma_start3A_44, %dma_start3A_45] : memref<32x125x2x80xi32, #tpu.memory_space<hbm>> -> memref<1x1x2x80xi32, #tpu.memory_space<hbm>>
    %dma_start3A_47 = tpu.memref_squeeze %dma_start3A_46 : memref<1x1x2x80xi32, #tpu.memory_space<hbm>> -> memref<2x80xi32, #tpu.memory_space<hbm>>
    %dma_start3A_48 = arith.constant 0 : i32
    %dma_start3A_49 = arith.constant 0 : i32
    %dma_start3A_50 = tpu.memref_slice %arg5[%dma_start3A_39, %dma_start3A_48, %dma_start3A_49] : memref<4x2x80xi32, #tpu.memory_space<vmem>> -> memref<1x2x80xi32, #tpu.memory_space<vmem>>
    %dma_start3A_51 = tpu.memref_squeeze %dma_start3A_50 : memref<1x2x80xi32, #tpu.memory_space<vmem>> -> memref<2x80xi32, #tpu.memory_space<vmem>>
    %dma_start3A_52 = arith.constant 0 : i32
    %dma_start3A_53 = arith.constant 0 : i32
    %dma_start3A_54 = tpu.memref_slice %arg3[%add3A, %dma_start3A_38, %dma_start3A_52, %dma_start3A_53] : memref<32x125x2x80xi32, #tpu.memory_space<hbm>> -> memref<1x1x2x80xi32, #tpu.memory_space<hbm>>
    %dma_start3A_55 = tpu.memref_squeeze %dma_start3A_54 : memref<1x1x2x80xi32, #tpu.memory_space<hbm>> -> memref<2x80xi32, #tpu.memory_space<hbm>>
    tpu.enqueue_dma source(%dma_start3A_55 : memref<2x80xi32, #tpu.memory_space<hbm>>) target(%dma_start3A_51 : memref<2x80xi32, #tpu.memory_space<vmem>>) target_semaphore(%arg18 : memref<!tpu.dma_semaphore, #tpu.memory_space<semaphore_mem>>)
    %dma_start3A_56 = arith.constant 2 : i32
    %dma_start3A_57 = arith.constant 2 : i32
    %dma_start3A_58 = arith.constant 0 : i32
    %dma_start3A_59 = arith.constant 0 : i32
    %dma_start3A_60 = tpu.memref_slice %arg5[%dma_start3A_57, %dma_start3A_58, %dma_start3A_59] : memref<4x2x80xi32, #tpu.memory_space<vmem>> -> memref<1x2x80xi32, #tpu.memory_space<vmem>>
    %dma_start3A_61 = tpu.memref_squeeze %dma_start3A_60 : memref<1x2x80xi32, #tpu.memory_space<vmem>> -> memref<2x80xi32, #tpu.memory_space<vmem>>
    %dma_start3A_62 = arith.constant 0 : i32
    %dma_start3A_63 = arith.constant 0 : i32
    %dma_start3A_64 = tpu.memref_slice %arg3[%add3A, %dma_start3A_56, %dma_start3A_62, %dma_start3A_63] : memref<32x125x2x80xi32, #tpu.memory_space<hbm>> -> memref<1x1x2x80xi32, #tpu.memory_space<hbm>>
    %dma_start3A_65 = tpu.memref_squeeze %dma_start3A_64 : memref<1x1x2x80xi32, #tpu.memory_space<hbm>> -> memref<2x80xi32, #tpu.memory_space<hbm>>
    %dma_start3A_66 = arith.constant 0 : i32
    %dma_start3A_67 = arith.constant 0 : i32
    %dma_start3A_68 = tpu.memref_slice %arg5[%dma_start3A_57, %dma_start3A_66, %dma_start3A_67] : memref<4x2x80xi32, #tpu.memory_space<vmem>> -> memref<1x2x80xi32, #tpu.memory_space<vmem>>
    %dma_start3A_69 = tpu.memref_squeeze %dma_start3A_68 : memref<1x2x80xi32, #tpu.memory_space<vmem>> -> memref<2x80xi32, #tpu.memory_space<vmem>>
    %dma_start3A_70 = arith.constant 0 : i32
    %dma_start3A_71 = arith.constant 0 : i32
    %dma_start3A_72 = tpu.memref_slice %arg3[%add3A, %dma_start3A_56, %dma_start3A_70, %dma_start3A_71] : memref<32x125x2x80xi32, #tpu.memory_space<hbm>> -> memref<1x1x2x80xi32, #tpu.memory_space<hbm>>
    %dma_start3A_73 = tpu.memref_squeeze %dma_start3A_72 : memref<1x1x2x80xi32, #tpu.memory_space<hbm>> -> memref<2x80xi32, #tpu.memory_space<hbm>>
    tpu.enqueue_dma source(%dma_start3A_73 : memref<2x80xi32, #tpu.memory_space<hbm>>) target(%dma_start3A_69 : memref<2x80xi32, #tpu.memory_space<vmem>>) target_semaphore(%arg19 : memref<!tpu.dma_semaphore, #tpu.memory_space<semaphore_mem>>)
    %dma_wait3A = arith.constant 0 : i32
    %dma_wait3A_74 = arith.constant 0 : i32
    %dma_wait3A_75 = arith.constant 0 : i32
    %dma_wait3A_76 = arith.constant 0 : i32
    %dma_wait3A_77 = tpu.memref_slice %arg5[%dma_wait3A_74, %dma_wait3A_75, %dma_wait3A_76] : memref<4x2x80xi32, #tpu.memory_space<vmem>> -> memref<1x2x80xi32, #tpu.memory_space<vmem>>
    %dma_wait3A_78 = tpu.memref_squeeze %dma_wait3A_77 : memref<1x2x80xi32, #tpu.memory_space<vmem>> -> memref<2x80xi32, #tpu.memory_space<vmem>>
    %dma_wait3A_79 = arith.constant 0 : i32
    %dma_wait3A_80 = arith.constant 0 : i32
    %dma_wait3A_81 = tpu.memref_slice %arg3[%add3A, %dma_wait3A, %dma_wait3A_79, %dma_wait3A_80] : memref<32x125x2x80xi32, #tpu.memory_space<hbm>> -> memref<1x1x2x80xi32, #tpu.memory_space<hbm>>
    %dma_wait3A_82 = tpu.memref_squeeze %dma_wait3A_81 : memref<1x1x2x80xi32, #tpu.memory_space<hbm>> -> memref<2x80xi32, #tpu.memory_space<hbm>>
    %dma_wait3A_83 = arith.constant 0 : i32
    %dma_wait3A_84 = arith.constant 0 : i32
    %dma_wait3A_85 = tpu.memref_slice %arg5[%dma_wait3A_74, %dma_wait3A_83, %dma_wait3A_84] : memref<4x2x80xi32, #tpu.memory_space<vmem>> -> memref<1x2x80xi32, #tpu.memory_space<vmem>>
    %dma_wait3A_86 = tpu.memref_squeeze %dma_wait3A_85 : memref<1x2x80xi32, #tpu.memory_space<vmem>> -> memref<2x80xi32, #tpu.memory_space<vmem>>
    %dma_wait3A_87 = arith.constant 0 : i32
    %dma_wait3A_88 = arith.constant 0 : i32
    %dma_wait3A_89 = tpu.memref_slice %arg3[%add3A, %dma_wait3A, %dma_wait3A_87, %dma_wait3A_88] : memref<32x125x2x80xi32, #tpu.memory_space<hbm>> -> memref<1x1x2x80xi32, #tpu.memory_space<hbm>>
    %dma_wait3A_90 = tpu.memref_squeeze %dma_wait3A_89 : memref<1x1x2x80xi32, #tpu.memory_space<hbm>> -> memref<2x80xi32, #tpu.memory_space<hbm>>
    tpu.wait_dma2 semaphore(%arg17 : memref<!tpu.dma_semaphore, #tpu.memory_space<semaphore_mem>>) src(%dma_wait3A_90 : memref<2x80xi32, #tpu.memory_space<hbm>>) dst(%dma_wait3A_86 : memref<2x80xi32, #tpu.memory_space<vmem>>)
    %dma_start3A_91 = arith.constant 0 : i32
    %dma_start3A_92 = arith.constant 0 : i32
    %dma_start3A_93 = arith.constant 0 : i32
    %dma_start3A_94 = tpu.memref_slice %arg5[%dma_start3A_91, %dma_start3A_92, %dma_start3A_93] : memref<4x2x80xi32, #tpu.memory_space<vmem>> -> memref<1x1x80xi32, #tpu.memory_space<vmem>>
    %dma_start3A_95 = tpu.memref_squeeze %dma_start3A_94 : memref<1x1x80xi32, #tpu.memory_space<vmem>> -> memref<80xi32, #tpu.memory_space<vmem>>
    %dma_start3A_96 = arith.constant 0 : i32
    %dma_start3A_97 = arith.constant 0 : i32
    %dma_start3A_98 = tpu.memref_slice %arg2[%dma_start3A_96, %dma_start3A_97] : memref<10000x128xf32, #tpu.memory_space<hbm>> -> memref<10000x128xf32, #tpu.memory_space<hbm>>
    tpu.enqueue_indirect_dma source(%dma_start3A_98 : memref<10000x128xf32, #tpu.memory_space<hbm>>) target(%arg6 : memref<80x128xf32, #tpu.memory_space<vmem>>) offsets(%dma_start3A_95 : memref<80xi32, #tpu.memory_space<vmem>>) semaphore(%arg11 : memref<!tpu.dma_semaphore, #tpu.memory_space<semaphore_mem>>)
    %dma_wait3A_99 = arith.constant 1 : i32
    %dma_wait3A_100 = arith.constant 1 : i32
    %dma_wait3A_101 = arith.constant 0 : i32
    %dma_wait3A_102 = arith.constant 0 : i32
    %dma_wait3A_103 = tpu.memref_slice %arg5[%dma_wait3A_100, %dma_wait3A_101, %dma_wait3A_102] : memref<4x2x80xi32, #tpu.memory_space<vmem>> -> memref<1x2x80xi32, #tpu.memory_space<vmem>>
    %dma_wait3A_104 = tpu.memref_squeeze %dma_wait3A_103 : memref<1x2x80xi32, #tpu.memory_space<vmem>> -> memref<2x80xi32, #tpu.memory_space<vmem>>
    %dma_wait3A_105 = arith.constant 0 : i32
    %dma_wait3A_106 = arith.constant 0 : i32
    %dma_wait3A_107 = tpu.memref_slice %arg3[%add3A, %dma_wait3A_99, %dma_wait3A_105, %dma_wait3A_106] : memref<32x125x2x80xi32, #tpu.memory_space<hbm>> -> memref<1x1x2x80xi32, #tpu.memory_space<hbm>>
    %dma_wait3A_108 = tpu.memref_squeeze %dma_wait3A_107 : memref<1x1x2x80xi32, #tpu.memory_space<hbm>> -> memref<2x80xi32, #tpu.memory_space<hbm>>
    %dma_wait3A_109 = arith.constant 0 : i32
    %dma_wait3A_110 = arith.constant 0 : i32
    %dma_wait3A_111 = tpu.memref_slice %arg5[%dma_wait3A_100, %dma_wait3A_109, %dma_wait3A_110] : memref<4x2x80xi32, #tpu.memory_space<vmem>> -> memref<1x2x80xi32, #tpu.memory_space<vmem>>
    %dma_wait3A_112 = tpu.memref_squeeze %dma_wait3A_111 : memref<1x2x80xi32, #tpu.memory_space<vmem>> -> memref<2x80xi32, #tpu.memory_space<vmem>>
    %dma_wait3A_113 = arith.constant 0 : i32
    %dma_wait3A_114 = arith.constant 0 : i32
    %dma_wait3A_115 = tpu.memref_slice %arg3[%add3A, %dma_wait3A_99, %dma_wait3A_113, %dma_wait3A_114] : memref<32x125x2x80xi32, #tpu.memory_space<hbm>> -> memref<1x1x2x80xi32, #tpu.memory_space<hbm>>
    %dma_wait3A_116 = tpu.memref_squeeze %dma_wait3A_115 : memref<1x1x2x80xi32, #tpu.memory_space<hbm>> -> memref<2x80xi32, #tpu.memory_space<hbm>>
    tpu.wait_dma2 semaphore(%arg18 : memref<!tpu.dma_semaphore, #tpu.memory_space<semaphore_mem>>) src(%dma_wait3A_116 : memref<2x80xi32, #tpu.memory_space<hbm>>) dst(%dma_wait3A_112 : memref<2x80xi32, #tpu.memory_space<vmem>>)
    %dma_start3A_117 = arith.constant 1 : i32
    %dma_start3A_118 = arith.constant 0 : i32
    %dma_start3A_119 = arith.constant 0 : i32
    %dma_start3A_120 = tpu.memref_slice %arg5[%dma_start3A_117, %dma_start3A_118, %dma_start3A_119] : memref<4x2x80xi32, #tpu.memory_space<vmem>> -> memref<1x1x80xi32, #tpu.memory_space<vmem>>
    %dma_start3A_121 = tpu.memref_squeeze %dma_start3A_120 : memref<1x1x80xi32, #tpu.memory_space<vmem>> -> memref<80xi32, #tpu.memory_space<vmem>>
    %dma_start3A_122 = arith.constant 0 : i32
    %dma_start3A_123 = arith.constant 0 : i32
    %dma_start3A_124 = tpu.memref_slice %arg2[%dma_start3A_122, %dma_start3A_123] : memref<10000x128xf32, #tpu.memory_space<hbm>> -> memref<10000x128xf32, #tpu.memory_space<hbm>>
    tpu.enqueue_indirect_dma source(%dma_start3A_124 : memref<10000x128xf32, #tpu.memory_space<hbm>>) target(%arg7 : memref<80x128xf32, #tpu.memory_space<vmem>>) offsets(%dma_start3A_121 : memref<80xi32, #tpu.memory_space<vmem>>) semaphore(%arg12 : memref<!tpu.dma_semaphore, #tpu.memory_space<semaphore_mem>>)
    %dma_wait3A_125 = arith.constant 0 : i32
    %dma_wait3A_126 = arith.constant 0 : i32
    %dma_wait3A_127 = arith.constant 0 : i32
    %dma_wait3A_128 = tpu.memref_slice %arg5[%dma_wait3A_125, %dma_wait3A_126, %dma_wait3A_127] : memref<4x2x80xi32, #tpu.memory_space<vmem>> -> memref<1x1x80xi32, #tpu.memory_space<vmem>>
    %dma_wait3A_129 = tpu.memref_squeeze %dma_wait3A_128 : memref<1x1x80xi32, #tpu.memory_space<vmem>> -> memref<80xi32, #tpu.memory_space<vmem>>
    %dma_wait3A_130 = arith.constant 0 : i32
    %dma_wait3A_131 = arith.constant 0 : i32
    %dma_wait3A_132 = tpu.memref_slice %arg2[%dma_wait3A_130, %dma_wait3A_131] : memref<10000x128xf32, #tpu.memory_space<hbm>> -> memref<10000x128xf32, #tpu.memory_space<hbm>>
    tpu.wait_indirect_dma semaphore(%arg11 : memref<!tpu.dma_semaphore, #tpu.memory_space<semaphore_mem>>) src(%dma_wait3A_132 : memref<10000x128xf32, #tpu.memory_space<hbm>>) dst(%arg6 : memref<80x128xf32, #tpu.memory_space<vmem>>)
    %dma_start3A_133 = arith.constant 0 : i32
    %dma_start3A_134 = arith.constant 1 : i32
    %dma_start3A_135 = arith.constant 0 : i32
    %dma_start3A_136 = tpu.memref_slice %arg5[%dma_start3A_133, %dma_start3A_134, %dma_start3A_135] : memref<4x2x80xi32, #tpu.memory_space<vmem>> -> memref<1x1x80xi32, #tpu.memory_space<vmem>>
    %dma_start3A_137 = tpu.memref_squeeze %dma_start3A_136 : memref<1x1x80xi32, #tpu.memory_space<vmem>> -> memref<80xi32, #tpu.memory_space<vmem>>
    %dma_start3A_138 = arith.constant 0 : i32
    %dma_start3A_139 = arith.constant 0 : i32
    %dma_start3A_140 = tpu.memref_slice %arg10[%dma_start3A_138, %dma_start3A_139] : memref<10240x128xf32, #tpu.memory_space<vmem_shared>> -> memref<10240x128xf32, #tpu.memory_space<vmem_shared>>
    tpu.enqueue_indirect_dma source(%arg6 : memref<80x128xf32, #tpu.memory_space<vmem>>) target(%dma_start3A_140 : memref<10240x128xf32, #tpu.memory_space<vmem_shared>>) offsets(%dma_start3A_137 : memref<80xi32, #tpu.memory_space<vmem>>) semaphore(%arg14 : memref<!tpu.dma_semaphore, #tpu.memory_space<semaphore_mem>>) {add = true}
    %dma_wait3A_141 = arith.constant 2 : i32
    %dma_wait3A_142 = arith.constant 2 : i32
    %dma_wait3A_143 = arith.constant 0 : i32
    %dma_wait3A_144 = arith.constant 0 : i32
    %dma_wait3A_145 = tpu.memref_slice %arg5[%dma_wait3A_142, %dma_wait3A_143, %dma_wait3A_144] : memref<4x2x80xi32, #tpu.memory_space<vmem>> -> memref<1x2x80xi32, #tpu.memory_space<vmem>>
    %dma_wait3A_146 = tpu.memref_squeeze %dma_wait3A_145 : memref<1x2x80xi32, #tpu.memory_space<vmem>> -> memref<2x80xi32, #tpu.memory_space<vmem>>
    %dma_wait3A_147 = arith.constant 0 : i32
    %dma_wait3A_148 = arith.constant 0 : i32
    %dma_wait3A_149 = tpu.memref_slice %arg3[%add3A, %dma_wait3A_141, %dma_wait3A_147, %dma_wait3A_148] : memref<32x125x2x80xi32, #tpu.memory_space<hbm>> -> memref<1x1x2x80xi32, #tpu.memory_space<hbm>>
    %dma_wait3A_150 = tpu.memref_squeeze %dma_wait3A_149 : memref<1x1x2x80xi32, #tpu.memory_space<hbm>> -> memref<2x80xi32, #tpu.memory_space<hbm>>
    %dma_wait3A_151 = arith.constant 0 : i32
    %dma_wait3A_152 = arith.constant 0 : i32
    %dma_wait3A_153 = tpu.memref_slice %arg5[%dma_wait3A_142, %dma_wait3A_151, %dma_wait3A_152] : memref<4x2x80xi32, #tpu.memory_space<vmem>> -> memref<1x2x80xi32, #tpu.memory_space<vmem>>
    %dma_wait3A_154 = tpu.memref_squeeze %dma_wait3A_153 : memref<1x2x80xi32, #tpu.memory_space<vmem>> -> memref<2x80xi32, #tpu.memory_space<vmem>>
    %dma_wait3A_155 = arith.constant 0 : i32
    %dma_wait3A_156 = arith.constant 0 : i32
    %dma_wait3A_157 = tpu.memref_slice %arg3[%add3A, %dma_wait3A_141, %dma_wait3A_155, %dma_wait3A_156] : memref<32x125x2x80xi32, #tpu.memory_space<hbm>> -> memref<1x1x2x80xi32, #tpu.memory_space<hbm>>
    %dma_wait3A_158 = tpu.memref_squeeze %dma_wait3A_157 : memref<1x1x2x80xi32, #tpu.memory_space<hbm>> -> memref<2x80xi32, #tpu.memory_space<hbm>>
    tpu.wait_dma2 semaphore(%arg19 : memref<!tpu.dma_semaphore, #tpu.memory_space<semaphore_mem>>) src(%dma_wait3A_158 : memref<2x80xi32, #tpu.memory_space<hbm>>) dst(%dma_wait3A_154 : memref<2x80xi32, #tpu.memory_space<vmem>>)
    %dma_start3A_159 = arith.constant 2 : i32
    %dma_start3A_160 = arith.constant 0 : i32
    %dma_start3A_161 = arith.constant 0 : i32
    %dma_start3A_162 = tpu.memref_slice %arg5[%dma_start3A_159, %dma_start3A_160, %dma_start3A_161] : memref<4x2x80xi32, #tpu.memory_space<vmem>> -> memref<1x1x80xi32, #tpu.memory_space<vmem>>
    %dma_start3A_163 = tpu.memref_squeeze %dma_start3A_162 : memref<1x1x80xi32, #tpu.memory_space<vmem>> -> memref<80xi32, #tpu.memory_space<vmem>>
    %dma_start3A_164 = arith.constant 0 : i32
    %dma_start3A_165 = arith.constant 0 : i32
    %dma_start3A_166 = tpu.memref_slice %arg2[%dma_start3A_164, %dma_start3A_165] : memref<10000x128xf32, #tpu.memory_space<hbm>> -> memref<10000x128xf32, #tpu.memory_space<hbm>>
    tpu.enqueue_indirect_dma source(%dma_start3A_166 : memref<10000x128xf32, #tpu.memory_space<hbm>>) target(%arg8 : memref<80x128xf32, #tpu.memory_space<vmem>>) offsets(%dma_start3A_163 : memref<80xi32, #tpu.memory_space<vmem>>) semaphore(%arg13 : memref<!tpu.dma_semaphore, #tpu.memory_space<semaphore_mem>>)
    %dma_start3A_167 = arith.constant 3 : i32
    %dma_start3A_168 = arith.constant 3 : i32
    %dma_start3A_169 = arith.constant 0 : i32
    %dma_start3A_170 = arith.constant 0 : i32
    %dma_start3A_171 = tpu.memref_slice %arg5[%dma_start3A_168, %dma_start3A_169, %dma_start3A_170] : memref<4x2x80xi32, #tpu.memory_space<vmem>> -> memref<1x2x80xi32, #tpu.memory_space<vmem>>
    %dma_start3A_172 = tpu.memref_squeeze %dma_start3A_171 : memref<1x2x80xi32, #tpu.memory_space<vmem>> -> memref<2x80xi32, #tpu.memory_space<vmem>>
    %dma_start3A_173 = arith.constant 0 : i32
    %dma_start3A_174 = arith.constant 0 : i32
    %dma_start3A_175 = tpu.memref_slice %arg3[%add3A, %dma_start3A_167, %dma_start3A_173, %dma_start3A_174] : memref<32x125x2x80xi32, #tpu.memory_space<hbm>> -> memref<1x1x2x80xi32, #tpu.memory_space<hbm>>
    %dma_start3A_176 = tpu.memref_squeeze %dma_start3A_175 : memref<1x1x2x80xi32, #tpu.memory_space<hbm>> -> memref<2x80xi32, #tpu.memory_space<hbm>>
    %dma_start3A_177 = arith.constant 0 : i32
    %dma_start3A_178 = arith.constant 0 : i32
    %dma_start3A_179 = tpu.memref_slice %arg5[%dma_start3A_168, %dma_start3A_177, %dma_start3A_178] : memref<4x2x80xi32, #tpu.memory_space<vmem>> -> memref<1x2x80xi32, #tpu.memory_space<vmem>>
    %dma_start3A_180 = tpu.memref_squeeze %dma_start3A_179 : memref<1x2x80xi32, #tpu.memory_space<vmem>> -> memref<2x80xi32, #tpu.memory_space<vmem>>
    %dma_start3A_181 = arith.constant 0 : i32
    %dma_start3A_182 = arith.constant 0 : i32
    %dma_start3A_183 = tpu.memref_slice %arg3[%add3A, %dma_start3A_167, %dma_start3A_181, %dma_start3A_182] : memref<32x125x2x80xi32, #tpu.memory_space<hbm>> -> memref<1x1x2x80xi32, #tpu.memory_space<hbm>>
    %dma_start3A_184 = tpu.memref_squeeze %dma_start3A_183 : memref<1x1x2x80xi32, #tpu.memory_space<hbm>> -> memref<2x80xi32, #tpu.memory_space<hbm>>
    tpu.enqueue_dma source(%dma_start3A_184 : memref<2x80xi32, #tpu.memory_space<hbm>>) target(%dma_start3A_180 : memref<2x80xi32, #tpu.memory_space<vmem>>) target_semaphore(%arg20 : memref<!tpu.dma_semaphore, #tpu.memory_space<semaphore_mem>>)
    %scan3A_185 = arith.constant 0 : i32
    %scan3A_186 = arith.constant 0 : i32
    %scan3A_187 = arith.constant 10 : i32
    %scan3A_188 = arith.addi %scan3A_186, %scan3A_187 : i32
    %scan3A_189 = arith.constant 1 : i32
    %scan3A_190 = scf.for %scan3A_371 = %scan3A_186 to %scan3A_188 step %scan3A_189 iter_args(%scan3A_372 = %scan3A_185) -> (i32)  : i32 {
      %mul3A_373 = arith.constant 12 : i32
      %mul3A_374 = arith.muli %mul3A_373, %scan3A_371 : i32
      %add3A_375 = arith.constant 0 : i32
      %add3A_376 = arith.addi %mul3A_374, %add3A_375 : i32
      %add3A_377 = arith.constant 1 : i32
      %add3A_378 = arith.addi %add3A_376, %add3A_377 : i32
      %dma_wait3A_379 = arith.constant 1 : i32
      %dma_wait3A_380 = arith.constant 0 : i32
      %dma_wait3A_381 = arith.constant 0 : i32
      %dma_wait3A_382 = tpu.memref_slice %arg5[%dma_wait3A_379, %dma_wait3A_380, %dma_wait3A_381] : memref<4x2x80xi32, #tpu.memory_space<vmem>> -> memref<1x1x80xi32, #tpu.memory_space<vmem>>
      %dma_wait3A_383 = tpu.memref_squeeze %dma_wait3A_382 : memref<1x1x80xi32, #tpu.memory_space<vmem>> -> memref<80xi32, #tpu.memory_space<vmem>>
      %dma_wait3A_384 = arith.constant 0 : i32
      %dma_wait3A_385 = arith.constant 0 : i32
      %dma_wait3A_386 = tpu.memref_slice %arg2[%dma_wait3A_384, %dma_wait3A_385] : memref<10000x128xf32, #tpu.memory_space<hbm>> -> memref<10000x128xf32, #tpu.memory_space<hbm>>
      tpu.wait_indirect_dma semaphore(%arg12 : memref<!tpu.dma_semaphore, #tpu.memory_space<semaphore_mem>>) src(%dma_wait3A_386 : memref<10000x128xf32, #tpu.memory_space<hbm>>) dst(%arg7 : memref<80x128xf32, #tpu.memory_space<vmem>>)
      %dma_start3A_387 = arith.constant 1 : i32
      %dma_start3A_388 = arith.constant 1 : i32
      %dma_start3A_389 = arith.constant 0 : i32
      %dma_start3A_390 = tpu.memref_slice %arg5[%dma_start3A_387, %dma_start3A_388, %dma_start3A_389] : memref<4x2x80xi32, #tpu.memory_space<vmem>> -> memref<1x1x80xi32, #tpu.memory_space<vmem>>
      %dma_start3A_391 = tpu.memref_squeeze %dma_start3A_390 : memref<1x1x80xi32, #tpu.memory_space<vmem>> -> memref<80xi32, #tpu.memory_space<vmem>>
      %dma_start3A_392 = arith.constant 0 : i32
      %dma_start3A_393 = arith.constant 0 : i32
      %dma_start3A_394 = tpu.memref_slice %arg10[%dma_start3A_392, %dma_start3A_393] : memref<10240x128xf32, #tpu.memory_space<vmem_shared>> -> memref<10240x128xf32, #tpu.memory_space<vmem_shared>>
      tpu.enqueue_indirect_dma source(%arg7 : memref<80x128xf32, #tpu.memory_space<vmem>>) target(%dma_start3A_394 : memref<10240x128xf32, #tpu.memory_space<vmem_shared>>) offsets(%dma_start3A_391 : memref<80xi32, #tpu.memory_space<vmem>>) semaphore(%arg15 : memref<!tpu.dma_semaphore, #tpu.memory_space<semaphore_mem>>) {add = true}
      %dma_wait3A_395 = arith.constant 0 : i32
      %dma_wait3A_396 = arith.constant 1 : i32
      %dma_wait3A_397 = arith.constant 0 : i32
      %dma_wait3A_398 = tpu.memref_slice %arg5[%dma_wait3A_395, %dma_wait3A_396, %dma_wait3A_397] : memref<4x2x80xi32, #tpu.memory_space<vmem>> -> memref<1x1x80xi32, #tpu.memory_space<vmem>>
      %dma_wait3A_399 = tpu.memref_squeeze %dma_wait3A_398 : memref<1x1x80xi32, #tpu.memory_space<vmem>> -> memref<80xi32, #tpu.memory_space<vmem>>
      %dma_wait3A_400 = arith.constant 0 : i32
      %dma_wait3A_401 = arith.constant 0 : i32
      %dma_wait3A_402 = tpu.memref_slice %arg10[%dma_wait3A_400, %dma_wait3A_401] : memref<10240x128xf32, #tpu.memory_space<vmem_shared>> -> memref<10240x128xf32, #tpu.memory_space<vmem_shared>>
      tpu.wait_indirect_dma semaphore(%arg14 : memref<!tpu.dma_semaphore, #tpu.memory_space<semaphore_mem>>) src(%arg6 : memref<80x128xf32, #tpu.memory_space<vmem>>) dst(%dma_wait3A_402 : memref<10240x128xf32, #tpu.memory_space<vmem_shared>>)
      %add3A_403 = arith.constant 2 : i32
      %add3A_404 = arith.addi %add3A_378, %add3A_403 : i32
      %dma_wait3A_405 = arith.constant 3 : i32
      %dma_wait3A_406 = arith.constant 0 : i32
      %dma_wait3A_407 = arith.constant 0 : i32
      %dma_wait3A_408 = tpu.memref_slice %arg5[%dma_wait3A_405, %dma_wait3A_406, %dma_wait3A_407] : memref<4x2x80xi32, #tpu.memory_space<vmem>> -> memref<1x2x80xi32, #tpu.memory_space<vmem>>
      %dma_wait3A_409 = tpu.memref_squeeze %dma_wait3A_408 : memref<1x2x80xi32, #tpu.memory_space<vmem>> -> memref<2x80xi32, #tpu.memory_space<vmem>>
      %dma_wait3A_410 = arith.constant 0 : i32
      %dma_wait3A_411 = arith.constant 0 : i32
      %dma_wait3A_412 = tpu.memref_slice %arg3[%add3A, %add3A_404, %dma_wait3A_410, %dma_wait3A_411] : memref<32x125x2x80xi32, #tpu.memory_space<hbm>> -> memref<1x1x2x80xi32, #tpu.memory_space<hbm>>
      %dma_wait3A_413 = tpu.memref_squeeze %dma_wait3A_412 : memref<1x1x2x80xi32, #tpu.memory_space<hbm>> -> memref<2x80xi32, #tpu.memory_space<hbm>>
      %dma_wait3A_414 = arith.constant 0 : i32
      %dma_wait3A_415 = arith.constant 0 : i32
      %dma_wait3A_416 = tpu.memref_slice %arg5[%dma_wait3A_405, %dma_wait3A_414, %dma_wait3A_415] : memref<4x2x80xi32, #tpu.memory_space<vmem>> -> memref<1x2x80xi32, #tpu.memory_space<vmem>>
      %dma_wait3A_417 = tpu.memref_squeeze %dma_wait3A_416 : memref<1x2x80xi32, #tpu.memory_space<vmem>> -> memref<2x80xi32, #tpu.memory_space<vmem>>
      %dma_wait3A_418 = arith.constant 0 : i32
      %dma_wait3A_419 = arith.constant 0 : i32
      %dma_wait3A_420 = tpu.memref_slice %arg3[%add3A, %add3A_404, %dma_wait3A_418, %dma_wait3A_419] : memref<32x125x2x80xi32, #tpu.memory_space<hbm>> -> memref<1x1x2x80xi32, #tpu.memory_space<hbm>>
      %dma_wait3A_421 = tpu.memref_squeeze %dma_wait3A_420 : memref<1x1x2x80xi32, #tpu.memory_space<hbm>> -> memref<2x80xi32, #tpu.memory_space<hbm>>
      tpu.wait_dma2 semaphore(%arg20 : memref<!tpu.dma_semaphore, #tpu.memory_space<semaphore_mem>>) src(%dma_wait3A_421 : memref<2x80xi32, #tpu.memory_space<hbm>>) dst(%dma_wait3A_417 : memref<2x80xi32, #tpu.memory_space<vmem>>)
      %dma_start3A_422 = arith.constant 3 : i32
      %dma_start3A_423 = arith.constant 0 : i32
      %dma_start3A_424 = arith.constant 0 : i32
      %dma_start3A_425 = tpu.memref_slice %arg5[%dma_start3A_422, %dma_start3A_423, %dma_start3A_424] : memref<4x2x80xi32, #tpu.memory_space<vmem>> -> memref<1x1x80xi32, #tpu.memory_space<vmem>>
      %dma_start3A_426 = tpu.memref_squeeze %dma_start3A_425 : memref<1x1x80xi32, #tpu.memory_space<vmem>> -> memref<80xi32, #tpu.memory_space<vmem>>
      %dma_start3A_427 = arith.constant 0 : i32
      %dma_start3A_428 = arith.constant 0 : i32
      %dma_start3A_429 = tpu.memref_slice %arg2[%dma_start3A_427, %dma_start3A_428] : memref<10000x128xf32, #tpu.memory_space<hbm>> -> memref<10000x128xf32, #tpu.memory_space<hbm>>
      tpu.enqueue_indirect_dma source(%dma_start3A_429 : memref<10000x128xf32, #tpu.memory_space<hbm>>) target(%arg6 : memref<80x128xf32, #tpu.memory_space<vmem>>) offsets(%dma_start3A_426 : memref<80xi32, #tpu.memory_space<vmem>>) semaphore(%arg11 : memref<!tpu.dma_semaphore, #tpu.memory_space<semaphore_mem>>)
      %add3A_430 = arith.constant 3 : i32
      %add3A_431 = arith.addi %add3A_378, %add3A_430 : i32
      %dma_start3A_432 = arith.constant 0 : i32
      %dma_start3A_433 = arith.constant 0 : i32
      %dma_start3A_434 = arith.constant 0 : i32
      %dma_start3A_435 = tpu.memref_slice %arg5[%dma_start3A_432, %dma_start3A_433, %dma_start3A_434] : memref<4x2x80xi32, #tpu.memory_space<vmem>> -> memref<1x2x80xi32, #tpu.memory_space<vmem>>
      %dma_start3A_436 = tpu.memref_squeeze %dma_start3A_435 : memref<1x2x80xi32, #tpu.memory_space<vmem>> -> memref<2x80xi32, #tpu.memory_space<vmem>>
      %dma_start3A_437 = arith.constant 0 : i32
      %dma_start3A_438 = arith.constant 0 : i32
      %dma_start3A_439 = tpu.memref_slice %arg3[%add3A, %add3A_431, %dma_start3A_437, %dma_start3A_438] : memref<32x125x2x80xi32, #tpu.memory_space<hbm>> -> memref<1x1x2x80xi32, #tpu.memory_space<hbm>>
      %dma_start3A_440 = tpu.memref_squeeze %dma_start3A_439 : memref<1x1x2x80xi32, #tpu.memory_space<hbm>> -> memref<2x80xi32, #tpu.memory_space<hbm>>
      %dma_start3A_441 = arith.constant 0 : i32
      %dma_start3A_442 = arith.constant 0 : i32
      %dma_start3A_443 = tpu.memref_slice %arg5[%dma_start3A_432, %dma_start3A_441, %dma_start3A_442] : memref<4x2x80xi32, #tpu.memory_space<vmem>> -> memref<1x2x80xi32, #tpu.memory_space<vmem>>
      %dma_start3A_444 = tpu.memref_squeeze %dma_start3A_443 : memref<1x2x80xi32, #tpu.memory_space<vmem>> -> memref<2x80xi32, #tpu.memory_space<vmem>>
      %dma_start3A_445 = arith.constant 0 : i32
      %dma_start3A_446 = arith.constant 0 : i32
      %dma_start3A_447 = tpu.memref_slice %arg3[%add3A, %add3A_431, %dma_start3A_445, %dma_start3A_446] : memref<32x125x2x80xi32, #tpu.memory_space<hbm>> -> memref<1x1x2x80xi32, #tpu.memory_space<hbm>>
      %dma_start3A_448 = tpu.memref_squeeze %dma_start3A_447 : memref<1x1x2x80xi32, #tpu.memory_space<hbm>> -> memref<2x80xi32, #tpu.memory_space<hbm>>
      tpu.enqueue_dma source(%dma_start3A_448 : memref<2x80xi32, #tpu.memory_space<hbm>>) target(%dma_start3A_444 : memref<2x80xi32, #tpu.memory_space<vmem>>) target_semaphore(%arg17 : memref<!tpu.dma_semaphore, #tpu.memory_space<semaphore_mem>>)
      %add3A_449 = arith.constant 1 : i32
      %add3A_450 = arith.addi %mul3A_374, %add3A_449 : i32
      %add3A_451 = arith.constant 1 : i32
      %add3A_452 = arith.addi %add3A_450, %add3A_451 : i32
      %dma_wait3A_453 = arith.constant 2 : i32
      %dma_wait3A_454 = arith.constant 0 : i32
      %dma_wait3A_455 = arith.constant 0 : i32
      %dma_wait3A_456 = tpu.memref_slice %arg5[%dma_wait3A_453, %dma_wait3A_454, %dma_wait3A_455] : memref<4x2x80xi32, #tpu.memory_space<vmem>> -> memref<1x1x80xi32, #tpu.memory_space<vmem>>
      %dma_wait3A_457 = tpu.memref_squeeze %dma_wait3A_456 : memref<1x1x80xi32, #tpu.memory_space<vmem>> -> memref<80xi32, #tpu.memory_space<vmem>>
      %dma_wait3A_458 = arith.constant 0 : i32
      %dma_wait3A_459 = arith.constant 0 : i32
      %dma_wait3A_460 = tpu.memref_slice %arg2[%dma_wait3A_458, %dma_wait3A_459] : memref<10000x128xf32, #tpu.memory_space<hbm>> -> memref<10000x128xf32, #tpu.memory_space<hbm>>
      tpu.wait_indirect_dma semaphore(%arg13 : memref<!tpu.dma_semaphore, #tpu.memory_space<semaphore_mem>>) src(%dma_wait3A_460 : memref<10000x128xf32, #tpu.memory_space<hbm>>) dst(%arg8 : memref<80x128xf32, #tpu.memory_space<vmem>>)
      %dma_start3A_461 = arith.constant 2 : i32
      %dma_start3A_462 = arith.constant 1 : i32
      %dma_start3A_463 = arith.constant 0 : i32
      %dma_start3A_464 = tpu.memref_slice %arg5[%dma_start3A_461, %dma_start3A_462, %dma_start3A_463] : memref<4x2x80xi32, #tpu.memory_space<vmem>> -> memref<1x1x80xi32, #tpu.memory_space<vmem>>
      %dma_start3A_465 = tpu.memref_squeeze %dma_start3A_464 : memref<1x1x80xi32, #tpu.memory_space<vmem>> -> memref<80xi32, #tpu.memory_space<vmem>>
      %dma_start3A_466 = arith.constant 0 : i32
      %dma_start3A_467 = arith.constant 0 : i32
      %dma_start3A_468 = tpu.memref_slice %arg10[%dma_start3A_466, %dma_start3A_467] : memref<10240x128xf32, #tpu.memory_space<vmem_shared>> -> memref<10240x128xf32, #tpu.memory_space<vmem_shared>>
      tpu.enqueue_indirect_dma source(%arg8 : memref<80x128xf32, #tpu.memory_space<vmem>>) target(%dma_start3A_468 : memref<10240x128xf32, #tpu.memory_space<vmem_shared>>) offsets(%dma_start3A_465 : memref<80xi32, #tpu.memory_space<vmem>>) semaphore(%arg16 : memref<!tpu.dma_semaphore, #tpu.memory_space<semaphore_mem>>) {add = true}
      %dma_wait3A_469 = arith.constant 1 : i32
      %dma_wait3A_470 = arith.constant 1 : i32
      %dma_wait3A_471 = arith.constant 0 : i32
      %dma_wait3A_472 = tpu.memref_slice %arg5[%dma_wait3A_469, %dma_wait3A_470, %dma_wait3A_471] : memref<4x2x80xi32, #tpu.memory_space<vmem>> -> memref<1x1x80xi32, #tpu.memory_space<vmem>>
      %dma_wait3A_473 = tpu.memref_squeeze %dma_wait3A_472 : memref<1x1x80xi32, #tpu.memory_space<vmem>> -> memref<80xi32, #tpu.memory_space<vmem>>
      %dma_wait3A_474 = arith.constant 0 : i32
      %dma_wait3A_475 = arith.constant 0 : i32
      %dma_wait3A_476 = tpu.memref_slice %arg10[%dma_wait3A_474, %dma_wait3A_475] : memref<10240x128xf32, #tpu.memory_space<vmem_shared>> -> memref<10240x128xf32, #tpu.memory_space<vmem_shared>>
      tpu.wait_indirect_dma semaphore(%arg15 : memref<!tpu.dma_semaphore, #tpu.memory_space<semaphore_mem>>) src(%arg7 : memref<80x128xf32, #tpu.memory_space<vmem>>) dst(%dma_wait3A_476 : memref<10240x128xf32, #tpu.memory_space<vmem_shared>>)
      %add3A_477 = arith.constant 2 : i32
      %add3A_478 = arith.addi %add3A_452, %add3A_477 : i32
      %dma_wait3A_479 = arith.constant 0 : i32
      %dma_wait3A_480 = arith.constant 0 : i32
      %dma_wait3A_481 = arith.constant 0 : i32
      %dma_wait3A_482 = tpu.memref_slice %arg5[%dma_wait3A_479, %dma_wait3A_480, %dma_wait3A_481] : memref<4x2x80xi32, #tpu.memory_space<vmem>> -> memref<1x2x80xi32, #tpu.memory_space<vmem>>
      %dma_wait3A_483 = tpu.memref_squeeze %dma_wait3A_482 : memref<1x2x80xi32, #tpu.memory_space<vmem>> -> memref<2x80xi32, #tpu.memory_space<vmem>>
      %dma_wait3A_484 = arith.constant 0 : i32
      %dma_wait3A_485 = arith.constant 0 : i32
      %dma_wait3A_486 = tpu.memref_slice %arg3[%add3A, %add3A_478, %dma_wait3A_484, %dma_wait3A_485] : memref<32x125x2x80xi32, #tpu.memory_space<hbm>> -> memref<1x1x2x80xi32, #tpu.memory_space<hbm>>
      %dma_wait3A_487 = tpu.memref_squeeze %dma_wait3A_486 : memref<1x1x2x80xi32, #tpu.memory_space<hbm>> -> memref<2x80xi32, #tpu.memory_space<hbm>>
      %dma_wait3A_488 = arith.constant 0 : i32
      %dma_wait3A_489 = arith.constant 0 : i32
      %dma_wait3A_490 = tpu.memref_slice %arg5[%dma_wait3A_479, %dma_wait3A_488, %dma_wait3A_489] : memref<4x2x80xi32, #tpu.memory_space<vmem>> -> memref<1x2x80xi32, #tpu.memory_space<vmem>>
      %dma_wait3A_491 = tpu.memref_squeeze %dma_wait3A_490 : memref<1x2x80xi32, #tpu.memory_space<vmem>> -> memref<2x80xi32, #tpu.memory_space<vmem>>
      %dma_wait3A_492 = arith.constant 0 : i32
      %dma_wait3A_493 = arith.constant 0 : i32
      %dma_wait3A_494 = tpu.memref_slice %arg3[%add3A, %add3A_478, %dma_wait3A_492, %dma_wait3A_493] : memref<32x125x2x80xi32, #tpu.memory_space<hbm>> -> memref<1x1x2x80xi32, #tpu.memory_space<hbm>>
      %dma_wait3A_495 = tpu.memref_squeeze %dma_wait3A_494 : memref<1x1x2x80xi32, #tpu.memory_space<hbm>> -> memref<2x80xi32, #tpu.memory_space<hbm>>
      tpu.wait_dma2 semaphore(%arg17 : memref<!tpu.dma_semaphore, #tpu.memory_space<semaphore_mem>>) src(%dma_wait3A_495 : memref<2x80xi32, #tpu.memory_space<hbm>>) dst(%dma_wait3A_491 : memref<2x80xi32, #tpu.memory_space<vmem>>)
      %dma_start3A_496 = arith.constant 0 : i32
      %dma_start3A_497 = arith.constant 0 : i32
      %dma_start3A_498 = arith.constant 0 : i32
      %dma_start3A_499 = tpu.memref_slice %arg5[%dma_start3A_496, %dma_start3A_497, %dma_start3A_498] : memref<4x2x80xi32, #tpu.memory_space<vmem>> -> memref<1x1x80xi32, #tpu.memory_space<vmem>>
      %dma_start3A_500 = tpu.memref_squeeze %dma_start3A_499 : memref<1x1x80xi32, #tpu.memory_space<vmem>> -> memref<80xi32, #tpu.memory_space<vmem>>
      %dma_start3A_501 = arith.constant 0 : i32
      %dma_start3A_502 = arith.constant 0 : i32
      %dma_start3A_503 = tpu.memref_slice %arg2[%dma_start3A_501, %dma_start3A_502] : memref<10000x128xf32, #tpu.memory_space<hbm>> -> memref<10000x128xf32, #tpu.memory_space<hbm>>
      tpu.enqueue_indirect_dma source(%dma_start3A_503 : memref<10000x128xf32, #tpu.memory_space<hbm>>) target(%arg7 : memref<80x128xf32, #tpu.memory_space<vmem>>) offsets(%dma_start3A_500 : memref<80xi32, #tpu.memory_space<vmem>>) semaphore(%arg12 : memref<!tpu.dma_semaphore, #tpu.memory_space<semaphore_mem>>)
      %add3A_504 = arith.constant 3 : i32
      %add3A_505 = arith.addi %add3A_452, %add3A_504 : i32
      %dma_start3A_506 = arith.constant 1 : i32
      %dma_start3A_507 = arith.constant 0 : i32
      %dma_start3A_508 = arith.constant 0 : i32
      %dma_start3A_509 = tpu.memref_slice %arg5[%dma_start3A_506, %dma_start3A_507, %dma_start3A_508] : memref<4x2x80xi32, #tpu.memory_space<vmem>> -> memref<1x2x80xi32, #tpu.memory_space<vmem>>
      %dma_start3A_510 = tpu.memref_squeeze %dma_start3A_509 : memref<1x2x80xi32, #tpu.memory_space<vmem>> -> memref<2x80xi32, #tpu.memory_space<vmem>>
      %dma_start3A_511 = arith.constant 0 : i32
      %dma_start3A_512 = arith.constant 0 : i32
      %dma_start3A_513 = tpu.memref_slice %arg3[%add3A, %add3A_505, %dma_start3A_511, %dma_start3A_512] : memref<32x125x2x80xi32, #tpu.memory_space<hbm>> -> memref<1x1x2x80xi32, #tpu.memory_space<hbm>>
      %dma_start3A_514 = tpu.memref_squeeze %dma_start3A_513 : memref<1x1x2x80xi32, #tpu.memory_space<hbm>> -> memref<2x80xi32, #tpu.memory_space<hbm>>
      %dma_start3A_515 = arith.constant 0 : i32
      %dma_start3A_516 = arith.constant 0 : i32
      %dma_start3A_517 = tpu.memref_slice %arg5[%dma_start3A_506, %dma_start3A_515, %dma_start3A_516] : memref<4x2x80xi32, #tpu.memory_space<vmem>> -> memref<1x2x80xi32, #tpu.memory_space<vmem>>
      %dma_start3A_518 = tpu.memref_squeeze %dma_start3A_517 : memref<1x2x80xi32, #tpu.memory_space<vmem>> -> memref<2x80xi32, #tpu.memory_space<vmem>>
      %dma_start3A_519 = arith.constant 0 : i32
      %dma_start3A_520 = arith.constant 0 : i32
      %dma_start3A_521 = tpu.memref_slice %arg3[%add3A, %add3A_505, %dma_start3A_519, %dma_start3A_520] : memref<32x125x2x80xi32, #tpu.memory_space<hbm>> -> memref<1x1x2x80xi32, #tpu.memory_space<hbm>>
      %dma_start3A_522 = tpu.memref_squeeze %dma_start3A_521 : memref<1x1x2x80xi32, #tpu.memory_space<hbm>> -> memref<2x80xi32, #tpu.memory_space<hbm>>
      tpu.enqueue_dma source(%dma_start3A_522 : memref<2x80xi32, #tpu.memory_space<hbm>>) target(%dma_start3A_518 : memref<2x80xi32, #tpu.memory_space<vmem>>) target_semaphore(%arg18 : memref<!tpu.dma_semaphore, #tpu.memory_space<semaphore_mem>>)
      %add3A_523 = arith.constant 2 : i32
      %add3A_524 = arith.addi %mul3A_374, %add3A_523 : i32
      %add3A_525 = arith.constant 1 : i32
      %add3A_526 = arith.addi %add3A_524, %add3A_525 : i32
      %dma_wait3A_527 = arith.constant 3 : i32
      %dma_wait3A_528 = arith.constant 0 : i32
      %dma_wait3A_529 = arith.constant 0 : i32
      %dma_wait3A_530 = tpu.memref_slice %arg5[%dma_wait3A_527, %dma_wait3A_528, %dma_wait3A_529] : memref<4x2x80xi32, #tpu.memory_space<vmem>> -> memref<1x1x80xi32, #tpu.memory_space<vmem>>
      %dma_wait3A_531 = tpu.memref_squeeze %dma_wait3A_530 : memref<1x1x80xi32, #tpu.memory_space<vmem>> -> memref<80xi32, #tpu.memory_space<vmem>>
      %dma_wait3A_532 = arith.constant 0 : i32
      %dma_wait3A_533 = arith.constant 0 : i32
      %dma_wait3A_534 = tpu.memref_slice %arg2[%dma_wait3A_532, %dma_wait3A_533] : memref<10000x128xf32, #tpu.memory_space<hbm>> -> memref<10000x128xf32, #tpu.memory_space<hbm>>
      tpu.wait_indirect_dma semaphore(%arg11 : memref<!tpu.dma_semaphore, #tpu.memory_space<semaphore_mem>>) src(%dma_wait3A_534 : memref<10000x128xf32, #tpu.memory_space<hbm>>) dst(%arg6 : memref<80x128xf32, #tpu.memory_space<vmem>>)
      %dma_start3A_535 = arith.constant 3 : i32
      %dma_start3A_536 = arith.constant 1 : i32
      %dma_start3A_537 = arith.constant 0 : i32
      %dma_start3A_538 = tpu.memref_slice %arg5[%dma_start3A_535, %dma_start3A_536, %dma_start3A_537] : memref<4x2x80xi32, #tpu.memory_space<vmem>> -> memref<1x1x80xi32, #tpu.memory_space<vmem>>
      %dma_start3A_539 = tpu.memref_squeeze %dma_start3A_538 : memref<1x1x80xi32, #tpu.memory_space<vmem>> -> memref<80xi32, #tpu.memory_space<vmem>>
      %dma_start3A_540 = arith.constant 0 : i32
      %dma_start3A_541 = arith.constant 0 : i32
      %dma_start3A_542 = tpu.memref_slice %arg10[%dma_start3A_540, %dma_start3A_541] : memref<10240x128xf32, #tpu.memory_space<vmem_shared>> -> memref<10240x128xf32, #tpu.memory_space<vmem_shared>>
      tpu.enqueue_indirect_dma source(%arg6 : memref<80x128xf32, #tpu.memory_space<vmem>>) target(%dma_start3A_542 : memref<10240x128xf32, #tpu.memory_space<vmem_shared>>) offsets(%dma_start3A_539 : memref<80xi32, #tpu.memory_space<vmem>>) semaphore(%arg14 : memref<!tpu.dma_semaphore, #tpu.memory_space<semaphore_mem>>) {add = true}
      %dma_wait3A_543 = arith.constant 2 : i32
      %dma_wait3A_544 = arith.constant 1 : i32
      %dma_wait3A_545 = arith.constant 0 : i32
      %dma_wait3A_546 = tpu.memref_slice %arg5[%dma_wait3A_543, %dma_wait3A_544, %dma_wait3A_545] : memref<4x2x80xi32, #tpu.memory_space<vmem>> -> memref<1x1x80xi32, #tpu.memory_space<vmem>>
      %dma_wait3A_547 = tpu.memref_squeeze %dma_wait3A_546 : memref<1x1x80xi32, #tpu.memory_space<vmem>> -> memref<80xi32, #tpu.memory_space<vmem>>
      %dma_wait3A_548 = arith.constant 0 : i32
      %dma_wait3A_549 = arith.constant 0 : i32
      %dma_wait3A_550 = tpu.memref_slice %arg10[%dma_wait3A_548, %dma_wait3A_549] : memref<10240x128xf32, #tpu.memory_space<vmem_shared>> -> memref<10240x128xf32, #tpu.memory_space<vmem_shared>>
      tpu.wait_indirect_dma semaphore(%arg16 : memref<!tpu.dma_semaphore, #tpu.memory_space<semaphore_mem>>) src(%arg8 : memref<80x128xf32, #tpu.memory_space<vmem>>) dst(%dma_wait3A_550 : memref<10240x128xf32, #tpu.memory_space<vmem_shared>>)
      %add3A_551 = arith.constant 2 : i32
      %add3A_552 = arith.addi %add3A_526, %add3A_551 : i32
      %dma_wait3A_553 = arith.constant 1 : i32
      %dma_wait3A_554 = arith.constant 0 : i32
      %dma_wait3A_555 = arith.constant 0 : i32
      %dma_wait3A_556 = tpu.memref_slice %arg5[%dma_wait3A_553, %dma_wait3A_554, %dma_wait3A_555] : memref<4x2x80xi32, #tpu.memory_space<vmem>> -> memref<1x2x80xi32, #tpu.memory_space<vmem>>
      %dma_wait3A_557 = tpu.memref_squeeze %dma_wait3A_556 : memref<1x2x80xi32, #tpu.memory_space<vmem>> -> memref<2x80xi32, #tpu.memory_space<vmem>>
      %dma_wait3A_558 = arith.constant 0 : i32
      %dma_wait3A_559 = arith.constant 0 : i32
      %dma_wait3A_560 = tpu.memref_slice %arg3[%add3A, %add3A_552, %dma_wait3A_558, %dma_wait3A_559] : memref<32x125x2x80xi32, #tpu.memory_space<hbm>> -> memref<1x1x2x80xi32, #tpu.memory_space<hbm>>
      %dma_wait3A_561 = tpu.memref_squeeze %dma_wait3A_560 : memref<1x1x2x80xi32, #tpu.memory_space<hbm>> -> memref<2x80xi32, #tpu.memory_space<hbm>>
      %dma_wait3A_562 = arith.constant 0 : i32
      %dma_wait3A_563 = arith.constant 0 : i32
      %dma_wait3A_564 = tpu.memref_slice %arg5[%dma_wait3A_553, %dma_wait3A_562, %dma_wait3A_563] : memref<4x2x80xi32, #tpu.memory_space<vmem>> -> memref<1x2x80xi32, #tpu.memory_space<vmem>>
      %dma_wait3A_565 = tpu.memref_squeeze %dma_wait3A_564 : memref<1x2x80xi32, #tpu.memory_space<vmem>> -> memref<2x80xi32, #tpu.memory_space<vmem>>
      %dma_wait3A_566 = arith.constant 0 : i32
      %dma_wait3A_567 = arith.constant 0 : i32
      %dma_wait3A_568 = tpu.memref_slice %arg3[%add3A, %add3A_552, %dma_wait3A_566, %dma_wait3A_567] : memref<32x125x2x80xi32, #tpu.memory_space<hbm>> -> memref<1x1x2x80xi32, #tpu.memory_space<hbm>>
      %dma_wait3A_569 = tpu.memref_squeeze %dma_wait3A_568 : memref<1x1x2x80xi32, #tpu.memory_space<hbm>> -> memref<2x80xi32, #tpu.memory_space<hbm>>
      tpu.wait_dma2 semaphore(%arg18 : memref<!tpu.dma_semaphore, #tpu.memory_space<semaphore_mem>>) src(%dma_wait3A_569 : memref<2x80xi32, #tpu.memory_space<hbm>>) dst(%dma_wait3A_565 : memref<2x80xi32, #tpu.memory_space<vmem>>)
      %dma_start3A_570 = arith.constant 1 : i32
      %dma_start3A_571 = arith.constant 0 : i32
      %dma_start3A_572 = arith.constant 0 : i32
      %dma_start3A_573 = tpu.memref_slice %arg5[%dma_start3A_570, %dma_start3A_571, %dma_start3A_572] : memref<4x2x80xi32, #tpu.memory_space<vmem>> -> memref<1x1x80xi32, #tpu.memory_space<vmem>>
      %dma_start3A_574 = tpu.memref_squeeze %dma_start3A_573 : memref<1x1x80xi32, #tpu.memory_space<vmem>> -> memref<80xi32, #tpu.memory_space<vmem>>
      %dma_start3A_575 = arith.constant 0 : i32
      %dma_start3A_576 = arith.constant 0 : i32
      %dma_start3A_577 = tpu.memref_slice %arg2[%dma_start3A_575, %dma_start3A_576] : memref<10000x128xf32, #tpu.memory_space<hbm>> -> memref<10000x128xf32, #tpu.memory_space<hbm>>
      tpu.enqueue_indirect_dma source(%dma_start3A_577 : memref<10000x128xf32, #tpu.memory_space<hbm>>) target(%arg8 : memref<80x128xf32, #tpu.memory_space<vmem>>) offsets(%dma_start3A_574 : memref<80xi32, #tpu.memory_space<vmem>>) semaphore(%arg13 : memref<!tpu.dma_semaphore, #tpu.memory_space<semaphore_mem>>)
      %add3A_578 = arith.constant 3 : i32
      %add3A_579 = arith.addi %add3A_526, %add3A_578 : i32
      %dma_start3A_580 = arith.constant 2 : i32
      %dma_start3A_581 = arith.constant 0 : i32
      %dma_start3A_582 = arith.constant 0 : i32
      %dma_start3A_583 = tpu.memref_slice %arg5[%dma_start3A_580, %dma_start3A_581, %dma_start3A_582] : memref<4x2x80xi32, #tpu.memory_space<vmem>> -> memref<1x2x80xi32, #tpu.memory_space<vmem>>
      %dma_start3A_584 = tpu.memref_squeeze %dma_start3A_583 : memref<1x2x80xi32, #tpu.memory_space<vmem>> -> memref<2x80xi32, #tpu.memory_space<vmem>>
      %dma_start3A_585 = arith.constant 0 : i32
      %dma_start3A_586 = arith.constant 0 : i32
      %dma_start3A_587 = tpu.memref_slice %arg3[%add3A, %add3A_579, %dma_start3A_585, %dma_start3A_586] : memref<32x125x2x80xi32, #tpu.memory_space<hbm>> -> memref<1x1x2x80xi32, #tpu.memory_space<hbm>>
      %dma_start3A_588 = tpu.memref_squeeze %dma_start3A_587 : memref<1x1x2x80xi32, #tpu.memory_space<hbm>> -> memref<2x80xi32, #tpu.memory_space<hbm>>
      %dma_start3A_589 = arith.constant 0 : i32
      %dma_start3A_590 = arith.constant 0 : i32
      %dma_start3A_591 = tpu.memref_slice %arg5[%dma_start3A_580, %dma_start3A_589, %dma_start3A_590] : memref<4x2x80xi32, #tpu.memory_space<vmem>> -> memref<1x2x80xi32, #tpu.memory_space<vmem>>
      %dma_start3A_592 = tpu.memref_squeeze %dma_start3A_591 : memref<1x2x80xi32, #tpu.memory_space<vmem>> -> memref<2x80xi32, #tpu.memory_space<vmem>>
      %dma_start3A_593 = arith.constant 0 : i32
      %dma_start3A_594 = arith.constant 0 : i32
      %dma_start3A_595 = tpu.memref_slice %arg3[%add3A, %add3A_579, %dma_start3A_593, %dma_start3A_594] : memref<32x125x2x80xi32, #tpu.memory_space<hbm>> -> memref<1x1x2x80xi32, #tpu.memory_space<hbm>>
      %dma_start3A_596 = tpu.memref_squeeze %dma_start3A_595 : memref<1x1x2x80xi32, #tpu.memory_space<hbm>> -> memref<2x80xi32, #tpu.memory_space<hbm>>
      tpu.enqueue_dma source(%dma_start3A_596 : memref<2x80xi32, #tpu.memory_space<hbm>>) target(%dma_start3A_592 : memref<2x80xi32, #tpu.memory_space<vmem>>) target_semaphore(%arg19 : memref<!tpu.dma_semaphore, #tpu.memory_space<semaphore_mem>>)
      %add3A_597 = arith.constant 3 : i32
      %add3A_598 = arith.addi %mul3A_374, %add3A_597 : i32
      %add3A_599 = arith.constant 1 : i32
      %add3A_600 = arith.addi %add3A_598, %add3A_599 : i32
      %dma_wait3A_601 = arith.constant 0 : i32
      %dma_wait3A_602 = arith.constant 0 : i32
      %dma_wait3A_603 = arith.constant 0 : i32
      %dma_wait3A_604 = tpu.memref_slice %arg5[%dma_wait3A_601, %dma_wait3A_602, %dma_wait3A_603] : memref<4x2x80xi32, #tpu.memory_space<vmem>> -> memref<1x1x80xi32, #tpu.memory_space<vmem>>
      %dma_wait3A_605 = tpu.memref_squeeze %dma_wait3A_604 : memref<1x1x80xi32, #tpu.memory_space<vmem>> -> memref<80xi32, #tpu.memory_space<vmem>>
      %dma_wait3A_606 = arith.constant 0 : i32
      %dma_wait3A_607 = arith.constant 0 : i32
      %dma_wait3A_608 = tpu.memref_slice %arg2[%dma_wait3A_606, %dma_wait3A_607] : memref<10000x128xf32, #tpu.memory_space<hbm>> -> memref<10000x128xf32, #tpu.memory_space<hbm>>
      tpu.wait_indirect_dma semaphore(%arg12 : memref<!tpu.dma_semaphore, #tpu.memory_space<semaphore_mem>>) src(%dma_wait3A_608 : memref<10000x128xf32, #tpu.memory_space<hbm>>) dst(%arg7 : memref<80x128xf32, #tpu.memory_space<vmem>>)
      %dma_start3A_609 = arith.constant 0 : i32
      %dma_start3A_610 = arith.constant 1 : i32
      %dma_start3A_611 = arith.constant 0 : i32
      %dma_start3A_612 = tpu.memref_slice %arg5[%dma_start3A_609, %dma_start3A_610, %dma_start3A_611] : memref<4x2x80xi32, #tpu.memory_space<vmem>> -> memref<1x1x80xi32, #tpu.memory_space<vmem>>
      %dma_start3A_613 = tpu.memref_squeeze %dma_start3A_612 : memref<1x1x80xi32, #tpu.memory_space<vmem>> -> memref<80xi32, #tpu.memory_space<vmem>>
      %dma_start3A_614 = arith.constant 0 : i32
      %dma_start3A_615 = arith.constant 0 : i32
      %dma_start3A_616 = tpu.memref_slice %arg10[%dma_start3A_614, %dma_start3A_615] : memref<10240x128xf32, #tpu.memory_space<vmem_shared>> -> memref<10240x128xf32, #tpu.memory_space<vmem_shared>>
      tpu.enqueue_indirect_dma source(%arg7 : memref<80x128xf32, #tpu.memory_space<vmem>>) target(%dma_start3A_616 : memref<10240x128xf32, #tpu.memory_space<vmem_shared>>) offsets(%dma_start3A_613 : memref<80xi32, #tpu.memory_space<vmem>>) semaphore(%arg15 : memref<!tpu.dma_semaphore, #tpu.memory_space<semaphore_mem>>) {add = true}
      %dma_wait3A_617 = arith.constant 3 : i32
      %dma_wait3A_618 = arith.constant 1 : i32
      %dma_wait3A_619 = arith.constant 0 : i32
      %dma_wait3A_620 = tpu.memref_slice %arg5[%dma_wait3A_617, %dma_wait3A_618, %dma_wait3A_619] : memref<4x2x80xi32, #tpu.memory_space<vmem>> -> memref<1x1x80xi32, #tpu.memory_space<vmem>>
      %dma_wait3A_621 = tpu.memref_squeeze %dma_wait3A_620 : memref<1x1x80xi32, #tpu.memory_space<vmem>> -> memref<80xi32, #tpu.memory_space<vmem>>
      %dma_wait3A_622 = arith.constant 0 : i32
      %dma_wait3A_623 = arith.constant 0 : i32
      %dma_wait3A_624 = tpu.memref_slice %arg10[%dma_wait3A_622, %dma_wait3A_623] : memref<10240x128xf32, #tpu.memory_space<vmem_shared>> -> memref<10240x128xf32, #tpu.memory_space<vmem_shared>>
      tpu.wait_indirect_dma semaphore(%arg14 : memref<!tpu.dma_semaphore, #tpu.memory_space<semaphore_mem>>) src(%arg6 : memref<80x128xf32, #tpu.memory_space<vmem>>) dst(%dma_wait3A_624 : memref<10240x128xf32, #tpu.memory_space<vmem_shared>>)
      %add3A_625 = arith.constant 2 : i32
      %add3A_626 = arith.addi %add3A_600, %add3A_625 : i32
      %dma_wait3A_627 = arith.constant 2 : i32
      %dma_wait3A_628 = arith.constant 0 : i32
      %dma_wait3A_629 = arith.constant 0 : i32
      %dma_wait3A_630 = tpu.memref_slice %arg5[%dma_wait3A_627, %dma_wait3A_628, %dma_wait3A_629] : memref<4x2x80xi32, #tpu.memory_space<vmem>> -> memref<1x2x80xi32, #tpu.memory_space<vmem>>
      %dma_wait3A_631 = tpu.memref_squeeze %dma_wait3A_630 : memref<1x2x80xi32, #tpu.memory_space<vmem>> -> memref<2x80xi32, #tpu.memory_space<vmem>>
      %dma_wait3A_632 = arith.constant 0 : i32
      %dma_wait3A_633 = arith.constant 0 : i32
      %dma_wait3A_634 = tpu.memref_slice %arg3[%add3A, %add3A_626, %dma_wait3A_632, %dma_wait3A_633] : memref<32x125x2x80xi32, #tpu.memory_space<hbm>> -> memref<1x1x2x80xi32, #tpu.memory_space<hbm>>
      %dma_wait3A_635 = tpu.memref_squeeze %dma_wait3A_634 : memref<1x1x2x80xi32, #tpu.memory_space<hbm>> -> memref<2x80xi32, #tpu.memory_space<hbm>>
      %dma_wait3A_636 = arith.constant 0 : i32
      %dma_wait3A_637 = arith.constant 0 : i32
      %dma_wait3A_638 = tpu.memref_slice %arg5[%dma_wait3A_627, %dma_wait3A_636, %dma_wait3A_637] : memref<4x2x80xi32, #tpu.memory_space<vmem>> -> memref<1x2x80xi32, #tpu.memory_space<vmem>>
      %dma_wait3A_639 = tpu.memref_squeeze %dma_wait3A_638 : memref<1x2x80xi32, #tpu.memory_space<vmem>> -> memref<2x80xi32, #tpu.memory_space<vmem>>
      %dma_wait3A_640 = arith.constant 0 : i32
      %dma_wait3A_641 = arith.constant 0 : i32
      %dma_wait3A_642 = tpu.memref_slice %arg3[%add3A, %add3A_626, %dma_wait3A_640, %dma_wait3A_641] : memref<32x125x2x80xi32, #tpu.memory_space<hbm>> -> memref<1x1x2x80xi32, #tpu.memory_space<hbm>>
      %dma_wait3A_643 = tpu.memref_squeeze %dma_wait3A_642 : memref<1x1x2x80xi32, #tpu.memory_space<hbm>> -> memref<2x80xi32, #tpu.memory_space<hbm>>
      tpu.wait_dma2 semaphore(%arg19 : memref<!tpu.dma_semaphore, #tpu.memory_space<semaphore_mem>>) src(%dma_wait3A_643 : memref<2x80xi32, #tpu.memory_space<hbm>>) dst(%dma_wait3A_639 : memref<2x80xi32, #tpu.memory_space<vmem>>)
      %dma_start3A_644 = arith.constant 2 : i32
      %dma_start3A_645 = arith.constant 0 : i32
      %dma_start3A_646 = arith.constant 0 : i32
      %dma_start3A_647 = tpu.memref_slice %arg5[%dma_start3A_644, %dma_start3A_645, %dma_start3A_646] : memref<4x2x80xi32, #tpu.memory_space<vmem>> -> memref<1x1x80xi32, #tpu.memory_space<vmem>>
      %dma_start3A_648 = tpu.memref_squeeze %dma_start3A_647 : memref<1x1x80xi32, #tpu.memory_space<vmem>> -> memref<80xi32, #tpu.memory_space<vmem>>
      %dma_start3A_649 = arith.constant 0 : i32
      %dma_start3A_650 = arith.constant 0 : i32
      %dma_start3A_651 = tpu.memref_slice %arg2[%dma_start3A_649, %dma_start3A_650] : memref<10000x128xf32, #tpu.memory_space<hbm>> -> memref<10000x128xf32, #tpu.memory_space<hbm>>
      tpu.enqueue_indirect_dma source(%dma_start3A_651 : memref<10000x128xf32, #tpu.memory_space<hbm>>) target(%arg6 : memref<80x128xf32, #tpu.memory_space<vmem>>) offsets(%dma_start3A_648 : memref<80xi32, #tpu.memory_space<vmem>>) semaphore(%arg11 : memref<!tpu.dma_semaphore, #tpu.memory_space<semaphore_mem>>)
      %add3A_652 = arith.constant 3 : i32
      %add3A_653 = arith.addi %add3A_600, %add3A_652 : i32
      %dma_start3A_654 = arith.constant 3 : i32
      %dma_start3A_655 = arith.constant 0 : i32
      %dma_start3A_656 = arith.constant 0 : i32
      %dma_start3A_657 = tpu.memref_slice %arg5[%dma_start3A_654, %dma_start3A_655, %dma_start3A_656] : memref<4x2x80xi32, #tpu.memory_space<vmem>> -> memref<1x2x80xi32, #tpu.memory_space<vmem>>
      %dma_start3A_658 = tpu.memref_squeeze %dma_start3A_657 : memref<1x2x80xi32, #tpu.memory_space<vmem>> -> memref<2x80xi32, #tpu.memory_space<vmem>>
      %dma_start3A_659 = arith.constant 0 : i32
      %dma_start3A_660 = arith.constant 0 : i32
      %dma_start3A_661 = tpu.memref_slice %arg3[%add3A, %add3A_653, %dma_start3A_659, %dma_start3A_660] : memref<32x125x2x80xi32, #tpu.memory_space<hbm>> -> memref<1x1x2x80xi32, #tpu.memory_space<hbm>>
      %dma_start3A_662 = tpu.memref_squeeze %dma_start3A_661 : memref<1x1x2x80xi32, #tpu.memory_space<hbm>> -> memref<2x80xi32, #tpu.memory_space<hbm>>
      %dma_start3A_663 = arith.constant 0 : i32
      %dma_start3A_664 = arith.constant 0 : i32
      %dma_start3A_665 = tpu.memref_slice %arg5[%dma_start3A_654, %dma_start3A_663, %dma_start3A_664] : memref<4x2x80xi32, #tpu.memory_space<vmem>> -> memref<1x2x80xi32, #tpu.memory_space<vmem>>
      %dma_start3A_666 = tpu.memref_squeeze %dma_start3A_665 : memref<1x2x80xi32, #tpu.memory_space<vmem>> -> memref<2x80xi32, #tpu.memory_space<vmem>>
      %dma_start3A_667 = arith.constant 0 : i32
      %dma_start3A_668 = arith.constant 0 : i32
      %dma_start3A_669 = tpu.memref_slice %arg3[%add3A, %add3A_653, %dma_start3A_667, %dma_start3A_668] : memref<32x125x2x80xi32, #tpu.memory_space<hbm>> -> memref<1x1x2x80xi32, #tpu.memory_space<hbm>>
      %dma_start3A_670 = tpu.memref_squeeze %dma_start3A_669 : memref<1x1x2x80xi32, #tpu.memory_space<hbm>> -> memref<2x80xi32, #tpu.memory_space<hbm>>
      tpu.enqueue_dma source(%dma_start3A_670 : memref<2x80xi32, #tpu.memory_space<hbm>>) target(%dma_start3A_666 : memref<2x80xi32, #tpu.memory_space<vmem>>) target_semaphore(%arg20 : memref<!tpu.dma_semaphore, #tpu.memory_space<semaphore_mem>>)
      %add3A_671 = arith.constant 4 : i32
      %add3A_672 = arith.addi %mul3A_374, %add3A_671 : i32
      %add3A_673 = arith.constant 1 : i32
      %add3A_674 = arith.addi %add3A_672, %add3A_673 : i32
      %dma_wait3A_675 = arith.constant 1 : i32
      %dma_wait3A_676 = arith.constant 0 : i32
      %dma_wait3A_677 = arith.constant 0 : i32
      %dma_wait3A_678 = tpu.memref_slice %arg5[%dma_wait3A_675, %dma_wait3A_676, %dma_wait3A_677] : memref<4x2x80xi32, #tpu.memory_space<vmem>> -> memref<1x1x80xi32, #tpu.memory_space<vmem>>
      %dma_wait3A_679 = tpu.memref_squeeze %dma_wait3A_678 : memref<1x1x80xi32, #tpu.memory_space<vmem>> -> memref<80xi32, #tpu.memory_space<vmem>>
      %dma_wait3A_680 = arith.constant 0 : i32
      %dma_wait3A_681 = arith.constant 0 : i32
      %dma_wait3A_682 = tpu.memref_slice %arg2[%dma_wait3A_680, %dma_wait3A_681] : memref<10000x128xf32, #tpu.memory_space<hbm>> -> memref<10000x128xf32, #tpu.memory_space<hbm>>
      tpu.wait_indirect_dma semaphore(%arg13 : memref<!tpu.dma_semaphore, #tpu.memory_space<semaphore_mem>>) src(%dma_wait3A_682 : memref<10000x128xf32, #tpu.memory_space<hbm>>) dst(%arg8 : memref<80x128xf32, #tpu.memory_space<vmem>>)
      %dma_start3A_683 = arith.constant 1 : i32
      %dma_start3A_684 = arith.constant 1 : i32
      %dma_start3A_685 = arith.constant 0 : i32
      %dma_start3A_686 = tpu.memref_slice %arg5[%dma_start3A_683, %dma_start3A_684, %dma_start3A_685] : memref<4x2x80xi32, #tpu.memory_space<vmem>> -> memref<1x1x80xi32, #tpu.memory_space<vmem>>
      %dma_start3A_687 = tpu.memref_squeeze %dma_start3A_686 : memref<1x1x80xi32, #tpu.memory_space<vmem>> -> memref<80xi32, #tpu.memory_space<vmem>>
      %dma_start3A_688 = arith.constant 0 : i32
      %dma_start3A_689 = arith.constant 0 : i32
      %dma_start3A_690 = tpu.memref_slice %arg10[%dma_start3A_688, %dma_start3A_689] : memref<10240x128xf32, #tpu.memory_space<vmem_shared>> -> memref<10240x128xf32, #tpu.memory_space<vmem_shared>>
      tpu.enqueue_indirect_dma source(%arg8 : memref<80x128xf32, #tpu.memory_space<vmem>>) target(%dma_start3A_690 : memref<10240x128xf32, #tpu.memory_space<vmem_shared>>) offsets(%dma_start3A_687 : memref<80xi32, #tpu.memory_space<vmem>>) semaphore(%arg16 : memref<!tpu.dma_semaphore, #tpu.memory_space<semaphore_mem>>) {add = true}
      %dma_wait3A_691 = arith.constant 0 : i32
      %dma_wait3A_692 = arith.constant 1 : i32
      %dma_wait3A_693 = arith.constant 0 : i32
      %dma_wait3A_694 = tpu.memref_slice %arg5[%dma_wait3A_691, %dma_wait3A_692, %dma_wait3A_693] : memref<4x2x80xi32, #tpu.memory_space<vmem>> -> memref<1x1x80xi32, #tpu.memory_space<vmem>>
      %dma_wait3A_695 = tpu.memref_squeeze %dma_wait3A_694 : memref<1x1x80xi32, #tpu.memory_space<vmem>> -> memref<80xi32, #tpu.memory_space<vmem>>
      %dma_wait3A_696 = arith.constant 0 : i32
      %dma_wait3A_697 = arith.constant 0 : i32
      %dma_wait3A_698 = tpu.memref_slice %arg10[%dma_wait3A_696, %dma_wait3A_697] : memref<10240x128xf32, #tpu.memory_space<vmem_shared>> -> memref<10240x128xf32, #tpu.memory_space<vmem_shared>>
      tpu.wait_indirect_dma semaphore(%arg15 : memref<!tpu.dma_semaphore, #tpu.memory_space<semaphore_mem>>) src(%arg7 : memref<80x128xf32, #tpu.memory_space<vmem>>) dst(%dma_wait3A_698 : memref<10240x128xf32, #tpu.memory_space<vmem_shared>>)
      %add3A_699 = arith.constant 2 : i32
      %add3A_700 = arith.addi %add3A_674, %add3A_699 : i32
      %dma_wait3A_701 = arith.constant 3 : i32
      %dma_wait3A_702 = arith.constant 0 : i32
      %dma_wait3A_703 = arith.constant 0 : i32
      %dma_wait3A_704 = tpu.memref_slice %arg5[%dma_wait3A_701, %dma_wait3A_702, %dma_wait3A_703] : memref<4x2x80xi32, #tpu.memory_space<vmem>> -> memref<1x2x80xi32, #tpu.memory_space<vmem>>
      %dma_wait3A_705 = tpu.memref_squeeze %dma_wait3A_704 : memref<1x2x80xi32, #tpu.memory_space<vmem>> -> memref<2x80xi32, #tpu.memory_space<vmem>>
      %dma_wait3A_706 = arith.constant 0 : i32
      %dma_wait3A_707 = arith.constant 0 : i32
      %dma_wait3A_708 = tpu.memref_slice %arg3[%add3A, %add3A_700, %dma_wait3A_706, %dma_wait3A_707] : memref<32x125x2x80xi32, #tpu.memory_space<hbm>> -> memref<1x1x2x80xi32, #tpu.memory_space<hbm>>
      %dma_wait3A_709 = tpu.memref_squeeze %dma_wait3A_708 : memref<1x1x2x80xi32, #tpu.memory_space<hbm>> -> memref<2x80xi32, #tpu.memory_space<hbm>>
      %dma_wait3A_710 = arith.constant 0 : i32
      %dma_wait3A_711 = arith.constant 0 : i32
      %dma_wait3A_712 = tpu.memref_slice %arg5[%dma_wait3A_701, %dma_wait3A_710, %dma_wait3A_711] : memref<4x2x80xi32, #tpu.memory_space<vmem>> -> memref<1x2x80xi32, #tpu.memory_space<vmem>>
      %dma_wait3A_713 = tpu.memref_squeeze %dma_wait3A_712 : memref<1x2x80xi32, #tpu.memory_space<vmem>> -> memref<2x80xi32, #tpu.memory_space<vmem>>
      %dma_wait3A_714 = arith.constant 0 : i32
      %dma_wait3A_715 = arith.constant 0 : i32
      %dma_wait3A_716 = tpu.memref_slice %arg3[%add3A, %add3A_700, %dma_wait3A_714, %dma_wait3A_715] : memref<32x125x2x80xi32, #tpu.memory_space<hbm>> -> memref<1x1x2x80xi32, #tpu.memory_space<hbm>>
      %dma_wait3A_717 = tpu.memref_squeeze %dma_wait3A_716 : memref<1x1x2x80xi32, #tpu.memory_space<hbm>> -> memref<2x80xi32, #tpu.memory_space<hbm>>
      tpu.wait_dma2 semaphore(%arg20 : memref<!tpu.dma_semaphore, #tpu.memory_space<semaphore_mem>>) src(%dma_wait3A_717 : memref<2x80xi32, #tpu.memory_space<hbm>>) dst(%dma_wait3A_713 : memref<2x80xi32, #tpu.memory_space<vmem>>)
      %dma_start3A_718 = arith.constant 3 : i32
      %dma_start3A_719 = arith.constant 0 : i32
      %dma_start3A_720 = arith.constant 0 : i32
      %dma_start3A_721 = tpu.memref_slice %arg5[%dma_start3A_718, %dma_start3A_719, %dma_start3A_720] : memref<4x2x80xi32, #tpu.memory_space<vmem>> -> memref<1x1x80xi32, #tpu.memory_space<vmem>>
      %dma_start3A_722 = tpu.memref_squeeze %dma_start3A_721 : memref<1x1x80xi32, #tpu.memory_space<vmem>> -> memref<80xi32, #tpu.memory_space<vmem>>
      %dma_start3A_723 = arith.constant 0 : i32
      %dma_start3A_724 = arith.constant 0 : i32
      %dma_start3A_725 = tpu.memref_slice %arg2[%dma_start3A_723, %dma_start3A_724] : memref<10000x128xf32, #tpu.memory_space<hbm>> -> memref<10000x128xf32, #tpu.memory_space<hbm>>
      tpu.enqueue_indirect_dma source(%dma_start3A_725 : memref<10000x128xf32, #tpu.memory_space<hbm>>) target(%arg7 : memref<80x128xf32, #tpu.memory_space<vmem>>) offsets(%dma_start3A_722 : memref<80xi32, #tpu.memory_space<vmem>>) semaphore(%arg12 : memref<!tpu.dma_semaphore, #tpu.memory_space<semaphore_mem>>)
      %add3A_726 = arith.constant 3 : i32
      %add3A_727 = arith.addi %add3A_674, %add3A_726 : i32
      %dma_start3A_728 = arith.constant 0 : i32
      %dma_start3A_729 = arith.constant 0 : i32
      %dma_start3A_730 = arith.constant 0 : i32
      %dma_start3A_731 = tpu.memref_slice %arg5[%dma_start3A_728, %dma_start3A_729, %dma_start3A_730] : memref<4x2x80xi32, #tpu.memory_space<vmem>> -> memref<1x2x80xi32, #tpu.memory_space<vmem>>
      %dma_start3A_732 = tpu.memref_squeeze %dma_start3A_731 : memref<1x2x80xi32, #tpu.memory_space<vmem>> -> memref<2x80xi32, #tpu.memory_space<vmem>>
      %dma_start3A_733 = arith.constant 0 : i32
      %dma_start3A_734 = arith.constant 0 : i32
      %dma_start3A_735 = tpu.memref_slice %arg3[%add3A, %add3A_727, %dma_start3A_733, %dma_start3A_734] : memref<32x125x2x80xi32, #tpu.memory_space<hbm>> -> memref<1x1x2x80xi32, #tpu.memory_space<hbm>>
      %dma_start3A_736 = tpu.memref_squeeze %dma_start3A_735 : memref<1x1x2x80xi32, #tpu.memory_space<hbm>> -> memref<2x80xi32, #tpu.memory_space<hbm>>
      %dma_start3A_737 = arith.constant 0 : i32
      %dma_start3A_738 = arith.constant 0 : i32
      %dma_start3A_739 = tpu.memref_slice %arg5[%dma_start3A_728, %dma_start3A_737, %dma_start3A_738] : memref<4x2x80xi32, #tpu.memory_space<vmem>> -> memref<1x2x80xi32, #tpu.memory_space<vmem>>
      %dma_start3A_740 = tpu.memref_squeeze %dma_start3A_739 : memref<1x2x80xi32, #tpu.memory_space<vmem>> -> memref<2x80xi32, #tpu.memory_space<vmem>>
      %dma_start3A_741 = arith.constant 0 : i32
      %dma_start3A_742 = arith.constant 0 : i32
      %dma_start3A_743 = tpu.memref_slice %arg3[%add3A, %add3A_727, %dma_start3A_741, %dma_start3A_742] : memref<32x125x2x80xi32, #tpu.memory_space<hbm>> -> memref<1x1x2x80xi32, #tpu.memory_space<hbm>>
      %dma_start3A_744 = tpu.memref_squeeze %dma_start3A_743 : memref<1x1x2x80xi32, #tpu.memory_space<hbm>> -> memref<2x80xi32, #tpu.memory_space<hbm>>
      tpu.enqueue_dma source(%dma_start3A_744 : memref<2x80xi32, #tpu.memory_space<hbm>>) target(%dma_start3A_740 : memref<2x80xi32, #tpu.memory_space<vmem>>) target_semaphore(%arg17 : memref<!tpu.dma_semaphore, #tpu.memory_space<semaphore_mem>>)
      %add3A_745 = arith.constant 5 : i32
      %add3A_746 = arith.addi %mul3A_374, %add3A_745 : i32
      %add3A_747 = arith.constant 1 : i32
      %add3A_748 = arith.addi %add3A_746, %add3A_747 : i32
      %dma_wait3A_749 = arith.constant 2 : i32
      %dma_wait3A_750 = arith.constant 0 : i32
      %dma_wait3A_751 = arith.constant 0 : i32
      %dma_wait3A_752 = tpu.memref_slice %arg5[%dma_wait3A_749, %dma_wait3A_750, %dma_wait3A_751] : memref<4x2x80xi32, #tpu.memory_space<vmem>> -> memref<1x1x80xi32, #tpu.memory_space<vmem>>
      %dma_wait3A_753 = tpu.memref_squeeze %dma_wait3A_752 : memref<1x1x80xi32, #tpu.memory_space<vmem>> -> memref<80xi32, #tpu.memory_space<vmem>>
      %dma_wait3A_754 = arith.constant 0 : i32
      %dma_wait3A_755 = arith.constant 0 : i32
      %dma_wait3A_756 = tpu.memref_slice %arg2[%dma_wait3A_754, %dma_wait3A_755] : memref<10000x128xf32, #tpu.memory_space<hbm>> -> memref<10000x128xf32, #tpu.memory_space<hbm>>
      tpu.wait_indirect_dma semaphore(%arg11 : memref<!tpu.dma_semaphore, #tpu.memory_space<semaphore_mem>>) src(%dma_wait3A_756 : memref<10000x128xf32, #tpu.memory_space<hbm>>) dst(%arg6 : memref<80x128xf32, #tpu.memory_space<vmem>>)
      %dma_start3A_757 = arith.constant 2 : i32
      %dma_start3A_758 = arith.constant 1 : i32
      %dma_start3A_759 = arith.constant 0 : i32
      %dma_start3A_760 = tpu.memref_slice %arg5[%dma_start3A_757, %dma_start3A_758, %dma_start3A_759] : memref<4x2x80xi32, #tpu.memory_space<vmem>> -> memref<1x1x80xi32, #tpu.memory_space<vmem>>
      %dma_start3A_761 = tpu.memref_squeeze %dma_start3A_760 : memref<1x1x80xi32, #tpu.memory_space<vmem>> -> memref<80xi32, #tpu.memory_space<vmem>>
      %dma_start3A_762 = arith.constant 0 : i32
      %dma_start3A_763 = arith.constant 0 : i32
      %dma_start3A_764 = tpu.memref_slice %arg10[%dma_start3A_762, %dma_start3A_763] : memref<10240x128xf32, #tpu.memory_space<vmem_shared>> -> memref<10240x128xf32, #tpu.memory_space<vmem_shared>>
      tpu.enqueue_indirect_dma source(%arg6 : memref<80x128xf32, #tpu.memory_space<vmem>>) target(%dma_start3A_764 : memref<10240x128xf32, #tpu.memory_space<vmem_shared>>) offsets(%dma_start3A_761 : memref<80xi32, #tpu.memory_space<vmem>>) semaphore(%arg14 : memref<!tpu.dma_semaphore, #tpu.memory_space<semaphore_mem>>) {add = true}
      %dma_wait3A_765 = arith.constant 1 : i32
      %dma_wait3A_766 = arith.constant 1 : i32
      %dma_wait3A_767 = arith.constant 0 : i32
      %dma_wait3A_768 = tpu.memref_slice %arg5[%dma_wait3A_765, %dma_wait3A_766, %dma_wait3A_767] : memref<4x2x80xi32, #tpu.memory_space<vmem>> -> memref<1x1x80xi32, #tpu.memory_space<vmem>>
      %dma_wait3A_769 = tpu.memref_squeeze %dma_wait3A_768 : memref<1x1x80xi32, #tpu.memory_space<vmem>> -> memref<80xi32, #tpu.memory_space<vmem>>
      %dma_wait3A_770 = arith.constant 0 : i32
      %dma_wait3A_771 = arith.constant 0 : i32
      %dma_wait3A_772 = tpu.memref_slice %arg10[%dma_wait3A_770, %dma_wait3A_771] : memref<10240x128xf32, #tpu.memory_space<vmem_shared>> -> memref<10240x128xf32, #tpu.memory_space<vmem_shared>>
      tpu.wait_indirect_dma semaphore(%arg16 : memref<!tpu.dma_semaphore, #tpu.memory_space<semaphore_mem>>) src(%arg8 : memref<80x128xf32, #tpu.memory_space<vmem>>) dst(%dma_wait3A_772 : memref<10240x128xf32, #tpu.memory_space<vmem_shared>>)
      %add3A_773 = arith.constant 2 : i32
      %add3A_774 = arith.addi %add3A_748, %add3A_773 : i32
      %dma_wait3A_775 = arith.constant 0 : i32
      %dma_wait3A_776 = arith.constant 0 : i32
      %dma_wait3A_777 = arith.constant 0 : i32
      %dma_wait3A_778 = tpu.memref_slice %arg5[%dma_wait3A_775, %dma_wait3A_776, %dma_wait3A_777] : memref<4x2x80xi32, #tpu.memory_space<vmem>> -> memref<1x2x80xi32, #tpu.memory_space<vmem>>
      %dma_wait3A_779 = tpu.memref_squeeze %dma_wait3A_778 : memref<1x2x80xi32, #tpu.memory_space<vmem>> -> memref<2x80xi32, #tpu.memory_space<vmem>>
      %dma_wait3A_780 = arith.constant 0 : i32
      %dma_wait3A_781 = arith.constant 0 : i32
      %dma_wait3A_782 = tpu.memref_slice %arg3[%add3A, %add3A_774, %dma_wait3A_780, %dma_wait3A_781] : memref<32x125x2x80xi32, #tpu.memory_space<hbm>> -> memref<1x1x2x80xi32, #tpu.memory_space<hbm>>
      %dma_wait3A_783 = tpu.memref_squeeze %dma_wait3A_782 : memref<1x1x2x80xi32, #tpu.memory_space<hbm>> -> memref<2x80xi32, #tpu.memory_space<hbm>>
      %dma_wait3A_784 = arith.constant 0 : i32
      %dma_wait3A_785 = arith.constant 0 : i32
      %dma_wait3A_786 = tpu.memref_slice %arg5[%dma_wait3A_775, %dma_wait3A_784, %dma_wait3A_785] : memref<4x2x80xi32, #tpu.memory_space<vmem>> -> memref<1x2x80xi32, #tpu.memory_space<vmem>>
      %dma_wait3A_787 = tpu.memref_squeeze %dma_wait3A_786 : memref<1x2x80xi32, #tpu.memory_space<vmem>> -> memref<2x80xi32, #tpu.memory_space<vmem>>
      %dma_wait3A_788 = arith.constant 0 : i32
      %dma_wait3A_789 = arith.constant 0 : i32
      %dma_wait3A_790 = tpu.memref_slice %arg3[%add3A, %add3A_774, %dma_wait3A_788, %dma_wait3A_789] : memref<32x125x2x80xi32, #tpu.memory_space<hbm>> -> memref<1x1x2x80xi32, #tpu.memory_space<hbm>>
      %dma_wait3A_791 = tpu.memref_squeeze %dma_wait3A_790 : memref<1x1x2x80xi32, #tpu.memory_space<hbm>> -> memref<2x80xi32, #tpu.memory_space<hbm>>
      tpu.wait_dma2 semaphore(%arg17 : memref<!tpu.dma_semaphore, #tpu.memory_space<semaphore_mem>>) src(%dma_wait3A_791 : memref<2x80xi32, #tpu.memory_space<hbm>>) dst(%dma_wait3A_787 : memref<2x80xi32, #tpu.memory_space<vmem>>)
      %dma_start3A_792 = arith.constant 0 : i32
      %dma_start3A_793 = arith.constant 0 : i32
      %dma_start3A_794 = arith.constant 0 : i32
      %dma_start3A_795 = tpu.memref_slice %arg5[%dma_start3A_792, %dma_start3A_793, %dma_start3A_794] : memref<4x2x80xi32, #tpu.memory_space<vmem>> -> memref<1x1x80xi32, #tpu.memory_space<vmem>>
      %dma_start3A_796 = tpu.memref_squeeze %dma_start3A_795 : memref<1x1x80xi32, #tpu.memory_space<vmem>> -> memref<80xi32, #tpu.memory_space<vmem>>
      %dma_start3A_797 = arith.constant 0 : i32
      %dma_start3A_798 = arith.constant 0 : i32
      %dma_start3A_799 = tpu.memref_slice %arg2[%dma_start3A_797, %dma_start3A_798] : memref<10000x128xf32, #tpu.memory_space<hbm>> -> memref<10000x128xf32, #tpu.memory_space<hbm>>
      tpu.enqueue_indirect_dma source(%dma_start3A_799 : memref<10000x128xf32, #tpu.memory_space<hbm>>) target(%arg8 : memref<80x128xf32, #tpu.memory_space<vmem>>) offsets(%dma_start3A_796 : memref<80xi32, #tpu.memory_space<vmem>>) semaphore(%arg13 : memref<!tpu.dma_semaphore, #tpu.memory_space<semaphore_mem>>)
      %add3A_800 = arith.constant 3 : i32
      %add3A_801 = arith.addi %add3A_748, %add3A_800 : i32
      %dma_start3A_802 = arith.constant 1 : i32
      %dma_start3A_803 = arith.constant 0 : i32
      %dma_start3A_804 = arith.constant 0 : i32
      %dma_start3A_805 = tpu.memref_slice %arg5[%dma_start3A_802, %dma_start3A_803, %dma_start3A_804] : memref<4x2x80xi32, #tpu.memory_space<vmem>> -> memref<1x2x80xi32, #tpu.memory_space<vmem>>
      %dma_start3A_806 = tpu.memref_squeeze %dma_start3A_805 : memref<1x2x80xi32, #tpu.memory_space<vmem>> -> memref<2x80xi32, #tpu.memory_space<vmem>>
      %dma_start3A_807 = arith.constant 0 : i32
      %dma_start3A_808 = arith.constant 0 : i32
      %dma_start3A_809 = tpu.memref_slice %arg3[%add3A, %add3A_801, %dma_start3A_807, %dma_start3A_808] : memref<32x125x2x80xi32, #tpu.memory_space<hbm>> -> memref<1x1x2x80xi32, #tpu.memory_space<hbm>>
      %dma_start3A_810 = tpu.memref_squeeze %dma_start3A_809 : memref<1x1x2x80xi32, #tpu.memory_space<hbm>> -> memref<2x80xi32, #tpu.memory_space<hbm>>
      %dma_start3A_811 = arith.constant 0 : i32
      %dma_start3A_812 = arith.constant 0 : i32
      %dma_start3A_813 = tpu.memref_slice %arg5[%dma_start3A_802, %dma_start3A_811, %dma_start3A_812] : memref<4x2x80xi32, #tpu.memory_space<vmem>> -> memref<1x2x80xi32, #tpu.memory_space<vmem>>
      %dma_start3A_814 = tpu.memref_squeeze %dma_start3A_813 : memref<1x2x80xi32, #tpu.memory_space<vmem>> -> memref<2x80xi32, #tpu.memory_space<vmem>>
      %dma_start3A_815 = arith.constant 0 : i32
      %dma_start3A_816 = arith.constant 0 : i32
      %dma_start3A_817 = tpu.memref_slice %arg3[%add3A, %add3A_801, %dma_start3A_815, %dma_start3A_816] : memref<32x125x2x80xi32, #tpu.memory_space<hbm>> -> memref<1x1x2x80xi32, #tpu.memory_space<hbm>>
      %dma_start3A_818 = tpu.memref_squeeze %dma_start3A_817 : memref<1x1x2x80xi32, #tpu.memory_space<hbm>> -> memref<2x80xi32, #tpu.memory_space<hbm>>
      tpu.enqueue_dma source(%dma_start3A_818 : memref<2x80xi32, #tpu.memory_space<hbm>>) target(%dma_start3A_814 : memref<2x80xi32, #tpu.memory_space<vmem>>) target_semaphore(%arg18 : memref<!tpu.dma_semaphore, #tpu.memory_space<semaphore_mem>>)
      %add3A_819 = arith.constant 6 : i32
      %add3A_820 = arith.addi %mul3A_374, %add3A_819 : i32
      %add3A_821 = arith.constant 1 : i32
      %add3A_822 = arith.addi %add3A_820, %add3A_821 : i32
      %dma_wait3A_823 = arith.constant 3 : i32
      %dma_wait3A_824 = arith.constant 0 : i32
      %dma_wait3A_825 = arith.constant 0 : i32
      %dma_wait3A_826 = tpu.memref_slice %arg5[%dma_wait3A_823, %dma_wait3A_824, %dma_wait3A_825] : memref<4x2x80xi32, #tpu.memory_space<vmem>> -> memref<1x1x80xi32, #tpu.memory_space<vmem>>
      %dma_wait3A_827 = tpu.memref_squeeze %dma_wait3A_826 : memref<1x1x80xi32, #tpu.memory_space<vmem>> -> memref<80xi32, #tpu.memory_space<vmem>>
      %dma_wait3A_828 = arith.constant 0 : i32
      %dma_wait3A_829 = arith.constant 0 : i32
      %dma_wait3A_830 = tpu.memref_slice %arg2[%dma_wait3A_828, %dma_wait3A_829] : memref<10000x128xf32, #tpu.memory_space<hbm>> -> memref<10000x128xf32, #tpu.memory_space<hbm>>
      tpu.wait_indirect_dma semaphore(%arg12 : memref<!tpu.dma_semaphore, #tpu.memory_space<semaphore_mem>>) src(%dma_wait3A_830 : memref<10000x128xf32, #tpu.memory_space<hbm>>) dst(%arg7 : memref<80x128xf32, #tpu.memory_space<vmem>>)
      %dma_start3A_831 = arith.constant 3 : i32
      %dma_start3A_832 = arith.constant 1 : i32
      %dma_start3A_833 = arith.constant 0 : i32
      %dma_start3A_834 = tpu.memref_slice %arg5[%dma_start3A_831, %dma_start3A_832, %dma_start3A_833] : memref<4x2x80xi32, #tpu.memory_space<vmem>> -> memref<1x1x80xi32, #tpu.memory_space<vmem>>
      %dma_start3A_835 = tpu.memref_squeeze %dma_start3A_834 : memref<1x1x80xi32, #tpu.memory_space<vmem>> -> memref<80xi32, #tpu.memory_space<vmem>>
      %dma_start3A_836 = arith.constant 0 : i32
      %dma_start3A_837 = arith.constant 0 : i32
      %dma_start3A_838 = tpu.memref_slice %arg10[%dma_start3A_836, %dma_start3A_837] : memref<10240x128xf32, #tpu.memory_space<vmem_shared>> -> memref<10240x128xf32, #tpu.memory_space<vmem_shared>>
      tpu.enqueue_indirect_dma source(%arg7 : memref<80x128xf32, #tpu.memory_space<vmem>>) target(%dma_start3A_838 : memref<10240x128xf32, #tpu.memory_space<vmem_shared>>) offsets(%dma_start3A_835 : memref<80xi32, #tpu.memory_space<vmem>>) semaphore(%arg15 : memref<!tpu.dma_semaphore, #tpu.memory_space<semaphore_mem>>) {add = true}
      %dma_wait3A_839 = arith.constant 2 : i32
      %dma_wait3A_840 = arith.constant 1 : i32
      %dma_wait3A_841 = arith.constant 0 : i32
      %dma_wait3A_842 = tpu.memref_slice %arg5[%dma_wait3A_839, %dma_wait3A_840, %dma_wait3A_841] : memref<4x2x80xi32, #tpu.memory_space<vmem>> -> memref<1x1x80xi32, #tpu.memory_space<vmem>>
      %dma_wait3A_843 = tpu.memref_squeeze %dma_wait3A_842 : memref<1x1x80xi32, #tpu.memory_space<vmem>> -> memref<80xi32, #tpu.memory_space<vmem>>
      %dma_wait3A_844 = arith.constant 0 : i32
      %dma_wait3A_845 = arith.constant 0 : i32
      %dma_wait3A_846 = tpu.memref_slice %arg10[%dma_wait3A_844, %dma_wait3A_845] : memref<10240x128xf32, #tpu.memory_space<vmem_shared>> -> memref<10240x128xf32, #tpu.memory_space<vmem_shared>>
      tpu.wait_indirect_dma semaphore(%arg14 : memref<!tpu.dma_semaphore, #tpu.memory_space<semaphore_mem>>) src(%arg6 : memref<80x128xf32, #tpu.memory_space<vmem>>) dst(%dma_wait3A_846 : memref<10240x128xf32, #tpu.memory_space<vmem_shared>>)
      %add3A_847 = arith.constant 2 : i32
      %add3A_848 = arith.addi %add3A_822, %add3A_847 : i32
      %dma_wait3A_849 = arith.constant 1 : i32
      %dma_wait3A_850 = arith.constant 0 : i32
      %dma_wait3A_851 = arith.constant 0 : i32
      %dma_wait3A_852 = tpu.memref_slice %arg5[%dma_wait3A_849, %dma_wait3A_850, %dma_wait3A_851] : memref<4x2x80xi32, #tpu.memory_space<vmem>> -> memref<1x2x80xi32, #tpu.memory_space<vmem>>
      %dma_wait3A_853 = tpu.memref_squeeze %dma_wait3A_852 : memref<1x2x80xi32, #tpu.memory_space<vmem>> -> memref<2x80xi32, #tpu.memory_space<vmem>>
      %dma_wait3A_854 = arith.constant 0 : i32
      %dma_wait3A_855 = arith.constant 0 : i32
      %dma_wait3A_856 = tpu.memref_slice %arg3[%add3A, %add3A_848, %dma_wait3A_854, %dma_wait3A_855] : memref<32x125x2x80xi32, #tpu.memory_space<hbm>> -> memref<1x1x2x80xi32, #tpu.memory_space<hbm>>
      %dma_wait3A_857 = tpu.memref_squeeze %dma_wait3A_856 : memref<1x1x2x80xi32, #tpu.memory_space<hbm>> -> memref<2x80xi32, #tpu.memory_space<hbm>>
      %dma_wait3A_858 = arith.constant 0 : i32
      %dma_wait3A_859 = arith.constant 0 : i32
      %dma_wait3A_860 = tpu.memref_slice %arg5[%dma_wait3A_849, %dma_wait3A_858, %dma_wait3A_859] : memref<4x2x80xi32, #tpu.memory_space<vmem>> -> memref<1x2x80xi32, #tpu.memory_space<vmem>>
      %dma_wait3A_861 = tpu.memref_squeeze %dma_wait3A_860 : memref<1x2x80xi32, #tpu.memory_space<vmem>> -> memref<2x80xi32, #tpu.memory_space<vmem>>
      %dma_wait3A_862 = arith.constant 0 : i32
      %dma_wait3A_863 = arith.constant 0 : i32
      %dma_wait3A_864 = tpu.memref_slice %arg3[%add3A, %add3A_848, %dma_wait3A_862, %dma_wait3A_863] : memref<32x125x2x80xi32, #tpu.memory_space<hbm>> -> memref<1x1x2x80xi32, #tpu.memory_space<hbm>>
      %dma_wait3A_865 = tpu.memref_squeeze %dma_wait3A_864 : memref<1x1x2x80xi32, #tpu.memory_space<hbm>> -> memref<2x80xi32, #tpu.memory_space<hbm>>
      tpu.wait_dma2 semaphore(%arg18 : memref<!tpu.dma_semaphore, #tpu.memory_space<semaphore_mem>>) src(%dma_wait3A_865 : memref<2x80xi32, #tpu.memory_space<hbm>>) dst(%dma_wait3A_861 : memref<2x80xi32, #tpu.memory_space<vmem>>)
      %dma_start3A_866 = arith.constant 1 : i32
      %dma_start3A_867 = arith.constant 0 : i32
      %dma_start3A_868 = arith.constant 0 : i32
      %dma_start3A_869 = tpu.memref_slice %arg5[%dma_start3A_866, %dma_start3A_867, %dma_start3A_868] : memref<4x2x80xi32, #tpu.memory_space<vmem>> -> memref<1x1x80xi32, #tpu.memory_space<vmem>>
      %dma_start3A_870 = tpu.memref_squeeze %dma_start3A_869 : memref<1x1x80xi32, #tpu.memory_space<vmem>> -> memref<80xi32, #tpu.memory_space<vmem>>
      %dma_start3A_871 = arith.constant 0 : i32
      %dma_start3A_872 = arith.constant 0 : i32
      %dma_start3A_873 = tpu.memref_slice %arg2[%dma_start3A_871, %dma_start3A_872] : memref<10000x128xf32, #tpu.memory_space<hbm>> -> memref<10000x128xf32, #tpu.memory_space<hbm>>
      tpu.enqueue_indirect_dma source(%dma_start3A_873 : memref<10000x128xf32, #tpu.memory_space<hbm>>) target(%arg6 : memref<80x128xf32, #tpu.memory_space<vmem>>) offsets(%dma_start3A_870 : memref<80xi32, #tpu.memory_space<vmem>>) semaphore(%arg11 : memref<!tpu.dma_semaphore, #tpu.memory_space<semaphore_mem>>)
      %add3A_874 = arith.constant 3 : i32
      %add3A_875 = arith.addi %add3A_822, %add3A_874 : i32
      %dma_start3A_876 = arith.constant 2 : i32
      %dma_start3A_877 = arith.constant 0 : i32
      %dma_start3A_878 = arith.constant 0 : i32
      %dma_start3A_879 = tpu.memref_slice %arg5[%dma_start3A_876, %dma_start3A_877, %dma_start3A_878] : memref<4x2x80xi32, #tpu.memory_space<vmem>> -> memref<1x2x80xi32, #tpu.memory_space<vmem>>
      %dma_start3A_880 = tpu.memref_squeeze %dma_start3A_879 : memref<1x2x80xi32, #tpu.memory_space<vmem>> -> memref<2x80xi32, #tpu.memory_space<vmem>>
      %dma_start3A_881 = arith.constant 0 : i32
      %dma_start3A_882 = arith.constant 0 : i32
      %dma_start3A_883 = tpu.memref_slice %arg3[%add3A, %add3A_875, %dma_start3A_881, %dma_start3A_882] : memref<32x125x2x80xi32, #tpu.memory_space<hbm>> -> memref<1x1x2x80xi32, #tpu.memory_space<hbm>>
      %dma_start3A_884 = tpu.memref_squeeze %dma_start3A_883 : memref<1x1x2x80xi32, #tpu.memory_space<hbm>> -> memref<2x80xi32, #tpu.memory_space<hbm>>
      %dma_start3A_885 = arith.constant 0 : i32
      %dma_start3A_886 = arith.constant 0 : i32
      %dma_start3A_887 = tpu.memref_slice %arg5[%dma_start3A_876, %dma_start3A_885, %dma_start3A_886] : memref<4x2x80xi32, #tpu.memory_space<vmem>> -> memref<1x2x80xi32, #tpu.memory_space<vmem>>
      %dma_start3A_888 = tpu.memref_squeeze %dma_start3A_887 : memref<1x2x80xi32, #tpu.memory_space<vmem>> -> memref<2x80xi32, #tpu.memory_space<vmem>>
      %dma_start3A_889 = arith.constant 0 : i32
      %dma_start3A_890 = arith.constant 0 : i32
      %dma_start3A_891 = tpu.memref_slice %arg3[%add3A, %add3A_875, %dma_start3A_889, %dma_start3A_890] : memref<32x125x2x80xi32, #tpu.memory_space<hbm>> -> memref<1x1x2x80xi32, #tpu.memory_space<hbm>>
      %dma_start3A_892 = tpu.memref_squeeze %dma_start3A_891 : memref<1x1x2x80xi32, #tpu.memory_space<hbm>> -> memref<2x80xi32, #tpu.memory_space<hbm>>
      tpu.enqueue_dma source(%dma_start3A_892 : memref<2x80xi32, #tpu.memory_space<hbm>>) target(%dma_start3A_888 : memref<2x80xi32, #tpu.memory_space<vmem>>) target_semaphore(%arg19 : memref<!tpu.dma_semaphore, #tpu.memory_space<semaphore_mem>>)
      %add3A_893 = arith.constant 7 : i32
      %add3A_894 = arith.addi %mul3A_374, %add3A_893 : i32
      %add3A_895 = arith.constant 1 : i32
      %add3A_896 = arith.addi %add3A_894, %add3A_895 : i32
      %dma_wait3A_897 = arith.constant 0 : i32
      %dma_wait3A_898 = arith.constant 0 : i32
      %dma_wait3A_899 = arith.constant 0 : i32
      %dma_wait3A_900 = tpu.memref_slice %arg5[%dma_wait3A_897, %dma_wait3A_898, %dma_wait3A_899] : memref<4x2x80xi32, #tpu.memory_space<vmem>> -> memref<1x1x80xi32, #tpu.memory_space<vmem>>
      %dma_wait3A_901 = tpu.memref_squeeze %dma_wait3A_900 : memref<1x1x80xi32, #tpu.memory_space<vmem>> -> memref<80xi32, #tpu.memory_space<vmem>>
      %dma_wait3A_902 = arith.constant 0 : i32
      %dma_wait3A_903 = arith.constant 0 : i32
      %dma_wait3A_904 = tpu.memref_slice %arg2[%dma_wait3A_902, %dma_wait3A_903] : memref<10000x128xf32, #tpu.memory_space<hbm>> -> memref<10000x128xf32, #tpu.memory_space<hbm>>
      tpu.wait_indirect_dma semaphore(%arg13 : memref<!tpu.dma_semaphore, #tpu.memory_space<semaphore_mem>>) src(%dma_wait3A_904 : memref<10000x128xf32, #tpu.memory_space<hbm>>) dst(%arg8 : memref<80x128xf32, #tpu.memory_space<vmem>>)
      %dma_start3A_905 = arith.constant 0 : i32
      %dma_start3A_906 = arith.constant 1 : i32
      %dma_start3A_907 = arith.constant 0 : i32
      %dma_start3A_908 = tpu.memref_slice %arg5[%dma_start3A_905, %dma_start3A_906, %dma_start3A_907] : memref<4x2x80xi32, #tpu.memory_space<vmem>> -> memref<1x1x80xi32, #tpu.memory_space<vmem>>
      %dma_start3A_909 = tpu.memref_squeeze %dma_start3A_908 : memref<1x1x80xi32, #tpu.memory_space<vmem>> -> memref<80xi32, #tpu.memory_space<vmem>>
      %dma_start3A_910 = arith.constant 0 : i32
      %dma_start3A_911 = arith.constant 0 : i32
      %dma_start3A_912 = tpu.memref_slice %arg10[%dma_start3A_910, %dma_start3A_911] : memref<10240x128xf32, #tpu.memory_space<vmem_shared>> -> memref<10240x128xf32, #tpu.memory_space<vmem_shared>>
      tpu.enqueue_indirect_dma source(%arg8 : memref<80x128xf32, #tpu.memory_space<vmem>>) target(%dma_start3A_912 : memref<10240x128xf32, #tpu.memory_space<vmem_shared>>) offsets(%dma_start3A_909 : memref<80xi32, #tpu.memory_space<vmem>>) semaphore(%arg16 : memref<!tpu.dma_semaphore, #tpu.memory_space<semaphore_mem>>) {add = true}
      %dma_wait3A_913 = arith.constant 3 : i32
      %dma_wait3A_914 = arith.constant 1 : i32
      %dma_wait3A_915 = arith.constant 0 : i32
      %dma_wait3A_916 = tpu.memref_slice %arg5[%dma_wait3A_913, %dma_wait3A_914, %dma_wait3A_915] : memref<4x2x80xi32, #tpu.memory_space<vmem>> -> memref<1x1x80xi32, #tpu.memory_space<vmem>>
      %dma_wait3A_917 = tpu.memref_squeeze %dma_wait3A_916 : memref<1x1x80xi32, #tpu.memory_space<vmem>> -> memref<80xi32, #tpu.memory_space<vmem>>
      %dma_wait3A_918 = arith.constant 0 : i32
      %dma_wait3A_919 = arith.constant 0 : i32
      %dma_wait3A_920 = tpu.memref_slice %arg10[%dma_wait3A_918, %dma_wait3A_919] : memref<10240x128xf32, #tpu.memory_space<vmem_shared>> -> memref<10240x128xf32, #tpu.memory_space<vmem_shared>>
      tpu.wait_indirect_dma semaphore(%arg15 : memref<!tpu.dma_semaphore, #tpu.memory_space<semaphore_mem>>) src(%arg7 : memref<80x128xf32, #tpu.memory_space<vmem>>) dst(%dma_wait3A_920 : memref<10240x128xf32, #tpu.memory_space<vmem_shared>>)
      %add3A_921 = arith.constant 2 : i32
      %add3A_922 = arith.addi %add3A_896, %add3A_921 : i32
      %dma_wait3A_923 = arith.constant 2 : i32
      %dma_wait3A_924 = arith.constant 0 : i32
      %dma_wait3A_925 = arith.constant 0 : i32
      %dma_wait3A_926 = tpu.memref_slice %arg5[%dma_wait3A_923, %dma_wait3A_924, %dma_wait3A_925] : memref<4x2x80xi32, #tpu.memory_space<vmem>> -> memref<1x2x80xi32, #tpu.memory_space<vmem>>
      %dma_wait3A_927 = tpu.memref_squeeze %dma_wait3A_926 : memref<1x2x80xi32, #tpu.memory_space<vmem>> -> memref<2x80xi32, #tpu.memory_space<vmem>>
      %dma_wait3A_928 = arith.constant 0 : i32
      %dma_wait3A_929 = arith.constant 0 : i32
      %dma_wait3A_930 = tpu.memref_slice %arg3[%add3A, %add3A_922, %dma_wait3A_928, %dma_wait3A_929] : memref<32x125x2x80xi32, #tpu.memory_space<hbm>> -> memref<1x1x2x80xi32, #tpu.memory_space<hbm>>
      %dma_wait3A_931 = tpu.memref_squeeze %dma_wait3A_930 : memref<1x1x2x80xi32, #tpu.memory_space<hbm>> -> memref<2x80xi32, #tpu.memory_space<hbm>>
      %dma_wait3A_932 = arith.constant 0 : i32
      %dma_wait3A_933 = arith.constant 0 : i32
      %dma_wait3A_934 = tpu.memref_slice %arg5[%dma_wait3A_923, %dma_wait3A_932, %dma_wait3A_933] : memref<4x2x80xi32, #tpu.memory_space<vmem>> -> memref<1x2x80xi32, #tpu.memory_space<vmem>>
      %dma_wait3A_935 = tpu.memref_squeeze %dma_wait3A_934 : memref<1x2x80xi32, #tpu.memory_space<vmem>> -> memref<2x80xi32, #tpu.memory_space<vmem>>
      %dma_wait3A_936 = arith.constant 0 : i32
      %dma_wait3A_937 = arith.constant 0 : i32
      %dma_wait3A_938 = tpu.memref_slice %arg3[%add3A, %add3A_922, %dma_wait3A_936, %dma_wait3A_937] : memref<32x125x2x80xi32, #tpu.memory_space<hbm>> -> memref<1x1x2x80xi32, #tpu.memory_space<hbm>>
      %dma_wait3A_939 = tpu.memref_squeeze %dma_wait3A_938 : memref<1x1x2x80xi32, #tpu.memory_space<hbm>> -> memref<2x80xi32, #tpu.memory_space<hbm>>
      tpu.wait_dma2 semaphore(%arg19 : memref<!tpu.dma_semaphore, #tpu.memory_space<semaphore_mem>>) src(%dma_wait3A_939 : memref<2x80xi32, #tpu.memory_space<hbm>>) dst(%dma_wait3A_935 : memref<2x80xi32, #tpu.memory_space<vmem>>)
      %dma_start3A_940 = arith.constant 2 : i32
      %dma_start3A_941 = arith.constant 0 : i32
      %dma_start3A_942 = arith.constant 0 : i32
      %dma_start3A_943 = tpu.memref_slice %arg5[%dma_start3A_940, %dma_start3A_941, %dma_start3A_942] : memref<4x2x80xi32, #tpu.memory_space<vmem>> -> memref<1x1x80xi32, #tpu.memory_space<vmem>>
      %dma_start3A_944 = tpu.memref_squeeze %dma_start3A_943 : memref<1x1x80xi32, #tpu.memory_space<vmem>> -> memref<80xi32, #tpu.memory_space<vmem>>
      %dma_start3A_945 = arith.constant 0 : i32
      %dma_start3A_946 = arith.constant 0 : i32
      %dma_start3A_947 = tpu.memref_slice %arg2[%dma_start3A_945, %dma_start3A_946] : memref<10000x128xf32, #tpu.memory_space<hbm>> -> memref<10000x128xf32, #tpu.memory_space<hbm>>
      tpu.enqueue_indirect_dma source(%dma_start3A_947 : memref<10000x128xf32, #tpu.memory_space<hbm>>) target(%arg7 : memref<80x128xf32, #tpu.memory_space<vmem>>) offsets(%dma_start3A_944 : memref<80xi32, #tpu.memory_space<vmem>>) semaphore(%arg12 : memref<!tpu.dma_semaphore, #tpu.memory_space<semaphore_mem>>)
      %add3A_948 = arith.constant 3 : i32
      %add3A_949 = arith.addi %add3A_896, %add3A_948 : i32
      %dma_start3A_950 = arith.constant 3 : i32
      %dma_start3A_951 = arith.constant 0 : i32
      %dma_start3A_952 = arith.constant 0 : i32
      %dma_start3A_953 = tpu.memref_slice %arg5[%dma_start3A_950, %dma_start3A_951, %dma_start3A_952] : memref<4x2x80xi32, #tpu.memory_space<vmem>> -> memref<1x2x80xi32, #tpu.memory_space<vmem>>
      %dma_start3A_954 = tpu.memref_squeeze %dma_start3A_953 : memref<1x2x80xi32, #tpu.memory_space<vmem>> -> memref<2x80xi32, #tpu.memory_space<vmem>>
      %dma_start3A_955 = arith.constant 0 : i32
      %dma_start3A_956 = arith.constant 0 : i32
      %dma_start3A_957 = tpu.memref_slice %arg3[%add3A, %add3A_949, %dma_start3A_955, %dma_start3A_956] : memref<32x125x2x80xi32, #tpu.memory_space<hbm>> -> memref<1x1x2x80xi32, #tpu.memory_space<hbm>>
      %dma_start3A_958 = tpu.memref_squeeze %dma_start3A_957 : memref<1x1x2x80xi32, #tpu.memory_space<hbm>> -> memref<2x80xi32, #tpu.memory_space<hbm>>
      %dma_start3A_959 = arith.constant 0 : i32
      %dma_start3A_960 = arith.constant 0 : i32
      %dma_start3A_961 = tpu.memref_slice %arg5[%dma_start3A_950, %dma_start3A_959, %dma_start3A_960] : memref<4x2x80xi32, #tpu.memory_space<vmem>> -> memref<1x2x80xi32, #tpu.memory_space<vmem>>
      %dma_start3A_962 = tpu.memref_squeeze %dma_start3A_961 : memref<1x2x80xi32, #tpu.memory_space<vmem>> -> memref<2x80xi32, #tpu.memory_space<vmem>>
      %dma_start3A_963 = arith.constant 0 : i32
      %dma_start3A_964 = arith.constant 0 : i32
      %dma_start3A_965 = tpu.memref_slice %arg3[%add3A, %add3A_949, %dma_start3A_963, %dma_start3A_964] : memref<32x125x2x80xi32, #tpu.memory_space<hbm>> -> memref<1x1x2x80xi32, #tpu.memory_space<hbm>>
      %dma_start3A_966 = tpu.memref_squeeze %dma_start3A_965 : memref<1x1x2x80xi32, #tpu.memory_space<hbm>> -> memref<2x80xi32, #tpu.memory_space<hbm>>
      tpu.enqueue_dma source(%dma_start3A_966 : memref<2x80xi32, #tpu.memory_space<hbm>>) target(%dma_start3A_962 : memref<2x80xi32, #tpu.memory_space<vmem>>) target_semaphore(%arg20 : memref<!tpu.dma_semaphore, #tpu.memory_space<semaphore_mem>>)
      %add3A_967 = arith.constant 8 : i32
      %add3A_968 = arith.addi %mul3A_374, %add3A_967 : i32
      %add3A_969 = arith.constant 1 : i32
      %add3A_970 = arith.addi %add3A_968, %add3A_969 : i32
      %dma_wait3A_971 = arith.constant 1 : i32
      %dma_wait3A_972 = arith.constant 0 : i32
      %dma_wait3A_973 = arith.constant 0 : i32
      %dma_wait3A_974 = tpu.memref_slice %arg5[%dma_wait3A_971, %dma_wait3A_972, %dma_wait3A_973] : memref<4x2x80xi32, #tpu.memory_space<vmem>> -> memref<1x1x80xi32, #tpu.memory_space<vmem>>
      %dma_wait3A_975 = tpu.memref_squeeze %dma_wait3A_974 : memref<1x1x80xi32, #tpu.memory_space<vmem>> -> memref<80xi32, #tpu.memory_space<vmem>>
      %dma_wait3A_976 = arith.constant 0 : i32
      %dma_wait3A_977 = arith.constant 0 : i32
      %dma_wait3A_978 = tpu.memref_slice %arg2[%dma_wait3A_976, %dma_wait3A_977] : memref<10000x128xf32, #tpu.memory_space<hbm>> -> memref<10000x128xf32, #tpu.memory_space<hbm>>
      tpu.wait_indirect_dma semaphore(%arg11 : memref<!tpu.dma_semaphore, #tpu.memory_space<semaphore_mem>>) src(%dma_wait3A_978 : memref<10000x128xf32, #tpu.memory_space<hbm>>) dst(%arg6 : memref<80x128xf32, #tpu.memory_space<vmem>>)
      %dma_start3A_979 = arith.constant 1 : i32
      %dma_start3A_980 = arith.constant 1 : i32
      %dma_start3A_981 = arith.constant 0 : i32
      %dma_start3A_982 = tpu.memref_slice %arg5[%dma_start3A_979, %dma_start3A_980, %dma_start3A_981] : memref<4x2x80xi32, #tpu.memory_space<vmem>> -> memref<1x1x80xi32, #tpu.memory_space<vmem>>
      %dma_start3A_983 = tpu.memref_squeeze %dma_start3A_982 : memref<1x1x80xi32, #tpu.memory_space<vmem>> -> memref<80xi32, #tpu.memory_space<vmem>>
      %dma_start3A_984 = arith.constant 0 : i32
      %dma_start3A_985 = arith.constant 0 : i32
      %dma_start3A_986 = tpu.memref_slice %arg10[%dma_start3A_984, %dma_start3A_985] : memref<10240x128xf32, #tpu.memory_space<vmem_shared>> -> memref<10240x128xf32, #tpu.memory_space<vmem_shared>>
      tpu.enqueue_indirect_dma source(%arg6 : memref<80x128xf32, #tpu.memory_space<vmem>>) target(%dma_start3A_986 : memref<10240x128xf32, #tpu.memory_space<vmem_shared>>) offsets(%dma_start3A_983 : memref<80xi32, #tpu.memory_space<vmem>>) semaphore(%arg14 : memref<!tpu.dma_semaphore, #tpu.memory_space<semaphore_mem>>) {add = true}
      %dma_wait3A_987 = arith.constant 0 : i32
      %dma_wait3A_988 = arith.constant 1 : i32
      %dma_wait3A_989 = arith.constant 0 : i32
      %dma_wait3A_990 = tpu.memref_slice %arg5[%dma_wait3A_987, %dma_wait3A_988, %dma_wait3A_989] : memref<4x2x80xi32, #tpu.memory_space<vmem>> -> memref<1x1x80xi32, #tpu.memory_space<vmem>>
      %dma_wait3A_991 = tpu.memref_squeeze %dma_wait3A_990 : memref<1x1x80xi32, #tpu.memory_space<vmem>> -> memref<80xi32, #tpu.memory_space<vmem>>
      %dma_wait3A_992 = arith.constant 0 : i32
      %dma_wait3A_993 = arith.constant 0 : i32
      %dma_wait3A_994 = tpu.memref_slice %arg10[%dma_wait3A_992, %dma_wait3A_993] : memref<10240x128xf32, #tpu.memory_space<vmem_shared>> -> memref<10240x128xf32, #tpu.memory_space<vmem_shared>>
      tpu.wait_indirect_dma semaphore(%arg16 : memref<!tpu.dma_semaphore, #tpu.memory_space<semaphore_mem>>) src(%arg8 : memref<80x128xf32, #tpu.memory_space<vmem>>) dst(%dma_wait3A_994 : memref<10240x128xf32, #tpu.memory_space<vmem_shared>>)
      %add3A_995 = arith.constant 2 : i32
      %add3A_996 = arith.addi %add3A_970, %add3A_995 : i32
      %dma_wait3A_997 = arith.constant 3 : i32
      %dma_wait3A_998 = arith.constant 0 : i32
      %dma_wait3A_999 = arith.constant 0 : i32
      %dma_wait3A_1000 = tpu.memref_slice %arg5[%dma_wait3A_997, %dma_wait3A_998, %dma_wait3A_999] : memref<4x2x80xi32, #tpu.memory_space<vmem>> -> memref<1x2x80xi32, #tpu.memory_space<vmem>>
      %dma_wait3A_1001 = tpu.memref_squeeze %dma_wait3A_1000 : memref<1x2x80xi32, #tpu.memory_space<vmem>> -> memref<2x80xi32, #tpu.memory_space<vmem>>
      %dma_wait3A_1002 = arith.constant 0 : i32
      %dma_wait3A_1003 = arith.constant 0 : i32
      %dma_wait3A_1004 = tpu.memref_slice %arg3[%add3A, %add3A_996, %dma_wait3A_1002, %dma_wait3A_1003] : memref<32x125x2x80xi32, #tpu.memory_space<hbm>> -> memref<1x1x2x80xi32, #tpu.memory_space<hbm>>
      %dma_wait3A_1005 = tpu.memref_squeeze %dma_wait3A_1004 : memref<1x1x2x80xi32, #tpu.memory_space<hbm>> -> memref<2x80xi32, #tpu.memory_space<hbm>>
      %dma_wait3A_1006 = arith.constant 0 : i32
      %dma_wait3A_1007 = arith.constant 0 : i32
      %dma_wait3A_1008 = tpu.memref_slice %arg5[%dma_wait3A_997, %dma_wait3A_1006, %dma_wait3A_1007] : memref<4x2x80xi32, #tpu.memory_space<vmem>> -> memref<1x2x80xi32, #tpu.memory_space<vmem>>
      %dma_wait3A_1009 = tpu.memref_squeeze %dma_wait3A_1008 : memref<1x2x80xi32, #tpu.memory_space<vmem>> -> memref<2x80xi32, #tpu.memory_space<vmem>>
      %dma_wait3A_1010 = arith.constant 0 : i32
      %dma_wait3A_1011 = arith.constant 0 : i32
      %dma_wait3A_1012 = tpu.memref_slice %arg3[%add3A, %add3A_996, %dma_wait3A_1010, %dma_wait3A_1011] : memref<32x125x2x80xi32, #tpu.memory_space<hbm>> -> memref<1x1x2x80xi32, #tpu.memory_space<hbm>>
      %dma_wait3A_1013 = tpu.memref_squeeze %dma_wait3A_1012 : memref<1x1x2x80xi32, #tpu.memory_space<hbm>> -> memref<2x80xi32, #tpu.memory_space<hbm>>
      tpu.wait_dma2 semaphore(%arg20 : memref<!tpu.dma_semaphore, #tpu.memory_space<semaphore_mem>>) src(%dma_wait3A_1013 : memref<2x80xi32, #tpu.memory_space<hbm>>) dst(%dma_wait3A_1009 : memref<2x80xi32, #tpu.memory_space<vmem>>)
      %dma_start3A_1014 = arith.constant 3 : i32
      %dma_start3A_1015 = arith.constant 0 : i32
      %dma_start3A_1016 = arith.constant 0 : i32
      %dma_start3A_1017 = tpu.memref_slice %arg5[%dma_start3A_1014, %dma_start3A_1015, %dma_start3A_1016] : memref<4x2x80xi32, #tpu.memory_space<vmem>> -> memref<1x1x80xi32, #tpu.memory_space<vmem>>
      %dma_start3A_1018 = tpu.memref_squeeze %dma_start3A_1017 : memref<1x1x80xi32, #tpu.memory_space<vmem>> -> memref<80xi32, #tpu.memory_space<vmem>>
      %dma_start3A_1019 = arith.constant 0 : i32
      %dma_start3A_1020 = arith.constant 0 : i32
      %dma_start3A_1021 = tpu.memref_slice %arg2[%dma_start3A_1019, %dma_start3A_1020] : memref<10000x128xf32, #tpu.memory_space<hbm>> -> memref<10000x128xf32, #tpu.memory_space<hbm>>
      tpu.enqueue_indirect_dma source(%dma_start3A_1021 : memref<10000x128xf32, #tpu.memory_space<hbm>>) target(%arg8 : memref<80x128xf32, #tpu.memory_space<vmem>>) offsets(%dma_start3A_1018 : memref<80xi32, #tpu.memory_space<vmem>>) semaphore(%arg13 : memref<!tpu.dma_semaphore, #tpu.memory_space<semaphore_mem>>)
      %add3A_1022 = arith.constant 3 : i32
      %add3A_1023 = arith.addi %add3A_970, %add3A_1022 : i32
      %dma_start3A_1024 = arith.constant 0 : i32
      %dma_start3A_1025 = arith.constant 0 : i32
      %dma_start3A_1026 = arith.constant 0 : i32
      %dma_start3A_1027 = tpu.memref_slice %arg5[%dma_start3A_1024, %dma_start3A_1025, %dma_start3A_1026] : memref<4x2x80xi32, #tpu.memory_space<vmem>> -> memref<1x2x80xi32, #tpu.memory_space<vmem>>
      %dma_start3A_1028 = tpu.memref_squeeze %dma_start3A_1027 : memref<1x2x80xi32, #tpu.memory_space<vmem>> -> memref<2x80xi32, #tpu.memory_space<vmem>>
      %dma_start3A_1029 = arith.constant 0 : i32
      %dma_start3A_1030 = arith.constant 0 : i32
      %dma_start3A_1031 = tpu.memref_slice %arg3[%add3A, %add3A_1023, %dma_start3A_1029, %dma_start3A_1030] : memref<32x125x2x80xi32, #tpu.memory_space<hbm>> -> memref<1x1x2x80xi32, #tpu.memory_space<hbm>>
      %dma_start3A_1032 = tpu.memref_squeeze %dma_start3A_1031 : memref<1x1x2x80xi32, #tpu.memory_space<hbm>> -> memref<2x80xi32, #tpu.memory_space<hbm>>
      %dma_start3A_1033 = arith.constant 0 : i32
      %dma_start3A_1034 = arith.constant 0 : i32
      %dma_start3A_1035 = tpu.memref_slice %arg5[%dma_start3A_1024, %dma_start3A_1033, %dma_start3A_1034] : memref<4x2x80xi32, #tpu.memory_space<vmem>> -> memref<1x2x80xi32, #tpu.memory_space<vmem>>
      %dma_start3A_1036 = tpu.memref_squeeze %dma_start3A_1035 : memref<1x2x80xi32, #tpu.memory_space<vmem>> -> memref<2x80xi32, #tpu.memory_space<vmem>>
      %dma_start3A_1037 = arith.constant 0 : i32
      %dma_start3A_1038 = arith.constant 0 : i32
      %dma_start3A_1039 = tpu.memref_slice %arg3[%add3A, %add3A_1023, %dma_start3A_1037, %dma_start3A_1038] : memref<32x125x2x80xi32, #tpu.memory_space<hbm>> -> memref<1x1x2x80xi32, #tpu.memory_space<hbm>>
      %dma_start3A_1040 = tpu.memref_squeeze %dma_start3A_1039 : memref<1x1x2x80xi32, #tpu.memory_space<hbm>> -> memref<2x80xi32, #tpu.memory_space<hbm>>
      tpu.enqueue_dma source(%dma_start3A_1040 : memref<2x80xi32, #tpu.memory_space<hbm>>) target(%dma_start3A_1036 : memref<2x80xi32, #tpu.memory_space<vmem>>) target_semaphore(%arg17 : memref<!tpu.dma_semaphore, #tpu.memory_space<semaphore_mem>>)
      %add3A_1041 = arith.constant 9 : i32
      %add3A_1042 = arith.addi %mul3A_374, %add3A_1041 : i32
      %add3A_1043 = arith.constant 1 : i32
      %add3A_1044 = arith.addi %add3A_1042, %add3A_1043 : i32
      %dma_wait3A_1045 = arith.constant 2 : i32
      %dma_wait3A_1046 = arith.constant 0 : i32
      %dma_wait3A_1047 = arith.constant 0 : i32
      %dma_wait3A_1048 = tpu.memref_slice %arg5[%dma_wait3A_1045, %dma_wait3A_1046, %dma_wait3A_1047] : memref<4x2x80xi32, #tpu.memory_space<vmem>> -> memref<1x1x80xi32, #tpu.memory_space<vmem>>
      %dma_wait3A_1049 = tpu.memref_squeeze %dma_wait3A_1048 : memref<1x1x80xi32, #tpu.memory_space<vmem>> -> memref<80xi32, #tpu.memory_space<vmem>>
      %dma_wait3A_1050 = arith.constant 0 : i32
      %dma_wait3A_1051 = arith.constant 0 : i32
      %dma_wait3A_1052 = tpu.memref_slice %arg2[%dma_wait3A_1050, %dma_wait3A_1051] : memref<10000x128xf32, #tpu.memory_space<hbm>> -> memref<10000x128xf32, #tpu.memory_space<hbm>>
      tpu.wait_indirect_dma semaphore(%arg12 : memref<!tpu.dma_semaphore, #tpu.memory_space<semaphore_mem>>) src(%dma_wait3A_1052 : memref<10000x128xf32, #tpu.memory_space<hbm>>) dst(%arg7 : memref<80x128xf32, #tpu.memory_space<vmem>>)
      %dma_start3A_1053 = arith.constant 2 : i32
      %dma_start3A_1054 = arith.constant 1 : i32
      %dma_start3A_1055 = arith.constant 0 : i32
      %dma_start3A_1056 = tpu.memref_slice %arg5[%dma_start3A_1053, %dma_start3A_1054, %dma_start3A_1055] : memref<4x2x80xi32, #tpu.memory_space<vmem>> -> memref<1x1x80xi32, #tpu.memory_space<vmem>>
      %dma_start3A_1057 = tpu.memref_squeeze %dma_start3A_1056 : memref<1x1x80xi32, #tpu.memory_space<vmem>> -> memref<80xi32, #tpu.memory_space<vmem>>
      %dma_start3A_1058 = arith.constant 0 : i32
      %dma_start3A_1059 = arith.constant 0 : i32
      %dma_start3A_1060 = tpu.memref_slice %arg10[%dma_start3A_1058, %dma_start3A_1059] : memref<10240x128xf32, #tpu.memory_space<vmem_shared>> -> memref<10240x128xf32, #tpu.memory_space<vmem_shared>>
      tpu.enqueue_indirect_dma source(%arg7 : memref<80x128xf32, #tpu.memory_space<vmem>>) target(%dma_start3A_1060 : memref<10240x128xf32, #tpu.memory_space<vmem_shared>>) offsets(%dma_start3A_1057 : memref<80xi32, #tpu.memory_space<vmem>>) semaphore(%arg15 : memref<!tpu.dma_semaphore, #tpu.memory_space<semaphore_mem>>) {add = true}
      %dma_wait3A_1061 = arith.constant 1 : i32
      %dma_wait3A_1062 = arith.constant 1 : i32
      %dma_wait3A_1063 = arith.constant 0 : i32
      %dma_wait3A_1064 = tpu.memref_slice %arg5[%dma_wait3A_1061, %dma_wait3A_1062, %dma_wait3A_1063] : memref<4x2x80xi32, #tpu.memory_space<vmem>> -> memref<1x1x80xi32, #tpu.memory_space<vmem>>
      %dma_wait3A_1065 = tpu.memref_squeeze %dma_wait3A_1064 : memref<1x1x80xi32, #tpu.memory_space<vmem>> -> memref<80xi32, #tpu.memory_space<vmem>>
      %dma_wait3A_1066 = arith.constant 0 : i32
      %dma_wait3A_1067 = arith.constant 0 : i32
      %dma_wait3A_1068 = tpu.memref_slice %arg10[%dma_wait3A_1066, %dma_wait3A_1067] : memref<10240x128xf32, #tpu.memory_space<vmem_shared>> -> memref<10240x128xf32, #tpu.memory_space<vmem_shared>>
      tpu.wait_indirect_dma semaphore(%arg14 : memref<!tpu.dma_semaphore, #tpu.memory_space<semaphore_mem>>) src(%arg6 : memref<80x128xf32, #tpu.memory_space<vmem>>) dst(%dma_wait3A_1068 : memref<10240x128xf32, #tpu.memory_space<vmem_shared>>)
      %add3A_1069 = arith.constant 2 : i32
      %add3A_1070 = arith.addi %add3A_1044, %add3A_1069 : i32
      %dma_wait3A_1071 = arith.constant 0 : i32
      %dma_wait3A_1072 = arith.constant 0 : i32
      %dma_wait3A_1073 = arith.constant 0 : i32
      %dma_wait3A_1074 = tpu.memref_slice %arg5[%dma_wait3A_1071, %dma_wait3A_1072, %dma_wait3A_1073] : memref<4x2x80xi32, #tpu.memory_space<vmem>> -> memref<1x2x80xi32, #tpu.memory_space<vmem>>
      %dma_wait3A_1075 = tpu.memref_squeeze %dma_wait3A_1074 : memref<1x2x80xi32, #tpu.memory_space<vmem>> -> memref<2x80xi32, #tpu.memory_space<vmem>>
      %dma_wait3A_1076 = arith.constant 0 : i32
      %dma_wait3A_1077 = arith.constant 0 : i32
      %dma_wait3A_1078 = tpu.memref_slice %arg3[%add3A, %add3A_1070, %dma_wait3A_1076, %dma_wait3A_1077] : memref<32x125x2x80xi32, #tpu.memory_space<hbm>> -> memref<1x1x2x80xi32, #tpu.memory_space<hbm>>
      %dma_wait3A_1079 = tpu.memref_squeeze %dma_wait3A_1078 : memref<1x1x2x80xi32, #tpu.memory_space<hbm>> -> memref<2x80xi32, #tpu.memory_space<hbm>>
      %dma_wait3A_1080 = arith.constant 0 : i32
      %dma_wait3A_1081 = arith.constant 0 : i32
      %dma_wait3A_1082 = tpu.memref_slice %arg5[%dma_wait3A_1071, %dma_wait3A_1080, %dma_wait3A_1081] : memref<4x2x80xi32, #tpu.memory_space<vmem>> -> memref<1x2x80xi32, #tpu.memory_space<vmem>>
      %dma_wait3A_1083 = tpu.memref_squeeze %dma_wait3A_1082 : memref<1x2x80xi32, #tpu.memory_space<vmem>> -> memref<2x80xi32, #tpu.memory_space<vmem>>
      %dma_wait3A_1084 = arith.constant 0 : i32
      %dma_wait3A_1085 = arith.constant 0 : i32
      %dma_wait3A_1086 = tpu.memref_slice %arg3[%add3A, %add3A_1070, %dma_wait3A_1084, %dma_wait3A_1085] : memref<32x125x2x80xi32, #tpu.memory_space<hbm>> -> memref<1x1x2x80xi32, #tpu.memory_space<hbm>>
      %dma_wait3A_1087 = tpu.memref_squeeze %dma_wait3A_1086 : memref<1x1x2x80xi32, #tpu.memory_space<hbm>> -> memref<2x80xi32, #tpu.memory_space<hbm>>
      tpu.wait_dma2 semaphore(%arg17 : memref<!tpu.dma_semaphore, #tpu.memory_space<semaphore_mem>>) src(%dma_wait3A_1087 : memref<2x80xi32, #tpu.memory_space<hbm>>) dst(%dma_wait3A_1083 : memref<2x80xi32, #tpu.memory_space<vmem>>)
      %dma_start3A_1088 = arith.constant 0 : i32
      %dma_start3A_1089 = arith.constant 0 : i32
      %dma_start3A_1090 = arith.constant 0 : i32
      %dma_start3A_1091 = tpu.memref_slice %arg5[%dma_start3A_1088, %dma_start3A_1089, %dma_start3A_1090] : memref<4x2x80xi32, #tpu.memory_space<vmem>> -> memref<1x1x80xi32, #tpu.memory_space<vmem>>
      %dma_start3A_1092 = tpu.memref_squeeze %dma_start3A_1091 : memref<1x1x80xi32, #tpu.memory_space<vmem>> -> memref<80xi32, #tpu.memory_space<vmem>>
      %dma_start3A_1093 = arith.constant 0 : i32
      %dma_start3A_1094 = arith.constant 0 : i32
      %dma_start3A_1095 = tpu.memref_slice %arg2[%dma_start3A_1093, %dma_start3A_1094] : memref<10000x128xf32, #tpu.memory_space<hbm>> -> memref<10000x128xf32, #tpu.memory_space<hbm>>
      tpu.enqueue_indirect_dma source(%dma_start3A_1095 : memref<10000x128xf32, #tpu.memory_space<hbm>>) target(%arg6 : memref<80x128xf32, #tpu.memory_space<vmem>>) offsets(%dma_start3A_1092 : memref<80xi32, #tpu.memory_space<vmem>>) semaphore(%arg11 : memref<!tpu.dma_semaphore, #tpu.memory_space<semaphore_mem>>)
      %add3A_1096 = arith.constant 3 : i32
      %add3A_1097 = arith.addi %add3A_1044, %add3A_1096 : i32
      %dma_start3A_1098 = arith.constant 1 : i32
      %dma_start3A_1099 = arith.constant 0 : i32
      %dma_start3A_1100 = arith.constant 0 : i32
      %dma_start3A_1101 = tpu.memref_slice %arg5[%dma_start3A_1098, %dma_start3A_1099, %dma_start3A_1100] : memref<4x2x80xi32, #tpu.memory_space<vmem>> -> memref<1x2x80xi32, #tpu.memory_space<vmem>>
      %dma_start3A_1102 = tpu.memref_squeeze %dma_start3A_1101 : memref<1x2x80xi32, #tpu.memory_space<vmem>> -> memref<2x80xi32, #tpu.memory_space<vmem>>
      %dma_start3A_1103 = arith.constant 0 : i32
      %dma_start3A_1104 = arith.constant 0 : i32
      %dma_start3A_1105 = tpu.memref_slice %arg3[%add3A, %add3A_1097, %dma_start3A_1103, %dma_start3A_1104] : memref<32x125x2x80xi32, #tpu.memory_space<hbm>> -> memref<1x1x2x80xi32, #tpu.memory_space<hbm>>
      %dma_start3A_1106 = tpu.memref_squeeze %dma_start3A_1105 : memref<1x1x2x80xi32, #tpu.memory_space<hbm>> -> memref<2x80xi32, #tpu.memory_space<hbm>>
      %dma_start3A_1107 = arith.constant 0 : i32
      %dma_start3A_1108 = arith.constant 0 : i32
      %dma_start3A_1109 = tpu.memref_slice %arg5[%dma_start3A_1098, %dma_start3A_1107, %dma_start3A_1108] : memref<4x2x80xi32, #tpu.memory_space<vmem>> -> memref<1x2x80xi32, #tpu.memory_space<vmem>>
      %dma_start3A_1110 = tpu.memref_squeeze %dma_start3A_1109 : memref<1x2x80xi32, #tpu.memory_space<vmem>> -> memref<2x80xi32, #tpu.memory_space<vmem>>
      %dma_start3A_1111 = arith.constant 0 : i32
      %dma_start3A_1112 = arith.constant 0 : i32
      %dma_start3A_1113 = tpu.memref_slice %arg3[%add3A, %add3A_1097, %dma_start3A_1111, %dma_start3A_1112] : memref<32x125x2x80xi32, #tpu.memory_space<hbm>> -> memref<1x1x2x80xi32, #tpu.memory_space<hbm>>
      %dma_start3A_1114 = tpu.memref_squeeze %dma_start3A_1113 : memref<1x1x2x80xi32, #tpu.memory_space<hbm>> -> memref<2x80xi32, #tpu.memory_space<hbm>>
      tpu.enqueue_dma source(%dma_start3A_1114 : memref<2x80xi32, #tpu.memory_space<hbm>>) target(%dma_start3A_1110 : memref<2x80xi32, #tpu.memory_space<vmem>>) target_semaphore(%arg18 : memref<!tpu.dma_semaphore, #tpu.memory_space<semaphore_mem>>)
      %add3A_1115 = arith.constant 10 : i32
      %add3A_1116 = arith.addi %mul3A_374, %add3A_1115 : i32
      %add3A_1117 = arith.constant 1 : i32
      %add3A_1118 = arith.addi %add3A_1116, %add3A_1117 : i32
      %dma_wait3A_1119 = arith.constant 3 : i32
      %dma_wait3A_1120 = arith.constant 0 : i32
      %dma_wait3A_1121 = arith.constant 0 : i32
      %dma_wait3A_1122 = tpu.memref_slice %arg5[%dma_wait3A_1119, %dma_wait3A_1120, %dma_wait3A_1121] : memref<4x2x80xi32, #tpu.memory_space<vmem>> -> memref<1x1x80xi32, #tpu.memory_space<vmem>>
      %dma_wait3A_1123 = tpu.memref_squeeze %dma_wait3A_1122 : memref<1x1x80xi32, #tpu.memory_space<vmem>> -> memref<80xi32, #tpu.memory_space<vmem>>
      %dma_wait3A_1124 = arith.constant 0 : i32
      %dma_wait3A_1125 = arith.constant 0 : i32
      %dma_wait3A_1126 = tpu.memref_slice %arg2[%dma_wait3A_1124, %dma_wait3A_1125] : memref<10000x128xf32, #tpu.memory_space<hbm>> -> memref<10000x128xf32, #tpu.memory_space<hbm>>
      tpu.wait_indirect_dma semaphore(%arg13 : memref<!tpu.dma_semaphore, #tpu.memory_space<semaphore_mem>>) src(%dma_wait3A_1126 : memref<10000x128xf32, #tpu.memory_space<hbm>>) dst(%arg8 : memref<80x128xf32, #tpu.memory_space<vmem>>)
      %dma_start3A_1127 = arith.constant 3 : i32
      %dma_start3A_1128 = arith.constant 1 : i32
      %dma_start3A_1129 = arith.constant 0 : i32
      %dma_start3A_1130 = tpu.memref_slice %arg5[%dma_start3A_1127, %dma_start3A_1128, %dma_start3A_1129] : memref<4x2x80xi32, #tpu.memory_space<vmem>> -> memref<1x1x80xi32, #tpu.memory_space<vmem>>
      %dma_start3A_1131 = tpu.memref_squeeze %dma_start3A_1130 : memref<1x1x80xi32, #tpu.memory_space<vmem>> -> memref<80xi32, #tpu.memory_space<vmem>>
      %dma_start3A_1132 = arith.constant 0 : i32
      %dma_start3A_1133 = arith.constant 0 : i32
      %dma_start3A_1134 = tpu.memref_slice %arg10[%dma_start3A_1132, %dma_start3A_1133] : memref<10240x128xf32, #tpu.memory_space<vmem_shared>> -> memref<10240x128xf32, #tpu.memory_space<vmem_shared>>
      tpu.enqueue_indirect_dma source(%arg8 : memref<80x128xf32, #tpu.memory_space<vmem>>) target(%dma_start3A_1134 : memref<10240x128xf32, #tpu.memory_space<vmem_shared>>) offsets(%dma_start3A_1131 : memref<80xi32, #tpu.memory_space<vmem>>) semaphore(%arg16 : memref<!tpu.dma_semaphore, #tpu.memory_space<semaphore_mem>>) {add = true}
      %dma_wait3A_1135 = arith.constant 2 : i32
      %dma_wait3A_1136 = arith.constant 1 : i32
      %dma_wait3A_1137 = arith.constant 0 : i32
      %dma_wait3A_1138 = tpu.memref_slice %arg5[%dma_wait3A_1135, %dma_wait3A_1136, %dma_wait3A_1137] : memref<4x2x80xi32, #tpu.memory_space<vmem>> -> memref<1x1x80xi32, #tpu.memory_space<vmem>>
      %dma_wait3A_1139 = tpu.memref_squeeze %dma_wait3A_1138 : memref<1x1x80xi32, #tpu.memory_space<vmem>> -> memref<80xi32, #tpu.memory_space<vmem>>
      %dma_wait3A_1140 = arith.constant 0 : i32
      %dma_wait3A_1141 = arith.constant 0 : i32
      %dma_wait3A_1142 = tpu.memref_slice %arg10[%dma_wait3A_1140, %dma_wait3A_1141] : memref<10240x128xf32, #tpu.memory_space<vmem_shared>> -> memref<10240x128xf32, #tpu.memory_space<vmem_shared>>
      tpu.wait_indirect_dma semaphore(%arg15 : memref<!tpu.dma_semaphore, #tpu.memory_space<semaphore_mem>>) src(%arg7 : memref<80x128xf32, #tpu.memory_space<vmem>>) dst(%dma_wait3A_1142 : memref<10240x128xf32, #tpu.memory_space<vmem_shared>>)
      %add3A_1143 = arith.constant 2 : i32
      %add3A_1144 = arith.addi %add3A_1118, %add3A_1143 : i32
      %dma_wait3A_1145 = arith.constant 1 : i32
      %dma_wait3A_1146 = arith.constant 0 : i32
      %dma_wait3A_1147 = arith.constant 0 : i32
      %dma_wait3A_1148 = tpu.memref_slice %arg5[%dma_wait3A_1145, %dma_wait3A_1146, %dma_wait3A_1147] : memref<4x2x80xi32, #tpu.memory_space<vmem>> -> memref<1x2x80xi32, #tpu.memory_space<vmem>>
      %dma_wait3A_1149 = tpu.memref_squeeze %dma_wait3A_1148 : memref<1x2x80xi32, #tpu.memory_space<vmem>> -> memref<2x80xi32, #tpu.memory_space<vmem>>
      %dma_wait3A_1150 = arith.constant 0 : i32
      %dma_wait3A_1151 = arith.constant 0 : i32
      %dma_wait3A_1152 = tpu.memref_slice %arg3[%add3A, %add3A_1144, %dma_wait3A_1150, %dma_wait3A_1151] : memref<32x125x2x80xi32, #tpu.memory_space<hbm>> -> memref<1x1x2x80xi32, #tpu.memory_space<hbm>>
      %dma_wait3A_1153 = tpu.memref_squeeze %dma_wait3A_1152 : memref<1x1x2x80xi32, #tpu.memory_space<hbm>> -> memref<2x80xi32, #tpu.memory_space<hbm>>
      %dma_wait3A_1154 = arith.constant 0 : i32
      %dma_wait3A_1155 = arith.constant 0 : i32
      %dma_wait3A_1156 = tpu.memref_slice %arg5[%dma_wait3A_1145, %dma_wait3A_1154, %dma_wait3A_1155] : memref<4x2x80xi32, #tpu.memory_space<vmem>> -> memref<1x2x80xi32, #tpu.memory_space<vmem>>
      %dma_wait3A_1157 = tpu.memref_squeeze %dma_wait3A_1156 : memref<1x2x80xi32, #tpu.memory_space<vmem>> -> memref<2x80xi32, #tpu.memory_space<vmem>>
      %dma_wait3A_1158 = arith.constant 0 : i32
      %dma_wait3A_1159 = arith.constant 0 : i32
      %dma_wait3A_1160 = tpu.memref_slice %arg3[%add3A, %add3A_1144, %dma_wait3A_1158, %dma_wait3A_1159] : memref<32x125x2x80xi32, #tpu.memory_space<hbm>> -> memref<1x1x2x80xi32, #tpu.memory_space<hbm>>
      %dma_wait3A_1161 = tpu.memref_squeeze %dma_wait3A_1160 : memref<1x1x2x80xi32, #tpu.memory_space<hbm>> -> memref<2x80xi32, #tpu.memory_space<hbm>>
      tpu.wait_dma2 semaphore(%arg18 : memref<!tpu.dma_semaphore, #tpu.memory_space<semaphore_mem>>) src(%dma_wait3A_1161 : memref<2x80xi32, #tpu.memory_space<hbm>>) dst(%dma_wait3A_1157 : memref<2x80xi32, #tpu.memory_space<vmem>>)
      %dma_start3A_1162 = arith.constant 1 : i32
      %dma_start3A_1163 = arith.constant 0 : i32
      %dma_start3A_1164 = arith.constant 0 : i32
      %dma_start3A_1165 = tpu.memref_slice %arg5[%dma_start3A_1162, %dma_start3A_1163, %dma_start3A_1164] : memref<4x2x80xi32, #tpu.memory_space<vmem>> -> memref<1x1x80xi32, #tpu.memory_space<vmem>>
      %dma_start3A_1166 = tpu.memref_squeeze %dma_start3A_1165 : memref<1x1x80xi32, #tpu.memory_space<vmem>> -> memref<80xi32, #tpu.memory_space<vmem>>
      %dma_start3A_1167 = arith.constant 0 : i32
      %dma_start3A_1168 = arith.constant 0 : i32
      %dma_start3A_1169 = tpu.memref_slice %arg2[%dma_start3A_1167, %dma_start3A_1168] : memref<10000x128xf32, #tpu.memory_space<hbm>> -> memref<10000x128xf32, #tpu.memory_space<hbm>>
      tpu.enqueue_indirect_dma source(%dma_start3A_1169 : memref<10000x128xf32, #tpu.memory_space<hbm>>) target(%arg7 : memref<80x128xf32, #tpu.memory_space<vmem>>) offsets(%dma_start3A_1166 : memref<80xi32, #tpu.memory_space<vmem>>) semaphore(%arg12 : memref<!tpu.dma_semaphore, #tpu.memory_space<semaphore_mem>>)
      %add3A_1170 = arith.constant 3 : i32
      %add3A_1171 = arith.addi %add3A_1118, %add3A_1170 : i32
      %dma_start3A_1172 = arith.constant 2 : i32
      %dma_start3A_1173 = arith.constant 0 : i32
      %dma_start3A_1174 = arith.constant 0 : i32
      %dma_start3A_1175 = tpu.memref_slice %arg5[%dma_start3A_1172, %dma_start3A_1173, %dma_start3A_1174] : memref<4x2x80xi32, #tpu.memory_space<vmem>> -> memref<1x2x80xi32, #tpu.memory_space<vmem>>
      %dma_start3A_1176 = tpu.memref_squeeze %dma_start3A_1175 : memref<1x2x80xi32, #tpu.memory_space<vmem>> -> memref<2x80xi32, #tpu.memory_space<vmem>>
      %dma_start3A_1177 = arith.constant 0 : i32
      %dma_start3A_1178 = arith.constant 0 : i32
      %dma_start3A_1179 = tpu.memref_slice %arg3[%add3A, %add3A_1171, %dma_start3A_1177, %dma_start3A_1178] : memref<32x125x2x80xi32, #tpu.memory_space<hbm>> -> memref<1x1x2x80xi32, #tpu.memory_space<hbm>>
      %dma_start3A_1180 = tpu.memref_squeeze %dma_start3A_1179 : memref<1x1x2x80xi32, #tpu.memory_space<hbm>> -> memref<2x80xi32, #tpu.memory_space<hbm>>
      %dma_start3A_1181 = arith.constant 0 : i32
      %dma_start3A_1182 = arith.constant 0 : i32
      %dma_start3A_1183 = tpu.memref_slice %arg5[%dma_start3A_1172, %dma_start3A_1181, %dma_start3A_1182] : memref<4x2x80xi32, #tpu.memory_space<vmem>> -> memref<1x2x80xi32, #tpu.memory_space<vmem>>
      %dma_start3A_1184 = tpu.memref_squeeze %dma_start3A_1183 : memref<1x2x80xi32, #tpu.memory_space<vmem>> -> memref<2x80xi32, #tpu.memory_space<vmem>>
      %dma_start3A_1185 = arith.constant 0 : i32
      %dma_start3A_1186 = arith.constant 0 : i32
      %dma_start3A_1187 = tpu.memref_slice %arg3[%add3A, %add3A_1171, %dma_start3A_1185, %dma_start3A_1186] : memref<32x125x2x80xi32, #tpu.memory_space<hbm>> -> memref<1x1x2x80xi32, #tpu.memory_space<hbm>>
      %dma_start3A_1188 = tpu.memref_squeeze %dma_start3A_1187 : memref<1x1x2x80xi32, #tpu.memory_space<hbm>> -> memref<2x80xi32, #tpu.memory_space<hbm>>
      tpu.enqueue_dma source(%dma_start3A_1188 : memref<2x80xi32, #tpu.memory_space<hbm>>) target(%dma_start3A_1184 : memref<2x80xi32, #tpu.memory_space<vmem>>) target_semaphore(%arg19 : memref<!tpu.dma_semaphore, #tpu.memory_space<semaphore_mem>>)
      %add3A_1189 = arith.constant 11 : i32
      %add3A_1190 = arith.addi %mul3A_374, %add3A_1189 : i32
      %add3A_1191 = arith.constant 1 : i32
      %add3A_1192 = arith.addi %add3A_1190, %add3A_1191 : i32
      %dma_wait3A_1193 = arith.constant 0 : i32
      %dma_wait3A_1194 = arith.constant 0 : i32
      %dma_wait3A_1195 = arith.constant 0 : i32
      %dma_wait3A_1196 = tpu.memref_slice %arg5[%dma_wait3A_1193, %dma_wait3A_1194, %dma_wait3A_1195] : memref<4x2x80xi32, #tpu.memory_space<vmem>> -> memref<1x1x80xi32, #tpu.memory_space<vmem>>
      %dma_wait3A_1197 = tpu.memref_squeeze %dma_wait3A_1196 : memref<1x1x80xi32, #tpu.memory_space<vmem>> -> memref<80xi32, #tpu.memory_space<vmem>>
      %dma_wait3A_1198 = arith.constant 0 : i32
      %dma_wait3A_1199 = arith.constant 0 : i32
      %dma_wait3A_1200 = tpu.memref_slice %arg2[%dma_wait3A_1198, %dma_wait3A_1199] : memref<10000x128xf32, #tpu.memory_space<hbm>> -> memref<10000x128xf32, #tpu.memory_space<hbm>>
      tpu.wait_indirect_dma semaphore(%arg11 : memref<!tpu.dma_semaphore, #tpu.memory_space<semaphore_mem>>) src(%dma_wait3A_1200 : memref<10000x128xf32, #tpu.memory_space<hbm>>) dst(%arg6 : memref<80x128xf32, #tpu.memory_space<vmem>>)
      %dma_start3A_1201 = arith.constant 0 : i32
      %dma_start3A_1202 = arith.constant 1 : i32
      %dma_start3A_1203 = arith.constant 0 : i32
      %dma_start3A_1204 = tpu.memref_slice %arg5[%dma_start3A_1201, %dma_start3A_1202, %dma_start3A_1203] : memref<4x2x80xi32, #tpu.memory_space<vmem>> -> memref<1x1x80xi32, #tpu.memory_space<vmem>>
      %dma_start3A_1205 = tpu.memref_squeeze %dma_start3A_1204 : memref<1x1x80xi32, #tpu.memory_space<vmem>> -> memref<80xi32, #tpu.memory_space<vmem>>
      %dma_start3A_1206 = arith.constant 0 : i32
      %dma_start3A_1207 = arith.constant 0 : i32
      %dma_start3A_1208 = tpu.memref_slice %arg10[%dma_start3A_1206, %dma_start3A_1207] : memref<10240x128xf32, #tpu.memory_space<vmem_shared>> -> memref<10240x128xf32, #tpu.memory_space<vmem_shared>>
      tpu.enqueue_indirect_dma source(%arg6 : memref<80x128xf32, #tpu.memory_space<vmem>>) target(%dma_start3A_1208 : memref<10240x128xf32, #tpu.memory_space<vmem_shared>>) offsets(%dma_start3A_1205 : memref<80xi32, #tpu.memory_space<vmem>>) semaphore(%arg14 : memref<!tpu.dma_semaphore, #tpu.memory_space<semaphore_mem>>) {add = true}
      %dma_wait3A_1209 = arith.constant 3 : i32
      %dma_wait3A_1210 = arith.constant 1 : i32
      %dma_wait3A_1211 = arith.constant 0 : i32
      %dma_wait3A_1212 = tpu.memref_slice %arg5[%dma_wait3A_1209, %dma_wait3A_1210, %dma_wait3A_1211] : memref<4x2x80xi32, #tpu.memory_space<vmem>> -> memref<1x1x80xi32, #tpu.memory_space<vmem>>
      %dma_wait3A_1213 = tpu.memref_squeeze %dma_wait3A_1212 : memref<1x1x80xi32, #tpu.memory_space<vmem>> -> memref<80xi32, #tpu.memory_space<vmem>>
      %dma_wait3A_1214 = arith.constant 0 : i32
      %dma_wait3A_1215 = arith.constant 0 : i32
      %dma_wait3A_1216 = tpu.memref_slice %arg10[%dma_wait3A_1214, %dma_wait3A_1215] : memref<10240x128xf32, #tpu.memory_space<vmem_shared>> -> memref<10240x128xf32, #tpu.memory_space<vmem_shared>>
      tpu.wait_indirect_dma semaphore(%arg16 : memref<!tpu.dma_semaphore, #tpu.memory_space<semaphore_mem>>) src(%arg8 : memref<80x128xf32, #tpu.memory_space<vmem>>) dst(%dma_wait3A_1216 : memref<10240x128xf32, #tpu.memory_space<vmem_shared>>)
      %add3A_1217 = arith.constant 2 : i32
      %add3A_1218 = arith.addi %add3A_1192, %add3A_1217 : i32
      %dma_wait3A_1219 = arith.constant 2 : i32
      %dma_wait3A_1220 = arith.constant 0 : i32
      %dma_wait3A_1221 = arith.constant 0 : i32
      %dma_wait3A_1222 = tpu.memref_slice %arg5[%dma_wait3A_1219, %dma_wait3A_1220, %dma_wait3A_1221] : memref<4x2x80xi32, #tpu.memory_space<vmem>> -> memref<1x2x80xi32, #tpu.memory_space<vmem>>
      %dma_wait3A_1223 = tpu.memref_squeeze %dma_wait3A_1222 : memref<1x2x80xi32, #tpu.memory_space<vmem>> -> memref<2x80xi32, #tpu.memory_space<vmem>>
      %dma_wait3A_1224 = arith.constant 0 : i32
      %dma_wait3A_1225 = arith.constant 0 : i32
      %dma_wait3A_1226 = tpu.memref_slice %arg3[%add3A, %add3A_1218, %dma_wait3A_1224, %dma_wait3A_1225] : memref<32x125x2x80xi32, #tpu.memory_space<hbm>> -> memref<1x1x2x80xi32, #tpu.memory_space<hbm>>
      %dma_wait3A_1227 = tpu.memref_squeeze %dma_wait3A_1226 : memref<1x1x2x80xi32, #tpu.memory_space<hbm>> -> memref<2x80xi32, #tpu.memory_space<hbm>>
      %dma_wait3A_1228 = arith.constant 0 : i32
      %dma_wait3A_1229 = arith.constant 0 : i32
      %dma_wait3A_1230 = tpu.memref_slice %arg5[%dma_wait3A_1219, %dma_wait3A_1228, %dma_wait3A_1229] : memref<4x2x80xi32, #tpu.memory_space<vmem>> -> memref<1x2x80xi32, #tpu.memory_space<vmem>>
      %dma_wait3A_1231 = tpu.memref_squeeze %dma_wait3A_1230 : memref<1x2x80xi32, #tpu.memory_space<vmem>> -> memref<2x80xi32, #tpu.memory_space<vmem>>
      %dma_wait3A_1232 = arith.constant 0 : i32
      %dma_wait3A_1233 = arith.constant 0 : i32
      %dma_wait3A_1234 = tpu.memref_slice %arg3[%add3A, %add3A_1218, %dma_wait3A_1232, %dma_wait3A_1233] : memref<32x125x2x80xi32, #tpu.memory_space<hbm>> -> memref<1x1x2x80xi32, #tpu.memory_space<hbm>>
      %dma_wait3A_1235 = tpu.memref_squeeze %dma_wait3A_1234 : memref<1x1x2x80xi32, #tpu.memory_space<hbm>> -> memref<2x80xi32, #tpu.memory_space<hbm>>
      tpu.wait_dma2 semaphore(%arg19 : memref<!tpu.dma_semaphore, #tpu.memory_space<semaphore_mem>>) src(%dma_wait3A_1235 : memref<2x80xi32, #tpu.memory_space<hbm>>) dst(%dma_wait3A_1231 : memref<2x80xi32, #tpu.memory_space<vmem>>)
      %dma_start3A_1236 = arith.constant 2 : i32
      %dma_start3A_1237 = arith.constant 0 : i32
      %dma_start3A_1238 = arith.constant 0 : i32
      %dma_start3A_1239 = tpu.memref_slice %arg5[%dma_start3A_1236, %dma_start3A_1237, %dma_start3A_1238] : memref<4x2x80xi32, #tpu.memory_space<vmem>> -> memref<1x1x80xi32, #tpu.memory_space<vmem>>
      %dma_start3A_1240 = tpu.memref_squeeze %dma_start3A_1239 : memref<1x1x80xi32, #tpu.memory_space<vmem>> -> memref<80xi32, #tpu.memory_space<vmem>>
      %dma_start3A_1241 = arith.constant 0 : i32
      %dma_start3A_1242 = arith.constant 0 : i32
      %dma_start3A_1243 = tpu.memref_slice %arg2[%dma_start3A_1241, %dma_start3A_1242] : memref<10000x128xf32, #tpu.memory_space<hbm>> -> memref<10000x128xf32, #tpu.memory_space<hbm>>
      tpu.enqueue_indirect_dma source(%dma_start3A_1243 : memref<10000x128xf32, #tpu.memory_space<hbm>>) target(%arg8 : memref<80x128xf32, #tpu.memory_space<vmem>>) offsets(%dma_start3A_1240 : memref<80xi32, #tpu.memory_space<vmem>>) semaphore(%arg13 : memref<!tpu.dma_semaphore, #tpu.memory_space<semaphore_mem>>)
      %add3A_1244 = arith.constant 3 : i32
      %add3A_1245 = arith.addi %add3A_1192, %add3A_1244 : i32
      %dma_start3A_1246 = arith.constant 3 : i32
      %dma_start3A_1247 = arith.constant 0 : i32
      %dma_start3A_1248 = arith.constant 0 : i32
      %dma_start3A_1249 = tpu.memref_slice %arg5[%dma_start3A_1246, %dma_start3A_1247, %dma_start3A_1248] : memref<4x2x80xi32, #tpu.memory_space<vmem>> -> memref<1x2x80xi32, #tpu.memory_space<vmem>>
      %dma_start3A_1250 = tpu.memref_squeeze %dma_start3A_1249 : memref<1x2x80xi32, #tpu.memory_space<vmem>> -> memref<2x80xi32, #tpu.memory_space<vmem>>
      %dma_start3A_1251 = arith.constant 0 : i32
      %dma_start3A_1252 = arith.constant 0 : i32
      %dma_start3A_1253 = tpu.memref_slice %arg3[%add3A, %add3A_1245, %dma_start3A_1251, %dma_start3A_1252] : memref<32x125x2x80xi32, #tpu.memory_space<hbm>> -> memref<1x1x2x80xi32, #tpu.memory_space<hbm>>
      %dma_start3A_1254 = tpu.memref_squeeze %dma_start3A_1253 : memref<1x1x2x80xi32, #tpu.memory_space<hbm>> -> memref<2x80xi32, #tpu.memory_space<hbm>>
      %dma_start3A_1255 = arith.constant 0 : i32
      %dma_start3A_1256 = arith.constant 0 : i32
      %dma_start3A_1257 = tpu.memref_slice %arg5[%dma_start3A_1246, %dma_start3A_1255, %dma_start3A_1256] : memref<4x2x80xi32, #tpu.memory_space<vmem>> -> memref<1x2x80xi32, #tpu.memory_space<vmem>>
      %dma_start3A_1258 = tpu.memref_squeeze %dma_start3A_1257 : memref<1x2x80xi32, #tpu.memory_space<vmem>> -> memref<2x80xi32, #tpu.memory_space<vmem>>
      %dma_start3A_1259 = arith.constant 0 : i32
      %dma_start3A_1260 = arith.constant 0 : i32
      %dma_start3A_1261 = tpu.memref_slice %arg3[%add3A, %add3A_1245, %dma_start3A_1259, %dma_start3A_1260] : memref<32x125x2x80xi32, #tpu.memory_space<hbm>> -> memref<1x1x2x80xi32, #tpu.memory_space<hbm>>
      %dma_start3A_1262 = tpu.memref_squeeze %dma_start3A_1261 : memref<1x1x2x80xi32, #tpu.memory_space<hbm>> -> memref<2x80xi32, #tpu.memory_space<hbm>>
      tpu.enqueue_dma source(%dma_start3A_1262 : memref<2x80xi32, #tpu.memory_space<hbm>>) target(%dma_start3A_1258 : memref<2x80xi32, #tpu.memory_space<vmem>>) target_semaphore(%arg20 : memref<!tpu.dma_semaphore, #tpu.memory_space<semaphore_mem>>)
      %scan3A_1263 = arith.constant 0 : i32
      scf.yield %scan3A_1263 : i32
    }
    %scan3A_191 = arith.constant 10 : i32
    %dma_wait3A_192 = arith.constant 1 : i32
    %dma_wait3A_193 = arith.constant 0 : i32
    %dma_wait3A_194 = arith.constant 0 : i32
    %dma_wait3A_195 = tpu.memref_slice %arg5[%dma_wait3A_192, %dma_wait3A_193, %dma_wait3A_194] : memref<4x2x80xi32, #tpu.memory_space<vmem>> -> memref<1x1x80xi32, #tpu.memory_space<vmem>>
    %dma_wait3A_196 = tpu.memref_squeeze %dma_wait3A_195 : memref<1x1x80xi32, #tpu.memory_space<vmem>> -> memref<80xi32, #tpu.memory_space<vmem>>
    %dma_wait3A_197 = arith.constant 0 : i32
    %dma_wait3A_198 = arith.constant 0 : i32
    %dma_wait3A_199 = tpu.memref_slice %arg2[%dma_wait3A_197, %dma_wait3A_198] : memref<10000x128xf32, #tpu.memory_space<hbm>> -> memref<10000x128xf32, #tpu.memory_space<hbm>>
    tpu.wait_indirect_dma semaphore(%arg12 : memref<!tpu.dma_semaphore, #tpu.memory_space<semaphore_mem>>) src(%dma_wait3A_199 : memref<10000x128xf32, #tpu.memory_space<hbm>>) dst(%arg7 : memref<80x128xf32, #tpu.memory_space<vmem>>)
    %dma_start3A_200 = arith.constant 1 : i32
    %dma_start3A_201 = arith.constant 1 : i32
    %dma_start3A_202 = arith.constant 0 : i32
    %dma_start3A_203 = tpu.memref_slice %arg5[%dma_start3A_200, %dma_start3A_201, %dma_start3A_202] : memref<4x2x80xi32, #tpu.memory_space<vmem>> -> memref<1x1x80xi32, #tpu.memory_space<vmem>>
    %dma_start3A_204 = tpu.memref_squeeze %dma_start3A_203 : memref<1x1x80xi32, #tpu.memory_space<vmem>> -> memref<80xi32, #tpu.memory_space<vmem>>
    %dma_start3A_205 = arith.constant 0 : i32
    %dma_start3A_206 = arith.constant 0 : i32
    %dma_start3A_207 = tpu.memref_slice %arg10[%dma_start3A_205, %dma_start3A_206] : memref<10240x128xf32, #tpu.memory_space<vmem_shared>> -> memref<10240x128xf32, #tpu.memory_space<vmem_shared>>
    tpu.enqueue_indirect_dma source(%arg7 : memref<80x128xf32, #tpu.memory_space<vmem>>) target(%dma_start3A_207 : memref<10240x128xf32, #tpu.memory_space<vmem_shared>>) offsets(%dma_start3A_204 : memref<80xi32, #tpu.memory_space<vmem>>) semaphore(%arg15 : memref<!tpu.dma_semaphore, #tpu.memory_space<semaphore_mem>>) {add = true}
    %dma_wait3A_208 = arith.constant 0 : i32
    %dma_wait3A_209 = arith.constant 1 : i32
    %dma_wait3A_210 = arith.constant 0 : i32
    %dma_wait3A_211 = tpu.memref_slice %arg5[%dma_wait3A_208, %dma_wait3A_209, %dma_wait3A_210] : memref<4x2x80xi32, #tpu.memory_space<vmem>> -> memref<1x1x80xi32, #tpu.memory_space<vmem>>
    %dma_wait3A_212 = tpu.memref_squeeze %dma_wait3A_211 : memref<1x1x80xi32, #tpu.memory_space<vmem>> -> memref<80xi32, #tpu.memory_space<vmem>>
    %dma_wait3A_213 = arith.constant 0 : i32
    %dma_wait3A_214 = arith.constant 0 : i32
    %dma_wait3A_215 = tpu.memref_slice %arg10[%dma_wait3A_213, %dma_wait3A_214] : memref<10240x128xf32, #tpu.memory_space<vmem_shared>> -> memref<10240x128xf32, #tpu.memory_space<vmem_shared>>
    tpu.wait_indirect_dma semaphore(%arg14 : memref<!tpu.dma_semaphore, #tpu.memory_space<semaphore_mem>>) src(%arg6 : memref<80x128xf32, #tpu.memory_space<vmem>>) dst(%dma_wait3A_215 : memref<10240x128xf32, #tpu.memory_space<vmem_shared>>)
    %dma_wait3A_216 = arith.constant 123 : i32
    %dma_wait3A_217 = arith.constant 3 : i32
    %dma_wait3A_218 = arith.constant 0 : i32
    %dma_wait3A_219 = arith.constant 0 : i32
    %dma_wait3A_220 = tpu.memref_slice %arg5[%dma_wait3A_217, %dma_wait3A_218, %dma_wait3A_219] : memref<4x2x80xi32, #tpu.memory_space<vmem>> -> memref<1x2x80xi32, #tpu.memory_space<vmem>>
    %dma_wait3A_221 = tpu.memref_squeeze %dma_wait3A_220 : memref<1x2x80xi32, #tpu.memory_space<vmem>> -> memref<2x80xi32, #tpu.memory_space<vmem>>
    %dma_wait3A_222 = arith.constant 0 : i32
    %dma_wait3A_223 = arith.constant 0 : i32
    %dma_wait3A_224 = tpu.memref_slice %arg3[%add3A, %dma_wait3A_216, %dma_wait3A_222, %dma_wait3A_223] : memref<32x125x2x80xi32, #tpu.memory_space<hbm>> -> memref<1x1x2x80xi32, #tpu.memory_space<hbm>>
    %dma_wait3A_225 = tpu.memref_squeeze %dma_wait3A_224 : memref<1x1x2x80xi32, #tpu.memory_space<hbm>> -> memref<2x80xi32, #tpu.memory_space<hbm>>
    %dma_wait3A_226 = arith.constant 0 : i32
    %dma_wait3A_227 = arith.constant 0 : i32
    %dma_wait3A_228 = tpu.memref_slice %arg5[%dma_wait3A_217, %dma_wait3A_226, %dma_wait3A_227] : memref<4x2x80xi32, #tpu.memory_space<vmem>> -> memref<1x2x80xi32, #tpu.memory_space<vmem>>
    %dma_wait3A_229 = tpu.memref_squeeze %dma_wait3A_228 : memref<1x2x80xi32, #tpu.memory_space<vmem>> -> memref<2x80xi32, #tpu.memory_space<vmem>>
    %dma_wait3A_230 = arith.constant 0 : i32
    %dma_wait3A_231 = arith.constant 0 : i32
    %dma_wait3A_232 = tpu.memref_slice %arg3[%add3A, %dma_wait3A_216, %dma_wait3A_230, %dma_wait3A_231] : memref<32x125x2x80xi32, #tpu.memory_space<hbm>> -> memref<1x1x2x80xi32, #tpu.memory_space<hbm>>
    %dma_wait3A_233 = tpu.memref_squeeze %dma_wait3A_232 : memref<1x1x2x80xi32, #tpu.memory_space<hbm>> -> memref<2x80xi32, #tpu.memory_space<hbm>>
    tpu.wait_dma2 semaphore(%arg20 : memref<!tpu.dma_semaphore, #tpu.memory_space<semaphore_mem>>) src(%dma_wait3A_233 : memref<2x80xi32, #tpu.memory_space<hbm>>) dst(%dma_wait3A_229 : memref<2x80xi32, #tpu.memory_space<vmem>>)
    %dma_start3A_234 = arith.constant 3 : i32
    %dma_start3A_235 = arith.constant 0 : i32
    %dma_start3A_236 = arith.constant 0 : i32
    %dma_start3A_237 = tpu.memref_slice %arg5[%dma_start3A_234, %dma_start3A_235, %dma_start3A_236] : memref<4x2x80xi32, #tpu.memory_space<vmem>> -> memref<1x1x80xi32, #tpu.memory_space<vmem>>
    %dma_start3A_238 = tpu.memref_squeeze %dma_start3A_237 : memref<1x1x80xi32, #tpu.memory_space<vmem>> -> memref<80xi32, #tpu.memory_space<vmem>>
    %dma_start3A_239 = arith.constant 0 : i32
    %dma_start3A_240 = arith.constant 0 : i32
    %dma_start3A_241 = tpu.memref_slice %arg2[%dma_start3A_239, %dma_start3A_240] : memref<10000x128xf32, #tpu.memory_space<hbm>> -> memref<10000x128xf32, #tpu.memory_space<hbm>>
    tpu.enqueue_indirect_dma source(%dma_start3A_241 : memref<10000x128xf32, #tpu.memory_space<hbm>>) target(%arg6 : memref<80x128xf32, #tpu.memory_space<vmem>>) offsets(%dma_start3A_238 : memref<80xi32, #tpu.memory_space<vmem>>) semaphore(%arg11 : memref<!tpu.dma_semaphore, #tpu.memory_space<semaphore_mem>>)
    %dma_start3A_242 = arith.constant 124 : i32
    %dma_start3A_243 = arith.constant 0 : i32
    %dma_start3A_244 = arith.constant 0 : i32
    %dma_start3A_245 = arith.constant 0 : i32
    %dma_start3A_246 = tpu.memref_slice %arg5[%dma_start3A_243, %dma_start3A_244, %dma_start3A_245] : memref<4x2x80xi32, #tpu.memory_space<vmem>> -> memref<1x2x80xi32, #tpu.memory_space<vmem>>
    %dma_start3A_247 = tpu.memref_squeeze %dma_start3A_246 : memref<1x2x80xi32, #tpu.memory_space<vmem>> -> memref<2x80xi32, #tpu.memory_space<vmem>>
    %dma_start3A_248 = arith.constant 0 : i32
    %dma_start3A_249 = arith.constant 0 : i32
    %dma_start3A_250 = tpu.memref_slice %arg3[%add3A, %dma_start3A_242, %dma_start3A_248, %dma_start3A_249] : memref<32x125x2x80xi32, #tpu.memory_space<hbm>> -> memref<1x1x2x80xi32, #tpu.memory_space<hbm>>
    %dma_start3A_251 = tpu.memref_squeeze %dma_start3A_250 : memref<1x1x2x80xi32, #tpu.memory_space<hbm>> -> memref<2x80xi32, #tpu.memory_space<hbm>>
    %dma_start3A_252 = arith.constant 0 : i32
    %dma_start3A_253 = arith.constant 0 : i32
    %dma_start3A_254 = tpu.memref_slice %arg5[%dma_start3A_243, %dma_start3A_252, %dma_start3A_253] : memref<4x2x80xi32, #tpu.memory_space<vmem>> -> memref<1x2x80xi32, #tpu.memory_space<vmem>>
    %dma_start3A_255 = tpu.memref_squeeze %dma_start3A_254 : memref<1x2x80xi32, #tpu.memory_space<vmem>> -> memref<2x80xi32, #tpu.memory_space<vmem>>
    %dma_start3A_256 = arith.constant 0 : i32
    %dma_start3A_257 = arith.constant 0 : i32
    %dma_start3A_258 = tpu.memref_slice %arg3[%add3A, %dma_start3A_242, %dma_start3A_256, %dma_start3A_257] : memref<32x125x2x80xi32, #tpu.memory_space<hbm>> -> memref<1x1x2x80xi32, #tpu.memory_space<hbm>>
    %dma_start3A_259 = tpu.memref_squeeze %dma_start3A_258 : memref<1x1x2x80xi32, #tpu.memory_space<hbm>> -> memref<2x80xi32, #tpu.memory_space<hbm>>
    tpu.enqueue_dma source(%dma_start3A_259 : memref<2x80xi32, #tpu.memory_space<hbm>>) target(%dma_start3A_255 : memref<2x80xi32, #tpu.memory_space<vmem>>) target_semaphore(%arg17 : memref<!tpu.dma_semaphore, #tpu.memory_space<semaphore_mem>>)
    %dma_wait3A_260 = arith.constant 2 : i32
    %dma_wait3A_261 = arith.constant 0 : i32
    %dma_wait3A_262 = arith.constant 0 : i32
    %dma_wait3A_263 = tpu.memref_slice %arg5[%dma_wait3A_260, %dma_wait3A_261, %dma_wait3A_262] : memref<4x2x80xi32, #tpu.memory_space<vmem>> -> memref<1x1x80xi32, #tpu.memory_space<vmem>>
    %dma_wait3A_264 = tpu.memref_squeeze %dma_wait3A_263 : memref<1x1x80xi32, #tpu.memory_space<vmem>> -> memref<80xi32, #tpu.memory_space<vmem>>
    %dma_wait3A_265 = arith.constant 0 : i32
    %dma_wait3A_266 = arith.constant 0 : i32
    %dma_wait3A_267 = tpu.memref_slice %arg2[%dma_wait3A_265, %dma_wait3A_266] : memref<10000x128xf32, #tpu.memory_space<hbm>> -> memref<10000x128xf32, #tpu.memory_space<hbm>>
    tpu.wait_indirect_dma semaphore(%arg13 : memref<!tpu.dma_semaphore, #tpu.memory_space<semaphore_mem>>) src(%dma_wait3A_267 : memref<10000x128xf32, #tpu.memory_space<hbm>>) dst(%arg8 : memref<80x128xf32, #tpu.memory_space<vmem>>)
    %dma_start3A_268 = arith.constant 2 : i32
    %dma_start3A_269 = arith.constant 1 : i32
    %dma_start3A_270 = arith.constant 0 : i32
    %dma_start3A_271 = tpu.memref_slice %arg5[%dma_start3A_268, %dma_start3A_269, %dma_start3A_270] : memref<4x2x80xi32, #tpu.memory_space<vmem>> -> memref<1x1x80xi32, #tpu.memory_space<vmem>>
    %dma_start3A_272 = tpu.memref_squeeze %dma_start3A_271 : memref<1x1x80xi32, #tpu.memory_space<vmem>> -> memref<80xi32, #tpu.memory_space<vmem>>
    %dma_start3A_273 = arith.constant 0 : i32
    %dma_start3A_274 = arith.constant 0 : i32
    %dma_start3A_275 = tpu.memref_slice %arg10[%dma_start3A_273, %dma_start3A_274] : memref<10240x128xf32, #tpu.memory_space<vmem_shared>> -> memref<10240x128xf32, #tpu.memory_space<vmem_shared>>
    tpu.enqueue_indirect_dma source(%arg8 : memref<80x128xf32, #tpu.memory_space<vmem>>) target(%dma_start3A_275 : memref<10240x128xf32, #tpu.memory_space<vmem_shared>>) offsets(%dma_start3A_272 : memref<80xi32, #tpu.memory_space<vmem>>) semaphore(%arg16 : memref<!tpu.dma_semaphore, #tpu.memory_space<semaphore_mem>>) {add = true}
    %dma_wait3A_276 = arith.constant 1 : i32
    %dma_wait3A_277 = arith.constant 1 : i32
    %dma_wait3A_278 = arith.constant 0 : i32
    %dma_wait3A_279 = tpu.memref_slice %arg5[%dma_wait3A_276, %dma_wait3A_277, %dma_wait3A_278] : memref<4x2x80xi32, #tpu.memory_space<vmem>> -> memref<1x1x80xi32, #tpu.memory_space<vmem>>
    %dma_wait3A_280 = tpu.memref_squeeze %dma_wait3A_279 : memref<1x1x80xi32, #tpu.memory_space<vmem>> -> memref<80xi32, #tpu.memory_space<vmem>>
    %dma_wait3A_281 = arith.constant 0 : i32
    %dma_wait3A_282 = arith.constant 0 : i32
    %dma_wait3A_283 = tpu.memref_slice %arg10[%dma_wait3A_281, %dma_wait3A_282] : memref<10240x128xf32, #tpu.memory_space<vmem_shared>> -> memref<10240x128xf32, #tpu.memory_space<vmem_shared>>
    tpu.wait_indirect_dma semaphore(%arg15 : memref<!tpu.dma_semaphore, #tpu.memory_space<semaphore_mem>>) src(%arg7 : memref<80x128xf32, #tpu.memory_space<vmem>>) dst(%dma_wait3A_283 : memref<10240x128xf32, #tpu.memory_space<vmem_shared>>)
    %dma_wait3A_284 = arith.constant 124 : i32
    %dma_wait3A_285 = arith.constant 0 : i32
    %dma_wait3A_286 = arith.constant 0 : i32
    %dma_wait3A_287 = arith.constant 0 : i32
    %dma_wait3A_288 = tpu.memref_slice %arg5[%dma_wait3A_285, %dma_wait3A_286, %dma_wait3A_287] : memref<4x2x80xi32, #tpu.memory_space<vmem>> -> memref<1x2x80xi32, #tpu.memory_space<vmem>>
    %dma_wait3A_289 = tpu.memref_squeeze %dma_wait3A_288 : memref<1x2x80xi32, #tpu.memory_space<vmem>> -> memref<2x80xi32, #tpu.memory_space<vmem>>
    %dma_wait3A_290 = arith.constant 0 : i32
    %dma_wait3A_291 = arith.constant 0 : i32
    %dma_wait3A_292 = tpu.memref_slice %arg3[%add3A, %dma_wait3A_284, %dma_wait3A_290, %dma_wait3A_291] : memref<32x125x2x80xi32, #tpu.memory_space<hbm>> -> memref<1x1x2x80xi32, #tpu.memory_space<hbm>>
    %dma_wait3A_293 = tpu.memref_squeeze %dma_wait3A_292 : memref<1x1x2x80xi32, #tpu.memory_space<hbm>> -> memref<2x80xi32, #tpu.memory_space<hbm>>
    %dma_wait3A_294 = arith.constant 0 : i32
    %dma_wait3A_295 = arith.constant 0 : i32
    %dma_wait3A_296 = tpu.memref_slice %arg5[%dma_wait3A_285, %dma_wait3A_294, %dma_wait3A_295] : memref<4x2x80xi32, #tpu.memory_space<vmem>> -> memref<1x2x80xi32, #tpu.memory_space<vmem>>
    %dma_wait3A_297 = tpu.memref_squeeze %dma_wait3A_296 : memref<1x2x80xi32, #tpu.memory_space<vmem>> -> memref<2x80xi32, #tpu.memory_space<vmem>>
    %dma_wait3A_298 = arith.constant 0 : i32
    %dma_wait3A_299 = arith.constant 0 : i32
    %dma_wait3A_300 = tpu.memref_slice %arg3[%add3A, %dma_wait3A_284, %dma_wait3A_298, %dma_wait3A_299] : memref<32x125x2x80xi32, #tpu.memory_space<hbm>> -> memref<1x1x2x80xi32, #tpu.memory_space<hbm>>
    %dma_wait3A_301 = tpu.memref_squeeze %dma_wait3A_300 : memref<1x1x2x80xi32, #tpu.memory_space<hbm>> -> memref<2x80xi32, #tpu.memory_space<hbm>>
    tpu.wait_dma2 semaphore(%arg17 : memref<!tpu.dma_semaphore, #tpu.memory_space<semaphore_mem>>) src(%dma_wait3A_301 : memref<2x80xi32, #tpu.memory_space<hbm>>) dst(%dma_wait3A_297 : memref<2x80xi32, #tpu.memory_space<vmem>>)
    %dma_start3A_302 = arith.constant 0 : i32
    %dma_start3A_303 = arith.constant 0 : i32
    %dma_start3A_304 = arith.constant 0 : i32
    %dma_start3A_305 = tpu.memref_slice %arg5[%dma_start3A_302, %dma_start3A_303, %dma_start3A_304] : memref<4x2x80xi32, #tpu.memory_space<vmem>> -> memref<1x1x80xi32, #tpu.memory_space<vmem>>
    %dma_start3A_306 = tpu.memref_squeeze %dma_start3A_305 : memref<1x1x80xi32, #tpu.memory_space<vmem>> -> memref<80xi32, #tpu.memory_space<vmem>>
    %dma_start3A_307 = arith.constant 0 : i32
    %dma_start3A_308 = arith.constant 0 : i32
    %dma_start3A_309 = tpu.memref_slice %arg2[%dma_start3A_307, %dma_start3A_308] : memref<10000x128xf32, #tpu.memory_space<hbm>> -> memref<10000x128xf32, #tpu.memory_space<hbm>>
    tpu.enqueue_indirect_dma source(%dma_start3A_309 : memref<10000x128xf32, #tpu.memory_space<hbm>>) target(%arg7 : memref<80x128xf32, #tpu.memory_space<vmem>>) offsets(%dma_start3A_306 : memref<80xi32, #tpu.memory_space<vmem>>) semaphore(%arg12 : memref<!tpu.dma_semaphore, #tpu.memory_space<semaphore_mem>>)
    %dma_wait3A_310 = arith.constant 3 : i32
    %dma_wait3A_311 = arith.constant 0 : i32
    %dma_wait3A_312 = arith.constant 0 : i32
    %dma_wait3A_313 = tpu.memref_slice %arg5[%dma_wait3A_310, %dma_wait3A_311, %dma_wait3A_312] : memref<4x2x80xi32, #tpu.memory_space<vmem>> -> memref<1x1x80xi32, #tpu.memory_space<vmem>>
    %dma_wait3A_314 = tpu.memref_squeeze %dma_wait3A_313 : memref<1x1x80xi32, #tpu.memory_space<vmem>> -> memref<80xi32, #tpu.memory_space<vmem>>
    %dma_wait3A_315 = arith.constant 0 : i32
    %dma_wait3A_316 = arith.constant 0 : i32
    %dma_wait3A_317 = tpu.memref_slice %arg2[%dma_wait3A_315, %dma_wait3A_316] : memref<10000x128xf32, #tpu.memory_space<hbm>> -> memref<10000x128xf32, #tpu.memory_space<hbm>>
    tpu.wait_indirect_dma semaphore(%arg11 : memref<!tpu.dma_semaphore, #tpu.memory_space<semaphore_mem>>) src(%dma_wait3A_317 : memref<10000x128xf32, #tpu.memory_space<hbm>>) dst(%arg6 : memref<80x128xf32, #tpu.memory_space<vmem>>)
    %dma_start3A_318 = arith.constant 3 : i32
    %dma_start3A_319 = arith.constant 1 : i32
    %dma_start3A_320 = arith.constant 0 : i32
    %dma_start3A_321 = tpu.memref_slice %arg5[%dma_start3A_318, %dma_start3A_319, %dma_start3A_320] : memref<4x2x80xi32, #tpu.memory_space<vmem>> -> memref<1x1x80xi32, #tpu.memory_space<vmem>>
    %dma_start3A_322 = tpu.memref_squeeze %dma_start3A_321 : memref<1x1x80xi32, #tpu.memory_space<vmem>> -> memref<80xi32, #tpu.memory_space<vmem>>
    %dma_start3A_323 = arith.constant 0 : i32
    %dma_start3A_324 = arith.constant 0 : i32
    %dma_start3A_325 = tpu.memref_slice %arg10[%dma_start3A_323, %dma_start3A_324] : memref<10240x128xf32, #tpu.memory_space<vmem_shared>> -> memref<10240x128xf32, #tpu.memory_space<vmem_shared>>
    tpu.enqueue_indirect_dma source(%arg6 : memref<80x128xf32, #tpu.memory_space<vmem>>) target(%dma_start3A_325 : memref<10240x128xf32, #tpu.memory_space<vmem_shared>>) offsets(%dma_start3A_322 : memref<80xi32, #tpu.memory_space<vmem>>) semaphore(%arg14 : memref<!tpu.dma_semaphore, #tpu.memory_space<semaphore_mem>>) {add = true}
    %dma_wait3A_326 = arith.constant 2 : i32
    %dma_wait3A_327 = arith.constant 1 : i32
    %dma_wait3A_328 = arith.constant 0 : i32
    %dma_wait3A_329 = tpu.memref_slice %arg5[%dma_wait3A_326, %dma_wait3A_327, %dma_wait3A_328] : memref<4x2x80xi32, #tpu.memory_space<vmem>> -> memref<1x1x80xi32, #tpu.memory_space<vmem>>
    %dma_wait3A_330 = tpu.memref_squeeze %dma_wait3A_329 : memref<1x1x80xi32, #tpu.memory_space<vmem>> -> memref<80xi32, #tpu.memory_space<vmem>>
    %dma_wait3A_331 = arith.constant 0 : i32
    %dma_wait3A_332 = arith.constant 0 : i32
    %dma_wait3A_333 = tpu.memref_slice %arg10[%dma_wait3A_331, %dma_wait3A_332] : memref<10240x128xf32, #tpu.memory_space<vmem_shared>> -> memref<10240x128xf32, #tpu.memory_space<vmem_shared>>
    tpu.wait_indirect_dma semaphore(%arg16 : memref<!tpu.dma_semaphore, #tpu.memory_space<semaphore_mem>>) src(%arg8 : memref<80x128xf32, #tpu.memory_space<vmem>>) dst(%dma_wait3A_333 : memref<10240x128xf32, #tpu.memory_space<vmem_shared>>)
    %dma_wait3A_334 = arith.constant 0 : i32
    %dma_wait3A_335 = arith.constant 0 : i32
    %dma_wait3A_336 = arith.constant 0 : i32
    %dma_wait3A_337 = tpu.memref_slice %arg5[%dma_wait3A_334, %dma_wait3A_335, %dma_wait3A_336] : memref<4x2x80xi32, #tpu.memory_space<vmem>> -> memref<1x1x80xi32, #tpu.memory_space<vmem>>
    %dma_wait3A_338 = tpu.memref_squeeze %dma_wait3A_337 : memref<1x1x80xi32, #tpu.memory_space<vmem>> -> memref<80xi32, #tpu.memory_space<vmem>>
    %dma_wait3A_339 = arith.constant 0 : i32
    %dma_wait3A_340 = arith.constant 0 : i32
    %dma_wait3A_341 = tpu.memref_slice %arg2[%dma_wait3A_339, %dma_wait3A_340] : memref<10000x128xf32, #tpu.memory_space<hbm>> -> memref<10000x128xf32, #tpu.memory_space<hbm>>
    tpu.wait_indirect_dma semaphore(%arg12 : memref<!tpu.dma_semaphore, #tpu.memory_space<semaphore_mem>>) src(%dma_wait3A_341 : memref<10000x128xf32, #tpu.memory_space<hbm>>) dst(%arg7 : memref<80x128xf32, #tpu.memory_space<vmem>>)
    %dma_start3A_342 = arith.constant 0 : i32
    %dma_start3A_343 = arith.constant 1 : i32
    %dma_start3A_344 = arith.constant 0 : i32
    %dma_start3A_345 = tpu.memref_slice %arg5[%dma_start3A_342, %dma_start3A_343, %dma_start3A_344] : memref<4x2x80xi32, #tpu.memory_space<vmem>> -> memref<1x1x80xi32, #tpu.memory_space<vmem>>
    %dma_start3A_346 = tpu.memref_squeeze %dma_start3A_345 : memref<1x1x80xi32, #tpu.memory_space<vmem>> -> memref<80xi32, #tpu.memory_space<vmem>>
    %dma_start3A_347 = arith.constant 0 : i32
    %dma_start3A_348 = arith.constant 0 : i32
    %dma_start3A_349 = tpu.memref_slice %arg10[%dma_start3A_347, %dma_start3A_348] : memref<10240x128xf32, #tpu.memory_space<vmem_shared>> -> memref<10240x128xf32, #tpu.memory_space<vmem_shared>>
    tpu.enqueue_indirect_dma source(%arg7 : memref<80x128xf32, #tpu.memory_space<vmem>>) target(%dma_start3A_349 : memref<10240x128xf32, #tpu.memory_space<vmem_shared>>) offsets(%dma_start3A_346 : memref<80xi32, #tpu.memory_space<vmem>>) semaphore(%arg15 : memref<!tpu.dma_semaphore, #tpu.memory_space<semaphore_mem>>) {add = true}
    %dma_wait3A_350 = arith.constant 3 : i32
    %dma_wait3A_351 = arith.constant 1 : i32
    %dma_wait3A_352 = arith.constant 0 : i32
    %dma_wait3A_353 = tpu.memref_slice %arg5[%dma_wait3A_350, %dma_wait3A_351, %dma_wait3A_352] : memref<4x2x80xi32, #tpu.memory_space<vmem>> -> memref<1x1x80xi32, #tpu.memory_space<vmem>>
    %dma_wait3A_354 = tpu.memref_squeeze %dma_wait3A_353 : memref<1x1x80xi32, #tpu.memory_space<vmem>> -> memref<80xi32, #tpu.memory_space<vmem>>
    %dma_wait3A_355 = arith.constant 0 : i32
    %dma_wait3A_356 = arith.constant 0 : i32
    %dma_wait3A_357 = tpu.memref_slice %arg10[%dma_wait3A_355, %dma_wait3A_356] : memref<10240x128xf32, #tpu.memory_space<vmem_shared>> -> memref<10240x128xf32, #tpu.memory_space<vmem_shared>>
    tpu.wait_indirect_dma semaphore(%arg14 : memref<!tpu.dma_semaphore, #tpu.memory_space<semaphore_mem>>) src(%arg6 : memref<80x128xf32, #tpu.memory_space<vmem>>) dst(%dma_wait3A_357 : memref<10240x128xf32, #tpu.memory_space<vmem_shared>>)
    %dma_wait3A_358 = arith.constant 0 : i32
    %dma_wait3A_359 = arith.constant 1 : i32
    %dma_wait3A_360 = arith.constant 0 : i32
    %dma_wait3A_361 = tpu.memref_slice %arg5[%dma_wait3A_358, %dma_wait3A_359, %dma_wait3A_360] : memref<4x2x80xi32, #tpu.memory_space<vmem>> -> memref<1x1x80xi32, #tpu.memory_space<vmem>>
    %dma_wait3A_362 = tpu.memref_squeeze %dma_wait3A_361 : memref<1x1x80xi32, #tpu.memory_space<vmem>> -> memref<80xi32, #tpu.memory_space<vmem>>
    %dma_wait3A_363 = arith.constant 0 : i32
    %dma_wait3A_364 = arith.constant 0 : i32
    %dma_wait3A_365 = tpu.memref_slice %arg10[%dma_wait3A_363, %dma_wait3A_364] : memref<10240x128xf32, #tpu.memory_space<vmem_shared>> -> memref<10240x128xf32, #tpu.memory_space<vmem_shared>>
    tpu.wait_indirect_dma semaphore(%arg15 : memref<!tpu.dma_semaphore, #tpu.memory_space<semaphore_mem>>) src(%arg7 : memref<80x128xf32, #tpu.memory_space<vmem>>) dst(%dma_wait3A_365 : memref<10240x128xf32, #tpu.memory_space<vmem_shared>>)
    %barrier3A_366 = arith.constant 0 : index
    tpu.barrier barrier_id(%barrier3A_366)
    %mul3A_367 = arith.constant 640 : i32
    %mul3A_368 = arith.muli %arg1, %mul3A_367 : i32
    %mul3A_369 = arith.constant 640 : i32
    %mul3A_370 = arith.muli %arg1, %mul3A_369 : i32
    "tpu.region"() ({
      %run_scoped3A = tpu.sem_alloc : memref<!tpu.dma_semaphore, #tpu.memory_space<semaphore_mem>>
      %dma_start3A_371 = arith.constant 0 : i32
      %dma_start3A_372 = tpu.memref_slice %arg4[%arg0, %mul3A_370, %dma_start3A_371] : memref<2x10240x128xf32, #tpu.memory_space<hbm>> -> memref<1x640x128xf32, #tpu.memory_space<hbm>>
      %dma_start3A_373 = tpu.memref_squeeze %dma_start3A_372 : memref<1x640x128xf32, #tpu.memory_space<hbm>> -> memref<640x128xf32, #tpu.memory_space<hbm>>
      %dma_start3A_374 = arith.constant 0 : i32
      %dma_start3A_375 = tpu.memref_slice %arg10[%mul3A_368, %dma_start3A_374] : memref<10240x128xf32, #tpu.memory_space<vmem_shared>> -> memref<640x128xf32, #tpu.memory_space<vmem_shared>>
      tpu.enqueue_dma source(%dma_start3A_375 : memref<640x128xf32, #tpu.memory_space<vmem_shared>>) target(%dma_start3A_373 : memref<640x128xf32, #tpu.memory_space<hbm>>) target_semaphore(%run_scoped3A : memref<!tpu.dma_semaphore, #tpu.memory_space<semaphore_mem>>)
      %dma_wait3A_376 = arith.constant 0 : i32
      %dma_wait3A_377 = tpu.memref_slice %arg4[%arg0, %mul3A_370, %dma_wait3A_376] : memref<2x10240x128xf32, #tpu.memory_space<hbm>> -> memref<1x640x128xf32, #tpu.memory_space<hbm>>
      %dma_wait3A_378 = tpu.memref_squeeze %dma_wait3A_377 : memref<1x640x128xf32, #tpu.memory_space<hbm>> -> memref<640x128xf32, #tpu.memory_space<hbm>>
      %dma_wait3A_379 = arith.constant 0 : i32
      %dma_wait3A_380 = tpu.memref_slice %arg10[%mul3A_368, %dma_wait3A_379] : memref<10240x128xf32, #tpu.memory_space<vmem_shared>> -> memref<640x128xf32, #tpu.memory_space<vmem_shared>>
      tpu.wait_dma2 semaphore(%run_scoped3A : memref<!tpu.dma_semaphore, #tpu.memory_space<semaphore_mem>>) src(%dma_wait3A_380 : memref<640x128xf32, #tpu.memory_space<vmem_shared>>) dst(%dma_wait3A_378 : memref<640x128xf32, #tpu.memory_space<hbm>>)
      tpu.yield
    }) : () -> ()
    return
  }
}

#map = affine_map<(d0, d1) -> (0, 0, 0)>
#map1 = affine_map<(d0, d1) -> (0, 0)>
module attributes {stable_mosaic.version = 14 : i64} {
  func.func @_degree_kernel(%arg0: i32, %arg1: i32, %arg2: memref<32x125x80xi32, #tpu.memory_space<hbm>>, %arg3: memref<2x10240xf32, #tpu.memory_space<hbm>>, %arg4: memref<125x80xi32, #tpu.memory_space<vmem>>, %arg5: memref<80xf32, #tpu.memory_space<vmem>>, %arg6: memref<640xf32, #tpu.memory_space<vmem>>, %arg7: memref<10240xf32, #tpu.memory_space<vmem_shared>>, %arg8: memref<!tpu.dma_semaphore, #tpu.memory_space<semaphore_mem>>) attributes {dimension_semantics = [#tpu.dimension_semantics<core_parallel>, #tpu.dimension_semantics<subcore_parallel>], iteration_bounds = array<i64: 2, 16>, scalar_prefetch = 0 : i64, scratch_operands = 5 : i64, tpu.core_type = #tpu.core_type<sc_vector_subcore>, window_params = [{transform_indices = #map}, {transform_indices = #map1}]} {
    %mul3A = arith.constant 16 : i32
    %mul3A_0 = arith.muli %arg0, %mul3A : i32
    %add3A = arith.addi %mul3A_0, %arg1 : i32
    "tpu.region"() ({
      %run_scoped3A = tpu.sem_alloc : memref<!tpu.dma_semaphore, #tpu.memory_space<semaphore_mem>>
      %dma_start3A = arith.constant 0 : i32
      %dma_start3A_35 = arith.constant 0 : i32
      %dma_start3A_36 = tpu.memref_slice %arg2[%add3A, %dma_start3A, %dma_start3A_35] : memref<32x125x80xi32, #tpu.memory_space<hbm>> -> memref<1x125x80xi32, #tpu.memory_space<hbm>>
      %dma_start3A_37 = tpu.memref_squeeze %dma_start3A_36 : memref<1x125x80xi32, #tpu.memory_space<hbm>> -> memref<125x80xi32, #tpu.memory_space<hbm>>
      %dma_start3A_38 = arith.constant 0 : i32
      %dma_start3A_39 = arith.constant 0 : i32
      %dma_start3A_40 = tpu.memref_slice %arg2[%add3A, %dma_start3A_38, %dma_start3A_39] : memref<32x125x80xi32, #tpu.memory_space<hbm>> -> memref<1x125x80xi32, #tpu.memory_space<hbm>>
      %dma_start3A_41 = tpu.memref_squeeze %dma_start3A_40 : memref<1x125x80xi32, #tpu.memory_space<hbm>> -> memref<125x80xi32, #tpu.memory_space<hbm>>
      tpu.enqueue_dma source(%dma_start3A_41 : memref<125x80xi32, #tpu.memory_space<hbm>>) target(%arg4 : memref<125x80xi32, #tpu.memory_space<vmem>>) target_semaphore(%run_scoped3A : memref<!tpu.dma_semaphore, #tpu.memory_space<semaphore_mem>>)
      %dma_wait3A = arith.constant 0 : i32
      %dma_wait3A_42 = arith.constant 0 : i32
      %dma_wait3A_43 = tpu.memref_slice %arg2[%add3A, %dma_wait3A, %dma_wait3A_42] : memref<32x125x80xi32, #tpu.memory_space<hbm>> -> memref<1x125x80xi32, #tpu.memory_space<hbm>>
      %dma_wait3A_44 = tpu.memref_squeeze %dma_wait3A_43 : memref<1x125x80xi32, #tpu.memory_space<hbm>> -> memref<125x80xi32, #tpu.memory_space<hbm>>
      %dma_wait3A_45 = arith.constant 0 : i32
      %dma_wait3A_46 = arith.constant 0 : i32
      %dma_wait3A_47 = tpu.memref_slice %arg2[%add3A, %dma_wait3A_45, %dma_wait3A_46] : memref<32x125x80xi32, #tpu.memory_space<hbm>> -> memref<1x125x80xi32, #tpu.memory_space<hbm>>
      %dma_wait3A_48 = tpu.memref_squeeze %dma_wait3A_47 : memref<1x125x80xi32, #tpu.memory_space<hbm>> -> memref<125x80xi32, #tpu.memory_space<hbm>>
      tpu.wait_dma2 semaphore(%run_scoped3A : memref<!tpu.dma_semaphore, #tpu.memory_space<semaphore_mem>>) src(%dma_wait3A_48 : memref<125x80xi32, #tpu.memory_space<hbm>>) dst(%arg4 : memref<125x80xi32, #tpu.memory_space<vmem>>)
      tpu.yield
    }) : () -> ()
    %scan3A = arith.constant 0 : i32
    %scan3A_1 = arith.constant 0 : i32
    %scan3A_2 = arith.constant 40 : i32
    %scan3A_3 = arith.addi %scan3A_1, %scan3A_2 : i32
    %scan3A_4 = arith.constant 1 : i32
    %scan3A_5 = scf.for %scan3A_35 = %scan3A_1 to %scan3A_3 step %scan3A_4 iter_args(%scan3A_36 = %scan3A) -> (i32)  : i32 {
      %broadcast_in_dim3A = arith.constant 0.000000e+00 : f32
      %broadcast_in_dim3A_37 = vector.broadcast %broadcast_in_dim3A : f32 to vector<16xf32>
      %mul3A_38 = arith.constant 16 : i32
      %mul3A_39 = arith.muli %scan3A_35, %mul3A_38 : i32
      %swap3A = arith.index_cast %mul3A_39 : i32 to index
      %swap3A_40 = tpu.vector_load %arg6[%swap3A] {strides = array<i32>} : memref<640xf32, #tpu.memory_space<vmem>>, vector<16xf32>,
      %swap3A_41 = vector.shape_cast %swap3A_40 : vector<16xf32> to vector<16xf32>
      %swap3A_42 = vector.shape_cast %broadcast_in_dim3A_37 : vector<16xf32> to vector<16xf32>
      tpu.vector_store %arg6[%swap3A], %swap3A_42 {strides = array<i32>} : memref<640xf32, #tpu.memory_space<vmem>>, vector<16xf32>,
      %scan3A_43 = arith.constant 0 : i32
      scf.yield %scan3A_43 : i32
    }
    %scan3A_6 = arith.constant 40 : i32
    %scan3A_7 = arith.constant 0 : i32
    %scan3A_8 = arith.constant 0 : i32
    %scan3A_9 = arith.constant 5 : i32
    %scan3A_10 = arith.addi %scan3A_8, %scan3A_9 : i32
    %scan3A_11 = arith.constant 1 : i32
    %scan3A_12 = scf.for %scan3A_35 = %scan3A_8 to %scan3A_10 step %scan3A_11 iter_args(%scan3A_36 = %scan3A_7) -> (i32)  : i32 {
      %broadcast_in_dim3A = arith.constant 1.000000e+00 : f32
      %broadcast_in_dim3A_37 = vector.broadcast %broadcast_in_dim3A : f32 to vector<16xf32>
      %mul3A_38 = arith.constant 16 : i32
      %mul3A_39 = arith.muli %scan3A_35, %mul3A_38 : i32
      %swap3A = arith.index_cast %mul3A_39 : i32 to index
      %swap3A_40 = tpu.vector_load %arg5[%swap3A] {strides = array<i32>} : memref<80xf32, #tpu.memory_space<vmem>>, vector<16xf32>,
      %swap3A_41 = vector.shape_cast %swap3A_40 : vector<16xf32> to vector<16xf32>
      %swap3A_42 = vector.shape_cast %broadcast_in_dim3A_37 : vector<16xf32> to vector<16xf32>
      tpu.vector_store %arg5[%swap3A], %swap3A_42 {strides = array<i32>} : memref<80xf32, #tpu.memory_space<vmem>>, vector<16xf32>,
      %scan3A_43 = arith.constant 0 : i32
      scf.yield %scan3A_43 : i32
    }
    %scan3A_13 = arith.constant 5 : i32
    %mul3A_14 = arith.constant 640 : i32
    %mul3A_15 = arith.muli %arg1, %mul3A_14 : i32
    "tpu.region"() ({
      %run_scoped3A = tpu.sem_alloc : memref<!tpu.dma_semaphore, #tpu.memory_space<semaphore_mem>>
      %dma_start3A = tpu.memref_slice %arg7[%mul3A_15] : memref<10240xf32, #tpu.memory_space<vmem_shared>> -> memref<640xf32, #tpu.memory_space<vmem_shared>>
      %dma_start3A_35 = tpu.memref_slice %arg7[%mul3A_15] : memref<10240xf32, #tpu.memory_space<vmem_shared>> -> memref<640xf32, #tpu.memory_space<vmem_shared>>
      tpu.enqueue_dma source(%arg6 : memref<640xf32, #tpu.memory_space<vmem>>) target(%dma_start3A_35 : memref<640xf32, #tpu.memory_space<vmem_shared>>) target_semaphore(%run_scoped3A : memref<!tpu.dma_semaphore, #tpu.memory_space<semaphore_mem>>)
      %dma_wait3A = tpu.memref_slice %arg7[%mul3A_15] : memref<10240xf32, #tpu.memory_space<vmem_shared>> -> memref<640xf32, #tpu.memory_space<vmem_shared>>
      %dma_wait3A_36 = tpu.memref_slice %arg7[%mul3A_15] : memref<10240xf32, #tpu.memory_space<vmem_shared>> -> memref<640xf32, #tpu.memory_space<vmem_shared>>
      tpu.wait_dma2 semaphore(%run_scoped3A : memref<!tpu.dma_semaphore, #tpu.memory_space<semaphore_mem>>) src(%arg6 : memref<640xf32, #tpu.memory_space<vmem>>) dst(%dma_wait3A_36 : memref<640xf32, #tpu.memory_space<vmem_shared>>)
      tpu.yield
    }) : () -> ()
    %barrier3A = arith.constant 0 : index
    tpu.barrier barrier_id(%barrier3A)
    %scan3A_16 = arith.constant 0 : i32
    %scan3A_17 = arith.constant 0 : i32
    %scan3A_18 = arith.constant 125 : i32
    %scan3A_19 = arith.addi %scan3A_17, %scan3A_18 : i32
    %scan3A_20 = arith.constant 1 : i32
    %scan3A_21 = scf.for %scan3A_35 = %scan3A_17 to %scan3A_19 step %scan3A_20 iter_args(%scan3A_36 = %scan3A_16) -> (i32)  : i32 {
      %dma_start3A = arith.constant 0 : i32
      %dma_start3A_37 = tpu.memref_slice %arg4[%scan3A_35, %dma_start3A] : memref<125x80xi32, #tpu.memory_space<vmem>> -> memref<1x80xi32, #tpu.memory_space<vmem>>
      %dma_start3A_38 = tpu.memref_squeeze %dma_start3A_37 : memref<1x80xi32, #tpu.memory_space<vmem>> -> memref<80xi32, #tpu.memory_space<vmem>>
      %dma_start3A_39 = arith.constant 0 : i32
      %dma_start3A_40 = tpu.memref_slice %arg7[%dma_start3A_39] : memref<10240xf32, #tpu.memory_space<vmem_shared>> -> memref<10240xf32, #tpu.memory_space<vmem_shared>>
      tpu.enqueue_indirect_dma source(%arg5 : memref<80xf32, #tpu.memory_space<vmem>>) target(%dma_start3A_40 : memref<10240xf32, #tpu.memory_space<vmem_shared>>) offsets(%dma_start3A_38 : memref<80xi32, #tpu.memory_space<vmem>>) semaphore(%arg8 : memref<!tpu.dma_semaphore, #tpu.memory_space<semaphore_mem>>) {add = true}
      %scan3A_41 = arith.constant 0 : i32
      scf.yield %scan3A_41 : i32
    }
    %scan3A_22 = arith.constant 125 : i32
    %scan3A_23 = arith.constant 0 : i32
    %scan3A_24 = arith.constant 0 : i32
    %scan3A_25 = arith.constant 125 : i32
    %scan3A_26 = arith.addi %scan3A_24, %scan3A_25 : i32
    %scan3A_27 = arith.constant 1 : i32
    %scan3A_28 = scf.for %scan3A_35 = %scan3A_24 to %scan3A_26 step %scan3A_27 iter_args(%scan3A_36 = %scan3A_23) -> (i32)  : i32 {
      %dma_wait3A = arith.constant 0 : i32
      %dma_wait3A_37 = tpu.memref_slice %arg4[%scan3A_35, %dma_wait3A] : memref<125x80xi32, #tpu.memory_space<vmem>> -> memref<1x80xi32, #tpu.memory_space<vmem>>
      %dma_wait3A_38 = tpu.memref_squeeze %dma_wait3A_37 : memref<1x80xi32, #tpu.memory_space<vmem>> -> memref<80xi32, #tpu.memory_space<vmem>>
      %dma_wait3A_39 = arith.constant 0 : i32
      %dma_wait3A_40 = tpu.memref_slice %arg7[%dma_wait3A_39] : memref<10240xf32, #tpu.memory_space<vmem_shared>> -> memref<10240xf32, #tpu.memory_space<vmem_shared>>
      tpu.wait_indirect_dma semaphore(%arg8 : memref<!tpu.dma_semaphore, #tpu.memory_space<semaphore_mem>>) src(%arg5 : memref<80xf32, #tpu.memory_space<vmem>>) dst(%dma_wait3A_40 : memref<10240xf32, #tpu.memory_space<vmem_shared>>)
      %scan3A_41 = arith.constant 0 : i32
      scf.yield %scan3A_41 : i32
    }
    %scan3A_29 = arith.constant 125 : i32
    %barrier3A_30 = arith.constant 0 : index
    tpu.barrier barrier_id(%barrier3A_30)
    %mul3A_31 = arith.constant 640 : i32
    %mul3A_32 = arith.muli %arg1, %mul3A_31 : i32
    %mul3A_33 = arith.constant 640 : i32
    %mul3A_34 = arith.muli %arg1, %mul3A_33 : i32
    "tpu.region"() ({
      %run_scoped3A = tpu.sem_alloc : memref<!tpu.dma_semaphore, #tpu.memory_space<semaphore_mem>>
      %dma_start3A = tpu.memref_slice %arg3[%arg0, %mul3A_34] : memref<2x10240xf32, #tpu.memory_space<hbm>> -> memref<1x640xf32, #tpu.memory_space<hbm>>
      %dma_start3A_35 = tpu.memref_squeeze %dma_start3A : memref<1x640xf32, #tpu.memory_space<hbm>> -> memref<640xf32, #tpu.memory_space<hbm>>
      %dma_start3A_36 = tpu.memref_slice %arg7[%mul3A_32] : memref<10240xf32, #tpu.memory_space<vmem_shared>> -> memref<640xf32, #tpu.memory_space<vmem_shared>>
      tpu.enqueue_dma source(%dma_start3A_36 : memref<640xf32, #tpu.memory_space<vmem_shared>>) target(%dma_start3A_35 : memref<640xf32, #tpu.memory_space<hbm>>) target_semaphore(%run_scoped3A : memref<!tpu.dma_semaphore, #tpu.memory_space<semaphore_mem>>)
      %dma_wait3A = tpu.memref_slice %arg3[%arg0, %mul3A_34] : memref<2x10240xf32, #tpu.memory_space<hbm>> -> memref<1x640xf32, #tpu.memory_space<hbm>>
      %dma_wait3A_37 = tpu.memref_squeeze %dma_wait3A : memref<1x640xf32, #tpu.memory_space<hbm>> -> memref<640xf32, #tpu.memory_space<hbm>>
      %dma_wait3A_38 = tpu.memref_slice %arg7[%mul3A_32] : memref<10240xf32, #tpu.memory_space<vmem_shared>> -> memref<640xf32, #tpu.memory_space<vmem_shared>>
      tpu.wait_dma2 semaphore(%run_scoped3A : memref<!tpu.dma_semaphore, #tpu.memory_space<semaphore_mem>>) src(%dma_wait3A_38 : memref<640xf32, #tpu.memory_space<vmem_shared>>) dst(%dma_wait3A_37 : memref<640xf32, #tpu.memory_space<hbm>>)
      tpu.yield
    }) : () -> ()
    return
  }
}

#map = affine_map<(d0, d1) -> (0, 0)>
#map1 = affine_map<(d0, d1) -> (0, 0, 0, 0)>
#map2 = affine_map<(d0, d1) -> (0, 0, 0)>
module attributes {stable_mosaic.version = 14 : i64} {
  func.func @_agg_kernel(%arg0: i32, %arg1: i32, %arg2: memref<10000x128xf32, #tpu.memory_space<hbm>>, %arg3: memref<32x125x2x80xi32, #tpu.memory_space<hbm>>, %arg4: memref<2x10240x128xf32, #tpu.memory_space<hbm>>, %arg5: memref<4x2x80xi32, #tpu.memory_space<vmem>>, %arg6: memref<80x128xf32, #tpu.memory_space<vmem>>, %arg7: memref<80x128xf32, #tpu.memory_space<vmem>>, %arg8: memref<80x128xf32, #tpu.memory_space<vmem>>, %arg9: memref<8x128xf32, #tpu.memory_space<vmem>>, %arg10: memref<10240x128xf32, #tpu.memory_space<vmem_shared>>, %arg11: memref<!tpu.dma_semaphore, #tpu.memory_space<semaphore_mem>>, %arg12: memref<!tpu.dma_semaphore, #tpu.memory_space<semaphore_mem>>, %arg13: memref<!tpu.dma_semaphore, #tpu.memory_space<semaphore_mem>>, %arg14: memref<!tpu.dma_semaphore, #tpu.memory_space<semaphore_mem>>, %arg15: memref<!tpu.dma_semaphore, #tpu.memory_space<semaphore_mem>>, %arg16: memref<!tpu.dma_semaphore, #tpu.memory_space<semaphore_mem>>, %arg17: memref<!tpu.dma_semaphore, #tpu.memory_space<semaphore_mem>>, %arg18: memref<!tpu.dma_semaphore, #tpu.memory_space<semaphore_mem>>, %arg19: memref<!tpu.dma_semaphore, #tpu.memory_space<semaphore_mem>>, %arg20: memref<!tpu.dma_semaphore, #tpu.memory_space<semaphore_mem>>) attributes {dimension_semantics = [#tpu.dimension_semantics<core_parallel>, #tpu.dimension_semantics<subcore_parallel>], iteration_bounds = array<i64: 2, 16>, scalar_prefetch = 0 : i64, scratch_operands = 16 : i64, tpu.core_type = #tpu.core_type<sc_vector_subcore>, window_params = [{transform_indices = #map}, {transform_indices = #map1}, {transform_indices = #map2}]} {
    %mul3A = arith.constant 16 : i32
    %mul3A_0 = arith.muli %arg0, %mul3A : i32
    %add3A = arith.addi %mul3A_0, %arg1 : i32
    %scan3A = arith.constant 0 : i32
    %scan3A_1 = arith.constant 0 : i32
    %scan3A_2 = arith.constant 8 : i32
    %scan3A_3 = arith.addi %scan3A_1, %scan3A_2 : i32
    %scan3A_4 = arith.constant 1 : i32
    %scan3A_5 = scf.for %scan3A_371 = %scan3A_1 to %scan3A_3 step %scan3A_4 iter_args(%scan3A_372 = %scan3A) -> (i32)  : i32 {
      %broadcast_in_dim3A = arith.constant 0.000000e+00 : f32
      %broadcast_in_dim3A_373 = vector.broadcast %broadcast_in_dim3A : f32 to vector<16xf32>
      %swap3A = arith.index_cast %scan3A_371 : i32 to index
      %swap3A_374 = arith.constant 0 : index
      %swap3A_375 = tpu.vector_load %arg9[%swap3A, %swap3A_374] {strides = array<i32>} : memref<8x128xf32, #tpu.memory_space<vmem>>, vector<1x16xf32>,
      %swap3A_376 = vector.shape_cast %swap3A_375 : vector<1x16xf32> to vector<16xf32>
      %swap3A_377 = vector.shape_cast %broadcast_in_dim3A_373 : vector<16xf32> to vector<1x16xf32>
      tpu.vector_store %arg9[%swap3A, %swap3A_374], %swap3A_377 {strides = array<i32>} : memref<8x128xf32, #tpu.memory_space<vmem>>, vector<1x16xf32>,
      %broadcast_in_dim3A_378 = arith.constant 0.000000e+00 : f32
      %broadcast_in_dim3A_379 = vector.broadcast %broadcast_in_dim3A_378 : f32 to vector<16xf32>
      %swap3A_380 = arith.index_cast %scan3A_371 : i32 to index
      %swap3A_381 = arith.constant 16 : index
      %swap3A_382 = tpu.vector_load %arg9[%swap3A_380, %swap3A_381] {strides = array<i32>} : memref<8x128xf32, #tpu.memory_space<vmem>>, vector<1x16xf32>,
      %swap3A_383 = vector.shape_cast %swap3A_382 : vector<1x16xf32> to vector<16xf32>
      %swap3A_384 = vector.shape_cast %broadcast_in_dim3A_379 : vector<16xf32> to vector<1x16xf32>
      tpu.vector_store %arg9[%swap3A_380, %swap3A_381], %swap3A_384 {strides = array<i32>} : memref<8x128xf32, #tpu.memory_space<vmem>>, vector<1x16xf32>,
      %broadcast_in_dim3A_385 = arith.constant 0.000000e+00 : f32
      %broadcast_in_dim3A_386 = vector.broadcast %broadcast_in_dim3A_385 : f32 to vector<16xf32>
      %swap3A_387 = arith.index_cast %scan3A_371 : i32 to index
      %swap3A_388 = arith.constant 32 : index
      %swap3A_389 = tpu.vector_load %arg9[%swap3A_387, %swap3A_388] {strides = array<i32>} : memref<8x128xf32, #tpu.memory_space<vmem>>, vector<1x16xf32>,
      %swap3A_390 = vector.shape_cast %swap3A_389 : vector<1x16xf32> to vector<16xf32>
      %swap3A_391 = vector.shape_cast %broadcast_in_dim3A_386 : vector<16xf32> to vector<1x16xf32>
      tpu.vector_store %arg9[%swap3A_387, %swap3A_388], %swap3A_391 {strides = array<i32>} : memref<8x128xf32, #tpu.memory_space<vmem>>, vector<1x16xf32>,
      %broadcast_in_dim3A_392 = arith.constant 0.000000e+00 : f32
      %broadcast_in_dim3A_393 = vector.broadcast %broadcast_in_dim3A_392 : f32 to vector<16xf32>
      %swap3A_394 = arith.index_cast %scan3A_371 : i32 to index
      %swap3A_395 = arith.constant 48 : index
      %swap3A_396 = tpu.vector_load %arg9[%swap3A_394, %swap3A_395] {strides = array<i32>} : memref<8x128xf32, #tpu.memory_space<vmem>>, vector<1x16xf32>,
      %swap3A_397 = vector.shape_cast %swap3A_396 : vector<1x16xf32> to vector<16xf32>
      %swap3A_398 = vector.shape_cast %broadcast_in_dim3A_393 : vector<16xf32> to vector<1x16xf32>
      tpu.vector_store %arg9[%swap3A_394, %swap3A_395], %swap3A_398 {strides = array<i32>} : memref<8x128xf32, #tpu.memory_space<vmem>>, vector<1x16xf32>,
      %broadcast_in_dim3A_399 = arith.constant 0.000000e+00 : f32
      %broadcast_in_dim3A_400 = vector.broadcast %broadcast_in_dim3A_399 : f32 to vector<16xf32>
      %swap3A_401 = arith.index_cast %scan3A_371 : i32 to index
      %swap3A_402 = arith.constant 64 : index
      %swap3A_403 = tpu.vector_load %arg9[%swap3A_401, %swap3A_402] {strides = array<i32>} : memref<8x128xf32, #tpu.memory_space<vmem>>, vector<1x16xf32>,
      %swap3A_404 = vector.shape_cast %swap3A_403 : vector<1x16xf32> to vector<16xf32>
      %swap3A_405 = vector.shape_cast %broadcast_in_dim3A_400 : vector<16xf32> to vector<1x16xf32>
      tpu.vector_store %arg9[%swap3A_401, %swap3A_402], %swap3A_405 {strides = array<i32>} : memref<8x128xf32, #tpu.memory_space<vmem>>, vector<1x16xf32>,
      %broadcast_in_dim3A_406 = arith.constant 0.000000e+00 : f32
      %broadcast_in_dim3A_407 = vector.broadcast %broadcast_in_dim3A_406 : f32 to vector<16xf32>
      %swap3A_408 = arith.index_cast %scan3A_371 : i32 to index
      %swap3A_409 = arith.constant 80 : index
      %swap3A_410 = tpu.vector_load %arg9[%swap3A_408, %swap3A_409] {strides = array<i32>} : memref<8x128xf32, #tpu.memory_space<vmem>>, vector<1x16xf32>,
      %swap3A_411 = vector.shape_cast %swap3A_410 : vector<1x16xf32> to vector<16xf32>
      %swap3A_412 = vector.shape_cast %broadcast_in_dim3A_407 : vector<16xf32> to vector<1x16xf32>
      tpu.vector_store %arg9[%swap3A_408, %swap3A_409], %swap3A_412 {strides = array<i32>} : memref<8x128xf32, #tpu.memory_space<vmem>>, vector<1x16xf32>,
      %broadcast_in_dim3A_413 = arith.constant 0.000000e+00 : f32
      %broadcast_in_dim3A_414 = vector.broadcast %broadcast_in_dim3A_413 : f32 to vector<16xf32>
      %swap3A_415 = arith.index_cast %scan3A_371 : i32 to index
      %swap3A_416 = arith.constant 96 : index
      %swap3A_417 = tpu.vector_load %arg9[%swap3A_415, %swap3A_416] {strides = array<i32>} : memref<8x128xf32, #tpu.memory_space<vmem>>, vector<1x16xf32>,
      %swap3A_418 = vector.shape_cast %swap3A_417 : vector<1x16xf32> to vector<16xf32>
      %swap3A_419 = vector.shape_cast %broadcast_in_dim3A_414 : vector<16xf32> to vector<1x16xf32>
      tpu.vector_store %arg9[%swap3A_415, %swap3A_416], %swap3A_419 {strides = array<i32>} : memref<8x128xf32, #tpu.memory_space<vmem>>, vector<1x16xf32>,
      %broadcast_in_dim3A_420 = arith.constant 0.000000e+00 : f32
      %broadcast_in_dim3A_421 = vector.broadcast %broadcast_in_dim3A_420 : f32 to vector<16xf32>
      %swap3A_422 = arith.index_cast %scan3A_371 : i32 to index
      %swap3A_423 = arith.constant 112 : index
      %swap3A_424 = tpu.vector_load %arg9[%swap3A_422, %swap3A_423] {strides = array<i32>} : memref<8x128xf32, #tpu.memory_space<vmem>>, vector<1x16xf32>,
      %swap3A_425 = vector.shape_cast %swap3A_424 : vector<1x16xf32> to vector<16xf32>
      %swap3A_426 = vector.shape_cast %broadcast_in_dim3A_421 : vector<16xf32> to vector<1x16xf32>
      tpu.vector_store %arg9[%swap3A_422, %swap3A_423], %swap3A_426 {strides = array<i32>} : memref<8x128xf32, #tpu.memory_space<vmem>>, vector<1x16xf32>,
      %scan3A_427 = arith.constant 0 : i32
      scf.yield %scan3A_427 : i32
    }
    %scan3A_6 = arith.constant 8 : i32
    %scan3A_7 = arith.constant 0 : i32
    %scan3A_8 = arith.constant 0 : i32
    %scan3A_9 = arith.constant 80 : i32
    %scan3A_10 = arith.addi %scan3A_8, %scan3A_9 : i32
    %scan3A_11 = arith.constant 1 : i32
    %scan3A_12 = scf.for %scan3A_371 = %scan3A_8 to %scan3A_10 step %scan3A_11 iter_args(%scan3A_372 = %scan3A_7) -> (i32)  : i32 {
      %mul3A_373 = arith.constant 640 : i32
      %mul3A_374 = arith.muli %arg1, %mul3A_373 : i32
      %mul3A_375 = arith.constant 8 : i32
      %mul3A_376 = arith.muli %scan3A_371, %mul3A_375 : i32
      %add3A_377 = arith.addi %mul3A_374, %mul3A_376 : i32
      %dma_start3A_378 = arith.constant 0 : i32
      %dma_start3A_379 = tpu.memref_slice %arg10[%add3A_377, %dma_start3A_378] : memref<10240x128xf32, #tpu.memory_space<vmem_shared>> -> memref<8x128xf32, #tpu.memory_space<vmem_shared>>
      %dma_start3A_380 = arith.constant 0 : i32
      %dma_start3A_381 = tpu.memref_slice %arg10[%add3A_377, %dma_start3A_380] : memref<10240x128xf32, #tpu.memory_space<vmem_shared>> -> memref<8x128xf32, #tpu.memory_space<vmem_shared>>
      tpu.enqueue_dma source(%arg9 : memref<8x128xf32, #tpu.memory_space<vmem>>) target(%dma_start3A_381 : memref<8x128xf32, #tpu.memory_space<vmem_shared>>) target_semaphore(%arg11 : memref<!tpu.dma_semaphore, #tpu.memory_space<semaphore_mem>>)
      %scan3A_382 = arith.constant 0 : i32
      scf.yield %scan3A_382 : i32
    }
    %scan3A_13 = arith.constant 80 : i32
    %scan3A_14 = arith.constant 0 : i32
    %scan3A_15 = arith.constant 0 : i32
    %scan3A_16 = arith.constant 80 : i32
    %scan3A_17 = arith.addi %scan3A_15, %scan3A_16 : i32
    %scan3A_18 = arith.constant 1 : i32
    %scan3A_19 = scf.for %scan3A_371 = %scan3A_15 to %scan3A_17 step %scan3A_18 iter_args(%scan3A_372 = %scan3A_14) -> (i32)  : i32 {
      %mul3A_373 = arith.constant 640 : i32
      %mul3A_374 = arith.muli %arg1, %mul3A_373 : i32
      %mul3A_375 = arith.constant 8 : i32
      %mul3A_376 = arith.muli %scan3A_371, %mul3A_375 : i32
      %add3A_377 = arith.addi %mul3A_374, %mul3A_376 : i32
      %dma_wait3A_378 = arith.constant 0 : i32
      %dma_wait3A_379 = tpu.memref_slice %arg10[%add3A_377, %dma_wait3A_378] : memref<10240x128xf32, #tpu.memory_space<vmem_shared>> -> memref<8x128xf32, #tpu.memory_space<vmem_shared>>
      %dma_wait3A_380 = arith.constant 0 : i32
      %dma_wait3A_381 = tpu.memref_slice %arg10[%add3A_377, %dma_wait3A_380] : memref<10240x128xf32, #tpu.memory_space<vmem_shared>> -> memref<8x128xf32, #tpu.memory_space<vmem_shared>>
      tpu.wait_dma2 semaphore(%arg11 : memref<!tpu.dma_semaphore, #tpu.memory_space<semaphore_mem>>) src(%arg9 : memref<8x128xf32, #tpu.memory_space<vmem>>) dst(%dma_wait3A_381 : memref<8x128xf32, #tpu.memory_space<vmem_shared>>)
      %scan3A_382 = arith.constant 0 : i32
      scf.yield %scan3A_382 : i32
    }
    %scan3A_20 = arith.constant 80 : i32
    %barrier3A = arith.constant 0 : index
    tpu.barrier barrier_id(%barrier3A)
    %dma_start3A = arith.constant 0 : i32
    %dma_start3A_21 = arith.constant 0 : i32
    %dma_start3A_22 = arith.constant 0 : i32
    %dma_start3A_23 = arith.constant 0 : i32
    %dma_start3A_24 = tpu.memref_slice %arg5[%dma_start3A_21, %dma_start3A_22, %dma_start3A_23] : memref<4x2x80xi32, #tpu.memory_space<vmem>> -> memref<1x2x80xi32, #tpu.memory_space<vmem>>
    %dma_start3A_25 = tpu.memref_squeeze %dma_start3A_24 : memref<1x2x80xi32, #tpu.memory_space<vmem>> -> memref<2x80xi32, #tpu.memory_space<vmem>>
    %dma_start3A_26 = arith.constant 0 : i32
    %dma_start3A_27 = arith.constant 0 : i32
    %dma_start3A_28 = tpu.memref_slice %arg3[%add3A, %dma_start3A, %dma_start3A_26, %dma_start3A_27] : memref<32x125x2x80xi32, #tpu.memory_space<hbm>> -> memref<1x1x2x80xi32, #tpu.memory_space<hbm>>
    %dma_start3A_29 = tpu.memref_squeeze %dma_start3A_28 : memref<1x1x2x80xi32, #tpu.memory_space<hbm>> -> memref<2x80xi32, #tpu.memory_space<hbm>>
    %dma_start3A_30 = arith.constant 0 : i32
    %dma_start3A_31 = arith.constant 0 : i32
    %dma_start3A_32 = tpu.memref_slice %arg5[%dma_start3A_21, %dma_start3A_30, %dma_start3A_31] : memref<4x2x80xi32, #tpu.memory_space<vmem>> -> memref<1x2x80xi32, #tpu.memory_space<vmem>>
    %dma_start3A_33 = tpu.memref_squeeze %dma_start3A_32 : memref<1x2x80xi32, #tpu.memory_space<vmem>> -> memref<2x80xi32, #tpu.memory_space<vmem>>
    %dma_start3A_34 = arith.constant 0 : i32
    %dma_start3A_35 = arith.constant 0 : i32
    %dma_start3A_36 = tpu.memref_slice %arg3[%add3A, %dma_start3A, %dma_start3A_34, %dma_start3A_35] : memref<32x125x2x80xi32, #tpu.memory_space<hbm>> -> memref<1x1x2x80xi32, #tpu.memory_space<hbm>>
    %dma_start3A_37 = tpu.memref_squeeze %dma_start3A_36 : memref<1x1x2x80xi32, #tpu.memory_space<hbm>> -> memref<2x80xi32, #tpu.memory_space<hbm>>
    tpu.enqueue_dma source(%dma_start3A_37 : memref<2x80xi32, #tpu.memory_space<hbm>>) target(%dma_start3A_33 : memref<2x80xi32, #tpu.memory_space<vmem>>) target_semaphore(%arg17 : memref<!tpu.dma_semaphore, #tpu.memory_space<semaphore_mem>>)
    %dma_start3A_38 = arith.constant 1 : i32
    %dma_start3A_39 = arith.constant 1 : i32
    %dma_start3A_40 = arith.constant 0 : i32
    %dma_start3A_41 = arith.constant 0 : i32
    %dma_start3A_42 = tpu.memref_slice %arg5[%dma_start3A_39, %dma_start3A_40, %dma_start3A_41] : memref<4x2x80xi32, #tpu.memory_space<vmem>> -> memref<1x2x80xi32, #tpu.memory_space<vmem>>
    %dma_start3A_43 = tpu.memref_squeeze %dma_start3A_42 : memref<1x2x80xi32, #tpu.memory_space<vmem>> -> memref<2x80xi32, #tpu.memory_space<vmem>>
    %dma_start3A_44 = arith.constant 0 : i32
    %dma_start3A_45 = arith.constant 0 : i32
    %dma_start3A_46 = tpu.memref_slice %arg3[%add3A, %dma_start3A_38, %dma_start3A_44, %dma_start3A_45] : memref<32x125x2x80xi32, #tpu.memory_space<hbm>> -> memref<1x1x2x80xi32, #tpu.memory_space<hbm>>
    %dma_start3A_47 = tpu.memref_squeeze %dma_start3A_46 : memref<1x1x2x80xi32, #tpu.memory_space<hbm>> -> memref<2x80xi32, #tpu.memory_space<hbm>>
    %dma_start3A_48 = arith.constant 0 : i32
    %dma_start3A_49 = arith.constant 0 : i32
    %dma_start3A_50 = tpu.memref_slice %arg5[%dma_start3A_39, %dma_start3A_48, %dma_start3A_49] : memref<4x2x80xi32, #tpu.memory_space<vmem>> -> memref<1x2x80xi32, #tpu.memory_space<vmem>>
    %dma_start3A_51 = tpu.memref_squeeze %dma_start3A_50 : memref<1x2x80xi32, #tpu.memory_space<vmem>> -> memref<2x80xi32, #tpu.memory_space<vmem>>
    %dma_start3A_52 = arith.constant 0 : i32
    %dma_start3A_53 = arith.constant 0 : i32
    %dma_start3A_54 = tpu.memref_slice %arg3[%add3A, %dma_start3A_38, %dma_start3A_52, %dma_start3A_53] : memref<32x125x2x80xi32, #tpu.memory_space<hbm>> -> memref<1x1x2x80xi32, #tpu.memory_space<hbm>>
    %dma_start3A_55 = tpu.memref_squeeze %dma_start3A_54 : memref<1x1x2x80xi32, #tpu.memory_space<hbm>> -> memref<2x80xi32, #tpu.memory_space<hbm>>
    tpu.enqueue_dma source(%dma_start3A_55 : memref<2x80xi32, #tpu.memory_space<hbm>>) target(%dma_start3A_51 : memref<2x80xi32, #tpu.memory_space<vmem>>) target_semaphore(%arg18 : memref<!tpu.dma_semaphore, #tpu.memory_space<semaphore_mem>>)
    %dma_start3A_56 = arith.constant 2 : i32
    %dma_start3A_57 = arith.constant 2 : i32
    %dma_start3A_58 = arith.constant 0 : i32
    %dma_start3A_59 = arith.constant 0 : i32
    %dma_start3A_60 = tpu.memref_slice %arg5[%dma_start3A_57, %dma_start3A_58, %dma_start3A_59] : memref<4x2x80xi32, #tpu.memory_space<vmem>> -> memref<1x2x80xi32, #tpu.memory_space<vmem>>
    %dma_start3A_61 = tpu.memref_squeeze %dma_start3A_60 : memref<1x2x80xi32, #tpu.memory_space<vmem>> -> memref<2x80xi32, #tpu.memory_space<vmem>>
    %dma_start3A_62 = arith.constant 0 : i32
    %dma_start3A_63 = arith.constant 0 : i32
    %dma_start3A_64 = tpu.memref_slice %arg3[%add3A, %dma_start3A_56, %dma_start3A_62, %dma_start3A_63] : memref<32x125x2x80xi32, #tpu.memory_space<hbm>> -> memref<1x1x2x80xi32, #tpu.memory_space<hbm>>
    %dma_start3A_65 = tpu.memref_squeeze %dma_start3A_64 : memref<1x1x2x80xi32, #tpu.memory_space<hbm>> -> memref<2x80xi32, #tpu.memory_space<hbm>>
    %dma_start3A_66 = arith.constant 0 : i32
    %dma_start3A_67 = arith.constant 0 : i32
    %dma_start3A_68 = tpu.memref_slice %arg5[%dma_start3A_57, %dma_start3A_66, %dma_start3A_67] : memref<4x2x80xi32, #tpu.memory_space<vmem>> -> memref<1x2x80xi32, #tpu.memory_space<vmem>>
    %dma_start3A_69 = tpu.memref_squeeze %dma_start3A_68 : memref<1x2x80xi32, #tpu.memory_space<vmem>> -> memref<2x80xi32, #tpu.memory_space<vmem>>
    %dma_start3A_70 = arith.constant 0 : i32
    %dma_start3A_71 = arith.constant 0 : i32
    %dma_start3A_72 = tpu.memref_slice %arg3[%add3A, %dma_start3A_56, %dma_start3A_70, %dma_start3A_71] : memref<32x125x2x80xi32, #tpu.memory_space<hbm>> -> memref<1x1x2x80xi32, #tpu.memory_space<hbm>>
    %dma_start3A_73 = tpu.memref_squeeze %dma_start3A_72 : memref<1x1x2x80xi32, #tpu.memory_space<hbm>> -> memref<2x80xi32, #tpu.memory_space<hbm>>
    tpu.enqueue_dma source(%dma_start3A_73 : memref<2x80xi32, #tpu.memory_space<hbm>>) target(%dma_start3A_69 : memref<2x80xi32, #tpu.memory_space<vmem>>) target_semaphore(%arg19 : memref<!tpu.dma_semaphore, #tpu.memory_space<semaphore_mem>>)
    %dma_wait3A = arith.constant 0 : i32
    %dma_wait3A_74 = arith.constant 0 : i32
    %dma_wait3A_75 = arith.constant 0 : i32
    %dma_wait3A_76 = arith.constant 0 : i32
    %dma_wait3A_77 = tpu.memref_slice %arg5[%dma_wait3A_74, %dma_wait3A_75, %dma_wait3A_76] : memref<4x2x80xi32, #tpu.memory_space<vmem>> -> memref<1x2x80xi32, #tpu.memory_space<vmem>>
    %dma_wait3A_78 = tpu.memref_squeeze %dma_wait3A_77 : memref<1x2x80xi32, #tpu.memory_space<vmem>> -> memref<2x80xi32, #tpu.memory_space<vmem>>
    %dma_wait3A_79 = arith.constant 0 : i32
    %dma_wait3A_80 = arith.constant 0 : i32
    %dma_wait3A_81 = tpu.memref_slice %arg3[%add3A, %dma_wait3A, %dma_wait3A_79, %dma_wait3A_80] : memref<32x125x2x80xi32, #tpu.memory_space<hbm>> -> memref<1x1x2x80xi32, #tpu.memory_space<hbm>>
    %dma_wait3A_82 = tpu.memref_squeeze %dma_wait3A_81 : memref<1x1x2x80xi32, #tpu.memory_space<hbm>> -> memref<2x80xi32, #tpu.memory_space<hbm>>
    %dma_wait3A_83 = arith.constant 0 : i32
    %dma_wait3A_84 = arith.constant 0 : i32
    %dma_wait3A_85 = tpu.memref_slice %arg5[%dma_wait3A_74, %dma_wait3A_83, %dma_wait3A_84] : memref<4x2x80xi32, #tpu.memory_space<vmem>> -> memref<1x2x80xi32, #tpu.memory_space<vmem>>
    %dma_wait3A_86 = tpu.memref_squeeze %dma_wait3A_85 : memref<1x2x80xi32, #tpu.memory_space<vmem>> -> memref<2x80xi32, #tpu.memory_space<vmem>>
    %dma_wait3A_87 = arith.constant 0 : i32
    %dma_wait3A_88 = arith.constant 0 : i32
    %dma_wait3A_89 = tpu.memref_slice %arg3[%add3A, %dma_wait3A, %dma_wait3A_87, %dma_wait3A_88] : memref<32x125x2x80xi32, #tpu.memory_space<hbm>> -> memref<1x1x2x80xi32, #tpu.memory_space<hbm>>
    %dma_wait3A_90 = tpu.memref_squeeze %dma_wait3A_89 : memref<1x1x2x80xi32, #tpu.memory_space<hbm>> -> memref<2x80xi32, #tpu.memory_space<hbm>>
    tpu.wait_dma2 semaphore(%arg17 : memref<!tpu.dma_semaphore, #tpu.memory_space<semaphore_mem>>) src(%dma_wait3A_90 : memref<2x80xi32, #tpu.memory_space<hbm>>) dst(%dma_wait3A_86 : memref<2x80xi32, #tpu.memory_space<vmem>>)
    %dma_start3A_91 = arith.constant 0 : i32
    %dma_start3A_92 = arith.constant 0 : i32
    %dma_start3A_93 = arith.constant 0 : i32
    %dma_start3A_94 = tpu.memref_slice %arg5[%dma_start3A_91, %dma_start3A_92, %dma_start3A_93] : memref<4x2x80xi32, #tpu.memory_space<vmem>> -> memref<1x1x80xi32, #tpu.memory_space<vmem>>
    %dma_start3A_95 = tpu.memref_squeeze %dma_start3A_94 : memref<1x1x80xi32, #tpu.memory_space<vmem>> -> memref<80xi32, #tpu.memory_space<vmem>>
    %dma_start3A_96 = arith.constant 0 : i32
    %dma_start3A_97 = arith.constant 0 : i32
    %dma_start3A_98 = tpu.memref_slice %arg2[%dma_start3A_96, %dma_start3A_97] : memref<10000x128xf32, #tpu.memory_space<hbm>> -> memref<10000x128xf32, #tpu.memory_space<hbm>>
    tpu.enqueue_indirect_dma source(%dma_start3A_98 : memref<10000x128xf32, #tpu.memory_space<hbm>>) target(%arg6 : memref<80x128xf32, #tpu.memory_space<vmem>>) offsets(%dma_start3A_95 : memref<80xi32, #tpu.memory_space<vmem>>) semaphore(%arg11 : memref<!tpu.dma_semaphore, #tpu.memory_space<semaphore_mem>>)
    %dma_wait3A_99 = arith.constant 1 : i32
    %dma_wait3A_100 = arith.constant 1 : i32
    %dma_wait3A_101 = arith.constant 0 : i32
    %dma_wait3A_102 = arith.constant 0 : i32
    %dma_wait3A_103 = tpu.memref_slice %arg5[%dma_wait3A_100, %dma_wait3A_101, %dma_wait3A_102] : memref<4x2x80xi32, #tpu.memory_space<vmem>> -> memref<1x2x80xi32, #tpu.memory_space<vmem>>
    %dma_wait3A_104 = tpu.memref_squeeze %dma_wait3A_103 : memref<1x2x80xi32, #tpu.memory_space<vmem>> -> memref<2x80xi32, #tpu.memory_space<vmem>>
    %dma_wait3A_105 = arith.constant 0 : i32
    %dma_wait3A_106 = arith.constant 0 : i32
    %dma_wait3A_107 = tpu.memref_slice %arg3[%add3A, %dma_wait3A_99, %dma_wait3A_105, %dma_wait3A_106] : memref<32x125x2x80xi32, #tpu.memory_space<hbm>> -> memref<1x1x2x80xi32, #tpu.memory_space<hbm>>
    %dma_wait3A_108 = tpu.memref_squeeze %dma_wait3A_107 : memref<1x1x2x80xi32, #tpu.memory_space<hbm>> -> memref<2x80xi32, #tpu.memory_space<hbm>>
    %dma_wait3A_109 = arith.constant 0 : i32
    %dma_wait3A_110 = arith.constant 0 : i32
    %dma_wait3A_111 = tpu.memref_slice %arg5[%dma_wait3A_100, %dma_wait3A_109, %dma_wait3A_110] : memref<4x2x80xi32, #tpu.memory_space<vmem>> -> memref<1x2x80xi32, #tpu.memory_space<vmem>>
    %dma_wait3A_112 = tpu.memref_squeeze %dma_wait3A_111 : memref<1x2x80xi32, #tpu.memory_space<vmem>> -> memref<2x80xi32, #tpu.memory_space<vmem>>
    %dma_wait3A_113 = arith.constant 0 : i32
    %dma_wait3A_114 = arith.constant 0 : i32
    %dma_wait3A_115 = tpu.memref_slice %arg3[%add3A, %dma_wait3A_99, %dma_wait3A_113, %dma_wait3A_114] : memref<32x125x2x80xi32, #tpu.memory_space<hbm>> -> memref<1x1x2x80xi32, #tpu.memory_space<hbm>>
    %dma_wait3A_116 = tpu.memref_squeeze %dma_wait3A_115 : memref<1x1x2x80xi32, #tpu.memory_space<hbm>> -> memref<2x80xi32, #tpu.memory_space<hbm>>
    tpu.wait_dma2 semaphore(%arg18 : memref<!tpu.dma_semaphore, #tpu.memory_space<semaphore_mem>>) src(%dma_wait3A_116 : memref<2x80xi32, #tpu.memory_space<hbm>>) dst(%dma_wait3A_112 : memref<2x80xi32, #tpu.memory_space<vmem>>)
    %dma_start3A_117 = arith.constant 1 : i32
    %dma_start3A_118 = arith.constant 0 : i32
    %dma_start3A_119 = arith.constant 0 : i32
    %dma_start3A_120 = tpu.memref_slice %arg5[%dma_start3A_117, %dma_start3A_118, %dma_start3A_119] : memref<4x2x80xi32, #tpu.memory_space<vmem>> -> memref<1x1x80xi32, #tpu.memory_space<vmem>>
    %dma_start3A_121 = tpu.memref_squeeze %dma_start3A_120 : memref<1x1x80xi32, #tpu.memory_space<vmem>> -> memref<80xi32, #tpu.memory_space<vmem>>
    %dma_start3A_122 = arith.constant 0 : i32
    %dma_start3A_123 = arith.constant 0 : i32
    %dma_start3A_124 = tpu.memref_slice %arg2[%dma_start3A_122, %dma_start3A_123] : memref<10000x128xf32, #tpu.memory_space<hbm>> -> memref<10000x128xf32, #tpu.memory_space<hbm>>
    tpu.enqueue_indirect_dma source(%dma_start3A_124 : memref<10000x128xf32, #tpu.memory_space<hbm>>) target(%arg7 : memref<80x128xf32, #tpu.memory_space<vmem>>) offsets(%dma_start3A_121 : memref<80xi32, #tpu.memory_space<vmem>>) semaphore(%arg12 : memref<!tpu.dma_semaphore, #tpu.memory_space<semaphore_mem>>)
    %dma_wait3A_125 = arith.constant 0 : i32
    %dma_wait3A_126 = arith.constant 0 : i32
    %dma_wait3A_127 = arith.constant 0 : i32
    %dma_wait3A_128 = tpu.memref_slice %arg5[%dma_wait3A_125, %dma_wait3A_126, %dma_wait3A_127] : memref<4x2x80xi32, #tpu.memory_space<vmem>> -> memref<1x1x80xi32, #tpu.memory_space<vmem>>
    %dma_wait3A_129 = tpu.memref_squeeze %dma_wait3A_128 : memref<1x1x80xi32, #tpu.memory_space<vmem>> -> memref<80xi32, #tpu.memory_space<vmem>>
    %dma_wait3A_130 = arith.constant 0 : i32
    %dma_wait3A_131 = arith.constant 0 : i32
    %dma_wait3A_132 = tpu.memref_slice %arg2[%dma_wait3A_130, %dma_wait3A_131] : memref<10000x128xf32, #tpu.memory_space<hbm>> -> memref<10000x128xf32, #tpu.memory_space<hbm>>
    tpu.wait_indirect_dma semaphore(%arg11 : memref<!tpu.dma_semaphore, #tpu.memory_space<semaphore_mem>>) src(%dma_wait3A_132 : memref<10000x128xf32, #tpu.memory_space<hbm>>) dst(%arg6 : memref<80x128xf32, #tpu.memory_space<vmem>>)
    %dma_start3A_133 = arith.constant 0 : i32
    %dma_start3A_134 = arith.constant 1 : i32
    %dma_start3A_135 = arith.constant 0 : i32
    %dma_start3A_136 = tpu.memref_slice %arg5[%dma_start3A_133, %dma_start3A_134, %dma_start3A_135] : memref<4x2x80xi32, #tpu.memory_space<vmem>> -> memref<1x1x80xi32, #tpu.memory_space<vmem>>
    %dma_start3A_137 = tpu.memref_squeeze %dma_start3A_136 : memref<1x1x80xi32, #tpu.memory_space<vmem>> -> memref<80xi32, #tpu.memory_space<vmem>>
    %dma_start3A_138 = arith.constant 0 : i32
    %dma_start3A_139 = arith.constant 0 : i32
    %dma_start3A_140 = tpu.memref_slice %arg10[%dma_start3A_138, %dma_start3A_139] : memref<10240x128xf32, #tpu.memory_space<vmem_shared>> -> memref<10240x128xf32, #tpu.memory_space<vmem_shared>>
    tpu.enqueue_indirect_dma source(%arg6 : memref<80x128xf32, #tpu.memory_space<vmem>>) target(%dma_start3A_140 : memref<10240x128xf32, #tpu.memory_space<vmem_shared>>) offsets(%dma_start3A_137 : memref<80xi32, #tpu.memory_space<vmem>>) semaphore(%arg14 : memref<!tpu.dma_semaphore, #tpu.memory_space<semaphore_mem>>) {add = true}
    %dma_wait3A_141 = arith.constant 2 : i32
    %dma_wait3A_142 = arith.constant 2 : i32
    %dma_wait3A_143 = arith.constant 0 : i32
    %dma_wait3A_144 = arith.constant 0 : i32
    %dma_wait3A_145 = tpu.memref_slice %arg5[%dma_wait3A_142, %dma_wait3A_143, %dma_wait3A_144] : memref<4x2x80xi32, #tpu.memory_space<vmem>> -> memref<1x2x80xi32, #tpu.memory_space<vmem>>
    %dma_wait3A_146 = tpu.memref_squeeze %dma_wait3A_145 : memref<1x2x80xi32, #tpu.memory_space<vmem>> -> memref<2x80xi32, #tpu.memory_space<vmem>>
    %dma_wait3A_147 = arith.constant 0 : i32
    %dma_wait3A_148 = arith.constant 0 : i32
    %dma_wait3A_149 = tpu.memref_slice %arg3[%add3A, %dma_wait3A_141, %dma_wait3A_147, %dma_wait3A_148] : memref<32x125x2x80xi32, #tpu.memory_space<hbm>> -> memref<1x1x2x80xi32, #tpu.memory_space<hbm>>
    %dma_wait3A_150 = tpu.memref_squeeze %dma_wait3A_149 : memref<1x1x2x80xi32, #tpu.memory_space<hbm>> -> memref<2x80xi32, #tpu.memory_space<hbm>>
    %dma_wait3A_151 = arith.constant 0 : i32
    %dma_wait3A_152 = arith.constant 0 : i32
    %dma_wait3A_153 = tpu.memref_slice %arg5[%dma_wait3A_142, %dma_wait3A_151, %dma_wait3A_152] : memref<4x2x80xi32, #tpu.memory_space<vmem>> -> memref<1x2x80xi32, #tpu.memory_space<vmem>>
    %dma_wait3A_154 = tpu.memref_squeeze %dma_wait3A_153 : memref<1x2x80xi32, #tpu.memory_space<vmem>> -> memref<2x80xi32, #tpu.memory_space<vmem>>
    %dma_wait3A_155 = arith.constant 0 : i32
    %dma_wait3A_156 = arith.constant 0 : i32
    %dma_wait3A_157 = tpu.memref_slice %arg3[%add3A, %dma_wait3A_141, %dma_wait3A_155, %dma_wait3A_156] : memref<32x125x2x80xi32, #tpu.memory_space<hbm>> -> memref<1x1x2x80xi32, #tpu.memory_space<hbm>>
    %dma_wait3A_158 = tpu.memref_squeeze %dma_wait3A_157 : memref<1x1x2x80xi32, #tpu.memory_space<hbm>> -> memref<2x80xi32, #tpu.memory_space<hbm>>
    tpu.wait_dma2 semaphore(%arg19 : memref<!tpu.dma_semaphore, #tpu.memory_space<semaphore_mem>>) src(%dma_wait3A_158 : memref<2x80xi32, #tpu.memory_space<hbm>>) dst(%dma_wait3A_154 : memref<2x80xi32, #tpu.memory_space<vmem>>)
    %dma_start3A_159 = arith.constant 2 : i32
    %dma_start3A_160 = arith.constant 0 : i32
    %dma_start3A_161 = arith.constant 0 : i32
    %dma_start3A_162 = tpu.memref_slice %arg5[%dma_start3A_159, %dma_start3A_160, %dma_start3A_161] : memref<4x2x80xi32, #tpu.memory_space<vmem>> -> memref<1x1x80xi32, #tpu.memory_space<vmem>>
    %dma_start3A_163 = tpu.memref_squeeze %dma_start3A_162 : memref<1x1x80xi32, #tpu.memory_space<vmem>> -> memref<80xi32, #tpu.memory_space<vmem>>
    %dma_start3A_164 = arith.constant 0 : i32
    %dma_start3A_165 = arith.constant 0 : i32
    %dma_start3A_166 = tpu.memref_slice %arg2[%dma_start3A_164, %dma_start3A_165] : memref<10000x128xf32, #tpu.memory_space<hbm>> -> memref<10000x128xf32, #tpu.memory_space<hbm>>
    tpu.enqueue_indirect_dma source(%dma_start3A_166 : memref<10000x128xf32, #tpu.memory_space<hbm>>) target(%arg8 : memref<80x128xf32, #tpu.memory_space<vmem>>) offsets(%dma_start3A_163 : memref<80xi32, #tpu.memory_space<vmem>>) semaphore(%arg13 : memref<!tpu.dma_semaphore, #tpu.memory_space<semaphore_mem>>)
    %dma_start3A_167 = arith.constant 3 : i32
    %dma_start3A_168 = arith.constant 3 : i32
    %dma_start3A_169 = arith.constant 0 : i32
    %dma_start3A_170 = arith.constant 0 : i32
    %dma_start3A_171 = tpu.memref_slice %arg5[%dma_start3A_168, %dma_start3A_169, %dma_start3A_170] : memref<4x2x80xi32, #tpu.memory_space<vmem>> -> memref<1x2x80xi32, #tpu.memory_space<vmem>>
    %dma_start3A_172 = tpu.memref_squeeze %dma_start3A_171 : memref<1x2x80xi32, #tpu.memory_space<vmem>> -> memref<2x80xi32, #tpu.memory_space<vmem>>
    %dma_start3A_173 = arith.constant 0 : i32
    %dma_start3A_174 = arith.constant 0 : i32
    %dma_start3A_175 = tpu.memref_slice %arg3[%add3A, %dma_start3A_167, %dma_start3A_173, %dma_start3A_174] : memref<32x125x2x80xi32, #tpu.memory_space<hbm>> -> memref<1x1x2x80xi32, #tpu.memory_space<hbm>>
    %dma_start3A_176 = tpu.memref_squeeze %dma_start3A_175 : memref<1x1x2x80xi32, #tpu.memory_space<hbm>> -> memref<2x80xi32, #tpu.memory_space<hbm>>
    %dma_start3A_177 = arith.constant 0 : i32
    %dma_start3A_178 = arith.constant 0 : i32
    %dma_start3A_179 = tpu.memref_slice %arg5[%dma_start3A_168, %dma_start3A_177, %dma_start3A_178] : memref<4x2x80xi32, #tpu.memory_space<vmem>> -> memref<1x2x80xi32, #tpu.memory_space<vmem>>
    %dma_start3A_180 = tpu.memref_squeeze %dma_start3A_179 : memref<1x2x80xi32, #tpu.memory_space<vmem>> -> memref<2x80xi32, #tpu.memory_space<vmem>>
    %dma_start3A_181 = arith.constant 0 : i32
    %dma_start3A_182 = arith.constant 0 : i32
    %dma_start3A_183 = tpu.memref_slice %arg3[%add3A, %dma_start3A_167, %dma_start3A_181, %dma_start3A_182] : memref<32x125x2x80xi32, #tpu.memory_space<hbm>> -> memref<1x1x2x80xi32, #tpu.memory_space<hbm>>
    %dma_start3A_184 = tpu.memref_squeeze %dma_start3A_183 : memref<1x1x2x80xi32, #tpu.memory_space<hbm>> -> memref<2x80xi32, #tpu.memory_space<hbm>>
    tpu.enqueue_dma source(%dma_start3A_184 : memref<2x80xi32, #tpu.memory_space<hbm>>) target(%dma_start3A_180 : memref<2x80xi32, #tpu.memory_space<vmem>>) target_semaphore(%arg20 : memref<!tpu.dma_semaphore, #tpu.memory_space<semaphore_mem>>)
    %scan3A_185 = arith.constant 0 : i32
    %scan3A_186 = arith.constant 0 : i32
    %scan3A_187 = arith.constant 10 : i32
    %scan3A_188 = arith.addi %scan3A_186, %scan3A_187 : i32
    %scan3A_189 = arith.constant 1 : i32
    %scan3A_190 = scf.for %scan3A_371 = %scan3A_186 to %scan3A_188 step %scan3A_189 iter_args(%scan3A_372 = %scan3A_185) -> (i32)  : i32 {
      %mul3A_373 = arith.constant 12 : i32
      %mul3A_374 = arith.muli %mul3A_373, %scan3A_371 : i32
      %add3A_375 = arith.constant 0 : i32
      %add3A_376 = arith.addi %mul3A_374, %add3A_375 : i32
      %add3A_377 = arith.constant 1 : i32
      %add3A_378 = arith.addi %add3A_376, %add3A_377 : i32
      %dma_wait3A_379 = arith.constant 1 : i32
      %dma_wait3A_380 = arith.constant 0 : i32
      %dma_wait3A_381 = arith.constant 0 : i32
      %dma_wait3A_382 = tpu.memref_slice %arg5[%dma_wait3A_379, %dma_wait3A_380, %dma_wait3A_381] : memref<4x2x80xi32, #tpu.memory_space<vmem>> -> memref<1x1x80xi32, #tpu.memory_space<vmem>>
      %dma_wait3A_383 = tpu.memref_squeeze %dma_wait3A_382 : memref<1x1x80xi32, #tpu.memory_space<vmem>> -> memref<80xi32, #tpu.memory_space<vmem>>
      %dma_wait3A_384 = arith.constant 0 : i32
      %dma_wait3A_385 = arith.constant 0 : i32
      %dma_wait3A_386 = tpu.memref_slice %arg2[%dma_wait3A_384, %dma_wait3A_385] : memref<10000x128xf32, #tpu.memory_space<hbm>> -> memref<10000x128xf32, #tpu.memory_space<hbm>>
      tpu.wait_indirect_dma semaphore(%arg12 : memref<!tpu.dma_semaphore, #tpu.memory_space<semaphore_mem>>) src(%dma_wait3A_386 : memref<10000x128xf32, #tpu.memory_space<hbm>>) dst(%arg7 : memref<80x128xf32, #tpu.memory_space<vmem>>)
      %dma_start3A_387 = arith.constant 1 : i32
      %dma_start3A_388 = arith.constant 1 : i32
      %dma_start3A_389 = arith.constant 0 : i32
      %dma_start3A_390 = tpu.memref_slice %arg5[%dma_start3A_387, %dma_start3A_388, %dma_start3A_389] : memref<4x2x80xi32, #tpu.memory_space<vmem>> -> memref<1x1x80xi32, #tpu.memory_space<vmem>>
      %dma_start3A_391 = tpu.memref_squeeze %dma_start3A_390 : memref<1x1x80xi32, #tpu.memory_space<vmem>> -> memref<80xi32, #tpu.memory_space<vmem>>
      %dma_start3A_392 = arith.constant 0 : i32
      %dma_start3A_393 = arith.constant 0 : i32
      %dma_start3A_394 = tpu.memref_slice %arg10[%dma_start3A_392, %dma_start3A_393] : memref<10240x128xf32, #tpu.memory_space<vmem_shared>> -> memref<10240x128xf32, #tpu.memory_space<vmem_shared>>
      tpu.enqueue_indirect_dma source(%arg7 : memref<80x128xf32, #tpu.memory_space<vmem>>) target(%dma_start3A_394 : memref<10240x128xf32, #tpu.memory_space<vmem_shared>>) offsets(%dma_start3A_391 : memref<80xi32, #tpu.memory_space<vmem>>) semaphore(%arg15 : memref<!tpu.dma_semaphore, #tpu.memory_space<semaphore_mem>>) {add = true}
      %dma_wait3A_395 = arith.constant 0 : i32
      %dma_wait3A_396 = arith.constant 1 : i32
      %dma_wait3A_397 = arith.constant 0 : i32
      %dma_wait3A_398 = tpu.memref_slice %arg5[%dma_wait3A_395, %dma_wait3A_396, %dma_wait3A_397] : memref<4x2x80xi32, #tpu.memory_space<vmem>> -> memref<1x1x80xi32, #tpu.memory_space<vmem>>
      %dma_wait3A_399 = tpu.memref_squeeze %dma_wait3A_398 : memref<1x1x80xi32, #tpu.memory_space<vmem>> -> memref<80xi32, #tpu.memory_space<vmem>>
      %dma_wait3A_400 = arith.constant 0 : i32
      %dma_wait3A_401 = arith.constant 0 : i32
      %dma_wait3A_402 = tpu.memref_slice %arg10[%dma_wait3A_400, %dma_wait3A_401] : memref<10240x128xf32, #tpu.memory_space<vmem_shared>> -> memref<10240x128xf32, #tpu.memory_space<vmem_shared>>
      tpu.wait_indirect_dma semaphore(%arg14 : memref<!tpu.dma_semaphore, #tpu.memory_space<semaphore_mem>>) src(%arg6 : memref<80x128xf32, #tpu.memory_space<vmem>>) dst(%dma_wait3A_402 : memref<10240x128xf32, #tpu.memory_space<vmem_shared>>)
      %add3A_403 = arith.constant 2 : i32
      %add3A_404 = arith.addi %add3A_378, %add3A_403 : i32
      %dma_wait3A_405 = arith.constant 3 : i32
      %dma_wait3A_406 = arith.constant 0 : i32
      %dma_wait3A_407 = arith.constant 0 : i32
      %dma_wait3A_408 = tpu.memref_slice %arg5[%dma_wait3A_405, %dma_wait3A_406, %dma_wait3A_407] : memref<4x2x80xi32, #tpu.memory_space<vmem>> -> memref<1x2x80xi32, #tpu.memory_space<vmem>>
      %dma_wait3A_409 = tpu.memref_squeeze %dma_wait3A_408 : memref<1x2x80xi32, #tpu.memory_space<vmem>> -> memref<2x80xi32, #tpu.memory_space<vmem>>
      %dma_wait3A_410 = arith.constant 0 : i32
      %dma_wait3A_411 = arith.constant 0 : i32
      %dma_wait3A_412 = tpu.memref_slice %arg3[%add3A, %add3A_404, %dma_wait3A_410, %dma_wait3A_411] : memref<32x125x2x80xi32, #tpu.memory_space<hbm>> -> memref<1x1x2x80xi32, #tpu.memory_space<hbm>>
      %dma_wait3A_413 = tpu.memref_squeeze %dma_wait3A_412 : memref<1x1x2x80xi32, #tpu.memory_space<hbm>> -> memref<2x80xi32, #tpu.memory_space<hbm>>
      %dma_wait3A_414 = arith.constant 0 : i32
      %dma_wait3A_415 = arith.constant 0 : i32
      %dma_wait3A_416 = tpu.memref_slice %arg5[%dma_wait3A_405, %dma_wait3A_414, %dma_wait3A_415] : memref<4x2x80xi32, #tpu.memory_space<vmem>> -> memref<1x2x80xi32, #tpu.memory_space<vmem>>
      %dma_wait3A_417 = tpu.memref_squeeze %dma_wait3A_416 : memref<1x2x80xi32, #tpu.memory_space<vmem>> -> memref<2x80xi32, #tpu.memory_space<vmem>>
      %dma_wait3A_418 = arith.constant 0 : i32
      %dma_wait3A_419 = arith.constant 0 : i32
      %dma_wait3A_420 = tpu.memref_slice %arg3[%add3A, %add3A_404, %dma_wait3A_418, %dma_wait3A_419] : memref<32x125x2x80xi32, #tpu.memory_space<hbm>> -> memref<1x1x2x80xi32, #tpu.memory_space<hbm>>
      %dma_wait3A_421 = tpu.memref_squeeze %dma_wait3A_420 : memref<1x1x2x80xi32, #tpu.memory_space<hbm>> -> memref<2x80xi32, #tpu.memory_space<hbm>>
      tpu.wait_dma2 semaphore(%arg20 : memref<!tpu.dma_semaphore, #tpu.memory_space<semaphore_mem>>) src(%dma_wait3A_421 : memref<2x80xi32, #tpu.memory_space<hbm>>) dst(%dma_wait3A_417 : memref<2x80xi32, #tpu.memory_space<vmem>>)
      %dma_start3A_422 = arith.constant 3 : i32
      %dma_start3A_423 = arith.constant 0 : i32
      %dma_start3A_424 = arith.constant 0 : i32
      %dma_start3A_425 = tpu.memref_slice %arg5[%dma_start3A_422, %dma_start3A_423, %dma_start3A_424] : memref<4x2x80xi32, #tpu.memory_space<vmem>> -> memref<1x1x80xi32, #tpu.memory_space<vmem>>
      %dma_start3A_426 = tpu.memref_squeeze %dma_start3A_425 : memref<1x1x80xi32, #tpu.memory_space<vmem>> -> memref<80xi32, #tpu.memory_space<vmem>>
      %dma_start3A_427 = arith.constant 0 : i32
      %dma_start3A_428 = arith.constant 0 : i32
      %dma_start3A_429 = tpu.memref_slice %arg2[%dma_start3A_427, %dma_start3A_428] : memref<10000x128xf32, #tpu.memory_space<hbm>> -> memref<10000x128xf32, #tpu.memory_space<hbm>>
      tpu.enqueue_indirect_dma source(%dma_start3A_429 : memref<10000x128xf32, #tpu.memory_space<hbm>>) target(%arg6 : memref<80x128xf32, #tpu.memory_space<vmem>>) offsets(%dma_start3A_426 : memref<80xi32, #tpu.memory_space<vmem>>) semaphore(%arg11 : memref<!tpu.dma_semaphore, #tpu.memory_space<semaphore_mem>>)
      %add3A_430 = arith.constant 3 : i32
      %add3A_431 = arith.addi %add3A_378, %add3A_430 : i32
      %dma_start3A_432 = arith.constant 0 : i32
      %dma_start3A_433 = arith.constant 0 : i32
      %dma_start3A_434 = arith.constant 0 : i32
      %dma_start3A_435 = tpu.memref_slice %arg5[%dma_start3A_432, %dma_start3A_433, %dma_start3A_434] : memref<4x2x80xi32, #tpu.memory_space<vmem>> -> memref<1x2x80xi32, #tpu.memory_space<vmem>>
      %dma_start3A_436 = tpu.memref_squeeze %dma_start3A_435 : memref<1x2x80xi32, #tpu.memory_space<vmem>> -> memref<2x80xi32, #tpu.memory_space<vmem>>
      %dma_start3A_437 = arith.constant 0 : i32
      %dma_start3A_438 = arith.constant 0 : i32
      %dma_start3A_439 = tpu.memref_slice %arg3[%add3A, %add3A_431, %dma_start3A_437, %dma_start3A_438] : memref<32x125x2x80xi32, #tpu.memory_space<hbm>> -> memref<1x1x2x80xi32, #tpu.memory_space<hbm>>
      %dma_start3A_440 = tpu.memref_squeeze %dma_start3A_439 : memref<1x1x2x80xi32, #tpu.memory_space<hbm>> -> memref<2x80xi32, #tpu.memory_space<hbm>>
      %dma_start3A_441 = arith.constant 0 : i32
      %dma_start3A_442 = arith.constant 0 : i32
      %dma_start3A_443 = tpu.memref_slice %arg5[%dma_start3A_432, %dma_start3A_441, %dma_start3A_442] : memref<4x2x80xi32, #tpu.memory_space<vmem>> -> memref<1x2x80xi32, #tpu.memory_space<vmem>>
      %dma_start3A_444 = tpu.memref_squeeze %dma_start3A_443 : memref<1x2x80xi32, #tpu.memory_space<vmem>> -> memref<2x80xi32, #tpu.memory_space<vmem>>
      %dma_start3A_445 = arith.constant 0 : i32
      %dma_start3A_446 = arith.constant 0 : i32
      %dma_start3A_447 = tpu.memref_slice %arg3[%add3A, %add3A_431, %dma_start3A_445, %dma_start3A_446] : memref<32x125x2x80xi32, #tpu.memory_space<hbm>> -> memref<1x1x2x80xi32, #tpu.memory_space<hbm>>
      %dma_start3A_448 = tpu.memref_squeeze %dma_start3A_447 : memref<1x1x2x80xi32, #tpu.memory_space<hbm>> -> memref<2x80xi32, #tpu.memory_space<hbm>>
      tpu.enqueue_dma source(%dma_start3A_448 : memref<2x80xi32, #tpu.memory_space<hbm>>) target(%dma_start3A_444 : memref<2x80xi32, #tpu.memory_space<vmem>>) target_semaphore(%arg17 : memref<!tpu.dma_semaphore, #tpu.memory_space<semaphore_mem>>)
      %add3A_449 = arith.constant 1 : i32
      %add3A_450 = arith.addi %mul3A_374, %add3A_449 : i32
      %add3A_451 = arith.constant 1 : i32
      %add3A_452 = arith.addi %add3A_450, %add3A_451 : i32
      %dma_wait3A_453 = arith.constant 2 : i32
      %dma_wait3A_454 = arith.constant 0 : i32
      %dma_wait3A_455 = arith.constant 0 : i32
      %dma_wait3A_456 = tpu.memref_slice %arg5[%dma_wait3A_453, %dma_wait3A_454, %dma_wait3A_455] : memref<4x2x80xi32, #tpu.memory_space<vmem>> -> memref<1x1x80xi32, #tpu.memory_space<vmem>>
      %dma_wait3A_457 = tpu.memref_squeeze %dma_wait3A_456 : memref<1x1x80xi32, #tpu.memory_space<vmem>> -> memref<80xi32, #tpu.memory_space<vmem>>
      %dma_wait3A_458 = arith.constant 0 : i32
      %dma_wait3A_459 = arith.constant 0 : i32
      %dma_wait3A_460 = tpu.memref_slice %arg2[%dma_wait3A_458, %dma_wait3A_459] : memref<10000x128xf32, #tpu.memory_space<hbm>> -> memref<10000x128xf32, #tpu.memory_space<hbm>>
      tpu.wait_indirect_dma semaphore(%arg13 : memref<!tpu.dma_semaphore, #tpu.memory_space<semaphore_mem>>) src(%dma_wait3A_460 : memref<10000x128xf32, #tpu.memory_space<hbm>>) dst(%arg8 : memref<80x128xf32, #tpu.memory_space<vmem>>)
      %dma_start3A_461 = arith.constant 2 : i32
      %dma_start3A_462 = arith.constant 1 : i32
      %dma_start3A_463 = arith.constant 0 : i32
      %dma_start3A_464 = tpu.memref_slice %arg5[%dma_start3A_461, %dma_start3A_462, %dma_start3A_463] : memref<4x2x80xi32, #tpu.memory_space<vmem>> -> memref<1x1x80xi32, #tpu.memory_space<vmem>>
      %dma_start3A_465 = tpu.memref_squeeze %dma_start3A_464 : memref<1x1x80xi32, #tpu.memory_space<vmem>> -> memref<80xi32, #tpu.memory_space<vmem>>
      %dma_start3A_466 = arith.constant 0 : i32
      %dma_start3A_467 = arith.constant 0 : i32
      %dma_start3A_468 = tpu.memref_slice %arg10[%dma_start3A_466, %dma_start3A_467] : memref<10240x128xf32, #tpu.memory_space<vmem_shared>> -> memref<10240x128xf32, #tpu.memory_space<vmem_shared>>
      tpu.enqueue_indirect_dma source(%arg8 : memref<80x128xf32, #tpu.memory_space<vmem>>) target(%dma_start3A_468 : memref<10240x128xf32, #tpu.memory_space<vmem_shared>>) offsets(%dma_start3A_465 : memref<80xi32, #tpu.memory_space<vmem>>) semaphore(%arg16 : memref<!tpu.dma_semaphore, #tpu.memory_space<semaphore_mem>>) {add = true}
      %dma_wait3A_469 = arith.constant 1 : i32
      %dma_wait3A_470 = arith.constant 1 : i32
      %dma_wait3A_471 = arith.constant 0 : i32
      %dma_wait3A_472 = tpu.memref_slice %arg5[%dma_wait3A_469, %dma_wait3A_470, %dma_wait3A_471] : memref<4x2x80xi32, #tpu.memory_space<vmem>> -> memref<1x1x80xi32, #tpu.memory_space<vmem>>
      %dma_wait3A_473 = tpu.memref_squeeze %dma_wait3A_472 : memref<1x1x80xi32, #tpu.memory_space<vmem>> -> memref<80xi32, #tpu.memory_space<vmem>>
      %dma_wait3A_474 = arith.constant 0 : i32
      %dma_wait3A_475 = arith.constant 0 : i32
      %dma_wait3A_476 = tpu.memref_slice %arg10[%dma_wait3A_474, %dma_wait3A_475] : memref<10240x128xf32, #tpu.memory_space<vmem_shared>> -> memref<10240x128xf32, #tpu.memory_space<vmem_shared>>
      tpu.wait_indirect_dma semaphore(%arg15 : memref<!tpu.dma_semaphore, #tpu.memory_space<semaphore_mem>>) src(%arg7 : memref<80x128xf32, #tpu.memory_space<vmem>>) dst(%dma_wait3A_476 : memref<10240x128xf32, #tpu.memory_space<vmem_shared>>)
      %add3A_477 = arith.constant 2 : i32
      %add3A_478 = arith.addi %add3A_452, %add3A_477 : i32
      %dma_wait3A_479 = arith.constant 0 : i32
      %dma_wait3A_480 = arith.constant 0 : i32
      %dma_wait3A_481 = arith.constant 0 : i32
      %dma_wait3A_482 = tpu.memref_slice %arg5[%dma_wait3A_479, %dma_wait3A_480, %dma_wait3A_481] : memref<4x2x80xi32, #tpu.memory_space<vmem>> -> memref<1x2x80xi32, #tpu.memory_space<vmem>>
      %dma_wait3A_483 = tpu.memref_squeeze %dma_wait3A_482 : memref<1x2x80xi32, #tpu.memory_space<vmem>> -> memref<2x80xi32, #tpu.memory_space<vmem>>
      %dma_wait3A_484 = arith.constant 0 : i32
      %dma_wait3A_485 = arith.constant 0 : i32
      %dma_wait3A_486 = tpu.memref_slice %arg3[%add3A, %add3A_478, %dma_wait3A_484, %dma_wait3A_485] : memref<32x125x2x80xi32, #tpu.memory_space<hbm>> -> memref<1x1x2x80xi32, #tpu.memory_space<hbm>>
      %dma_wait3A_487 = tpu.memref_squeeze %dma_wait3A_486 : memref<1x1x2x80xi32, #tpu.memory_space<hbm>> -> memref<2x80xi32, #tpu.memory_space<hbm>>
      %dma_wait3A_488 = arith.constant 0 : i32
      %dma_wait3A_489 = arith.constant 0 : i32
      %dma_wait3A_490 = tpu.memref_slice %arg5[%dma_wait3A_479, %dma_wait3A_488, %dma_wait3A_489] : memref<4x2x80xi32, #tpu.memory_space<vmem>> -> memref<1x2x80xi32, #tpu.memory_space<vmem>>
      %dma_wait3A_491 = tpu.memref_squeeze %dma_wait3A_490 : memref<1x2x80xi32, #tpu.memory_space<vmem>> -> memref<2x80xi32, #tpu.memory_space<vmem>>
      %dma_wait3A_492 = arith.constant 0 : i32
      %dma_wait3A_493 = arith.constant 0 : i32
      %dma_wait3A_494 = tpu.memref_slice %arg3[%add3A, %add3A_478, %dma_wait3A_492, %dma_wait3A_493] : memref<32x125x2x80xi32, #tpu.memory_space<hbm>> -> memref<1x1x2x80xi32, #tpu.memory_space<hbm>>
      %dma_wait3A_495 = tpu.memref_squeeze %dma_wait3A_494 : memref<1x1x2x80xi32, #tpu.memory_space<hbm>> -> memref<2x80xi32, #tpu.memory_space<hbm>>
      tpu.wait_dma2 semaphore(%arg17 : memref<!tpu.dma_semaphore, #tpu.memory_space<semaphore_mem>>) src(%dma_wait3A_495 : memref<2x80xi32, #tpu.memory_space<hbm>>) dst(%dma_wait3A_491 : memref<2x80xi32, #tpu.memory_space<vmem>>)
      %dma_start3A_496 = arith.constant 0 : i32
      %dma_start3A_497 = arith.constant 0 : i32
      %dma_start3A_498 = arith.constant 0 : i32
      %dma_start3A_499 = tpu.memref_slice %arg5[%dma_start3A_496, %dma_start3A_497, %dma_start3A_498] : memref<4x2x80xi32, #tpu.memory_space<vmem>> -> memref<1x1x80xi32, #tpu.memory_space<vmem>>
      %dma_start3A_500 = tpu.memref_squeeze %dma_start3A_499 : memref<1x1x80xi32, #tpu.memory_space<vmem>> -> memref<80xi32, #tpu.memory_space<vmem>>
      %dma_start3A_501 = arith.constant 0 : i32
      %dma_start3A_502 = arith.constant 0 : i32
      %dma_start3A_503 = tpu.memref_slice %arg2[%dma_start3A_501, %dma_start3A_502] : memref<10000x128xf32, #tpu.memory_space<hbm>> -> memref<10000x128xf32, #tpu.memory_space<hbm>>
      tpu.enqueue_indirect_dma source(%dma_start3A_503 : memref<10000x128xf32, #tpu.memory_space<hbm>>) target(%arg7 : memref<80x128xf32, #tpu.memory_space<vmem>>) offsets(%dma_start3A_500 : memref<80xi32, #tpu.memory_space<vmem>>) semaphore(%arg12 : memref<!tpu.dma_semaphore, #tpu.memory_space<semaphore_mem>>)
      %add3A_504 = arith.constant 3 : i32
      %add3A_505 = arith.addi %add3A_452, %add3A_504 : i32
      %dma_start3A_506 = arith.constant 1 : i32
      %dma_start3A_507 = arith.constant 0 : i32
      %dma_start3A_508 = arith.constant 0 : i32
      %dma_start3A_509 = tpu.memref_slice %arg5[%dma_start3A_506, %dma_start3A_507, %dma_start3A_508] : memref<4x2x80xi32, #tpu.memory_space<vmem>> -> memref<1x2x80xi32, #tpu.memory_space<vmem>>
      %dma_start3A_510 = tpu.memref_squeeze %dma_start3A_509 : memref<1x2x80xi32, #tpu.memory_space<vmem>> -> memref<2x80xi32, #tpu.memory_space<vmem>>
      %dma_start3A_511 = arith.constant 0 : i32
      %dma_start3A_512 = arith.constant 0 : i32
      %dma_start3A_513 = tpu.memref_slice %arg3[%add3A, %add3A_505, %dma_start3A_511, %dma_start3A_512] : memref<32x125x2x80xi32, #tpu.memory_space<hbm>> -> memref<1x1x2x80xi32, #tpu.memory_space<hbm>>
      %dma_start3A_514 = tpu.memref_squeeze %dma_start3A_513 : memref<1x1x2x80xi32, #tpu.memory_space<hbm>> -> memref<2x80xi32, #tpu.memory_space<hbm>>
      %dma_start3A_515 = arith.constant 0 : i32
      %dma_start3A_516 = arith.constant 0 : i32
      %dma_start3A_517 = tpu.memref_slice %arg5[%dma_start3A_506, %dma_start3A_515, %dma_start3A_516] : memref<4x2x80xi32, #tpu.memory_space<vmem>> -> memref<1x2x80xi32, #tpu.memory_space<vmem>>
      %dma_start3A_518 = tpu.memref_squeeze %dma_start3A_517 : memref<1x2x80xi32, #tpu.memory_space<vmem>> -> memref<2x80xi32, #tpu.memory_space<vmem>>
      %dma_start3A_519 = arith.constant 0 : i32
      %dma_start3A_520 = arith.constant 0 : i32
      %dma_start3A_521 = tpu.memref_slice %arg3[%add3A, %add3A_505, %dma_start3A_519, %dma_start3A_520] : memref<32x125x2x80xi32, #tpu.memory_space<hbm>> -> memref<1x1x2x80xi32, #tpu.memory_space<hbm>>
      %dma_start3A_522 = tpu.memref_squeeze %dma_start3A_521 : memref<1x1x2x80xi32, #tpu.memory_space<hbm>> -> memref<2x80xi32, #tpu.memory_space<hbm>>
      tpu.enqueue_dma source(%dma_start3A_522 : memref<2x80xi32, #tpu.memory_space<hbm>>) target(%dma_start3A_518 : memref<2x80xi32, #tpu.memory_space<vmem>>) target_semaphore(%arg18 : memref<!tpu.dma_semaphore, #tpu.memory_space<semaphore_mem>>)
      %add3A_523 = arith.constant 2 : i32
      %add3A_524 = arith.addi %mul3A_374, %add3A_523 : i32
      %add3A_525 = arith.constant 1 : i32
      %add3A_526 = arith.addi %add3A_524, %add3A_525 : i32
      %dma_wait3A_527 = arith.constant 3 : i32
      %dma_wait3A_528 = arith.constant 0 : i32
      %dma_wait3A_529 = arith.constant 0 : i32
      %dma_wait3A_530 = tpu.memref_slice %arg5[%dma_wait3A_527, %dma_wait3A_528, %dma_wait3A_529] : memref<4x2x80xi32, #tpu.memory_space<vmem>> -> memref<1x1x80xi32, #tpu.memory_space<vmem>>
      %dma_wait3A_531 = tpu.memref_squeeze %dma_wait3A_530 : memref<1x1x80xi32, #tpu.memory_space<vmem>> -> memref<80xi32, #tpu.memory_space<vmem>>
      %dma_wait3A_532 = arith.constant 0 : i32
      %dma_wait3A_533 = arith.constant 0 : i32
      %dma_wait3A_534 = tpu.memref_slice %arg2[%dma_wait3A_532, %dma_wait3A_533] : memref<10000x128xf32, #tpu.memory_space<hbm>> -> memref<10000x128xf32, #tpu.memory_space<hbm>>
      tpu.wait_indirect_dma semaphore(%arg11 : memref<!tpu.dma_semaphore, #tpu.memory_space<semaphore_mem>>) src(%dma_wait3A_534 : memref<10000x128xf32, #tpu.memory_space<hbm>>) dst(%arg6 : memref<80x128xf32, #tpu.memory_space<vmem>>)
      %dma_start3A_535 = arith.constant 3 : i32
      %dma_start3A_536 = arith.constant 1 : i32
      %dma_start3A_537 = arith.constant 0 : i32
      %dma_start3A_538 = tpu.memref_slice %arg5[%dma_start3A_535, %dma_start3A_536, %dma_start3A_537] : memref<4x2x80xi32, #tpu.memory_space<vmem>> -> memref<1x1x80xi32, #tpu.memory_space<vmem>>
      %dma_start3A_539 = tpu.memref_squeeze %dma_start3A_538 : memref<1x1x80xi32, #tpu.memory_space<vmem>> -> memref<80xi32, #tpu.memory_space<vmem>>
      %dma_start3A_540 = arith.constant 0 : i32
      %dma_start3A_541 = arith.constant 0 : i32
      %dma_start3A_542 = tpu.memref_slice %arg10[%dma_start3A_540, %dma_start3A_541] : memref<10240x128xf32, #tpu.memory_space<vmem_shared>> -> memref<10240x128xf32, #tpu.memory_space<vmem_shared>>
      tpu.enqueue_indirect_dma source(%arg6 : memref<80x128xf32, #tpu.memory_space<vmem>>) target(%dma_start3A_542 : memref<10240x128xf32, #tpu.memory_space<vmem_shared>>) offsets(%dma_start3A_539 : memref<80xi32, #tpu.memory_space<vmem>>) semaphore(%arg14 : memref<!tpu.dma_semaphore, #tpu.memory_space<semaphore_mem>>) {add = true}
      %dma_wait3A_543 = arith.constant 2 : i32
      %dma_wait3A_544 = arith.constant 1 : i32
      %dma_wait3A_545 = arith.constant 0 : i32
      %dma_wait3A_546 = tpu.memref_slice %arg5[%dma_wait3A_543, %dma_wait3A_544, %dma_wait3A_545] : memref<4x2x80xi32, #tpu.memory_space<vmem>> -> memref<1x1x80xi32, #tpu.memory_space<vmem>>
      %dma_wait3A_547 = tpu.memref_squeeze %dma_wait3A_546 : memref<1x1x80xi32, #tpu.memory_space<vmem>> -> memref<80xi32, #tpu.memory_space<vmem>>
      %dma_wait3A_548 = arith.constant 0 : i32
      %dma_wait3A_549 = arith.constant 0 : i32
      %dma_wait3A_550 = tpu.memref_slice %arg10[%dma_wait3A_548, %dma_wait3A_549] : memref<10240x128xf32, #tpu.memory_space<vmem_shared>> -> memref<10240x128xf32, #tpu.memory_space<vmem_shared>>
      tpu.wait_indirect_dma semaphore(%arg16 : memref<!tpu.dma_semaphore, #tpu.memory_space<semaphore_mem>>) src(%arg8 : memref<80x128xf32, #tpu.memory_space<vmem>>) dst(%dma_wait3A_550 : memref<10240x128xf32, #tpu.memory_space<vmem_shared>>)
      %add3A_551 = arith.constant 2 : i32
      %add3A_552 = arith.addi %add3A_526, %add3A_551 : i32
      %dma_wait3A_553 = arith.constant 1 : i32
      %dma_wait3A_554 = arith.constant 0 : i32
      %dma_wait3A_555 = arith.constant 0 : i32
      %dma_wait3A_556 = tpu.memref_slice %arg5[%dma_wait3A_553, %dma_wait3A_554, %dma_wait3A_555] : memref<4x2x80xi32, #tpu.memory_space<vmem>> -> memref<1x2x80xi32, #tpu.memory_space<vmem>>
      %dma_wait3A_557 = tpu.memref_squeeze %dma_wait3A_556 : memref<1x2x80xi32, #tpu.memory_space<vmem>> -> memref<2x80xi32, #tpu.memory_space<vmem>>
      %dma_wait3A_558 = arith.constant 0 : i32
      %dma_wait3A_559 = arith.constant 0 : i32
      %dma_wait3A_560 = tpu.memref_slice %arg3[%add3A, %add3A_552, %dma_wait3A_558, %dma_wait3A_559] : memref<32x125x2x80xi32, #tpu.memory_space<hbm>> -> memref<1x1x2x80xi32, #tpu.memory_space<hbm>>
      %dma_wait3A_561 = tpu.memref_squeeze %dma_wait3A_560 : memref<1x1x2x80xi32, #tpu.memory_space<hbm>> -> memref<2x80xi32, #tpu.memory_space<hbm>>
      %dma_wait3A_562 = arith.constant 0 : i32
      %dma_wait3A_563 = arith.constant 0 : i32
      %dma_wait3A_564 = tpu.memref_slice %arg5[%dma_wait3A_553, %dma_wait3A_562, %dma_wait3A_563] : memref<4x2x80xi32, #tpu.memory_space<vmem>> -> memref<1x2x80xi32, #tpu.memory_space<vmem>>
      %dma_wait3A_565 = tpu.memref_squeeze %dma_wait3A_564 : memref<1x2x80xi32, #tpu.memory_space<vmem>> -> memref<2x80xi32, #tpu.memory_space<vmem>>
      %dma_wait3A_566 = arith.constant 0 : i32
      %dma_wait3A_567 = arith.constant 0 : i32
      %dma_wait3A_568 = tpu.memref_slice %arg3[%add3A, %add3A_552, %dma_wait3A_566, %dma_wait3A_567] : memref<32x125x2x80xi32, #tpu.memory_space<hbm>> -> memref<1x1x2x80xi32, #tpu.memory_space<hbm>>
      %dma_wait3A_569 = tpu.memref_squeeze %dma_wait3A_568 : memref<1x1x2x80xi32, #tpu.memory_space<hbm>> -> memref<2x80xi32, #tpu.memory_space<hbm>>
      tpu.wait_dma2 semaphore(%arg18 : memref<!tpu.dma_semaphore, #tpu.memory_space<semaphore_mem>>) src(%dma_wait3A_569 : memref<2x80xi32, #tpu.memory_space<hbm>>) dst(%dma_wait3A_565 : memref<2x80xi32, #tpu.memory_space<vmem>>)
      %dma_start3A_570 = arith.constant 1 : i32
      %dma_start3A_571 = arith.constant 0 : i32
      %dma_start3A_572 = arith.constant 0 : i32
      %dma_start3A_573 = tpu.memref_slice %arg5[%dma_start3A_570, %dma_start3A_571, %dma_start3A_572] : memref<4x2x80xi32, #tpu.memory_space<vmem>> -> memref<1x1x80xi32, #tpu.memory_space<vmem>>
      %dma_start3A_574 = tpu.memref_squeeze %dma_start3A_573 : memref<1x1x80xi32, #tpu.memory_space<vmem>> -> memref<80xi32, #tpu.memory_space<vmem>>
      %dma_start3A_575 = arith.constant 0 : i32
      %dma_start3A_576 = arith.constant 0 : i32
      %dma_start3A_577 = tpu.memref_slice %arg2[%dma_start3A_575, %dma_start3A_576] : memref<10000x128xf32, #tpu.memory_space<hbm>> -> memref<10000x128xf32, #tpu.memory_space<hbm>>
      tpu.enqueue_indirect_dma source(%dma_start3A_577 : memref<10000x128xf32, #tpu.memory_space<hbm>>) target(%arg8 : memref<80x128xf32, #tpu.memory_space<vmem>>) offsets(%dma_start3A_574 : memref<80xi32, #tpu.memory_space<vmem>>) semaphore(%arg13 : memref<!tpu.dma_semaphore, #tpu.memory_space<semaphore_mem>>)
      %add3A_578 = arith.constant 3 : i32
      %add3A_579 = arith.addi %add3A_526, %add3A_578 : i32
      %dma_start3A_580 = arith.constant 2 : i32
      %dma_start3A_581 = arith.constant 0 : i32
      %dma_start3A_582 = arith.constant 0 : i32
      %dma_start3A_583 = tpu.memref_slice %arg5[%dma_start3A_580, %dma_start3A_581, %dma_start3A_582] : memref<4x2x80xi32, #tpu.memory_space<vmem>> -> memref<1x2x80xi32, #tpu.memory_space<vmem>>
      %dma_start3A_584 = tpu.memref_squeeze %dma_start3A_583 : memref<1x2x80xi32, #tpu.memory_space<vmem>> -> memref<2x80xi32, #tpu.memory_space<vmem>>
      %dma_start3A_585 = arith.constant 0 : i32
      %dma_start3A_586 = arith.constant 0 : i32
      %dma_start3A_587 = tpu.memref_slice %arg3[%add3A, %add3A_579, %dma_start3A_585, %dma_start3A_586] : memref<32x125x2x80xi32, #tpu.memory_space<hbm>> -> memref<1x1x2x80xi32, #tpu.memory_space<hbm>>
      %dma_start3A_588 = tpu.memref_squeeze %dma_start3A_587 : memref<1x1x2x80xi32, #tpu.memory_space<hbm>> -> memref<2x80xi32, #tpu.memory_space<hbm>>
      %dma_start3A_589 = arith.constant 0 : i32
      %dma_start3A_590 = arith.constant 0 : i32
      %dma_start3A_591 = tpu.memref_slice %arg5[%dma_start3A_580, %dma_start3A_589, %dma_start3A_590] : memref<4x2x80xi32, #tpu.memory_space<vmem>> -> memref<1x2x80xi32, #tpu.memory_space<vmem>>
      %dma_start3A_592 = tpu.memref_squeeze %dma_start3A_591 : memref<1x2x80xi32, #tpu.memory_space<vmem>> -> memref<2x80xi32, #tpu.memory_space<vmem>>
      %dma_start3A_593 = arith.constant 0 : i32
      %dma_start3A_594 = arith.constant 0 : i32
      %dma_start3A_595 = tpu.memref_slice %arg3[%add3A, %add3A_579, %dma_start3A_593, %dma_start3A_594] : memref<32x125x2x80xi32, #tpu.memory_space<hbm>> -> memref<1x1x2x80xi32, #tpu.memory_space<hbm>>
      %dma_start3A_596 = tpu.memref_squeeze %dma_start3A_595 : memref<1x1x2x80xi32, #tpu.memory_space<hbm>> -> memref<2x80xi32, #tpu.memory_space<hbm>>
      tpu.enqueue_dma source(%dma_start3A_596 : memref<2x80xi32, #tpu.memory_space<hbm>>) target(%dma_start3A_592 : memref<2x80xi32, #tpu.memory_space<vmem>>) target_semaphore(%arg19 : memref<!tpu.dma_semaphore, #tpu.memory_space<semaphore_mem>>)
      %add3A_597 = arith.constant 3 : i32
      %add3A_598 = arith.addi %mul3A_374, %add3A_597 : i32
      %add3A_599 = arith.constant 1 : i32
      %add3A_600 = arith.addi %add3A_598, %add3A_599 : i32
      %dma_wait3A_601 = arith.constant 0 : i32
      %dma_wait3A_602 = arith.constant 0 : i32
      %dma_wait3A_603 = arith.constant 0 : i32
      %dma_wait3A_604 = tpu.memref_slice %arg5[%dma_wait3A_601, %dma_wait3A_602, %dma_wait3A_603] : memref<4x2x80xi32, #tpu.memory_space<vmem>> -> memref<1x1x80xi32, #tpu.memory_space<vmem>>
      %dma_wait3A_605 = tpu.memref_squeeze %dma_wait3A_604 : memref<1x1x80xi32, #tpu.memory_space<vmem>> -> memref<80xi32, #tpu.memory_space<vmem>>
      %dma_wait3A_606 = arith.constant 0 : i32
      %dma_wait3A_607 = arith.constant 0 : i32
      %dma_wait3A_608 = tpu.memref_slice %arg2[%dma_wait3A_606, %dma_wait3A_607] : memref<10000x128xf32, #tpu.memory_space<hbm>> -> memref<10000x128xf32, #tpu.memory_space<hbm>>
      tpu.wait_indirect_dma semaphore(%arg12 : memref<!tpu.dma_semaphore, #tpu.memory_space<semaphore_mem>>) src(%dma_wait3A_608 : memref<10000x128xf32, #tpu.memory_space<hbm>>) dst(%arg7 : memref<80x128xf32, #tpu.memory_space<vmem>>)
      %dma_start3A_609 = arith.constant 0 : i32
      %dma_start3A_610 = arith.constant 1 : i32
      %dma_start3A_611 = arith.constant 0 : i32
      %dma_start3A_612 = tpu.memref_slice %arg5[%dma_start3A_609, %dma_start3A_610, %dma_start3A_611] : memref<4x2x80xi32, #tpu.memory_space<vmem>> -> memref<1x1x80xi32, #tpu.memory_space<vmem>>
      %dma_start3A_613 = tpu.memref_squeeze %dma_start3A_612 : memref<1x1x80xi32, #tpu.memory_space<vmem>> -> memref<80xi32, #tpu.memory_space<vmem>>
      %dma_start3A_614 = arith.constant 0 : i32
      %dma_start3A_615 = arith.constant 0 : i32
      %dma_start3A_616 = tpu.memref_slice %arg10[%dma_start3A_614, %dma_start3A_615] : memref<10240x128xf32, #tpu.memory_space<vmem_shared>> -> memref<10240x128xf32, #tpu.memory_space<vmem_shared>>
      tpu.enqueue_indirect_dma source(%arg7 : memref<80x128xf32, #tpu.memory_space<vmem>>) target(%dma_start3A_616 : memref<10240x128xf32, #tpu.memory_space<vmem_shared>>) offsets(%dma_start3A_613 : memref<80xi32, #tpu.memory_space<vmem>>) semaphore(%arg15 : memref<!tpu.dma_semaphore, #tpu.memory_space<semaphore_mem>>) {add = true}
      %dma_wait3A_617 = arith.constant 3 : i32
      %dma_wait3A_618 = arith.constant 1 : i32
      %dma_wait3A_619 = arith.constant 0 : i32
      %dma_wait3A_620 = tpu.memref_slice %arg5[%dma_wait3A_617, %dma_wait3A_618, %dma_wait3A_619] : memref<4x2x80xi32, #tpu.memory_space<vmem>> -> memref<1x1x80xi32, #tpu.memory_space<vmem>>
      %dma_wait3A_621 = tpu.memref_squeeze %dma_wait3A_620 : memref<1x1x80xi32, #tpu.memory_space<vmem>> -> memref<80xi32, #tpu.memory_space<vmem>>
      %dma_wait3A_622 = arith.constant 0 : i32
      %dma_wait3A_623 = arith.constant 0 : i32
      %dma_wait3A_624 = tpu.memref_slice %arg10[%dma_wait3A_622, %dma_wait3A_623] : memref<10240x128xf32, #tpu.memory_space<vmem_shared>> -> memref<10240x128xf32, #tpu.memory_space<vmem_shared>>
      tpu.wait_indirect_dma semaphore(%arg14 : memref<!tpu.dma_semaphore, #tpu.memory_space<semaphore_mem>>) src(%arg6 : memref<80x128xf32, #tpu.memory_space<vmem>>) dst(%dma_wait3A_624 : memref<10240x128xf32, #tpu.memory_space<vmem_shared>>)
      %add3A_625 = arith.constant 2 : i32
      %add3A_626 = arith.addi %add3A_600, %add3A_625 : i32
      %dma_wait3A_627 = arith.constant 2 : i32
      %dma_wait3A_628 = arith.constant 0 : i32
      %dma_wait3A_629 = arith.constant 0 : i32
      %dma_wait3A_630 = tpu.memref_slice %arg5[%dma_wait3A_627, %dma_wait3A_628, %dma_wait3A_629] : memref<4x2x80xi32, #tpu.memory_space<vmem>> -> memref<1x2x80xi32, #tpu.memory_space<vmem>>
      %dma_wait3A_631 = tpu.memref_squeeze %dma_wait3A_630 : memref<1x2x80xi32, #tpu.memory_space<vmem>> -> memref<2x80xi32, #tpu.memory_space<vmem>>
      %dma_wait3A_632 = arith.constant 0 : i32
      %dma_wait3A_633 = arith.constant 0 : i32
      %dma_wait3A_634 = tpu.memref_slice %arg3[%add3A, %add3A_626, %dma_wait3A_632, %dma_wait3A_633] : memref<32x125x2x80xi32, #tpu.memory_space<hbm>> -> memref<1x1x2x80xi32, #tpu.memory_space<hbm>>
      %dma_wait3A_635 = tpu.memref_squeeze %dma_wait3A_634 : memref<1x1x2x80xi32, #tpu.memory_space<hbm>> -> memref<2x80xi32, #tpu.memory_space<hbm>>
      %dma_wait3A_636 = arith.constant 0 : i32
      %dma_wait3A_637 = arith.constant 0 : i32
      %dma_wait3A_638 = tpu.memref_slice %arg5[%dma_wait3A_627, %dma_wait3A_636, %dma_wait3A_637] : memref<4x2x80xi32, #tpu.memory_space<vmem>> -> memref<1x2x80xi32, #tpu.memory_space<vmem>>
      %dma_wait3A_639 = tpu.memref_squeeze %dma_wait3A_638 : memref<1x2x80xi32, #tpu.memory_space<vmem>> -> memref<2x80xi32, #tpu.memory_space<vmem>>
      %dma_wait3A_640 = arith.constant 0 : i32
      %dma_wait3A_641 = arith.constant 0 : i32
      %dma_wait3A_642 = tpu.memref_slice %arg3[%add3A, %add3A_626, %dma_wait3A_640, %dma_wait3A_641] : memref<32x125x2x80xi32, #tpu.memory_space<hbm>> -> memref<1x1x2x80xi32, #tpu.memory_space<hbm>>
      %dma_wait3A_643 = tpu.memref_squeeze %dma_wait3A_642 : memref<1x1x2x80xi32, #tpu.memory_space<hbm>> -> memref<2x80xi32, #tpu.memory_space<hbm>>
      tpu.wait_dma2 semaphore(%arg19 : memref<!tpu.dma_semaphore, #tpu.memory_space<semaphore_mem>>) src(%dma_wait3A_643 : memref<2x80xi32, #tpu.memory_space<hbm>>) dst(%dma_wait3A_639 : memref<2x80xi32, #tpu.memory_space<vmem>>)
      %dma_start3A_644 = arith.constant 2 : i32
      %dma_start3A_645 = arith.constant 0 : i32
      %dma_start3A_646 = arith.constant 0 : i32
      %dma_start3A_647 = tpu.memref_slice %arg5[%dma_start3A_644, %dma_start3A_645, %dma_start3A_646] : memref<4x2x80xi32, #tpu.memory_space<vmem>> -> memref<1x1x80xi32, #tpu.memory_space<vmem>>
      %dma_start3A_648 = tpu.memref_squeeze %dma_start3A_647 : memref<1x1x80xi32, #tpu.memory_space<vmem>> -> memref<80xi32, #tpu.memory_space<vmem>>
      %dma_start3A_649 = arith.constant 0 : i32
      %dma_start3A_650 = arith.constant 0 : i32
      %dma_start3A_651 = tpu.memref_slice %arg2[%dma_start3A_649, %dma_start3A_650] : memref<10000x128xf32, #tpu.memory_space<hbm>> -> memref<10000x128xf32, #tpu.memory_space<hbm>>
      tpu.enqueue_indirect_dma source(%dma_start3A_651 : memref<10000x128xf32, #tpu.memory_space<hbm>>) target(%arg6 : memref<80x128xf32, #tpu.memory_space<vmem>>) offsets(%dma_start3A_648 : memref<80xi32, #tpu.memory_space<vmem>>) semaphore(%arg11 : memref<!tpu.dma_semaphore, #tpu.memory_space<semaphore_mem>>)
      %add3A_652 = arith.constant 3 : i32
      %add3A_653 = arith.addi %add3A_600, %add3A_652 : i32
      %dma_start3A_654 = arith.constant 3 : i32
      %dma_start3A_655 = arith.constant 0 : i32
      %dma_start3A_656 = arith.constant 0 : i32
      %dma_start3A_657 = tpu.memref_slice %arg5[%dma_start3A_654, %dma_start3A_655, %dma_start3A_656] : memref<4x2x80xi32, #tpu.memory_space<vmem>> -> memref<1x2x80xi32, #tpu.memory_space<vmem>>
      %dma_start3A_658 = tpu.memref_squeeze %dma_start3A_657 : memref<1x2x80xi32, #tpu.memory_space<vmem>> -> memref<2x80xi32, #tpu.memory_space<vmem>>
      %dma_start3A_659 = arith.constant 0 : i32
      %dma_start3A_660 = arith.constant 0 : i32
      %dma_start3A_661 = tpu.memref_slice %arg3[%add3A, %add3A_653, %dma_start3A_659, %dma_start3A_660] : memref<32x125x2x80xi32, #tpu.memory_space<hbm>> -> memref<1x1x2x80xi32, #tpu.memory_space<hbm>>
      %dma_start3A_662 = tpu.memref_squeeze %dma_start3A_661 : memref<1x1x2x80xi32, #tpu.memory_space<hbm>> -> memref<2x80xi32, #tpu.memory_space<hbm>>
      %dma_start3A_663 = arith.constant 0 : i32
      %dma_start3A_664 = arith.constant 0 : i32
      %dma_start3A_665 = tpu.memref_slice %arg5[%dma_start3A_654, %dma_start3A_663, %dma_start3A_664] : memref<4x2x80xi32, #tpu.memory_space<vmem>> -> memref<1x2x80xi32, #tpu.memory_space<vmem>>
      %dma_start3A_666 = tpu.memref_squeeze %dma_start3A_665 : memref<1x2x80xi32, #tpu.memory_space<vmem>> -> memref<2x80xi32, #tpu.memory_space<vmem>>
      %dma_start3A_667 = arith.constant 0 : i32
      %dma_start3A_668 = arith.constant 0 : i32
      %dma_start3A_669 = tpu.memref_slice %arg3[%add3A, %add3A_653, %dma_start3A_667, %dma_start3A_668] : memref<32x125x2x80xi32, #tpu.memory_space<hbm>> -> memref<1x1x2x80xi32, #tpu.memory_space<hbm>>
      %dma_start3A_670 = tpu.memref_squeeze %dma_start3A_669 : memref<1x1x2x80xi32, #tpu.memory_space<hbm>> -> memref<2x80xi32, #tpu.memory_space<hbm>>
      tpu.enqueue_dma source(%dma_start3A_670 : memref<2x80xi32, #tpu.memory_space<hbm>>) target(%dma_start3A_666 : memref<2x80xi32, #tpu.memory_space<vmem>>) target_semaphore(%arg20 : memref<!tpu.dma_semaphore, #tpu.memory_space<semaphore_mem>>)
      %add3A_671 = arith.constant 4 : i32
      %add3A_672 = arith.addi %mul3A_374, %add3A_671 : i32
      %add3A_673 = arith.constant 1 : i32
      %add3A_674 = arith.addi %add3A_672, %add3A_673 : i32
      %dma_wait3A_675 = arith.constant 1 : i32
      %dma_wait3A_676 = arith.constant 0 : i32
      %dma_wait3A_677 = arith.constant 0 : i32
      %dma_wait3A_678 = tpu.memref_slice %arg5[%dma_wait3A_675, %dma_wait3A_676, %dma_wait3A_677] : memref<4x2x80xi32, #tpu.memory_space<vmem>> -> memref<1x1x80xi32, #tpu.memory_space<vmem>>
      %dma_wait3A_679 = tpu.memref_squeeze %dma_wait3A_678 : memref<1x1x80xi32, #tpu.memory_space<vmem>> -> memref<80xi32, #tpu.memory_space<vmem>>
      %dma_wait3A_680 = arith.constant 0 : i32
      %dma_wait3A_681 = arith.constant 0 : i32
      %dma_wait3A_682 = tpu.memref_slice %arg2[%dma_wait3A_680, %dma_wait3A_681] : memref<10000x128xf32, #tpu.memory_space<hbm>> -> memref<10000x128xf32, #tpu.memory_space<hbm>>
      tpu.wait_indirect_dma semaphore(%arg13 : memref<!tpu.dma_semaphore, #tpu.memory_space<semaphore_mem>>) src(%dma_wait3A_682 : memref<10000x128xf32, #tpu.memory_space<hbm>>) dst(%arg8 : memref<80x128xf32, #tpu.memory_space<vmem>>)
      %dma_start3A_683 = arith.constant 1 : i32
      %dma_start3A_684 = arith.constant 1 : i32
      %dma_start3A_685 = arith.constant 0 : i32
      %dma_start3A_686 = tpu.memref_slice %arg5[%dma_start3A_683, %dma_start3A_684, %dma_start3A_685] : memref<4x2x80xi32, #tpu.memory_space<vmem>> -> memref<1x1x80xi32, #tpu.memory_space<vmem>>
      %dma_start3A_687 = tpu.memref_squeeze %dma_start3A_686 : memref<1x1x80xi32, #tpu.memory_space<vmem>> -> memref<80xi32, #tpu.memory_space<vmem>>
      %dma_start3A_688 = arith.constant 0 : i32
      %dma_start3A_689 = arith.constant 0 : i32
      %dma_start3A_690 = tpu.memref_slice %arg10[%dma_start3A_688, %dma_start3A_689] : memref<10240x128xf32, #tpu.memory_space<vmem_shared>> -> memref<10240x128xf32, #tpu.memory_space<vmem_shared>>
      tpu.enqueue_indirect_dma source(%arg8 : memref<80x128xf32, #tpu.memory_space<vmem>>) target(%dma_start3A_690 : memref<10240x128xf32, #tpu.memory_space<vmem_shared>>) offsets(%dma_start3A_687 : memref<80xi32, #tpu.memory_space<vmem>>) semaphore(%arg16 : memref<!tpu.dma_semaphore, #tpu.memory_space<semaphore_mem>>) {add = true}
      %dma_wait3A_691 = arith.constant 0 : i32
      %dma_wait3A_692 = arith.constant 1 : i32
      %dma_wait3A_693 = arith.constant 0 : i32
      %dma_wait3A_694 = tpu.memref_slice %arg5[%dma_wait3A_691, %dma_wait3A_692, %dma_wait3A_693] : memref<4x2x80xi32, #tpu.memory_space<vmem>> -> memref<1x1x80xi32, #tpu.memory_space<vmem>>
      %dma_wait3A_695 = tpu.memref_squeeze %dma_wait3A_694 : memref<1x1x80xi32, #tpu.memory_space<vmem>> -> memref<80xi32, #tpu.memory_space<vmem>>
      %dma_wait3A_696 = arith.constant 0 : i32
      %dma_wait3A_697 = arith.constant 0 : i32
      %dma_wait3A_698 = tpu.memref_slice %arg10[%dma_wait3A_696, %dma_wait3A_697] : memref<10240x128xf32, #tpu.memory_space<vmem_shared>> -> memref<10240x128xf32, #tpu.memory_space<vmem_shared>>
      tpu.wait_indirect_dma semaphore(%arg15 : memref<!tpu.dma_semaphore, #tpu.memory_space<semaphore_mem>>) src(%arg7 : memref<80x128xf32, #tpu.memory_space<vmem>>) dst(%dma_wait3A_698 : memref<10240x128xf32, #tpu.memory_space<vmem_shared>>)
      %add3A_699 = arith.constant 2 : i32
      %add3A_700 = arith.addi %add3A_674, %add3A_699 : i32
      %dma_wait3A_701 = arith.constant 3 : i32
      %dma_wait3A_702 = arith.constant 0 : i32
      %dma_wait3A_703 = arith.constant 0 : i32
      %dma_wait3A_704 = tpu.memref_slice %arg5[%dma_wait3A_701, %dma_wait3A_702, %dma_wait3A_703] : memref<4x2x80xi32, #tpu.memory_space<vmem>> -> memref<1x2x80xi32, #tpu.memory_space<vmem>>
      %dma_wait3A_705 = tpu.memref_squeeze %dma_wait3A_704 : memref<1x2x80xi32, #tpu.memory_space<vmem>> -> memref<2x80xi32, #tpu.memory_space<vmem>>
      %dma_wait3A_706 = arith.constant 0 : i32
      %dma_wait3A_707 = arith.constant 0 : i32
      %dma_wait3A_708 = tpu.memref_slice %arg3[%add3A, %add3A_700, %dma_wait3A_706, %dma_wait3A_707] : memref<32x125x2x80xi32, #tpu.memory_space<hbm>> -> memref<1x1x2x80xi32, #tpu.memory_space<hbm>>
      %dma_wait3A_709 = tpu.memref_squeeze %dma_wait3A_708 : memref<1x1x2x80xi32, #tpu.memory_space<hbm>> -> memref<2x80xi32, #tpu.memory_space<hbm>>
      %dma_wait3A_710 = arith.constant 0 : i32
      %dma_wait3A_711 = arith.constant 0 : i32
      %dma_wait3A_712 = tpu.memref_slice %arg5[%dma_wait3A_701, %dma_wait3A_710, %dma_wait3A_711] : memref<4x2x80xi32, #tpu.memory_space<vmem>> -> memref<1x2x80xi32, #tpu.memory_space<vmem>>
      %dma_wait3A_713 = tpu.memref_squeeze %dma_wait3A_712 : memref<1x2x80xi32, #tpu.memory_space<vmem>> -> memref<2x80xi32, #tpu.memory_space<vmem>>
      %dma_wait3A_714 = arith.constant 0 : i32
      %dma_wait3A_715 = arith.constant 0 : i32
      %dma_wait3A_716 = tpu.memref_slice %arg3[%add3A, %add3A_700, %dma_wait3A_714, %dma_wait3A_715] : memref<32x125x2x80xi32, #tpu.memory_space<hbm>> -> memref<1x1x2x80xi32, #tpu.memory_space<hbm>>
      %dma_wait3A_717 = tpu.memref_squeeze %dma_wait3A_716 : memref<1x1x2x80xi32, #tpu.memory_space<hbm>> -> memref<2x80xi32, #tpu.memory_space<hbm>>
      tpu.wait_dma2 semaphore(%arg20 : memref<!tpu.dma_semaphore, #tpu.memory_space<semaphore_mem>>) src(%dma_wait3A_717 : memref<2x80xi32, #tpu.memory_space<hbm>>) dst(%dma_wait3A_713 : memref<2x80xi32, #tpu.memory_space<vmem>>)
      %dma_start3A_718 = arith.constant 3 : i32
      %dma_start3A_719 = arith.constant 0 : i32
      %dma_start3A_720 = arith.constant 0 : i32
      %dma_start3A_721 = tpu.memref_slice %arg5[%dma_start3A_718, %dma_start3A_719, %dma_start3A_720] : memref<4x2x80xi32, #tpu.memory_space<vmem>> -> memref<1x1x80xi32, #tpu.memory_space<vmem>>
      %dma_start3A_722 = tpu.memref_squeeze %dma_start3A_721 : memref<1x1x80xi32, #tpu.memory_space<vmem>> -> memref<80xi32, #tpu.memory_space<vmem>>
      %dma_start3A_723 = arith.constant 0 : i32
      %dma_start3A_724 = arith.constant 0 : i32
      %dma_start3A_725 = tpu.memref_slice %arg2[%dma_start3A_723, %dma_start3A_724] : memref<10000x128xf32, #tpu.memory_space<hbm>> -> memref<10000x128xf32, #tpu.memory_space<hbm>>
      tpu.enqueue_indirect_dma source(%dma_start3A_725 : memref<10000x128xf32, #tpu.memory_space<hbm>>) target(%arg7 : memref<80x128xf32, #tpu.memory_space<vmem>>) offsets(%dma_start3A_722 : memref<80xi32, #tpu.memory_space<vmem>>) semaphore(%arg12 : memref<!tpu.dma_semaphore, #tpu.memory_space<semaphore_mem>>)
      %add3A_726 = arith.constant 3 : i32
      %add3A_727 = arith.addi %add3A_674, %add3A_726 : i32
      %dma_start3A_728 = arith.constant 0 : i32
      %dma_start3A_729 = arith.constant 0 : i32
      %dma_start3A_730 = arith.constant 0 : i32
      %dma_start3A_731 = tpu.memref_slice %arg5[%dma_start3A_728, %dma_start3A_729, %dma_start3A_730] : memref<4x2x80xi32, #tpu.memory_space<vmem>> -> memref<1x2x80xi32, #tpu.memory_space<vmem>>
      %dma_start3A_732 = tpu.memref_squeeze %dma_start3A_731 : memref<1x2x80xi32, #tpu.memory_space<vmem>> -> memref<2x80xi32, #tpu.memory_space<vmem>>
      %dma_start3A_733 = arith.constant 0 : i32
      %dma_start3A_734 = arith.constant 0 : i32
      %dma_start3A_735 = tpu.memref_slice %arg3[%add3A, %add3A_727, %dma_start3A_733, %dma_start3A_734] : memref<32x125x2x80xi32, #tpu.memory_space<hbm>> -> memref<1x1x2x80xi32, #tpu.memory_space<hbm>>
      %dma_start3A_736 = tpu.memref_squeeze %dma_start3A_735 : memref<1x1x2x80xi32, #tpu.memory_space<hbm>> -> memref<2x80xi32, #tpu.memory_space<hbm>>
      %dma_start3A_737 = arith.constant 0 : i32
      %dma_start3A_738 = arith.constant 0 : i32
      %dma_start3A_739 = tpu.memref_slice %arg5[%dma_start3A_728, %dma_start3A_737, %dma_start3A_738] : memref<4x2x80xi32, #tpu.memory_space<vmem>> -> memref<1x2x80xi32, #tpu.memory_space<vmem>>
      %dma_start3A_740 = tpu.memref_squeeze %dma_start3A_739 : memref<1x2x80xi32, #tpu.memory_space<vmem>> -> memref<2x80xi32, #tpu.memory_space<vmem>>
      %dma_start3A_741 = arith.constant 0 : i32
      %dma_start3A_742 = arith.constant 0 : i32
      %dma_start3A_743 = tpu.memref_slice %arg3[%add3A, %add3A_727, %dma_start3A_741, %dma_start3A_742] : memref<32x125x2x80xi32, #tpu.memory_space<hbm>> -> memref<1x1x2x80xi32, #tpu.memory_space<hbm>>
      %dma_start3A_744 = tpu.memref_squeeze %dma_start3A_743 : memref<1x1x2x80xi32, #tpu.memory_space<hbm>> -> memref<2x80xi32, #tpu.memory_space<hbm>>
      tpu.enqueue_dma source(%dma_start3A_744 : memref<2x80xi32, #tpu.memory_space<hbm>>) target(%dma_start3A_740 : memref<2x80xi32, #tpu.memory_space<vmem>>) target_semaphore(%arg17 : memref<!tpu.dma_semaphore, #tpu.memory_space<semaphore_mem>>)
      %add3A_745 = arith.constant 5 : i32
      %add3A_746 = arith.addi %mul3A_374, %add3A_745 : i32
      %add3A_747 = arith.constant 1 : i32
      %add3A_748 = arith.addi %add3A_746, %add3A_747 : i32
      %dma_wait3A_749 = arith.constant 2 : i32
      %dma_wait3A_750 = arith.constant 0 : i32
      %dma_wait3A_751 = arith.constant 0 : i32
      %dma_wait3A_752 = tpu.memref_slice %arg5[%dma_wait3A_749, %dma_wait3A_750, %dma_wait3A_751] : memref<4x2x80xi32, #tpu.memory_space<vmem>> -> memref<1x1x80xi32, #tpu.memory_space<vmem>>
      %dma_wait3A_753 = tpu.memref_squeeze %dma_wait3A_752 : memref<1x1x80xi32, #tpu.memory_space<vmem>> -> memref<80xi32, #tpu.memory_space<vmem>>
      %dma_wait3A_754 = arith.constant 0 : i32
      %dma_wait3A_755 = arith.constant 0 : i32
      %dma_wait3A_756 = tpu.memref_slice %arg2[%dma_wait3A_754, %dma_wait3A_755] : memref<10000x128xf32, #tpu.memory_space<hbm>> -> memref<10000x128xf32, #tpu.memory_space<hbm>>
      tpu.wait_indirect_dma semaphore(%arg11 : memref<!tpu.dma_semaphore, #tpu.memory_space<semaphore_mem>>) src(%dma_wait3A_756 : memref<10000x128xf32, #tpu.memory_space<hbm>>) dst(%arg6 : memref<80x128xf32, #tpu.memory_space<vmem>>)
      %dma_start3A_757 = arith.constant 2 : i32
      %dma_start3A_758 = arith.constant 1 : i32
      %dma_start3A_759 = arith.constant 0 : i32
      %dma_start3A_760 = tpu.memref_slice %arg5[%dma_start3A_757, %dma_start3A_758, %dma_start3A_759] : memref<4x2x80xi32, #tpu.memory_space<vmem>> -> memref<1x1x80xi32, #tpu.memory_space<vmem>>
      %dma_start3A_761 = tpu.memref_squeeze %dma_start3A_760 : memref<1x1x80xi32, #tpu.memory_space<vmem>> -> memref<80xi32, #tpu.memory_space<vmem>>
      %dma_start3A_762 = arith.constant 0 : i32
      %dma_start3A_763 = arith.constant 0 : i32
      %dma_start3A_764 = tpu.memref_slice %arg10[%dma_start3A_762, %dma_start3A_763] : memref<10240x128xf32, #tpu.memory_space<vmem_shared>> -> memref<10240x128xf32, #tpu.memory_space<vmem_shared>>
      tpu.enqueue_indirect_dma source(%arg6 : memref<80x128xf32, #tpu.memory_space<vmem>>) target(%dma_start3A_764 : memref<10240x128xf32, #tpu.memory_space<vmem_shared>>) offsets(%dma_start3A_761 : memref<80xi32, #tpu.memory_space<vmem>>) semaphore(%arg14 : memref<!tpu.dma_semaphore, #tpu.memory_space<semaphore_mem>>) {add = true}
      %dma_wait3A_765 = arith.constant 1 : i32
      %dma_wait3A_766 = arith.constant 1 : i32
      %dma_wait3A_767 = arith.constant 0 : i32
      %dma_wait3A_768 = tpu.memref_slice %arg5[%dma_wait3A_765, %dma_wait3A_766, %dma_wait3A_767] : memref<4x2x80xi32, #tpu.memory_space<vmem>> -> memref<1x1x80xi32, #tpu.memory_space<vmem>>
      %dma_wait3A_769 = tpu.memref_squeeze %dma_wait3A_768 : memref<1x1x80xi32, #tpu.memory_space<vmem>> -> memref<80xi32, #tpu.memory_space<vmem>>
      %dma_wait3A_770 = arith.constant 0 : i32
      %dma_wait3A_771 = arith.constant 0 : i32
      %dma_wait3A_772 = tpu.memref_slice %arg10[%dma_wait3A_770, %dma_wait3A_771] : memref<10240x128xf32, #tpu.memory_space<vmem_shared>> -> memref<10240x128xf32, #tpu.memory_space<vmem_shared>>
      tpu.wait_indirect_dma semaphore(%arg16 : memref<!tpu.dma_semaphore, #tpu.memory_space<semaphore_mem>>) src(%arg8 : memref<80x128xf32, #tpu.memory_space<vmem>>) dst(%dma_wait3A_772 : memref<10240x128xf32, #tpu.memory_space<vmem_shared>>)
      %add3A_773 = arith.constant 2 : i32
      %add3A_774 = arith.addi %add3A_748, %add3A_773 : i32
      %dma_wait3A_775 = arith.constant 0 : i32
      %dma_wait3A_776 = arith.constant 0 : i32
      %dma_wait3A_777 = arith.constant 0 : i32
      %dma_wait3A_778 = tpu.memref_slice %arg5[%dma_wait3A_775, %dma_wait3A_776, %dma_wait3A_777] : memref<4x2x80xi32, #tpu.memory_space<vmem>> -> memref<1x2x80xi32, #tpu.memory_space<vmem>>
      %dma_wait3A_779 = tpu.memref_squeeze %dma_wait3A_778 : memref<1x2x80xi32, #tpu.memory_space<vmem>> -> memref<2x80xi32, #tpu.memory_space<vmem>>
      %dma_wait3A_780 = arith.constant 0 : i32
      %dma_wait3A_781 = arith.constant 0 : i32
      %dma_wait3A_782 = tpu.memref_slice %arg3[%add3A, %add3A_774, %dma_wait3A_780, %dma_wait3A_781] : memref<32x125x2x80xi32, #tpu.memory_space<hbm>> -> memref<1x1x2x80xi32, #tpu.memory_space<hbm>>
      %dma_wait3A_783 = tpu.memref_squeeze %dma_wait3A_782 : memref<1x1x2x80xi32, #tpu.memory_space<hbm>> -> memref<2x80xi32, #tpu.memory_space<hbm>>
      %dma_wait3A_784 = arith.constant 0 : i32
      %dma_wait3A_785 = arith.constant 0 : i32
      %dma_wait3A_786 = tpu.memref_slice %arg5[%dma_wait3A_775, %dma_wait3A_784, %dma_wait3A_785] : memref<4x2x80xi32, #tpu.memory_space<vmem>> -> memref<1x2x80xi32, #tpu.memory_space<vmem>>
      %dma_wait3A_787 = tpu.memref_squeeze %dma_wait3A_786 : memref<1x2x80xi32, #tpu.memory_space<vmem>> -> memref<2x80xi32, #tpu.memory_space<vmem>>
      %dma_wait3A_788 = arith.constant 0 : i32
      %dma_wait3A_789 = arith.constant 0 : i32
      %dma_wait3A_790 = tpu.memref_slice %arg3[%add3A, %add3A_774, %dma_wait3A_788, %dma_wait3A_789] : memref<32x125x2x80xi32, #tpu.memory_space<hbm>> -> memref<1x1x2x80xi32, #tpu.memory_space<hbm>>
      %dma_wait3A_791 = tpu.memref_squeeze %dma_wait3A_790 : memref<1x1x2x80xi32, #tpu.memory_space<hbm>> -> memref<2x80xi32, #tpu.memory_space<hbm>>
      tpu.wait_dma2 semaphore(%arg17 : memref<!tpu.dma_semaphore, #tpu.memory_space<semaphore_mem>>) src(%dma_wait3A_791 : memref<2x80xi32, #tpu.memory_space<hbm>>) dst(%dma_wait3A_787 : memref<2x80xi32, #tpu.memory_space<vmem>>)
      %dma_start3A_792 = arith.constant 0 : i32
      %dma_start3A_793 = arith.constant 0 : i32
      %dma_start3A_794 = arith.constant 0 : i32
      %dma_start3A_795 = tpu.memref_slice %arg5[%dma_start3A_792, %dma_start3A_793, %dma_start3A_794] : memref<4x2x80xi32, #tpu.memory_space<vmem>> -> memref<1x1x80xi32, #tpu.memory_space<vmem>>
      %dma_start3A_796 = tpu.memref_squeeze %dma_start3A_795 : memref<1x1x80xi32, #tpu.memory_space<vmem>> -> memref<80xi32, #tpu.memory_space<vmem>>
      %dma_start3A_797 = arith.constant 0 : i32
      %dma_start3A_798 = arith.constant 0 : i32
      %dma_start3A_799 = tpu.memref_slice %arg2[%dma_start3A_797, %dma_start3A_798] : memref<10000x128xf32, #tpu.memory_space<hbm>> -> memref<10000x128xf32, #tpu.memory_space<hbm>>
      tpu.enqueue_indirect_dma source(%dma_start3A_799 : memref<10000x128xf32, #tpu.memory_space<hbm>>) target(%arg8 : memref<80x128xf32, #tpu.memory_space<vmem>>) offsets(%dma_start3A_796 : memref<80xi32, #tpu.memory_space<vmem>>) semaphore(%arg13 : memref<!tpu.dma_semaphore, #tpu.memory_space<semaphore_mem>>)
      %add3A_800 = arith.constant 3 : i32
      %add3A_801 = arith.addi %add3A_748, %add3A_800 : i32
      %dma_start3A_802 = arith.constant 1 : i32
      %dma_start3A_803 = arith.constant 0 : i32
      %dma_start3A_804 = arith.constant 0 : i32
      %dma_start3A_805 = tpu.memref_slice %arg5[%dma_start3A_802, %dma_start3A_803, %dma_start3A_804] : memref<4x2x80xi32, #tpu.memory_space<vmem>> -> memref<1x2x80xi32, #tpu.memory_space<vmem>>
      %dma_start3A_806 = tpu.memref_squeeze %dma_start3A_805 : memref<1x2x80xi32, #tpu.memory_space<vmem>> -> memref<2x80xi32, #tpu.memory_space<vmem>>
      %dma_start3A_807 = arith.constant 0 : i32
      %dma_start3A_808 = arith.constant 0 : i32
      %dma_start3A_809 = tpu.memref_slice %arg3[%add3A, %add3A_801, %dma_start3A_807, %dma_start3A_808] : memref<32x125x2x80xi32, #tpu.memory_space<hbm>> -> memref<1x1x2x80xi32, #tpu.memory_space<hbm>>
      %dma_start3A_810 = tpu.memref_squeeze %dma_start3A_809 : memref<1x1x2x80xi32, #tpu.memory_space<hbm>> -> memref<2x80xi32, #tpu.memory_space<hbm>>
      %dma_start3A_811 = arith.constant 0 : i32
      %dma_start3A_812 = arith.constant 0 : i32
      %dma_start3A_813 = tpu.memref_slice %arg5[%dma_start3A_802, %dma_start3A_811, %dma_start3A_812] : memref<4x2x80xi32, #tpu.memory_space<vmem>> -> memref<1x2x80xi32, #tpu.memory_space<vmem>>
      %dma_start3A_814 = tpu.memref_squeeze %dma_start3A_813 : memref<1x2x80xi32, #tpu.memory_space<vmem>> -> memref<2x80xi32, #tpu.memory_space<vmem>>
      %dma_start3A_815 = arith.constant 0 : i32
      %dma_start3A_816 = arith.constant 0 : i32
      %dma_start3A_817 = tpu.memref_slice %arg3[%add3A, %add3A_801, %dma_start3A_815, %dma_start3A_816] : memref<32x125x2x80xi32, #tpu.memory_space<hbm>> -> memref<1x1x2x80xi32, #tpu.memory_space<hbm>>
      %dma_start3A_818 = tpu.memref_squeeze %dma_start3A_817 : memref<1x1x2x80xi32, #tpu.memory_space<hbm>> -> memref<2x80xi32, #tpu.memory_space<hbm>>
      tpu.enqueue_dma source(%dma_start3A_818 : memref<2x80xi32, #tpu.memory_space<hbm>>) target(%dma_start3A_814 : memref<2x80xi32, #tpu.memory_space<vmem>>) target_semaphore(%arg18 : memref<!tpu.dma_semaphore, #tpu.memory_space<semaphore_mem>>)
      %add3A_819 = arith.constant 6 : i32
      %add3A_820 = arith.addi %mul3A_374, %add3A_819 : i32
      %add3A_821 = arith.constant 1 : i32
      %add3A_822 = arith.addi %add3A_820, %add3A_821 : i32
      %dma_wait3A_823 = arith.constant 3 : i32
      %dma_wait3A_824 = arith.constant 0 : i32
      %dma_wait3A_825 = arith.constant 0 : i32
      %dma_wait3A_826 = tpu.memref_slice %arg5[%dma_wait3A_823, %dma_wait3A_824, %dma_wait3A_825] : memref<4x2x80xi32, #tpu.memory_space<vmem>> -> memref<1x1x80xi32, #tpu.memory_space<vmem>>
      %dma_wait3A_827 = tpu.memref_squeeze %dma_wait3A_826 : memref<1x1x80xi32, #tpu.memory_space<vmem>> -> memref<80xi32, #tpu.memory_space<vmem>>
      %dma_wait3A_828 = arith.constant 0 : i32
      %dma_wait3A_829 = arith.constant 0 : i32
      %dma_wait3A_830 = tpu.memref_slice %arg2[%dma_wait3A_828, %dma_wait3A_829] : memref<10000x128xf32, #tpu.memory_space<hbm>> -> memref<10000x128xf32, #tpu.memory_space<hbm>>
      tpu.wait_indirect_dma semaphore(%arg12 : memref<!tpu.dma_semaphore, #tpu.memory_space<semaphore_mem>>) src(%dma_wait3A_830 : memref<10000x128xf32, #tpu.memory_space<hbm>>) dst(%arg7 : memref<80x128xf32, #tpu.memory_space<vmem>>)
      %dma_start3A_831 = arith.constant 3 : i32
      %dma_start3A_832 = arith.constant 1 : i32
      %dma_start3A_833 = arith.constant 0 : i32
      %dma_start3A_834 = tpu.memref_slice %arg5[%dma_start3A_831, %dma_start3A_832, %dma_start3A_833] : memref<4x2x80xi32, #tpu.memory_space<vmem>> -> memref<1x1x80xi32, #tpu.memory_space<vmem>>
      %dma_start3A_835 = tpu.memref_squeeze %dma_start3A_834 : memref<1x1x80xi32, #tpu.memory_space<vmem>> -> memref<80xi32, #tpu.memory_space<vmem>>
      %dma_start3A_836 = arith.constant 0 : i32
      %dma_start3A_837 = arith.constant 0 : i32
      %dma_start3A_838 = tpu.memref_slice %arg10[%dma_start3A_836, %dma_start3A_837] : memref<10240x128xf32, #tpu.memory_space<vmem_shared>> -> memref<10240x128xf32, #tpu.memory_space<vmem_shared>>
      tpu.enqueue_indirect_dma source(%arg7 : memref<80x128xf32, #tpu.memory_space<vmem>>) target(%dma_start3A_838 : memref<10240x128xf32, #tpu.memory_space<vmem_shared>>) offsets(%dma_start3A_835 : memref<80xi32, #tpu.memory_space<vmem>>) semaphore(%arg15 : memref<!tpu.dma_semaphore, #tpu.memory_space<semaphore_mem>>) {add = true}
      %dma_wait3A_839 = arith.constant 2 : i32
      %dma_wait3A_840 = arith.constant 1 : i32
      %dma_wait3A_841 = arith.constant 0 : i32
      %dma_wait3A_842 = tpu.memref_slice %arg5[%dma_wait3A_839, %dma_wait3A_840, %dma_wait3A_841] : memref<4x2x80xi32, #tpu.memory_space<vmem>> -> memref<1x1x80xi32, #tpu.memory_space<vmem>>
      %dma_wait3A_843 = tpu.memref_squeeze %dma_wait3A_842 : memref<1x1x80xi32, #tpu.memory_space<vmem>> -> memref<80xi32, #tpu.memory_space<vmem>>
      %dma_wait3A_844 = arith.constant 0 : i32
      %dma_wait3A_845 = arith.constant 0 : i32
      %dma_wait3A_846 = tpu.memref_slice %arg10[%dma_wait3A_844, %dma_wait3A_845] : memref<10240x128xf32, #tpu.memory_space<vmem_shared>> -> memref<10240x128xf32, #tpu.memory_space<vmem_shared>>
      tpu.wait_indirect_dma semaphore(%arg14 : memref<!tpu.dma_semaphore, #tpu.memory_space<semaphore_mem>>) src(%arg6 : memref<80x128xf32, #tpu.memory_space<vmem>>) dst(%dma_wait3A_846 : memref<10240x128xf32, #tpu.memory_space<vmem_shared>>)
      %add3A_847 = arith.constant 2 : i32
      %add3A_848 = arith.addi %add3A_822, %add3A_847 : i32
      %dma_wait3A_849 = arith.constant 1 : i32
      %dma_wait3A_850 = arith.constant 0 : i32
      %dma_wait3A_851 = arith.constant 0 : i32
      %dma_wait3A_852 = tpu.memref_slice %arg5[%dma_wait3A_849, %dma_wait3A_850, %dma_wait3A_851] : memref<4x2x80xi32, #tpu.memory_space<vmem>> -> memref<1x2x80xi32, #tpu.memory_space<vmem>>
      %dma_wait3A_853 = tpu.memref_squeeze %dma_wait3A_852 : memref<1x2x80xi32, #tpu.memory_space<vmem>> -> memref<2x80xi32, #tpu.memory_space<vmem>>
      %dma_wait3A_854 = arith.constant 0 : i32
      %dma_wait3A_855 = arith.constant 0 : i32
      %dma_wait3A_856 = tpu.memref_slice %arg3[%add3A, %add3A_848, %dma_wait3A_854, %dma_wait3A_855] : memref<32x125x2x80xi32, #tpu.memory_space<hbm>> -> memref<1x1x2x80xi32, #tpu.memory_space<hbm>>
      %dma_wait3A_857 = tpu.memref_squeeze %dma_wait3A_856 : memref<1x1x2x80xi32, #tpu.memory_space<hbm>> -> memref<2x80xi32, #tpu.memory_space<hbm>>
      %dma_wait3A_858 = arith.constant 0 : i32
      %dma_wait3A_859 = arith.constant 0 : i32
      %dma_wait3A_860 = tpu.memref_slice %arg5[%dma_wait3A_849, %dma_wait3A_858, %dma_wait3A_859] : memref<4x2x80xi32, #tpu.memory_space<vmem>> -> memref<1x2x80xi32, #tpu.memory_space<vmem>>
      %dma_wait3A_861 = tpu.memref_squeeze %dma_wait3A_860 : memref<1x2x80xi32, #tpu.memory_space<vmem>> -> memref<2x80xi32, #tpu.memory_space<vmem>>
      %dma_wait3A_862 = arith.constant 0 : i32
      %dma_wait3A_863 = arith.constant 0 : i32
      %dma_wait3A_864 = tpu.memref_slice %arg3[%add3A, %add3A_848, %dma_wait3A_862, %dma_wait3A_863] : memref<32x125x2x80xi32, #tpu.memory_space<hbm>> -> memref<1x1x2x80xi32, #tpu.memory_space<hbm>>
      %dma_wait3A_865 = tpu.memref_squeeze %dma_wait3A_864 : memref<1x1x2x80xi32, #tpu.memory_space<hbm>> -> memref<2x80xi32, #tpu.memory_space<hbm>>
      tpu.wait_dma2 semaphore(%arg18 : memref<!tpu.dma_semaphore, #tpu.memory_space<semaphore_mem>>) src(%dma_wait3A_865 : memref<2x80xi32, #tpu.memory_space<hbm>>) dst(%dma_wait3A_861 : memref<2x80xi32, #tpu.memory_space<vmem>>)
      %dma_start3A_866 = arith.constant 1 : i32
      %dma_start3A_867 = arith.constant 0 : i32
      %dma_start3A_868 = arith.constant 0 : i32
      %dma_start3A_869 = tpu.memref_slice %arg5[%dma_start3A_866, %dma_start3A_867, %dma_start3A_868] : memref<4x2x80xi32, #tpu.memory_space<vmem>> -> memref<1x1x80xi32, #tpu.memory_space<vmem>>
      %dma_start3A_870 = tpu.memref_squeeze %dma_start3A_869 : memref<1x1x80xi32, #tpu.memory_space<vmem>> -> memref<80xi32, #tpu.memory_space<vmem>>
      %dma_start3A_871 = arith.constant 0 : i32
      %dma_start3A_872 = arith.constant 0 : i32
      %dma_start3A_873 = tpu.memref_slice %arg2[%dma_start3A_871, %dma_start3A_872] : memref<10000x128xf32, #tpu.memory_space<hbm>> -> memref<10000x128xf32, #tpu.memory_space<hbm>>
      tpu.enqueue_indirect_dma source(%dma_start3A_873 : memref<10000x128xf32, #tpu.memory_space<hbm>>) target(%arg6 : memref<80x128xf32, #tpu.memory_space<vmem>>) offsets(%dma_start3A_870 : memref<80xi32, #tpu.memory_space<vmem>>) semaphore(%arg11 : memref<!tpu.dma_semaphore, #tpu.memory_space<semaphore_mem>>)
      %add3A_874 = arith.constant 3 : i32
      %add3A_875 = arith.addi %add3A_822, %add3A_874 : i32
      %dma_start3A_876 = arith.constant 2 : i32
      %dma_start3A_877 = arith.constant 0 : i32
      %dma_start3A_878 = arith.constant 0 : i32
      %dma_start3A_879 = tpu.memref_slice %arg5[%dma_start3A_876, %dma_start3A_877, %dma_start3A_878] : memref<4x2x80xi32, #tpu.memory_space<vmem>> -> memref<1x2x80xi32, #tpu.memory_space<vmem>>
      %dma_start3A_880 = tpu.memref_squeeze %dma_start3A_879 : memref<1x2x80xi32, #tpu.memory_space<vmem>> -> memref<2x80xi32, #tpu.memory_space<vmem>>
      %dma_start3A_881 = arith.constant 0 : i32
      %dma_start3A_882 = arith.constant 0 : i32
      %dma_start3A_883 = tpu.memref_slice %arg3[%add3A, %add3A_875, %dma_start3A_881, %dma_start3A_882] : memref<32x125x2x80xi32, #tpu.memory_space<hbm>> -> memref<1x1x2x80xi32, #tpu.memory_space<hbm>>
      %dma_start3A_884 = tpu.memref_squeeze %dma_start3A_883 : memref<1x1x2x80xi32, #tpu.memory_space<hbm>> -> memref<2x80xi32, #tpu.memory_space<hbm>>
      %dma_start3A_885 = arith.constant 0 : i32
      %dma_start3A_886 = arith.constant 0 : i32
      %dma_start3A_887 = tpu.memref_slice %arg5[%dma_start3A_876, %dma_start3A_885, %dma_start3A_886] : memref<4x2x80xi32, #tpu.memory_space<vmem>> -> memref<1x2x80xi32, #tpu.memory_space<vmem>>
      %dma_start3A_888 = tpu.memref_squeeze %dma_start3A_887 : memref<1x2x80xi32, #tpu.memory_space<vmem>> -> memref<2x80xi32, #tpu.memory_space<vmem>>
      %dma_start3A_889 = arith.constant 0 : i32
      %dma_start3A_890 = arith.constant 0 : i32
      %dma_start3A_891 = tpu.memref_slice %arg3[%add3A, %add3A_875, %dma_start3A_889, %dma_start3A_890] : memref<32x125x2x80xi32, #tpu.memory_space<hbm>> -> memref<1x1x2x80xi32, #tpu.memory_space<hbm>>
      %dma_start3A_892 = tpu.memref_squeeze %dma_start3A_891 : memref<1x1x2x80xi32, #tpu.memory_space<hbm>> -> memref<2x80xi32, #tpu.memory_space<hbm>>
      tpu.enqueue_dma source(%dma_start3A_892 : memref<2x80xi32, #tpu.memory_space<hbm>>) target(%dma_start3A_888 : memref<2x80xi32, #tpu.memory_space<vmem>>) target_semaphore(%arg19 : memref<!tpu.dma_semaphore, #tpu.memory_space<semaphore_mem>>)
      %add3A_893 = arith.constant 7 : i32
      %add3A_894 = arith.addi %mul3A_374, %add3A_893 : i32
      %add3A_895 = arith.constant 1 : i32
      %add3A_896 = arith.addi %add3A_894, %add3A_895 : i32
      %dma_wait3A_897 = arith.constant 0 : i32
      %dma_wait3A_898 = arith.constant 0 : i32
      %dma_wait3A_899 = arith.constant 0 : i32
      %dma_wait3A_900 = tpu.memref_slice %arg5[%dma_wait3A_897, %dma_wait3A_898, %dma_wait3A_899] : memref<4x2x80xi32, #tpu.memory_space<vmem>> -> memref<1x1x80xi32, #tpu.memory_space<vmem>>
      %dma_wait3A_901 = tpu.memref_squeeze %dma_wait3A_900 : memref<1x1x80xi32, #tpu.memory_space<vmem>> -> memref<80xi32, #tpu.memory_space<vmem>>
      %dma_wait3A_902 = arith.constant 0 : i32
      %dma_wait3A_903 = arith.constant 0 : i32
      %dma_wait3A_904 = tpu.memref_slice %arg2[%dma_wait3A_902, %dma_wait3A_903] : memref<10000x128xf32, #tpu.memory_space<hbm>> -> memref<10000x128xf32, #tpu.memory_space<hbm>>
      tpu.wait_indirect_dma semaphore(%arg13 : memref<!tpu.dma_semaphore, #tpu.memory_space<semaphore_mem>>) src(%dma_wait3A_904 : memref<10000x128xf32, #tpu.memory_space<hbm>>) dst(%arg8 : memref<80x128xf32, #tpu.memory_space<vmem>>)
      %dma_start3A_905 = arith.constant 0 : i32
      %dma_start3A_906 = arith.constant 1 : i32
      %dma_start3A_907 = arith.constant 0 : i32
      %dma_start3A_908 = tpu.memref_slice %arg5[%dma_start3A_905, %dma_start3A_906, %dma_start3A_907] : memref<4x2x80xi32, #tpu.memory_space<vmem>> -> memref<1x1x80xi32, #tpu.memory_space<vmem>>
      %dma_start3A_909 = tpu.memref_squeeze %dma_start3A_908 : memref<1x1x80xi32, #tpu.memory_space<vmem>> -> memref<80xi32, #tpu.memory_space<vmem>>
      %dma_start3A_910 = arith.constant 0 : i32
      %dma_start3A_911 = arith.constant 0 : i32
      %dma_start3A_912 = tpu.memref_slice %arg10[%dma_start3A_910, %dma_start3A_911] : memref<10240x128xf32, #tpu.memory_space<vmem_shared>> -> memref<10240x128xf32, #tpu.memory_space<vmem_shared>>
      tpu.enqueue_indirect_dma source(%arg8 : memref<80x128xf32, #tpu.memory_space<vmem>>) target(%dma_start3A_912 : memref<10240x128xf32, #tpu.memory_space<vmem_shared>>) offsets(%dma_start3A_909 : memref<80xi32, #tpu.memory_space<vmem>>) semaphore(%arg16 : memref<!tpu.dma_semaphore, #tpu.memory_space<semaphore_mem>>) {add = true}
      %dma_wait3A_913 = arith.constant 3 : i32
      %dma_wait3A_914 = arith.constant 1 : i32
      %dma_wait3A_915 = arith.constant 0 : i32
      %dma_wait3A_916 = tpu.memref_slice %arg5[%dma_wait3A_913, %dma_wait3A_914, %dma_wait3A_915] : memref<4x2x80xi32, #tpu.memory_space<vmem>> -> memref<1x1x80xi32, #tpu.memory_space<vmem>>
      %dma_wait3A_917 = tpu.memref_squeeze %dma_wait3A_916 : memref<1x1x80xi32, #tpu.memory_space<vmem>> -> memref<80xi32, #tpu.memory_space<vmem>>
      %dma_wait3A_918 = arith.constant 0 : i32
      %dma_wait3A_919 = arith.constant 0 : i32
      %dma_wait3A_920 = tpu.memref_slice %arg10[%dma_wait3A_918, %dma_wait3A_919] : memref<10240x128xf32, #tpu.memory_space<vmem_shared>> -> memref<10240x128xf32, #tpu.memory_space<vmem_shared>>
      tpu.wait_indirect_dma semaphore(%arg15 : memref<!tpu.dma_semaphore, #tpu.memory_space<semaphore_mem>>) src(%arg7 : memref<80x128xf32, #tpu.memory_space<vmem>>) dst(%dma_wait3A_920 : memref<10240x128xf32, #tpu.memory_space<vmem_shared>>)
      %add3A_921 = arith.constant 2 : i32
      %add3A_922 = arith.addi %add3A_896, %add3A_921 : i32
      %dma_wait3A_923 = arith.constant 2 : i32
      %dma_wait3A_924 = arith.constant 0 : i32
      %dma_wait3A_925 = arith.constant 0 : i32
      %dma_wait3A_926 = tpu.memref_slice %arg5[%dma_wait3A_923, %dma_wait3A_924, %dma_wait3A_925] : memref<4x2x80xi32, #tpu.memory_space<vmem>> -> memref<1x2x80xi32, #tpu.memory_space<vmem>>
      %dma_wait3A_927 = tpu.memref_squeeze %dma_wait3A_926 : memref<1x2x80xi32, #tpu.memory_space<vmem>> -> memref<2x80xi32, #tpu.memory_space<vmem>>
      %dma_wait3A_928 = arith.constant 0 : i32
      %dma_wait3A_929 = arith.constant 0 : i32
      %dma_wait3A_930 = tpu.memref_slice %arg3[%add3A, %add3A_922, %dma_wait3A_928, %dma_wait3A_929] : memref<32x125x2x80xi32, #tpu.memory_space<hbm>> -> memref<1x1x2x80xi32, #tpu.memory_space<hbm>>
      %dma_wait3A_931 = tpu.memref_squeeze %dma_wait3A_930 : memref<1x1x2x80xi32, #tpu.memory_space<hbm>> -> memref<2x80xi32, #tpu.memory_space<hbm>>
      %dma_wait3A_932 = arith.constant 0 : i32
      %dma_wait3A_933 = arith.constant 0 : i32
      %dma_wait3A_934 = tpu.memref_slice %arg5[%dma_wait3A_923, %dma_wait3A_932, %dma_wait3A_933] : memref<4x2x80xi32, #tpu.memory_space<vmem>> -> memref<1x2x80xi32, #tpu.memory_space<vmem>>
      %dma_wait3A_935 = tpu.memref_squeeze %dma_wait3A_934 : memref<1x2x80xi32, #tpu.memory_space<vmem>> -> memref<2x80xi32, #tpu.memory_space<vmem>>
      %dma_wait3A_936 = arith.constant 0 : i32
      %dma_wait3A_937 = arith.constant 0 : i32
      %dma_wait3A_938 = tpu.memref_slice %arg3[%add3A, %add3A_922, %dma_wait3A_936, %dma_wait3A_937] : memref<32x125x2x80xi32, #tpu.memory_space<hbm>> -> memref<1x1x2x80xi32, #tpu.memory_space<hbm>>
      %dma_wait3A_939 = tpu.memref_squeeze %dma_wait3A_938 : memref<1x1x2x80xi32, #tpu.memory_space<hbm>> -> memref<2x80xi32, #tpu.memory_space<hbm>>
      tpu.wait_dma2 semaphore(%arg19 : memref<!tpu.dma_semaphore, #tpu.memory_space<semaphore_mem>>) src(%dma_wait3A_939 : memref<2x80xi32, #tpu.memory_space<hbm>>) dst(%dma_wait3A_935 : memref<2x80xi32, #tpu.memory_space<vmem>>)
      %dma_start3A_940 = arith.constant 2 : i32
      %dma_start3A_941 = arith.constant 0 : i32
      %dma_start3A_942 = arith.constant 0 : i32
      %dma_start3A_943 = tpu.memref_slice %arg5[%dma_start3A_940, %dma_start3A_941, %dma_start3A_942] : memref<4x2x80xi32, #tpu.memory_space<vmem>> -> memref<1x1x80xi32, #tpu.memory_space<vmem>>
      %dma_start3A_944 = tpu.memref_squeeze %dma_start3A_943 : memref<1x1x80xi32, #tpu.memory_space<vmem>> -> memref<80xi32, #tpu.memory_space<vmem>>
      %dma_start3A_945 = arith.constant 0 : i32
      %dma_start3A_946 = arith.constant 0 : i32
      %dma_start3A_947 = tpu.memref_slice %arg2[%dma_start3A_945, %dma_start3A_946] : memref<10000x128xf32, #tpu.memory_space<hbm>> -> memref<10000x128xf32, #tpu.memory_space<hbm>>
      tpu.enqueue_indirect_dma source(%dma_start3A_947 : memref<10000x128xf32, #tpu.memory_space<hbm>>) target(%arg7 : memref<80x128xf32, #tpu.memory_space<vmem>>) offsets(%dma_start3A_944 : memref<80xi32, #tpu.memory_space<vmem>>) semaphore(%arg12 : memref<!tpu.dma_semaphore, #tpu.memory_space<semaphore_mem>>)
      %add3A_948 = arith.constant 3 : i32
      %add3A_949 = arith.addi %add3A_896, %add3A_948 : i32
      %dma_start3A_950 = arith.constant 3 : i32
      %dma_start3A_951 = arith.constant 0 : i32
      %dma_start3A_952 = arith.constant 0 : i32
      %dma_start3A_953 = tpu.memref_slice %arg5[%dma_start3A_950, %dma_start3A_951, %dma_start3A_952] : memref<4x2x80xi32, #tpu.memory_space<vmem>> -> memref<1x2x80xi32, #tpu.memory_space<vmem>>
      %dma_start3A_954 = tpu.memref_squeeze %dma_start3A_953 : memref<1x2x80xi32, #tpu.memory_space<vmem>> -> memref<2x80xi32, #tpu.memory_space<vmem>>
      %dma_start3A_955 = arith.constant 0 : i32
      %dma_start3A_956 = arith.constant 0 : i32
      %dma_start3A_957 = tpu.memref_slice %arg3[%add3A, %add3A_949, %dma_start3A_955, %dma_start3A_956] : memref<32x125x2x80xi32, #tpu.memory_space<hbm>> -> memref<1x1x2x80xi32, #tpu.memory_space<hbm>>
      %dma_start3A_958 = tpu.memref_squeeze %dma_start3A_957 : memref<1x1x2x80xi32, #tpu.memory_space<hbm>> -> memref<2x80xi32, #tpu.memory_space<hbm>>
      %dma_start3A_959 = arith.constant 0 : i32
      %dma_start3A_960 = arith.constant 0 : i32
      %dma_start3A_961 = tpu.memref_slice %arg5[%dma_start3A_950, %dma_start3A_959, %dma_start3A_960] : memref<4x2x80xi32, #tpu.memory_space<vmem>> -> memref<1x2x80xi32, #tpu.memory_space<vmem>>
      %dma_start3A_962 = tpu.memref_squeeze %dma_start3A_961 : memref<1x2x80xi32, #tpu.memory_space<vmem>> -> memref<2x80xi32, #tpu.memory_space<vmem>>
      %dma_start3A_963 = arith.constant 0 : i32
      %dma_start3A_964 = arith.constant 0 : i32
      %dma_start3A_965 = tpu.memref_slice %arg3[%add3A, %add3A_949, %dma_start3A_963, %dma_start3A_964] : memref<32x125x2x80xi32, #tpu.memory_space<hbm>> -> memref<1x1x2x80xi32, #tpu.memory_space<hbm>>
      %dma_start3A_966 = tpu.memref_squeeze %dma_start3A_965 : memref<1x1x2x80xi32, #tpu.memory_space<hbm>> -> memref<2x80xi32, #tpu.memory_space<hbm>>
      tpu.enqueue_dma source(%dma_start3A_966 : memref<2x80xi32, #tpu.memory_space<hbm>>) target(%dma_start3A_962 : memref<2x80xi32, #tpu.memory_space<vmem>>) target_semaphore(%arg20 : memref<!tpu.dma_semaphore, #tpu.memory_space<semaphore_mem>>)
      %add3A_967 = arith.constant 8 : i32
      %add3A_968 = arith.addi %mul3A_374, %add3A_967 : i32
      %add3A_969 = arith.constant 1 : i32
      %add3A_970 = arith.addi %add3A_968, %add3A_969 : i32
      %dma_wait3A_971 = arith.constant 1 : i32
      %dma_wait3A_972 = arith.constant 0 : i32
      %dma_wait3A_973 = arith.constant 0 : i32
      %dma_wait3A_974 = tpu.memref_slice %arg5[%dma_wait3A_971, %dma_wait3A_972, %dma_wait3A_973] : memref<4x2x80xi32, #tpu.memory_space<vmem>> -> memref<1x1x80xi32, #tpu.memory_space<vmem>>
      %dma_wait3A_975 = tpu.memref_squeeze %dma_wait3A_974 : memref<1x1x80xi32, #tpu.memory_space<vmem>> -> memref<80xi32, #tpu.memory_space<vmem>>
      %dma_wait3A_976 = arith.constant 0 : i32
      %dma_wait3A_977 = arith.constant 0 : i32
      %dma_wait3A_978 = tpu.memref_slice %arg2[%dma_wait3A_976, %dma_wait3A_977] : memref<10000x128xf32, #tpu.memory_space<hbm>> -> memref<10000x128xf32, #tpu.memory_space<hbm>>
      tpu.wait_indirect_dma semaphore(%arg11 : memref<!tpu.dma_semaphore, #tpu.memory_space<semaphore_mem>>) src(%dma_wait3A_978 : memref<10000x128xf32, #tpu.memory_space<hbm>>) dst(%arg6 : memref<80x128xf32, #tpu.memory_space<vmem>>)
      %dma_start3A_979 = arith.constant 1 : i32
      %dma_start3A_980 = arith.constant 1 : i32
      %dma_start3A_981 = arith.constant 0 : i32
      %dma_start3A_982 = tpu.memref_slice %arg5[%dma_start3A_979, %dma_start3A_980, %dma_start3A_981] : memref<4x2x80xi32, #tpu.memory_space<vmem>> -> memref<1x1x80xi32, #tpu.memory_space<vmem>>
      %dma_start3A_983 = tpu.memref_squeeze %dma_start3A_982 : memref<1x1x80xi32, #tpu.memory_space<vmem>> -> memref<80xi32, #tpu.memory_space<vmem>>
      %dma_start3A_984 = arith.constant 0 : i32
      %dma_start3A_985 = arith.constant 0 : i32
      %dma_start3A_986 = tpu.memref_slice %arg10[%dma_start3A_984, %dma_start3A_985] : memref<10240x128xf32, #tpu.memory_space<vmem_shared>> -> memref<10240x128xf32, #tpu.memory_space<vmem_shared>>
      tpu.enqueue_indirect_dma source(%arg6 : memref<80x128xf32, #tpu.memory_space<vmem>>) target(%dma_start3A_986 : memref<10240x128xf32, #tpu.memory_space<vmem_shared>>) offsets(%dma_start3A_983 : memref<80xi32, #tpu.memory_space<vmem>>) semaphore(%arg14 : memref<!tpu.dma_semaphore, #tpu.memory_space<semaphore_mem>>) {add = true}
      %dma_wait3A_987 = arith.constant 0 : i32
      %dma_wait3A_988 = arith.constant 1 : i32
      %dma_wait3A_989 = arith.constant 0 : i32
      %dma_wait3A_990 = tpu.memref_slice %arg5[%dma_wait3A_987, %dma_wait3A_988, %dma_wait3A_989] : memref<4x2x80xi32, #tpu.memory_space<vmem>> -> memref<1x1x80xi32, #tpu.memory_space<vmem>>
      %dma_wait3A_991 = tpu.memref_squeeze %dma_wait3A_990 : memref<1x1x80xi32, #tpu.memory_space<vmem>> -> memref<80xi32, #tpu.memory_space<vmem>>
      %dma_wait3A_992 = arith.constant 0 : i32
      %dma_wait3A_993 = arith.constant 0 : i32
      %dma_wait3A_994 = tpu.memref_slice %arg10[%dma_wait3A_992, %dma_wait3A_993] : memref<10240x128xf32, #tpu.memory_space<vmem_shared>> -> memref<10240x128xf32, #tpu.memory_space<vmem_shared>>
      tpu.wait_indirect_dma semaphore(%arg16 : memref<!tpu.dma_semaphore, #tpu.memory_space<semaphore_mem>>) src(%arg8 : memref<80x128xf32, #tpu.memory_space<vmem>>) dst(%dma_wait3A_994 : memref<10240x128xf32, #tpu.memory_space<vmem_shared>>)
      %add3A_995 = arith.constant 2 : i32
      %add3A_996 = arith.addi %add3A_970, %add3A_995 : i32
      %dma_wait3A_997 = arith.constant 3 : i32
      %dma_wait3A_998 = arith.constant 0 : i32
      %dma_wait3A_999 = arith.constant 0 : i32
      %dma_wait3A_1000 = tpu.memref_slice %arg5[%dma_wait3A_997, %dma_wait3A_998, %dma_wait3A_999] : memref<4x2x80xi32, #tpu.memory_space<vmem>> -> memref<1x2x80xi32, #tpu.memory_space<vmem>>
      %dma_wait3A_1001 = tpu.memref_squeeze %dma_wait3A_1000 : memref<1x2x80xi32, #tpu.memory_space<vmem>> -> memref<2x80xi32, #tpu.memory_space<vmem>>
      %dma_wait3A_1002 = arith.constant 0 : i32
      %dma_wait3A_1003 = arith.constant 0 : i32
      %dma_wait3A_1004 = tpu.memref_slice %arg3[%add3A, %add3A_996, %dma_wait3A_1002, %dma_wait3A_1003] : memref<32x125x2x80xi32, #tpu.memory_space<hbm>> -> memref<1x1x2x80xi32, #tpu.memory_space<hbm>>
      %dma_wait3A_1005 = tpu.memref_squeeze %dma_wait3A_1004 : memref<1x1x2x80xi32, #tpu.memory_space<hbm>> -> memref<2x80xi32, #tpu.memory_space<hbm>>
      %dma_wait3A_1006 = arith.constant 0 : i32
      %dma_wait3A_1007 = arith.constant 0 : i32
      %dma_wait3A_1008 = tpu.memref_slice %arg5[%dma_wait3A_997, %dma_wait3A_1006, %dma_wait3A_1007] : memref<4x2x80xi32, #tpu.memory_space<vmem>> -> memref<1x2x80xi32, #tpu.memory_space<vmem>>
      %dma_wait3A_1009 = tpu.memref_squeeze %dma_wait3A_1008 : memref<1x2x80xi32, #tpu.memory_space<vmem>> -> memref<2x80xi32, #tpu.memory_space<vmem>>
      %dma_wait3A_1010 = arith.constant 0 : i32
      %dma_wait3A_1011 = arith.constant 0 : i32
      %dma_wait3A_1012 = tpu.memref_slice %arg3[%add3A, %add3A_996, %dma_wait3A_1010, %dma_wait3A_1011] : memref<32x125x2x80xi32, #tpu.memory_space<hbm>> -> memref<1x1x2x80xi32, #tpu.memory_space<hbm>>
      %dma_wait3A_1013 = tpu.memref_squeeze %dma_wait3A_1012 : memref<1x1x2x80xi32, #tpu.memory_space<hbm>> -> memref<2x80xi32, #tpu.memory_space<hbm>>
      tpu.wait_dma2 semaphore(%arg20 : memref<!tpu.dma_semaphore, #tpu.memory_space<semaphore_mem>>) src(%dma_wait3A_1013 : memref<2x80xi32, #tpu.memory_space<hbm>>) dst(%dma_wait3A_1009 : memref<2x80xi32, #tpu.memory_space<vmem>>)
      %dma_start3A_1014 = arith.constant 3 : i32
      %dma_start3A_1015 = arith.constant 0 : i32
      %dma_start3A_1016 = arith.constant 0 : i32
      %dma_start3A_1017 = tpu.memref_slice %arg5[%dma_start3A_1014, %dma_start3A_1015, %dma_start3A_1016] : memref<4x2x80xi32, #tpu.memory_space<vmem>> -> memref<1x1x80xi32, #tpu.memory_space<vmem>>
      %dma_start3A_1018 = tpu.memref_squeeze %dma_start3A_1017 : memref<1x1x80xi32, #tpu.memory_space<vmem>> -> memref<80xi32, #tpu.memory_space<vmem>>
      %dma_start3A_1019 = arith.constant 0 : i32
      %dma_start3A_1020 = arith.constant 0 : i32
      %dma_start3A_1021 = tpu.memref_slice %arg2[%dma_start3A_1019, %dma_start3A_1020] : memref<10000x128xf32, #tpu.memory_space<hbm>> -> memref<10000x128xf32, #tpu.memory_space<hbm>>
      tpu.enqueue_indirect_dma source(%dma_start3A_1021 : memref<10000x128xf32, #tpu.memory_space<hbm>>) target(%arg8 : memref<80x128xf32, #tpu.memory_space<vmem>>) offsets(%dma_start3A_1018 : memref<80xi32, #tpu.memory_space<vmem>>) semaphore(%arg13 : memref<!tpu.dma_semaphore, #tpu.memory_space<semaphore_mem>>)
      %add3A_1022 = arith.constant 3 : i32
      %add3A_1023 = arith.addi %add3A_970, %add3A_1022 : i32
      %dma_start3A_1024 = arith.constant 0 : i32
      %dma_start3A_1025 = arith.constant 0 : i32
      %dma_start3A_1026 = arith.constant 0 : i32
      %dma_start3A_1027 = tpu.memref_slice %arg5[%dma_start3A_1024, %dma_start3A_1025, %dma_start3A_1026] : memref<4x2x80xi32, #tpu.memory_space<vmem>> -> memref<1x2x80xi32, #tpu.memory_space<vmem>>
      %dma_start3A_1028 = tpu.memref_squeeze %dma_start3A_1027 : memref<1x2x80xi32, #tpu.memory_space<vmem>> -> memref<2x80xi32, #tpu.memory_space<vmem>>
      %dma_start3A_1029 = arith.constant 0 : i32
      %dma_start3A_1030 = arith.constant 0 : i32
      %dma_start3A_1031 = tpu.memref_slice %arg3[%add3A, %add3A_1023, %dma_start3A_1029, %dma_start3A_1030] : memref<32x125x2x80xi32, #tpu.memory_space<hbm>> -> memref<1x1x2x80xi32, #tpu.memory_space<hbm>>
      %dma_start3A_1032 = tpu.memref_squeeze %dma_start3A_1031 : memref<1x1x2x80xi32, #tpu.memory_space<hbm>> -> memref<2x80xi32, #tpu.memory_space<hbm>>
      %dma_start3A_1033 = arith.constant 0 : i32
      %dma_start3A_1034 = arith.constant 0 : i32
      %dma_start3A_1035 = tpu.memref_slice %arg5[%dma_start3A_1024, %dma_start3A_1033, %dma_start3A_1034] : memref<4x2x80xi32, #tpu.memory_space<vmem>> -> memref<1x2x80xi32, #tpu.memory_space<vmem>>
      %dma_start3A_1036 = tpu.memref_squeeze %dma_start3A_1035 : memref<1x2x80xi32, #tpu.memory_space<vmem>> -> memref<2x80xi32, #tpu.memory_space<vmem>>
      %dma_start3A_1037 = arith.constant 0 : i32
      %dma_start3A_1038 = arith.constant 0 : i32
      %dma_start3A_1039 = tpu.memref_slice %arg3[%add3A, %add3A_1023, %dma_start3A_1037, %dma_start3A_1038] : memref<32x125x2x80xi32, #tpu.memory_space<hbm>> -> memref<1x1x2x80xi32, #tpu.memory_space<hbm>>
      %dma_start3A_1040 = tpu.memref_squeeze %dma_start3A_1039 : memref<1x1x2x80xi32, #tpu.memory_space<hbm>> -> memref<2x80xi32, #tpu.memory_space<hbm>>
      tpu.enqueue_dma source(%dma_start3A_1040 : memref<2x80xi32, #tpu.memory_space<hbm>>) target(%dma_start3A_1036 : memref<2x80xi32, #tpu.memory_space<vmem>>) target_semaphore(%arg17 : memref<!tpu.dma_semaphore, #tpu.memory_space<semaphore_mem>>)
      %add3A_1041 = arith.constant 9 : i32
      %add3A_1042 = arith.addi %mul3A_374, %add3A_1041 : i32
      %add3A_1043 = arith.constant 1 : i32
      %add3A_1044 = arith.addi %add3A_1042, %add3A_1043 : i32
      %dma_wait3A_1045 = arith.constant 2 : i32
      %dma_wait3A_1046 = arith.constant 0 : i32
      %dma_wait3A_1047 = arith.constant 0 : i32
      %dma_wait3A_1048 = tpu.memref_slice %arg5[%dma_wait3A_1045, %dma_wait3A_1046, %dma_wait3A_1047] : memref<4x2x80xi32, #tpu.memory_space<vmem>> -> memref<1x1x80xi32, #tpu.memory_space<vmem>>
      %dma_wait3A_1049 = tpu.memref_squeeze %dma_wait3A_1048 : memref<1x1x80xi32, #tpu.memory_space<vmem>> -> memref<80xi32, #tpu.memory_space<vmem>>
      %dma_wait3A_1050 = arith.constant 0 : i32
      %dma_wait3A_1051 = arith.constant 0 : i32
      %dma_wait3A_1052 = tpu.memref_slice %arg2[%dma_wait3A_1050, %dma_wait3A_1051] : memref<10000x128xf32, #tpu.memory_space<hbm>> -> memref<10000x128xf32, #tpu.memory_space<hbm>>
      tpu.wait_indirect_dma semaphore(%arg12 : memref<!tpu.dma_semaphore, #tpu.memory_space<semaphore_mem>>) src(%dma_wait3A_1052 : memref<10000x128xf32, #tpu.memory_space<hbm>>) dst(%arg7 : memref<80x128xf32, #tpu.memory_space<vmem>>)
      %dma_start3A_1053 = arith.constant 2 : i32
      %dma_start3A_1054 = arith.constant 1 : i32
      %dma_start3A_1055 = arith.constant 0 : i32
      %dma_start3A_1056 = tpu.memref_slice %arg5[%dma_start3A_1053, %dma_start3A_1054, %dma_start3A_1055] : memref<4x2x80xi32, #tpu.memory_space<vmem>> -> memref<1x1x80xi32, #tpu.memory_space<vmem>>
      %dma_start3A_1057 = tpu.memref_squeeze %dma_start3A_1056 : memref<1x1x80xi32, #tpu.memory_space<vmem>> -> memref<80xi32, #tpu.memory_space<vmem>>
      %dma_start3A_1058 = arith.constant 0 : i32
      %dma_start3A_1059 = arith.constant 0 : i32
      %dma_start3A_1060 = tpu.memref_slice %arg10[%dma_start3A_1058, %dma_start3A_1059] : memref<10240x128xf32, #tpu.memory_space<vmem_shared>> -> memref<10240x128xf32, #tpu.memory_space<vmem_shared>>
      tpu.enqueue_indirect_dma source(%arg7 : memref<80x128xf32, #tpu.memory_space<vmem>>) target(%dma_start3A_1060 : memref<10240x128xf32, #tpu.memory_space<vmem_shared>>) offsets(%dma_start3A_1057 : memref<80xi32, #tpu.memory_space<vmem>>) semaphore(%arg15 : memref<!tpu.dma_semaphore, #tpu.memory_space<semaphore_mem>>) {add = true}
      %dma_wait3A_1061 = arith.constant 1 : i32
      %dma_wait3A_1062 = arith.constant 1 : i32
      %dma_wait3A_1063 = arith.constant 0 : i32
      %dma_wait3A_1064 = tpu.memref_slice %arg5[%dma_wait3A_1061, %dma_wait3A_1062, %dma_wait3A_1063] : memref<4x2x80xi32, #tpu.memory_space<vmem>> -> memref<1x1x80xi32, #tpu.memory_space<vmem>>
      %dma_wait3A_1065 = tpu.memref_squeeze %dma_wait3A_1064 : memref<1x1x80xi32, #tpu.memory_space<vmem>> -> memref<80xi32, #tpu.memory_space<vmem>>
      %dma_wait3A_1066 = arith.constant 0 : i32
      %dma_wait3A_1067 = arith.constant 0 : i32
      %dma_wait3A_1068 = tpu.memref_slice %arg10[%dma_wait3A_1066, %dma_wait3A_1067] : memref<10240x128xf32, #tpu.memory_space<vmem_shared>> -> memref<10240x128xf32, #tpu.memory_space<vmem_shared>>
      tpu.wait_indirect_dma semaphore(%arg14 : memref<!tpu.dma_semaphore, #tpu.memory_space<semaphore_mem>>) src(%arg6 : memref<80x128xf32, #tpu.memory_space<vmem>>) dst(%dma_wait3A_1068 : memref<10240x128xf32, #tpu.memory_space<vmem_shared>>)
      %add3A_1069 = arith.constant 2 : i32
      %add3A_1070 = arith.addi %add3A_1044, %add3A_1069 : i32
      %dma_wait3A_1071 = arith.constant 0 : i32
      %dma_wait3A_1072 = arith.constant 0 : i32
      %dma_wait3A_1073 = arith.constant 0 : i32
      %dma_wait3A_1074 = tpu.memref_slice %arg5[%dma_wait3A_1071, %dma_wait3A_1072, %dma_wait3A_1073] : memref<4x2x80xi32, #tpu.memory_space<vmem>> -> memref<1x2x80xi32, #tpu.memory_space<vmem>>
      %dma_wait3A_1075 = tpu.memref_squeeze %dma_wait3A_1074 : memref<1x2x80xi32, #tpu.memory_space<vmem>> -> memref<2x80xi32, #tpu.memory_space<vmem>>
      %dma_wait3A_1076 = arith.constant 0 : i32
      %dma_wait3A_1077 = arith.constant 0 : i32
      %dma_wait3A_1078 = tpu.memref_slice %arg3[%add3A, %add3A_1070, %dma_wait3A_1076, %dma_wait3A_1077] : memref<32x125x2x80xi32, #tpu.memory_space<hbm>> -> memref<1x1x2x80xi32, #tpu.memory_space<hbm>>
      %dma_wait3A_1079 = tpu.memref_squeeze %dma_wait3A_1078 : memref<1x1x2x80xi32, #tpu.memory_space<hbm>> -> memref<2x80xi32, #tpu.memory_space<hbm>>
      %dma_wait3A_1080 = arith.constant 0 : i32
      %dma_wait3A_1081 = arith.constant 0 : i32
      %dma_wait3A_1082 = tpu.memref_slice %arg5[%dma_wait3A_1071, %dma_wait3A_1080, %dma_wait3A_1081] : memref<4x2x80xi32, #tpu.memory_space<vmem>> -> memref<1x2x80xi32, #tpu.memory_space<vmem>>
      %dma_wait3A_1083 = tpu.memref_squeeze %dma_wait3A_1082 : memref<1x2x80xi32, #tpu.memory_space<vmem>> -> memref<2x80xi32, #tpu.memory_space<vmem>>
      %dma_wait3A_1084 = arith.constant 0 : i32
      %dma_wait3A_1085 = arith.constant 0 : i32
      %dma_wait3A_1086 = tpu.memref_slice %arg3[%add3A, %add3A_1070, %dma_wait3A_1084, %dma_wait3A_1085] : memref<32x125x2x80xi32, #tpu.memory_space<hbm>> -> memref<1x1x2x80xi32, #tpu.memory_space<hbm>>
      %dma_wait3A_1087 = tpu.memref_squeeze %dma_wait3A_1086 : memref<1x1x2x80xi32, #tpu.memory_space<hbm>> -> memref<2x80xi32, #tpu.memory_space<hbm>>
      tpu.wait_dma2 semaphore(%arg17 : memref<!tpu.dma_semaphore, #tpu.memory_space<semaphore_mem>>) src(%dma_wait3A_1087 : memref<2x80xi32, #tpu.memory_space<hbm>>) dst(%dma_wait3A_1083 : memref<2x80xi32, #tpu.memory_space<vmem>>)
      %dma_start3A_1088 = arith.constant 0 : i32
      %dma_start3A_1089 = arith.constant 0 : i32
      %dma_start3A_1090 = arith.constant 0 : i32
      %dma_start3A_1091 = tpu.memref_slice %arg5[%dma_start3A_1088, %dma_start3A_1089, %dma_start3A_1090] : memref<4x2x80xi32, #tpu.memory_space<vmem>> -> memref<1x1x80xi32, #tpu.memory_space<vmem>>
      %dma_start3A_1092 = tpu.memref_squeeze %dma_start3A_1091 : memref<1x1x80xi32, #tpu.memory_space<vmem>> -> memref<80xi32, #tpu.memory_space<vmem>>
      %dma_start3A_1093 = arith.constant 0 : i32
      %dma_start3A_1094 = arith.constant 0 : i32
      %dma_start3A_1095 = tpu.memref_slice %arg2[%dma_start3A_1093, %dma_start3A_1094] : memref<10000x128xf32, #tpu.memory_space<hbm>> -> memref<10000x128xf32, #tpu.memory_space<hbm>>
      tpu.enqueue_indirect_dma source(%dma_start3A_1095 : memref<10000x128xf32, #tpu.memory_space<hbm>>) target(%arg6 : memref<80x128xf32, #tpu.memory_space<vmem>>) offsets(%dma_start3A_1092 : memref<80xi32, #tpu.memory_space<vmem>>) semaphore(%arg11 : memref<!tpu.dma_semaphore, #tpu.memory_space<semaphore_mem>>)
      %add3A_1096 = arith.constant 3 : i32
      %add3A_1097 = arith.addi %add3A_1044, %add3A_1096 : i32
      %dma_start3A_1098 = arith.constant 1 : i32
      %dma_start3A_1099 = arith.constant 0 : i32
      %dma_start3A_1100 = arith.constant 0 : i32
      %dma_start3A_1101 = tpu.memref_slice %arg5[%dma_start3A_1098, %dma_start3A_1099, %dma_start3A_1100] : memref<4x2x80xi32, #tpu.memory_space<vmem>> -> memref<1x2x80xi32, #tpu.memory_space<vmem>>
      %dma_start3A_1102 = tpu.memref_squeeze %dma_start3A_1101 : memref<1x2x80xi32, #tpu.memory_space<vmem>> -> memref<2x80xi32, #tpu.memory_space<vmem>>
      %dma_start3A_1103 = arith.constant 0 : i32
      %dma_start3A_1104 = arith.constant 0 : i32
      %dma_start3A_1105 = tpu.memref_slice %arg3[%add3A, %add3A_1097, %dma_start3A_1103, %dma_start3A_1104] : memref<32x125x2x80xi32, #tpu.memory_space<hbm>> -> memref<1x1x2x80xi32, #tpu.memory_space<hbm>>
      %dma_start3A_1106 = tpu.memref_squeeze %dma_start3A_1105 : memref<1x1x2x80xi32, #tpu.memory_space<hbm>> -> memref<2x80xi32, #tpu.memory_space<hbm>>
      %dma_start3A_1107 = arith.constant 0 : i32
      %dma_start3A_1108 = arith.constant 0 : i32
      %dma_start3A_1109 = tpu.memref_slice %arg5[%dma_start3A_1098, %dma_start3A_1107, %dma_start3A_1108] : memref<4x2x80xi32, #tpu.memory_space<vmem>> -> memref<1x2x80xi32, #tpu.memory_space<vmem>>
      %dma_start3A_1110 = tpu.memref_squeeze %dma_start3A_1109 : memref<1x2x80xi32, #tpu.memory_space<vmem>> -> memref<2x80xi32, #tpu.memory_space<vmem>>
      %dma_start3A_1111 = arith.constant 0 : i32
      %dma_start3A_1112 = arith.constant 0 : i32
      %dma_start3A_1113 = tpu.memref_slice %arg3[%add3A, %add3A_1097, %dma_start3A_1111, %dma_start3A_1112] : memref<32x125x2x80xi32, #tpu.memory_space<hbm>> -> memref<1x1x2x80xi32, #tpu.memory_space<hbm>>
      %dma_start3A_1114 = tpu.memref_squeeze %dma_start3A_1113 : memref<1x1x2x80xi32, #tpu.memory_space<hbm>> -> memref<2x80xi32, #tpu.memory_space<hbm>>
      tpu.enqueue_dma source(%dma_start3A_1114 : memref<2x80xi32, #tpu.memory_space<hbm>>) target(%dma_start3A_1110 : memref<2x80xi32, #tpu.memory_space<vmem>>) target_semaphore(%arg18 : memref<!tpu.dma_semaphore, #tpu.memory_space<semaphore_mem>>)
      %add3A_1115 = arith.constant 10 : i32
      %add3A_1116 = arith.addi %mul3A_374, %add3A_1115 : i32
      %add3A_1117 = arith.constant 1 : i32
      %add3A_1118 = arith.addi %add3A_1116, %add3A_1117 : i32
      %dma_wait3A_1119 = arith.constant 3 : i32
      %dma_wait3A_1120 = arith.constant 0 : i32
      %dma_wait3A_1121 = arith.constant 0 : i32
      %dma_wait3A_1122 = tpu.memref_slice %arg5[%dma_wait3A_1119, %dma_wait3A_1120, %dma_wait3A_1121] : memref<4x2x80xi32, #tpu.memory_space<vmem>> -> memref<1x1x80xi32, #tpu.memory_space<vmem>>
      %dma_wait3A_1123 = tpu.memref_squeeze %dma_wait3A_1122 : memref<1x1x80xi32, #tpu.memory_space<vmem>> -> memref<80xi32, #tpu.memory_space<vmem>>
      %dma_wait3A_1124 = arith.constant 0 : i32
      %dma_wait3A_1125 = arith.constant 0 : i32
      %dma_wait3A_1126 = tpu.memref_slice %arg2[%dma_wait3A_1124, %dma_wait3A_1125] : memref<10000x128xf32, #tpu.memory_space<hbm>> -> memref<10000x128xf32, #tpu.memory_space<hbm>>
      tpu.wait_indirect_dma semaphore(%arg13 : memref<!tpu.dma_semaphore, #tpu.memory_space<semaphore_mem>>) src(%dma_wait3A_1126 : memref<10000x128xf32, #tpu.memory_space<hbm>>) dst(%arg8 : memref<80x128xf32, #tpu.memory_space<vmem>>)
      %dma_start3A_1127 = arith.constant 3 : i32
      %dma_start3A_1128 = arith.constant 1 : i32
      %dma_start3A_1129 = arith.constant 0 : i32
      %dma_start3A_1130 = tpu.memref_slice %arg5[%dma_start3A_1127, %dma_start3A_1128, %dma_start3A_1129] : memref<4x2x80xi32, #tpu.memory_space<vmem>> -> memref<1x1x80xi32, #tpu.memory_space<vmem>>
      %dma_start3A_1131 = tpu.memref_squeeze %dma_start3A_1130 : memref<1x1x80xi32, #tpu.memory_space<vmem>> -> memref<80xi32, #tpu.memory_space<vmem>>
      %dma_start3A_1132 = arith.constant 0 : i32
      %dma_start3A_1133 = arith.constant 0 : i32
      %dma_start3A_1134 = tpu.memref_slice %arg10[%dma_start3A_1132, %dma_start3A_1133] : memref<10240x128xf32, #tpu.memory_space<vmem_shared>> -> memref<10240x128xf32, #tpu.memory_space<vmem_shared>>
      tpu.enqueue_indirect_dma source(%arg8 : memref<80x128xf32, #tpu.memory_space<vmem>>) target(%dma_start3A_1134 : memref<10240x128xf32, #tpu.memory_space<vmem_shared>>) offsets(%dma_start3A_1131 : memref<80xi32, #tpu.memory_space<vmem>>) semaphore(%arg16 : memref<!tpu.dma_semaphore, #tpu.memory_space<semaphore_mem>>) {add = true}
      %dma_wait3A_1135 = arith.constant 2 : i32
      %dma_wait3A_1136 = arith.constant 1 : i32
      %dma_wait3A_1137 = arith.constant 0 : i32
      %dma_wait3A_1138 = tpu.memref_slice %arg5[%dma_wait3A_1135, %dma_wait3A_1136, %dma_wait3A_1137] : memref<4x2x80xi32, #tpu.memory_space<vmem>> -> memref<1x1x80xi32, #tpu.memory_space<vmem>>
      %dma_wait3A_1139 = tpu.memref_squeeze %dma_wait3A_1138 : memref<1x1x80xi32, #tpu.memory_space<vmem>> -> memref<80xi32, #tpu.memory_space<vmem>>
      %dma_wait3A_1140 = arith.constant 0 : i32
      %dma_wait3A_1141 = arith.constant 0 : i32
      %dma_wait3A_1142 = tpu.memref_slice %arg10[%dma_wait3A_1140, %dma_wait3A_1141] : memref<10240x128xf32, #tpu.memory_space<vmem_shared>> -> memref<10240x128xf32, #tpu.memory_space<vmem_shared>>
      tpu.wait_indirect_dma semaphore(%arg15 : memref<!tpu.dma_semaphore, #tpu.memory_space<semaphore_mem>>) src(%arg7 : memref<80x128xf32, #tpu.memory_space<vmem>>) dst(%dma_wait3A_1142 : memref<10240x128xf32, #tpu.memory_space<vmem_shared>>)
      %add3A_1143 = arith.constant 2 : i32
      %add3A_1144 = arith.addi %add3A_1118, %add3A_1143 : i32
      %dma_wait3A_1145 = arith.constant 1 : i32
      %dma_wait3A_1146 = arith.constant 0 : i32
      %dma_wait3A_1147 = arith.constant 0 : i32
      %dma_wait3A_1148 = tpu.memref_slice %arg5[%dma_wait3A_1145, %dma_wait3A_1146, %dma_wait3A_1147] : memref<4x2x80xi32, #tpu.memory_space<vmem>> -> memref<1x2x80xi32, #tpu.memory_space<vmem>>
      %dma_wait3A_1149 = tpu.memref_squeeze %dma_wait3A_1148 : memref<1x2x80xi32, #tpu.memory_space<vmem>> -> memref<2x80xi32, #tpu.memory_space<vmem>>
      %dma_wait3A_1150 = arith.constant 0 : i32
      %dma_wait3A_1151 = arith.constant 0 : i32
      %dma_wait3A_1152 = tpu.memref_slice %arg3[%add3A, %add3A_1144, %dma_wait3A_1150, %dma_wait3A_1151] : memref<32x125x2x80xi32, #tpu.memory_space<hbm>> -> memref<1x1x2x80xi32, #tpu.memory_space<hbm>>
      %dma_wait3A_1153 = tpu.memref_squeeze %dma_wait3A_1152 : memref<1x1x2x80xi32, #tpu.memory_space<hbm>> -> memref<2x80xi32, #tpu.memory_space<hbm>>
      %dma_wait3A_1154 = arith.constant 0 : i32
      %dma_wait3A_1155 = arith.constant 0 : i32
      %dma_wait3A_1156 = tpu.memref_slice %arg5[%dma_wait3A_1145, %dma_wait3A_1154, %dma_wait3A_1155] : memref<4x2x80xi32, #tpu.memory_space<vmem>> -> memref<1x2x80xi32, #tpu.memory_space<vmem>>
      %dma_wait3A_1157 = tpu.memref_squeeze %dma_wait3A_1156 : memref<1x2x80xi32, #tpu.memory_space<vmem>> -> memref<2x80xi32, #tpu.memory_space<vmem>>
      %dma_wait3A_1158 = arith.constant 0 : i32
      %dma_wait3A_1159 = arith.constant 0 : i32
      %dma_wait3A_1160 = tpu.memref_slice %arg3[%add3A, %add3A_1144, %dma_wait3A_1158, %dma_wait3A_1159] : memref<32x125x2x80xi32, #tpu.memory_space<hbm>> -> memref<1x1x2x80xi32, #tpu.memory_space<hbm>>
      %dma_wait3A_1161 = tpu.memref_squeeze %dma_wait3A_1160 : memref<1x1x2x80xi32, #tpu.memory_space<hbm>> -> memref<2x80xi32, #tpu.memory_space<hbm>>
      tpu.wait_dma2 semaphore(%arg18 : memref<!tpu.dma_semaphore, #tpu.memory_space<semaphore_mem>>) src(%dma_wait3A_1161 : memref<2x80xi32, #tpu.memory_space<hbm>>) dst(%dma_wait3A_1157 : memref<2x80xi32, #tpu.memory_space<vmem>>)
      %dma_start3A_1162 = arith.constant 1 : i32
      %dma_start3A_1163 = arith.constant 0 : i32
      %dma_start3A_1164 = arith.constant 0 : i32
      %dma_start3A_1165 = tpu.memref_slice %arg5[%dma_start3A_1162, %dma_start3A_1163, %dma_start3A_1164] : memref<4x2x80xi32, #tpu.memory_space<vmem>> -> memref<1x1x80xi32, #tpu.memory_space<vmem>>
      %dma_start3A_1166 = tpu.memref_squeeze %dma_start3A_1165 : memref<1x1x80xi32, #tpu.memory_space<vmem>> -> memref<80xi32, #tpu.memory_space<vmem>>
      %dma_start3A_1167 = arith.constant 0 : i32
      %dma_start3A_1168 = arith.constant 0 : i32
      %dma_start3A_1169 = tpu.memref_slice %arg2[%dma_start3A_1167, %dma_start3A_1168] : memref<10000x128xf32, #tpu.memory_space<hbm>> -> memref<10000x128xf32, #tpu.memory_space<hbm>>
      tpu.enqueue_indirect_dma source(%dma_start3A_1169 : memref<10000x128xf32, #tpu.memory_space<hbm>>) target(%arg7 : memref<80x128xf32, #tpu.memory_space<vmem>>) offsets(%dma_start3A_1166 : memref<80xi32, #tpu.memory_space<vmem>>) semaphore(%arg12 : memref<!tpu.dma_semaphore, #tpu.memory_space<semaphore_mem>>)
      %add3A_1170 = arith.constant 3 : i32
      %add3A_1171 = arith.addi %add3A_1118, %add3A_1170 : i32
      %dma_start3A_1172 = arith.constant 2 : i32
      %dma_start3A_1173 = arith.constant 0 : i32
      %dma_start3A_1174 = arith.constant 0 : i32
      %dma_start3A_1175 = tpu.memref_slice %arg5[%dma_start3A_1172, %dma_start3A_1173, %dma_start3A_1174] : memref<4x2x80xi32, #tpu.memory_space<vmem>> -> memref<1x2x80xi32, #tpu.memory_space<vmem>>
      %dma_start3A_1176 = tpu.memref_squeeze %dma_start3A_1175 : memref<1x2x80xi32, #tpu.memory_space<vmem>> -> memref<2x80xi32, #tpu.memory_space<vmem>>
      %dma_start3A_1177 = arith.constant 0 : i32
      %dma_start3A_1178 = arith.constant 0 : i32
      %dma_start3A_1179 = tpu.memref_slice %arg3[%add3A, %add3A_1171, %dma_start3A_1177, %dma_start3A_1178] : memref<32x125x2x80xi32, #tpu.memory_space<hbm>> -> memref<1x1x2x80xi32, #tpu.memory_space<hbm>>
      %dma_start3A_1180 = tpu.memref_squeeze %dma_start3A_1179 : memref<1x1x2x80xi32, #tpu.memory_space<hbm>> -> memref<2x80xi32, #tpu.memory_space<hbm>>
      %dma_start3A_1181 = arith.constant 0 : i32
      %dma_start3A_1182 = arith.constant 0 : i32
      %dma_start3A_1183 = tpu.memref_slice %arg5[%dma_start3A_1172, %dma_start3A_1181, %dma_start3A_1182] : memref<4x2x80xi32, #tpu.memory_space<vmem>> -> memref<1x2x80xi32, #tpu.memory_space<vmem>>
      %dma_start3A_1184 = tpu.memref_squeeze %dma_start3A_1183 : memref<1x2x80xi32, #tpu.memory_space<vmem>> -> memref<2x80xi32, #tpu.memory_space<vmem>>
      %dma_start3A_1185 = arith.constant 0 : i32
      %dma_start3A_1186 = arith.constant 0 : i32
      %dma_start3A_1187 = tpu.memref_slice %arg3[%add3A, %add3A_1171, %dma_start3A_1185, %dma_start3A_1186] : memref<32x125x2x80xi32, #tpu.memory_space<hbm>> -> memref<1x1x2x80xi32, #tpu.memory_space<hbm>>
      %dma_start3A_1188 = tpu.memref_squeeze %dma_start3A_1187 : memref<1x1x2x80xi32, #tpu.memory_space<hbm>> -> memref<2x80xi32, #tpu.memory_space<hbm>>
      tpu.enqueue_dma source(%dma_start3A_1188 : memref<2x80xi32, #tpu.memory_space<hbm>>) target(%dma_start3A_1184 : memref<2x80xi32, #tpu.memory_space<vmem>>) target_semaphore(%arg19 : memref<!tpu.dma_semaphore, #tpu.memory_space<semaphore_mem>>)
      %add3A_1189 = arith.constant 11 : i32
      %add3A_1190 = arith.addi %mul3A_374, %add3A_1189 : i32
      %add3A_1191 = arith.constant 1 : i32
      %add3A_1192 = arith.addi %add3A_1190, %add3A_1191 : i32
      %dma_wait3A_1193 = arith.constant 0 : i32
      %dma_wait3A_1194 = arith.constant 0 : i32
      %dma_wait3A_1195 = arith.constant 0 : i32
      %dma_wait3A_1196 = tpu.memref_slice %arg5[%dma_wait3A_1193, %dma_wait3A_1194, %dma_wait3A_1195] : memref<4x2x80xi32, #tpu.memory_space<vmem>> -> memref<1x1x80xi32, #tpu.memory_space<vmem>>
      %dma_wait3A_1197 = tpu.memref_squeeze %dma_wait3A_1196 : memref<1x1x80xi32, #tpu.memory_space<vmem>> -> memref<80xi32, #tpu.memory_space<vmem>>
      %dma_wait3A_1198 = arith.constant 0 : i32
      %dma_wait3A_1199 = arith.constant 0 : i32
      %dma_wait3A_1200 = tpu.memref_slice %arg2[%dma_wait3A_1198, %dma_wait3A_1199] : memref<10000x128xf32, #tpu.memory_space<hbm>> -> memref<10000x128xf32, #tpu.memory_space<hbm>>
      tpu.wait_indirect_dma semaphore(%arg11 : memref<!tpu.dma_semaphore, #tpu.memory_space<semaphore_mem>>) src(%dma_wait3A_1200 : memref<10000x128xf32, #tpu.memory_space<hbm>>) dst(%arg6 : memref<80x128xf32, #tpu.memory_space<vmem>>)
      %dma_start3A_1201 = arith.constant 0 : i32
      %dma_start3A_1202 = arith.constant 1 : i32
      %dma_start3A_1203 = arith.constant 0 : i32
      %dma_start3A_1204 = tpu.memref_slice %arg5[%dma_start3A_1201, %dma_start3A_1202, %dma_start3A_1203] : memref<4x2x80xi32, #tpu.memory_space<vmem>> -> memref<1x1x80xi32, #tpu.memory_space<vmem>>
      %dma_start3A_1205 = tpu.memref_squeeze %dma_start3A_1204 : memref<1x1x80xi32, #tpu.memory_space<vmem>> -> memref<80xi32, #tpu.memory_space<vmem>>
      %dma_start3A_1206 = arith.constant 0 : i32
      %dma_start3A_1207 = arith.constant 0 : i32
      %dma_start3A_1208 = tpu.memref_slice %arg10[%dma_start3A_1206, %dma_start3A_1207] : memref<10240x128xf32, #tpu.memory_space<vmem_shared>> -> memref<10240x128xf32, #tpu.memory_space<vmem_shared>>
      tpu.enqueue_indirect_dma source(%arg6 : memref<80x128xf32, #tpu.memory_space<vmem>>) target(%dma_start3A_1208 : memref<10240x128xf32, #tpu.memory_space<vmem_shared>>) offsets(%dma_start3A_1205 : memref<80xi32, #tpu.memory_space<vmem>>) semaphore(%arg14 : memref<!tpu.dma_semaphore, #tpu.memory_space<semaphore_mem>>) {add = true}
      %dma_wait3A_1209 = arith.constant 3 : i32
      %dma_wait3A_1210 = arith.constant 1 : i32
      %dma_wait3A_1211 = arith.constant 0 : i32
      %dma_wait3A_1212 = tpu.memref_slice %arg5[%dma_wait3A_1209, %dma_wait3A_1210, %dma_wait3A_1211] : memref<4x2x80xi32, #tpu.memory_space<vmem>> -> memref<1x1x80xi32, #tpu.memory_space<vmem>>
      %dma_wait3A_1213 = tpu.memref_squeeze %dma_wait3A_1212 : memref<1x1x80xi32, #tpu.memory_space<vmem>> -> memref<80xi32, #tpu.memory_space<vmem>>
      %dma_wait3A_1214 = arith.constant 0 : i32
      %dma_wait3A_1215 = arith.constant 0 : i32
      %dma_wait3A_1216 = tpu.memref_slice %arg10[%dma_wait3A_1214, %dma_wait3A_1215] : memref<10240x128xf32, #tpu.memory_space<vmem_shared>> -> memref<10240x128xf32, #tpu.memory_space<vmem_shared>>
      tpu.wait_indirect_dma semaphore(%arg16 : memref<!tpu.dma_semaphore, #tpu.memory_space<semaphore_mem>>) src(%arg8 : memref<80x128xf32, #tpu.memory_space<vmem>>) dst(%dma_wait3A_1216 : memref<10240x128xf32, #tpu.memory_space<vmem_shared>>)
      %add3A_1217 = arith.constant 2 : i32
      %add3A_1218 = arith.addi %add3A_1192, %add3A_1217 : i32
      %dma_wait3A_1219 = arith.constant 2 : i32
      %dma_wait3A_1220 = arith.constant 0 : i32
      %dma_wait3A_1221 = arith.constant 0 : i32
      %dma_wait3A_1222 = tpu.memref_slice %arg5[%dma_wait3A_1219, %dma_wait3A_1220, %dma_wait3A_1221] : memref<4x2x80xi32, #tpu.memory_space<vmem>> -> memref<1x2x80xi32, #tpu.memory_space<vmem>>
      %dma_wait3A_1223 = tpu.memref_squeeze %dma_wait3A_1222 : memref<1x2x80xi32, #tpu.memory_space<vmem>> -> memref<2x80xi32, #tpu.memory_space<vmem>>
      %dma_wait3A_1224 = arith.constant 0 : i32
      %dma_wait3A_1225 = arith.constant 0 : i32
      %dma_wait3A_1226 = tpu.memref_slice %arg3[%add3A, %add3A_1218, %dma_wait3A_1224, %dma_wait3A_1225] : memref<32x125x2x80xi32, #tpu.memory_space<hbm>> -> memref<1x1x2x80xi32, #tpu.memory_space<hbm>>
      %dma_wait3A_1227 = tpu.memref_squeeze %dma_wait3A_1226 : memref<1x1x2x80xi32, #tpu.memory_space<hbm>> -> memref<2x80xi32, #tpu.memory_space<hbm>>
      %dma_wait3A_1228 = arith.constant 0 : i32
      %dma_wait3A_1229 = arith.constant 0 : i32
      %dma_wait3A_1230 = tpu.memref_slice %arg5[%dma_wait3A_1219, %dma_wait3A_1228, %dma_wait3A_1229] : memref<4x2x80xi32, #tpu.memory_space<vmem>> -> memref<1x2x80xi32, #tpu.memory_space<vmem>>
      %dma_wait3A_1231 = tpu.memref_squeeze %dma_wait3A_1230 : memref<1x2x80xi32, #tpu.memory_space<vmem>> -> memref<2x80xi32, #tpu.memory_space<vmem>>
      %dma_wait3A_1232 = arith.constant 0 : i32
      %dma_wait3A_1233 = arith.constant 0 : i32
      %dma_wait3A_1234 = tpu.memref_slice %arg3[%add3A, %add3A_1218, %dma_wait3A_1232, %dma_wait3A_1233] : memref<32x125x2x80xi32, #tpu.memory_space<hbm>> -> memref<1x1x2x80xi32, #tpu.memory_space<hbm>>
      %dma_wait3A_1235 = tpu.memref_squeeze %dma_wait3A_1234 : memref<1x1x2x80xi32, #tpu.memory_space<hbm>> -> memref<2x80xi32, #tpu.memory_space<hbm>>
      tpu.wait_dma2 semaphore(%arg19 : memref<!tpu.dma_semaphore, #tpu.memory_space<semaphore_mem>>) src(%dma_wait3A_1235 : memref<2x80xi32, #tpu.memory_space<hbm>>) dst(%dma_wait3A_1231 : memref<2x80xi32, #tpu.memory_space<vmem>>)
      %dma_start3A_1236 = arith.constant 2 : i32
      %dma_start3A_1237 = arith.constant 0 : i32
      %dma_start3A_1238 = arith.constant 0 : i32
      %dma_start3A_1239 = tpu.memref_slice %arg5[%dma_start3A_1236, %dma_start3A_1237, %dma_start3A_1238] : memref<4x2x80xi32, #tpu.memory_space<vmem>> -> memref<1x1x80xi32, #tpu.memory_space<vmem>>
      %dma_start3A_1240 = tpu.memref_squeeze %dma_start3A_1239 : memref<1x1x80xi32, #tpu.memory_space<vmem>> -> memref<80xi32, #tpu.memory_space<vmem>>
      %dma_start3A_1241 = arith.constant 0 : i32
      %dma_start3A_1242 = arith.constant 0 : i32
      %dma_start3A_1243 = tpu.memref_slice %arg2[%dma_start3A_1241, %dma_start3A_1242] : memref<10000x128xf32, #tpu.memory_space<hbm>> -> memref<10000x128xf32, #tpu.memory_space<hbm>>
      tpu.enqueue_indirect_dma source(%dma_start3A_1243 : memref<10000x128xf32, #tpu.memory_space<hbm>>) target(%arg8 : memref<80x128xf32, #tpu.memory_space<vmem>>) offsets(%dma_start3A_1240 : memref<80xi32, #tpu.memory_space<vmem>>) semaphore(%arg13 : memref<!tpu.dma_semaphore, #tpu.memory_space<semaphore_mem>>)
      %add3A_1244 = arith.constant 3 : i32
      %add3A_1245 = arith.addi %add3A_1192, %add3A_1244 : i32
      %dma_start3A_1246 = arith.constant 3 : i32
      %dma_start3A_1247 = arith.constant 0 : i32
      %dma_start3A_1248 = arith.constant 0 : i32
      %dma_start3A_1249 = tpu.memref_slice %arg5[%dma_start3A_1246, %dma_start3A_1247, %dma_start3A_1248] : memref<4x2x80xi32, #tpu.memory_space<vmem>> -> memref<1x2x80xi32, #tpu.memory_space<vmem>>
      %dma_start3A_1250 = tpu.memref_squeeze %dma_start3A_1249 : memref<1x2x80xi32, #tpu.memory_space<vmem>> -> memref<2x80xi32, #tpu.memory_space<vmem>>
      %dma_start3A_1251 = arith.constant 0 : i32
      %dma_start3A_1252 = arith.constant 0 : i32
      %dma_start3A_1253 = tpu.memref_slice %arg3[%add3A, %add3A_1245, %dma_start3A_1251, %dma_start3A_1252] : memref<32x125x2x80xi32, #tpu.memory_space<hbm>> -> memref<1x1x2x80xi32, #tpu.memory_space<hbm>>
      %dma_start3A_1254 = tpu.memref_squeeze %dma_start3A_1253 : memref<1x1x2x80xi32, #tpu.memory_space<hbm>> -> memref<2x80xi32, #tpu.memory_space<hbm>>
      %dma_start3A_1255 = arith.constant 0 : i32
      %dma_start3A_1256 = arith.constant 0 : i32
      %dma_start3A_1257 = tpu.memref_slice %arg5[%dma_start3A_1246, %dma_start3A_1255, %dma_start3A_1256] : memref<4x2x80xi32, #tpu.memory_space<vmem>> -> memref<1x2x80xi32, #tpu.memory_space<vmem>>
      %dma_start3A_1258 = tpu.memref_squeeze %dma_start3A_1257 : memref<1x2x80xi32, #tpu.memory_space<vmem>> -> memref<2x80xi32, #tpu.memory_space<vmem>>
      %dma_start3A_1259 = arith.constant 0 : i32
      %dma_start3A_1260 = arith.constant 0 : i32
      %dma_start3A_1261 = tpu.memref_slice %arg3[%add3A, %add3A_1245, %dma_start3A_1259, %dma_start3A_1260] : memref<32x125x2x80xi32, #tpu.memory_space<hbm>> -> memref<1x1x2x80xi32, #tpu.memory_space<hbm>>
      %dma_start3A_1262 = tpu.memref_squeeze %dma_start3A_1261 : memref<1x1x2x80xi32, #tpu.memory_space<hbm>> -> memref<2x80xi32, #tpu.memory_space<hbm>>
      tpu.enqueue_dma source(%dma_start3A_1262 : memref<2x80xi32, #tpu.memory_space<hbm>>) target(%dma_start3A_1258 : memref<2x80xi32, #tpu.memory_space<vmem>>) target_semaphore(%arg20 : memref<!tpu.dma_semaphore, #tpu.memory_space<semaphore_mem>>)
      %scan3A_1263 = arith.constant 0 : i32
      scf.yield %scan3A_1263 : i32
    }
    %scan3A_191 = arith.constant 10 : i32
    %dma_wait3A_192 = arith.constant 1 : i32
    %dma_wait3A_193 = arith.constant 0 : i32
    %dma_wait3A_194 = arith.constant 0 : i32
    %dma_wait3A_195 = tpu.memref_slice %arg5[%dma_wait3A_192, %dma_wait3A_193, %dma_wait3A_194] : memref<4x2x80xi32, #tpu.memory_space<vmem>> -> memref<1x1x80xi32, #tpu.memory_space<vmem>>
    %dma_wait3A_196 = tpu.memref_squeeze %dma_wait3A_195 : memref<1x1x80xi32, #tpu.memory_space<vmem>> -> memref<80xi32, #tpu.memory_space<vmem>>
    %dma_wait3A_197 = arith.constant 0 : i32
    %dma_wait3A_198 = arith.constant 0 : i32
    %dma_wait3A_199 = tpu.memref_slice %arg2[%dma_wait3A_197, %dma_wait3A_198] : memref<10000x128xf32, #tpu.memory_space<hbm>> -> memref<10000x128xf32, #tpu.memory_space<hbm>>
    tpu.wait_indirect_dma semaphore(%arg12 : memref<!tpu.dma_semaphore, #tpu.memory_space<semaphore_mem>>) src(%dma_wait3A_199 : memref<10000x128xf32, #tpu.memory_space<hbm>>) dst(%arg7 : memref<80x128xf32, #tpu.memory_space<vmem>>)
    %dma_start3A_200 = arith.constant 1 : i32
    %dma_start3A_201 = arith.constant 1 : i32
    %dma_start3A_202 = arith.constant 0 : i32
    %dma_start3A_203 = tpu.memref_slice %arg5[%dma_start3A_200, %dma_start3A_201, %dma_start3A_202] : memref<4x2x80xi32, #tpu.memory_space<vmem>> -> memref<1x1x80xi32, #tpu.memory_space<vmem>>
    %dma_start3A_204 = tpu.memref_squeeze %dma_start3A_203 : memref<1x1x80xi32, #tpu.memory_space<vmem>> -> memref<80xi32, #tpu.memory_space<vmem>>
    %dma_start3A_205 = arith.constant 0 : i32
    %dma_start3A_206 = arith.constant 0 : i32
    %dma_start3A_207 = tpu.memref_slice %arg10[%dma_start3A_205, %dma_start3A_206] : memref<10240x128xf32, #tpu.memory_space<vmem_shared>> -> memref<10240x128xf32, #tpu.memory_space<vmem_shared>>
    tpu.enqueue_indirect_dma source(%arg7 : memref<80x128xf32, #tpu.memory_space<vmem>>) target(%dma_start3A_207 : memref<10240x128xf32, #tpu.memory_space<vmem_shared>>) offsets(%dma_start3A_204 : memref<80xi32, #tpu.memory_space<vmem>>) semaphore(%arg15 : memref<!tpu.dma_semaphore, #tpu.memory_space<semaphore_mem>>) {add = true}
    %dma_wait3A_208 = arith.constant 0 : i32
    %dma_wait3A_209 = arith.constant 1 : i32
    %dma_wait3A_210 = arith.constant 0 : i32
    %dma_wait3A_211 = tpu.memref_slice %arg5[%dma_wait3A_208, %dma_wait3A_209, %dma_wait3A_210] : memref<4x2x80xi32, #tpu.memory_space<vmem>> -> memref<1x1x80xi32, #tpu.memory_space<vmem>>
    %dma_wait3A_212 = tpu.memref_squeeze %dma_wait3A_211 : memref<1x1x80xi32, #tpu.memory_space<vmem>> -> memref<80xi32, #tpu.memory_space<vmem>>
    %dma_wait3A_213 = arith.constant 0 : i32
    %dma_wait3A_214 = arith.constant 0 : i32
    %dma_wait3A_215 = tpu.memref_slice %arg10[%dma_wait3A_213, %dma_wait3A_214] : memref<10240x128xf32, #tpu.memory_space<vmem_shared>> -> memref<10240x128xf32, #tpu.memory_space<vmem_shared>>
    tpu.wait_indirect_dma semaphore(%arg14 : memref<!tpu.dma_semaphore, #tpu.memory_space<semaphore_mem>>) src(%arg6 : memref<80x128xf32, #tpu.memory_space<vmem>>) dst(%dma_wait3A_215 : memref<10240x128xf32, #tpu.memory_space<vmem_shared>>)
    %dma_wait3A_216 = arith.constant 123 : i32
    %dma_wait3A_217 = arith.constant 3 : i32
    %dma_wait3A_218 = arith.constant 0 : i32
    %dma_wait3A_219 = arith.constant 0 : i32
    %dma_wait3A_220 = tpu.memref_slice %arg5[%dma_wait3A_217, %dma_wait3A_218, %dma_wait3A_219] : memref<4x2x80xi32, #tpu.memory_space<vmem>> -> memref<1x2x80xi32, #tpu.memory_space<vmem>>
    %dma_wait3A_221 = tpu.memref_squeeze %dma_wait3A_220 : memref<1x2x80xi32, #tpu.memory_space<vmem>> -> memref<2x80xi32, #tpu.memory_space<vmem>>
    %dma_wait3A_222 = arith.constant 0 : i32
    %dma_wait3A_223 = arith.constant 0 : i32
    %dma_wait3A_224 = tpu.memref_slice %arg3[%add3A, %dma_wait3A_216, %dma_wait3A_222, %dma_wait3A_223] : memref<32x125x2x80xi32, #tpu.memory_space<hbm>> -> memref<1x1x2x80xi32, #tpu.memory_space<hbm>>
    %dma_wait3A_225 = tpu.memref_squeeze %dma_wait3A_224 : memref<1x1x2x80xi32, #tpu.memory_space<hbm>> -> memref<2x80xi32, #tpu.memory_space<hbm>>
    %dma_wait3A_226 = arith.constant 0 : i32
    %dma_wait3A_227 = arith.constant 0 : i32
    %dma_wait3A_228 = tpu.memref_slice %arg5[%dma_wait3A_217, %dma_wait3A_226, %dma_wait3A_227] : memref<4x2x80xi32, #tpu.memory_space<vmem>> -> memref<1x2x80xi32, #tpu.memory_space<vmem>>
    %dma_wait3A_229 = tpu.memref_squeeze %dma_wait3A_228 : memref<1x2x80xi32, #tpu.memory_space<vmem>> -> memref<2x80xi32, #tpu.memory_space<vmem>>
    %dma_wait3A_230 = arith.constant 0 : i32
    %dma_wait3A_231 = arith.constant 0 : i32
    %dma_wait3A_232 = tpu.memref_slice %arg3[%add3A, %dma_wait3A_216, %dma_wait3A_230, %dma_wait3A_231] : memref<32x125x2x80xi32, #tpu.memory_space<hbm>> -> memref<1x1x2x80xi32, #tpu.memory_space<hbm>>
    %dma_wait3A_233 = tpu.memref_squeeze %dma_wait3A_232 : memref<1x1x2x80xi32, #tpu.memory_space<hbm>> -> memref<2x80xi32, #tpu.memory_space<hbm>>
    tpu.wait_dma2 semaphore(%arg20 : memref<!tpu.dma_semaphore, #tpu.memory_space<semaphore_mem>>) src(%dma_wait3A_233 : memref<2x80xi32, #tpu.memory_space<hbm>>) dst(%dma_wait3A_229 : memref<2x80xi32, #tpu.memory_space<vmem>>)
    %dma_start3A_234 = arith.constant 3 : i32
    %dma_start3A_235 = arith.constant 0 : i32
    %dma_start3A_236 = arith.constant 0 : i32
    %dma_start3A_237 = tpu.memref_slice %arg5[%dma_start3A_234, %dma_start3A_235, %dma_start3A_236] : memref<4x2x80xi32, #tpu.memory_space<vmem>> -> memref<1x1x80xi32, #tpu.memory_space<vmem>>
    %dma_start3A_238 = tpu.memref_squeeze %dma_start3A_237 : memref<1x1x80xi32, #tpu.memory_space<vmem>> -> memref<80xi32, #tpu.memory_space<vmem>>
    %dma_start3A_239 = arith.constant 0 : i32
    %dma_start3A_240 = arith.constant 0 : i32
    %dma_start3A_241 = tpu.memref_slice %arg2[%dma_start3A_239, %dma_start3A_240] : memref<10000x128xf32, #tpu.memory_space<hbm>> -> memref<10000x128xf32, #tpu.memory_space<hbm>>
    tpu.enqueue_indirect_dma source(%dma_start3A_241 : memref<10000x128xf32, #tpu.memory_space<hbm>>) target(%arg6 : memref<80x128xf32, #tpu.memory_space<vmem>>) offsets(%dma_start3A_238 : memref<80xi32, #tpu.memory_space<vmem>>) semaphore(%arg11 : memref<!tpu.dma_semaphore, #tpu.memory_space<semaphore_mem>>)
    %dma_start3A_242 = arith.constant 124 : i32
    %dma_start3A_243 = arith.constant 0 : i32
    %dma_start3A_244 = arith.constant 0 : i32
    %dma_start3A_245 = arith.constant 0 : i32
    %dma_start3A_246 = tpu.memref_slice %arg5[%dma_start3A_243, %dma_start3A_244, %dma_start3A_245] : memref<4x2x80xi32, #tpu.memory_space<vmem>> -> memref<1x2x80xi32, #tpu.memory_space<vmem>>
    %dma_start3A_247 = tpu.memref_squeeze %dma_start3A_246 : memref<1x2x80xi32, #tpu.memory_space<vmem>> -> memref<2x80xi32, #tpu.memory_space<vmem>>
    %dma_start3A_248 = arith.constant 0 : i32
    %dma_start3A_249 = arith.constant 0 : i32
    %dma_start3A_250 = tpu.memref_slice %arg3[%add3A, %dma_start3A_242, %dma_start3A_248, %dma_start3A_249] : memref<32x125x2x80xi32, #tpu.memory_space<hbm>> -> memref<1x1x2x80xi32, #tpu.memory_space<hbm>>
    %dma_start3A_251 = tpu.memref_squeeze %dma_start3A_250 : memref<1x1x2x80xi32, #tpu.memory_space<hbm>> -> memref<2x80xi32, #tpu.memory_space<hbm>>
    %dma_start3A_252 = arith.constant 0 : i32
    %dma_start3A_253 = arith.constant 0 : i32
    %dma_start3A_254 = tpu.memref_slice %arg5[%dma_start3A_243, %dma_start3A_252, %dma_start3A_253] : memref<4x2x80xi32, #tpu.memory_space<vmem>> -> memref<1x2x80xi32, #tpu.memory_space<vmem>>
    %dma_start3A_255 = tpu.memref_squeeze %dma_start3A_254 : memref<1x2x80xi32, #tpu.memory_space<vmem>> -> memref<2x80xi32, #tpu.memory_space<vmem>>
    %dma_start3A_256 = arith.constant 0 : i32
    %dma_start3A_257 = arith.constant 0 : i32
    %dma_start3A_258 = tpu.memref_slice %arg3[%add3A, %dma_start3A_242, %dma_start3A_256, %dma_start3A_257] : memref<32x125x2x80xi32, #tpu.memory_space<hbm>> -> memref<1x1x2x80xi32, #tpu.memory_space<hbm>>
    %dma_start3A_259 = tpu.memref_squeeze %dma_start3A_258 : memref<1x1x2x80xi32, #tpu.memory_space<hbm>> -> memref<2x80xi32, #tpu.memory_space<hbm>>
    tpu.enqueue_dma source(%dma_start3A_259 : memref<2x80xi32, #tpu.memory_space<hbm>>) target(%dma_start3A_255 : memref<2x80xi32, #tpu.memory_space<vmem>>) target_semaphore(%arg17 : memref<!tpu.dma_semaphore, #tpu.memory_space<semaphore_mem>>)
    %dma_wait3A_260 = arith.constant 2 : i32
    %dma_wait3A_261 = arith.constant 0 : i32
    %dma_wait3A_262 = arith.constant 0 : i32
    %dma_wait3A_263 = tpu.memref_slice %arg5[%dma_wait3A_260, %dma_wait3A_261, %dma_wait3A_262] : memref<4x2x80xi32, #tpu.memory_space<vmem>> -> memref<1x1x80xi32, #tpu.memory_space<vmem>>
    %dma_wait3A_264 = tpu.memref_squeeze %dma_wait3A_263 : memref<1x1x80xi32, #tpu.memory_space<vmem>> -> memref<80xi32, #tpu.memory_space<vmem>>
    %dma_wait3A_265 = arith.constant 0 : i32
    %dma_wait3A_266 = arith.constant 0 : i32
    %dma_wait3A_267 = tpu.memref_slice %arg2[%dma_wait3A_265, %dma_wait3A_266] : memref<10000x128xf32, #tpu.memory_space<hbm>> -> memref<10000x128xf32, #tpu.memory_space<hbm>>
    tpu.wait_indirect_dma semaphore(%arg13 : memref<!tpu.dma_semaphore, #tpu.memory_space<semaphore_mem>>) src(%dma_wait3A_267 : memref<10000x128xf32, #tpu.memory_space<hbm>>) dst(%arg8 : memref<80x128xf32, #tpu.memory_space<vmem>>)
    %dma_start3A_268 = arith.constant 2 : i32
    %dma_start3A_269 = arith.constant 1 : i32
    %dma_start3A_270 = arith.constant 0 : i32
    %dma_start3A_271 = tpu.memref_slice %arg5[%dma_start3A_268, %dma_start3A_269, %dma_start3A_270] : memref<4x2x80xi32, #tpu.memory_space<vmem>> -> memref<1x1x80xi32, #tpu.memory_space<vmem>>
    %dma_start3A_272 = tpu.memref_squeeze %dma_start3A_271 : memref<1x1x80xi32, #tpu.memory_space<vmem>> -> memref<80xi32, #tpu.memory_space<vmem>>
    %dma_start3A_273 = arith.constant 0 : i32
    %dma_start3A_274 = arith.constant 0 : i32
    %dma_start3A_275 = tpu.memref_slice %arg10[%dma_start3A_273, %dma_start3A_274] : memref<10240x128xf32, #tpu.memory_space<vmem_shared>> -> memref<10240x128xf32, #tpu.memory_space<vmem_shared>>
    tpu.enqueue_indirect_dma source(%arg8 : memref<80x128xf32, #tpu.memory_space<vmem>>) target(%dma_start3A_275 : memref<10240x128xf32, #tpu.memory_space<vmem_shared>>) offsets(%dma_start3A_272 : memref<80xi32, #tpu.memory_space<vmem>>) semaphore(%arg16 : memref<!tpu.dma_semaphore, #tpu.memory_space<semaphore_mem>>) {add = true}
    %dma_wait3A_276 = arith.constant 1 : i32
    %dma_wait3A_277 = arith.constant 1 : i32
    %dma_wait3A_278 = arith.constant 0 : i32
    %dma_wait3A_279 = tpu.memref_slice %arg5[%dma_wait3A_276, %dma_wait3A_277, %dma_wait3A_278] : memref<4x2x80xi32, #tpu.memory_space<vmem>> -> memref<1x1x80xi32, #tpu.memory_space<vmem>>
    %dma_wait3A_280 = tpu.memref_squeeze %dma_wait3A_279 : memref<1x1x80xi32, #tpu.memory_space<vmem>> -> memref<80xi32, #tpu.memory_space<vmem>>
    %dma_wait3A_281 = arith.constant 0 : i32
    %dma_wait3A_282 = arith.constant 0 : i32
    %dma_wait3A_283 = tpu.memref_slice %arg10[%dma_wait3A_281, %dma_wait3A_282] : memref<10240x128xf32, #tpu.memory_space<vmem_shared>> -> memref<10240x128xf32, #tpu.memory_space<vmem_shared>>
    tpu.wait_indirect_dma semaphore(%arg15 : memref<!tpu.dma_semaphore, #tpu.memory_space<semaphore_mem>>) src(%arg7 : memref<80x128xf32, #tpu.memory_space<vmem>>) dst(%dma_wait3A_283 : memref<10240x128xf32, #tpu.memory_space<vmem_shared>>)
    %dma_wait3A_284 = arith.constant 124 : i32
    %dma_wait3A_285 = arith.constant 0 : i32
    %dma_wait3A_286 = arith.constant 0 : i32
    %dma_wait3A_287 = arith.constant 0 : i32
    %dma_wait3A_288 = tpu.memref_slice %arg5[%dma_wait3A_285, %dma_wait3A_286, %dma_wait3A_287] : memref<4x2x80xi32, #tpu.memory_space<vmem>> -> memref<1x2x80xi32, #tpu.memory_space<vmem>>
    %dma_wait3A_289 = tpu.memref_squeeze %dma_wait3A_288 : memref<1x2x80xi32, #tpu.memory_space<vmem>> -> memref<2x80xi32, #tpu.memory_space<vmem>>
    %dma_wait3A_290 = arith.constant 0 : i32
    %dma_wait3A_291 = arith.constant 0 : i32
    %dma_wait3A_292 = tpu.memref_slice %arg3[%add3A, %dma_wait3A_284, %dma_wait3A_290, %dma_wait3A_291] : memref<32x125x2x80xi32, #tpu.memory_space<hbm>> -> memref<1x1x2x80xi32, #tpu.memory_space<hbm>>
    %dma_wait3A_293 = tpu.memref_squeeze %dma_wait3A_292 : memref<1x1x2x80xi32, #tpu.memory_space<hbm>> -> memref<2x80xi32, #tpu.memory_space<hbm>>
    %dma_wait3A_294 = arith.constant 0 : i32
    %dma_wait3A_295 = arith.constant 0 : i32
    %dma_wait3A_296 = tpu.memref_slice %arg5[%dma_wait3A_285, %dma_wait3A_294, %dma_wait3A_295] : memref<4x2x80xi32, #tpu.memory_space<vmem>> -> memref<1x2x80xi32, #tpu.memory_space<vmem>>
    %dma_wait3A_297 = tpu.memref_squeeze %dma_wait3A_296 : memref<1x2x80xi32, #tpu.memory_space<vmem>> -> memref<2x80xi32, #tpu.memory_space<vmem>>
    %dma_wait3A_298 = arith.constant 0 : i32
    %dma_wait3A_299 = arith.constant 0 : i32
    %dma_wait3A_300 = tpu.memref_slice %arg3[%add3A, %dma_wait3A_284, %dma_wait3A_298, %dma_wait3A_299] : memref<32x125x2x80xi32, #tpu.memory_space<hbm>> -> memref<1x1x2x80xi32, #tpu.memory_space<hbm>>
    %dma_wait3A_301 = tpu.memref_squeeze %dma_wait3A_300 : memref<1x1x2x80xi32, #tpu.memory_space<hbm>> -> memref<2x80xi32, #tpu.memory_space<hbm>>
    tpu.wait_dma2 semaphore(%arg17 : memref<!tpu.dma_semaphore, #tpu.memory_space<semaphore_mem>>) src(%dma_wait3A_301 : memref<2x80xi32, #tpu.memory_space<hbm>>) dst(%dma_wait3A_297 : memref<2x80xi32, #tpu.memory_space<vmem>>)
    %dma_start3A_302 = arith.constant 0 : i32
    %dma_start3A_303 = arith.constant 0 : i32
    %dma_start3A_304 = arith.constant 0 : i32
    %dma_start3A_305 = tpu.memref_slice %arg5[%dma_start3A_302, %dma_start3A_303, %dma_start3A_304] : memref<4x2x80xi32, #tpu.memory_space<vmem>> -> memref<1x1x80xi32, #tpu.memory_space<vmem>>
    %dma_start3A_306 = tpu.memref_squeeze %dma_start3A_305 : memref<1x1x80xi32, #tpu.memory_space<vmem>> -> memref<80xi32, #tpu.memory_space<vmem>>
    %dma_start3A_307 = arith.constant 0 : i32
    %dma_start3A_308 = arith.constant 0 : i32
    %dma_start3A_309 = tpu.memref_slice %arg2[%dma_start3A_307, %dma_start3A_308] : memref<10000x128xf32, #tpu.memory_space<hbm>> -> memref<10000x128xf32, #tpu.memory_space<hbm>>
    tpu.enqueue_indirect_dma source(%dma_start3A_309 : memref<10000x128xf32, #tpu.memory_space<hbm>>) target(%arg7 : memref<80x128xf32, #tpu.memory_space<vmem>>) offsets(%dma_start3A_306 : memref<80xi32, #tpu.memory_space<vmem>>) semaphore(%arg12 : memref<!tpu.dma_semaphore, #tpu.memory_space<semaphore_mem>>)
    %dma_wait3A_310 = arith.constant 3 : i32
    %dma_wait3A_311 = arith.constant 0 : i32
    %dma_wait3A_312 = arith.constant 0 : i32
    %dma_wait3A_313 = tpu.memref_slice %arg5[%dma_wait3A_310, %dma_wait3A_311, %dma_wait3A_312] : memref<4x2x80xi32, #tpu.memory_space<vmem>> -> memref<1x1x80xi32, #tpu.memory_space<vmem>>
    %dma_wait3A_314 = tpu.memref_squeeze %dma_wait3A_313 : memref<1x1x80xi32, #tpu.memory_space<vmem>> -> memref<80xi32, #tpu.memory_space<vmem>>
    %dma_wait3A_315 = arith.constant 0 : i32
    %dma_wait3A_316 = arith.constant 0 : i32
    %dma_wait3A_317 = tpu.memref_slice %arg2[%dma_wait3A_315, %dma_wait3A_316] : memref<10000x128xf32, #tpu.memory_space<hbm>> -> memref<10000x128xf32, #tpu.memory_space<hbm>>
    tpu.wait_indirect_dma semaphore(%arg11 : memref<!tpu.dma_semaphore, #tpu.memory_space<semaphore_mem>>) src(%dma_wait3A_317 : memref<10000x128xf32, #tpu.memory_space<hbm>>) dst(%arg6 : memref<80x128xf32, #tpu.memory_space<vmem>>)
    %dma_start3A_318 = arith.constant 3 : i32
    %dma_start3A_319 = arith.constant 1 : i32
    %dma_start3A_320 = arith.constant 0 : i32
    %dma_start3A_321 = tpu.memref_slice %arg5[%dma_start3A_318, %dma_start3A_319, %dma_start3A_320] : memref<4x2x80xi32, #tpu.memory_space<vmem>> -> memref<1x1x80xi32, #tpu.memory_space<vmem>>
    %dma_start3A_322 = tpu.memref_squeeze %dma_start3A_321 : memref<1x1x80xi32, #tpu.memory_space<vmem>> -> memref<80xi32, #tpu.memory_space<vmem>>
    %dma_start3A_323 = arith.constant 0 : i32
    %dma_start3A_324 = arith.constant 0 : i32
    %dma_start3A_325 = tpu.memref_slice %arg10[%dma_start3A_323, %dma_start3A_324] : memref<10240x128xf32, #tpu.memory_space<vmem_shared>> -> memref<10240x128xf32, #tpu.memory_space<vmem_shared>>
    tpu.enqueue_indirect_dma source(%arg6 : memref<80x128xf32, #tpu.memory_space<vmem>>) target(%dma_start3A_325 : memref<10240x128xf32, #tpu.memory_space<vmem_shared>>) offsets(%dma_start3A_322 : memref<80xi32, #tpu.memory_space<vmem>>) semaphore(%arg14 : memref<!tpu.dma_semaphore, #tpu.memory_space<semaphore_mem>>) {add = true}
    %dma_wait3A_326 = arith.constant 2 : i32
    %dma_wait3A_327 = arith.constant 1 : i32
    %dma_wait3A_328 = arith.constant 0 : i32
    %dma_wait3A_329 = tpu.memref_slice %arg5[%dma_wait3A_326, %dma_wait3A_327, %dma_wait3A_328] : memref<4x2x80xi32, #tpu.memory_space<vmem>> -> memref<1x1x80xi32, #tpu.memory_space<vmem>>
    %dma_wait3A_330 = tpu.memref_squeeze %dma_wait3A_329 : memref<1x1x80xi32, #tpu.memory_space<vmem>> -> memref<80xi32, #tpu.memory_space<vmem>>
    %dma_wait3A_331 = arith.constant 0 : i32
    %dma_wait3A_332 = arith.constant 0 : i32
    %dma_wait3A_333 = tpu.memref_slice %arg10[%dma_wait3A_331, %dma_wait3A_332] : memref<10240x128xf32, #tpu.memory_space<vmem_shared>> -> memref<10240x128xf32, #tpu.memory_space<vmem_shared>>
    tpu.wait_indirect_dma semaphore(%arg16 : memref<!tpu.dma_semaphore, #tpu.memory_space<semaphore_mem>>) src(%arg8 : memref<80x128xf32, #tpu.memory_space<vmem>>) dst(%dma_wait3A_333 : memref<10240x128xf32, #tpu.memory_space<vmem_shared>>)
    %dma_wait3A_334 = arith.constant 0 : i32
    %dma_wait3A_335 = arith.constant 0 : i32
    %dma_wait3A_336 = arith.constant 0 : i32
    %dma_wait3A_337 = tpu.memref_slice %arg5[%dma_wait3A_334, %dma_wait3A_335, %dma_wait3A_336] : memref<4x2x80xi32, #tpu.memory_space<vmem>> -> memref<1x1x80xi32, #tpu.memory_space<vmem>>
    %dma_wait3A_338 = tpu.memref_squeeze %dma_wait3A_337 : memref<1x1x80xi32, #tpu.memory_space<vmem>> -> memref<80xi32, #tpu.memory_space<vmem>>
    %dma_wait3A_339 = arith.constant 0 : i32
    %dma_wait3A_340 = arith.constant 0 : i32
    %dma_wait3A_341 = tpu.memref_slice %arg2[%dma_wait3A_339, %dma_wait3A_340] : memref<10000x128xf32, #tpu.memory_space<hbm>> -> memref<10000x128xf32, #tpu.memory_space<hbm>>
    tpu.wait_indirect_dma semaphore(%arg12 : memref<!tpu.dma_semaphore, #tpu.memory_space<semaphore_mem>>) src(%dma_wait3A_341 : memref<10000x128xf32, #tpu.memory_space<hbm>>) dst(%arg7 : memref<80x128xf32, #tpu.memory_space<vmem>>)
    %dma_start3A_342 = arith.constant 0 : i32
    %dma_start3A_343 = arith.constant 1 : i32
    %dma_start3A_344 = arith.constant 0 : i32
    %dma_start3A_345 = tpu.memref_slice %arg5[%dma_start3A_342, %dma_start3A_343, %dma_start3A_344] : memref<4x2x80xi32, #tpu.memory_space<vmem>> -> memref<1x1x80xi32, #tpu.memory_space<vmem>>
    %dma_start3A_346 = tpu.memref_squeeze %dma_start3A_345 : memref<1x1x80xi32, #tpu.memory_space<vmem>> -> memref<80xi32, #tpu.memory_space<vmem>>
    %dma_start3A_347 = arith.constant 0 : i32
    %dma_start3A_348 = arith.constant 0 : i32
    %dma_start3A_349 = tpu.memref_slice %arg10[%dma_start3A_347, %dma_start3A_348] : memref<10240x128xf32, #tpu.memory_space<vmem_shared>> -> memref<10240x128xf32, #tpu.memory_space<vmem_shared>>
    tpu.enqueue_indirect_dma source(%arg7 : memref<80x128xf32, #tpu.memory_space<vmem>>) target(%dma_start3A_349 : memref<10240x128xf32, #tpu.memory_space<vmem_shared>>) offsets(%dma_start3A_346 : memref<80xi32, #tpu.memory_space<vmem>>) semaphore(%arg15 : memref<!tpu.dma_semaphore, #tpu.memory_space<semaphore_mem>>) {add = true}
    %dma_wait3A_350 = arith.constant 3 : i32
    %dma_wait3A_351 = arith.constant 1 : i32
    %dma_wait3A_352 = arith.constant 0 : i32
    %dma_wait3A_353 = tpu.memref_slice %arg5[%dma_wait3A_350, %dma_wait3A_351, %dma_wait3A_352] : memref<4x2x80xi32, #tpu.memory_space<vmem>> -> memref<1x1x80xi32, #tpu.memory_space<vmem>>
    %dma_wait3A_354 = tpu.memref_squeeze %dma_wait3A_353 : memref<1x1x80xi32, #tpu.memory_space<vmem>> -> memref<80xi32, #tpu.memory_space<vmem>>
    %dma_wait3A_355 = arith.constant 0 : i32
    %dma_wait3A_356 = arith.constant 0 : i32
    %dma_wait3A_357 = tpu.memref_slice %arg10[%dma_wait3A_355, %dma_wait3A_356] : memref<10240x128xf32, #tpu.memory_space<vmem_shared>> -> memref<10240x128xf32, #tpu.memory_space<vmem_shared>>
    tpu.wait_indirect_dma semaphore(%arg14 : memref<!tpu.dma_semaphore, #tpu.memory_space<semaphore_mem>>) src(%arg6 : memref<80x128xf32, #tpu.memory_space<vmem>>) dst(%dma_wait3A_357 : memref<10240x128xf32, #tpu.memory_space<vmem_shared>>)
    %dma_wait3A_358 = arith.constant 0 : i32
    %dma_wait3A_359 = arith.constant 1 : i32
    %dma_wait3A_360 = arith.constant 0 : i32
    %dma_wait3A_361 = tpu.memref_slice %arg5[%dma_wait3A_358, %dma_wait3A_359, %dma_wait3A_360] : memref<4x2x80xi32, #tpu.memory_space<vmem>> -> memref<1x1x80xi32, #tpu.memory_space<vmem>>
    %dma_wait3A_362 = tpu.memref_squeeze %dma_wait3A_361 : memref<1x1x80xi32, #tpu.memory_space<vmem>> -> memref<80xi32, #tpu.memory_space<vmem>>
    %dma_wait3A_363 = arith.constant 0 : i32
    %dma_wait3A_364 = arith.constant 0 : i32
    %dma_wait3A_365 = tpu.memref_slice %arg10[%dma_wait3A_363, %dma_wait3A_364] : memref<10240x128xf32, #tpu.memory_space<vmem_shared>> -> memref<10240x128xf32, #tpu.memory_space<vmem_shared>>
    tpu.wait_indirect_dma semaphore(%arg15 : memref<!tpu.dma_semaphore, #tpu.memory_space<semaphore_mem>>) src(%arg7 : memref<80x128xf32, #tpu.memory_space<vmem>>) dst(%dma_wait3A_365 : memref<10240x128xf32, #tpu.memory_space<vmem_shared>>)
    %barrier3A_366 = arith.constant 0 : index
    tpu.barrier barrier_id(%barrier3A_366)
    %mul3A_367 = arith.constant 640 : i32
    %mul3A_368 = arith.muli %arg1, %mul3A_367 : i32
    %mul3A_369 = arith.constant 640 : i32
    %mul3A_370 = arith.muli %arg1, %mul3A_369 : i32
    "tpu.region"() ({
      %run_scoped3A = tpu.sem_alloc : memref<!tpu.dma_semaphore, #tpu.memory_space<semaphore_mem>>
      %dma_start3A_371 = arith.constant 0 : i32
      %dma_start3A_372 = tpu.memref_slice %arg4[%arg0, %mul3A_370, %dma_start3A_371] : memref<2x10240x128xf32, #tpu.memory_space<hbm>> -> memref<1x640x128xf32, #tpu.memory_space<hbm>>
      %dma_start3A_373 = tpu.memref_squeeze %dma_start3A_372 : memref<1x640x128xf32, #tpu.memory_space<hbm>> -> memref<640x128xf32, #tpu.memory_space<hbm>>
      %dma_start3A_374 = arith.constant 0 : i32
      %dma_start3A_375 = tpu.memref_slice %arg10[%mul3A_368, %dma_start3A_374] : memref<10240x128xf32, #tpu.memory_space<vmem_shared>> -> memref<640x128xf32, #tpu.memory_space<vmem_shared>>
      tpu.enqueue_dma source(%dma_start3A_375 : memref<640x128xf32, #tpu.memory_space<vmem_shared>>) target(%dma_start3A_373 : memref<640x128xf32, #tpu.memory_space<hbm>>) target_semaphore(%run_scoped3A : memref<!tpu.dma_semaphore, #tpu.memory_space<semaphore_mem>>)
      %dma_wait3A_376 = arith.constant 0 : i32
      %dma_wait3A_377 = tpu.memref_slice %arg4[%arg0, %mul3A_370, %dma_wait3A_376] : memref<2x10240x128xf32, #tpu.memory_space<hbm>> -> memref<1x640x128xf32, #tpu.memory_space<hbm>>
      %dma_wait3A_378 = tpu.memref_squeeze %dma_wait3A_377 : memref<1x640x128xf32, #tpu.memory_space<hbm>> -> memref<640x128xf32, #tpu.memory_space<hbm>>
      %dma_wait3A_379 = arith.constant 0 : i32
      %dma_wait3A_380 = tpu.memref_slice %arg10[%mul3A_368, %dma_wait3A_379] : memref<10240x128xf32, #tpu.memory_space<vmem_shared>> -> memref<640x128xf32, #tpu.memory_space<vmem_shared>>
      tpu.wait_dma2 semaphore(%run_scoped3A : memref<!tpu.dma_semaphore, #tpu.memory_space<semaphore_mem>>) src(%dma_wait3A_380 : memref<640x128xf32, #tpu.memory_space<vmem_shared>>) dst(%dma_wait3A_378 : memref<640x128xf32, #tpu.memory_space<hbm>>)
      tpu.yield
    }) : () -> ()
    return
  }
}

module attributes {stable_mosaic.version = 14 : i64} {
  func.func @_tc1_body(%arg0: i32, %arg1: memref<2x1024xf32, #tpu.memory_space<vmem>>, %arg2: memref<1024x128xf32, #tpu.memory_space<vmem>>, %arg3: memref<128x128xf32, #tpu.memory_space<vmem>>, %arg4: memref<1024x128xf32, #tpu.memory_space<vmem>>, %arg5: memref<1024x128xf32, #tpu.memory_space<vmem>>, %arg6: memref<1024x1xf32, #tpu.memory_space<vmem>>, %arg7: memref<1024x1xf32, #tpu.memory_space<vmem>>) attributes {dimension_semantics = [#tpu.dimension_semantics<arbitrary>], iteration_bounds = array<i64: 10>, scalar_prefetch = 0 : i64, scratch_operands = 0 : i64, tpu.core_type = #tpu.core_type<tc>, window_params = [{transform_indices = @transform_0, window_bounds = array<i64: 2, 1024>}, {transform_indices = @transform_1, window_bounds = array<i64: 1024, 128>}, {pipeline_mode = #tpu.pipeline_mode<synchronous>, transform_indices = @transform_2, window_bounds = array<i64: 128, 128>}, {transform_indices = @transform_3, window_bounds = array<i64: 1024, 128>}, {transform_indices = @transform_4, window_bounds = array<i64: 1024, 128>}, {transform_indices = @transform_5, window_bounds = array<i64: 1024, 1>}, {transform_indices = @transform_6, window_bounds = array<i64: 1024, 1>}]} {
    %get3A = arith.constant 0 : index
    %get3A_0 = arith.constant 0 : index
    %get3A_1 = vector.load %arg1[%get3A, %get3A_0] : memref<2x1024xf32, #tpu.memory_space<vmem>>, vector<1x1024xf32>
    %get3A_2 = vector.shape_cast %get3A_1 : vector<1x1024xf32> to vector<1024xf32>
    %get3A_3 = arith.constant 1 : index
    %get3A_4 = arith.constant 0 : index
    %get3A_5 = vector.load %arg1[%get3A_3, %get3A_4] : memref<2x1024xf32, #tpu.memory_space<vmem>>, vector<1x1024xf32>
    %get3A_6 = vector.shape_cast %get3A_5 : vector<1x1024xf32> to vector<1024xf32>
    %add3A = arith.addf %get3A_2, %get3A_6 : vector<1024xf32>
    %add3A_7 = arith.constant 1.000000e+00 : f32
    %add3A_8 = vector.broadcast %add3A_7 : f32 to vector<1024xf32>
    %add3A_9 = arith.addf %add3A, %add3A_8 : vector<1024xf32>
    %rsqrt3A = math.rsqrt %add3A_9 : vector<1024xf32>
    %broadcast_in_dim3A = vector.shape_cast %rsqrt3A : vector<1024xf32> to vector<1024x1xf32>
    %div3A = arith.constant 1.000000e+00 : f32
    %div3A_10 = vector.broadcast %div3A : f32 to vector<1024xf32>
    %div3A_11 = arith.divf %div3A_10, %add3A_9 : vector<1024xf32>
    %broadcast_in_dim3A_12 = vector.shape_cast %div3A_11 : vector<1024xf32> to vector<1024x1xf32>
    %get3A_13 = arith.constant 0 : index
    %get3A_14 = arith.constant 0 : index
    %get3A_15 = vector.load %arg2[%get3A_13, %get3A_14] : memref<1024x128xf32, #tpu.memory_space<vmem>>, vector<1024x128xf32>
    %get3A_16 = arith.constant 0 : index
    %get3A_17 = arith.constant 0 : index
    %get3A_18 = vector.load %arg3[%get3A_16, %get3A_17] : memref<128x128xf32, #tpu.memory_space<vmem>>, vector<128x128xf32>
    %dot_general3A = arith.constant dense<0.000000e+00> : vector<1024x128xf32>
    %dot_general3A_19 = tpu.matmul %get3A_15, %get3A_18, %dot_general3A {dimension_numbers = #tpu.dot_dimension_numbers<[1], [0], [0], [1], [0, 0, 1, 1], [], []>, transpose_lhs_hint = false} : vector<1024x128xf32>, vector<128x128xf32>, vector<1024x128xf32> -> vector<1024x128xf32>
    %swap3A = arith.constant 0 : index
    %swap3A_20 = arith.constant 0 : index
    %swap3A_21 = vector.load %arg4[%swap3A, %swap3A_20] : memref<1024x128xf32, #tpu.memory_space<vmem>>, vector<1024x128xf32>
    tpu.vector_store %arg4[%swap3A, %swap3A_20], %dot_general3A_19 {strides = array<i32>} : memref<1024x128xf32, #tpu.memory_space<vmem>>, vector<1024x128xf32>,
    %mul3A = vector.broadcast %broadcast_in_dim3A : vector<1024x1xf32> to vector<1024x128xf32>
    %mul3A_22 = arith.mulf %dot_general3A_19, %mul3A : vector<1024x128xf32>
    %swap3A_23 = arith.constant 0 : index
    %swap3A_24 = arith.constant 0 : index
    %swap3A_25 = vector.load %arg5[%swap3A_23, %swap3A_24] : memref<1024x128xf32, #tpu.memory_space<vmem>>, vector<1024x128xf32>
    tpu.vector_store %arg5[%swap3A_23, %swap3A_24], %mul3A_22 {strides = array<i32>} : memref<1024x128xf32, #tpu.memory_space<vmem>>, vector<1024x128xf32>,
    %swap3A_26 = arith.constant 0 : index
    %swap3A_27 = arith.constant 0 : index
    %swap3A_28 = vector.load %arg6[%swap3A_26, %swap3A_27] : memref<1024x1xf32, #tpu.memory_space<vmem>>, vector<1024x1xf32>
    tpu.vector_store %arg6[%swap3A_26, %swap3A_27], %broadcast_in_dim3A {strides = array<i32>} : memref<1024x1xf32, #tpu.memory_space<vmem>>, vector<1024x1xf32>,
    %swap3A_29 = arith.constant 0 : index
    %swap3A_30 = arith.constant 0 : index
    %swap3A_31 = vector.load %arg7[%swap3A_29, %swap3A_30] : memref<1024x1xf32, #tpu.memory_space<vmem>>, vector<1024x1xf32>
    tpu.vector_store %arg7[%swap3A_29, %swap3A_30], %broadcast_in_dim3A_12 {strides = array<i32>} : memref<1024x1xf32, #tpu.memory_space<vmem>>, vector<1024x1xf32>,
    return
  }
  func.func @transform_0(%arg0: i32) -> (i32, i32) {
    %c0_i32 = arith.constant 0 : i32
    %c0_i32_0 = arith.constant 0 : i32
    return %c0_i32, %arg0 : i32, i32
  }
  func.func @transform_1(%arg0: i32) -> (i32, i32) {
    %c0_i32 = arith.constant 0 : i32
    %c0_i32_0 = arith.constant 0 : i32
    return %arg0, %c0_i32 : i32, i32
  }
  func.func @transform_2(%arg0: i32) -> (i32, i32) {
    %c0_i32 = arith.constant 0 : i32
    %c0_i32_0 = arith.constant 0 : i32
    %c0_i32_1 = arith.constant 0 : i32
    return %c0_i32, %c0_i32_0 : i32, i32
  }
  func.func @transform_3(%arg0: i32) -> (i32, i32) {
    %c0_i32 = arith.constant 0 : i32
    %c0_i32_0 = arith.constant 0 : i32
    return %arg0, %c0_i32 : i32, i32
  }
  func.func @transform_4(%arg0: i32) -> (i32, i32) {
    %c0_i32 = arith.constant 0 : i32
    %c0_i32_0 = arith.constant 0 : i32
    return %arg0, %c0_i32 : i32, i32
  }
  func.func @transform_5(%arg0: i32) -> (i32, i32) {
    %c0_i32 = arith.constant 0 : i32
    %c0_i32_0 = arith.constant 0 : i32
    return %arg0, %c0_i32 : i32, i32
  }
  func.func @transform_6(%arg0: i32) -> (i32, i32) {
    %c0_i32 = arith.constant 0 : i32
    %c0_i32_0 = arith.constant 0 : i32
    return %arg0, %c0_i32 : i32, i32
  }
}

module attributes {stable_mosaic.version = 14 : i64} {
  func.func @_tc2_body(%arg0: i32, %arg1: memref<2x1024x128xf32, #tpu.memory_space<vmem>>, %arg2: memref<1024x128xf32, #tpu.memory_space<vmem>>, %arg3: memref<1024x1xf32, #tpu.memory_space<vmem>>, %arg4: memref<1024x1xf32, #tpu.memory_space<vmem>>, %arg5: memref<128x128xf32, #tpu.memory_space<vmem>>, %arg6: memref<1024x128xf32, #tpu.memory_space<vmem>>, %arg7: memref<1024x128xf32, #tpu.memory_space<vmem>>) attributes {dimension_semantics = [#tpu.dimension_semantics<arbitrary>], iteration_bounds = array<i64: 10>, scalar_prefetch = 0 : i64, scratch_operands = 0 : i64, tpu.core_type = #tpu.core_type<tc>, window_params = [{transform_indices = @transform_0, window_bounds = array<i64: 2, 1024, 128>}, {transform_indices = @transform_1, window_bounds = array<i64: 1024, 128>}, {transform_indices = @transform_2, window_bounds = array<i64: 1024, 1>}, {transform_indices = @transform_3, window_bounds = array<i64: 1024, 1>}, {pipeline_mode = #tpu.pipeline_mode<synchronous>, transform_indices = @transform_4, window_bounds = array<i64: 128, 128>}, {transform_indices = @transform_5, window_bounds = array<i64: 1024, 128>}, {transform_indices = @transform_6, window_bounds = array<i64: 1024, 128>}]} {
    %get3A = arith.constant 0 : index
    %get3A_0 = arith.constant 0 : index
    %get3A_1 = arith.constant 0 : index
    %get3A_2 = vector.load %arg1[%get3A, %get3A_0, %get3A_1] : memref<2x1024x128xf32, #tpu.memory_space<vmem>>, vector<1x1024x128xf32>
    %get3A_3 = vector.shape_cast %get3A_2 : vector<1x1024x128xf32> to vector<1024x128xf32>
    %get3A_4 = arith.constant 1 : index
    %get3A_5 = arith.constant 0 : index
    %get3A_6 = arith.constant 0 : index
    %get3A_7 = vector.load %arg1[%get3A_4, %get3A_5, %get3A_6] : memref<2x1024x128xf32, #tpu.memory_space<vmem>>, vector<1x1024x128xf32>
    %get3A_8 = vector.shape_cast %get3A_7 : vector<1x1024x128xf32> to vector<1024x128xf32>
    %add3A = arith.addf %get3A_3, %get3A_8 : vector<1024x128xf32>
    %get3A_9 = arith.constant 0 : index
    %get3A_10 = arith.constant 0 : index
    %get3A_11 = vector.load %arg3[%get3A_9, %get3A_10] : memref<1024x1xf32, #tpu.memory_space<vmem>>, vector<1024x1xf32>
    %mul3A = vector.broadcast %get3A_11 : vector<1024x1xf32> to vector<1024x128xf32>
    %mul3A_12 = arith.mulf %mul3A, %add3A : vector<1024x128xf32>
    %get3A_13 = arith.constant 0 : index
    %get3A_14 = arith.constant 0 : index
    %get3A_15 = vector.load %arg4[%get3A_13, %get3A_14] : memref<1024x1xf32, #tpu.memory_space<vmem>>, vector<1024x1xf32>
    %get3A_16 = arith.constant 0 : index
    %get3A_17 = arith.constant 0 : index
    %get3A_18 = vector.load %arg2[%get3A_16, %get3A_17] : memref<1024x128xf32, #tpu.memory_space<vmem>>, vector<1024x128xf32>
    %mul3A_19 = vector.broadcast %get3A_15 : vector<1024x1xf32> to vector<1024x128xf32>
    %mul3A_20 = arith.mulf %mul3A_19, %get3A_18 : vector<1024x128xf32>
    %add3A_21 = arith.addf %mul3A_12, %mul3A_20 : vector<1024x128xf32>
    %max3A = arith.constant 0.000000e+00 : f32
    %max3A_22 = vector.broadcast %max3A : f32 to vector<1024x128xf32>
    %max3A_23 = arith.maximumf %add3A_21, %max3A_22 : vector<1024x128xf32>
    %get3A_24 = arith.constant 0 : index
    %get3A_25 = arith.constant 0 : index
    %get3A_26 = vector.load %arg5[%get3A_24, %get3A_25] : memref<128x128xf32, #tpu.memory_space<vmem>>, vector<128x128xf32>
    %dot_general3A = arith.constant dense<0.000000e+00> : vector<1024x128xf32>
    %dot_general3A_27 = tpu.matmul %max3A_23, %get3A_26, %dot_general3A {dimension_numbers = #tpu.dot_dimension_numbers<[1], [0], [0], [1], [0, 0, 1, 1], [], []>, transpose_lhs_hint = false} : vector<1024x128xf32>, vector<128x128xf32>, vector<1024x128xf32> -> vector<1024x128xf32>
    %swap3A = arith.constant 0 : index
    %swap3A_28 = arith.constant 0 : index
    %swap3A_29 = vector.load %arg6[%swap3A, %swap3A_28] : memref<1024x128xf32, #tpu.memory_space<vmem>>, vector<1024x128xf32>
    tpu.vector_store %arg6[%swap3A, %swap3A_28], %dot_general3A_27 {strides = array<i32>} : memref<1024x128xf32, #tpu.memory_space<vmem>>, vector<1024x128xf32>,
    %get3A_30 = arith.constant 0 : index
    %get3A_31 = arith.constant 0 : index
    %get3A_32 = vector.load %arg3[%get3A_30, %get3A_31] : memref<1024x1xf32, #tpu.memory_space<vmem>>, vector<1024x1xf32>
    %mul3A_33 = vector.broadcast %get3A_32 : vector<1024x1xf32> to vector<1024x128xf32>
    %mul3A_34 = arith.mulf %dot_general3A_27, %mul3A_33 : vector<1024x128xf32>
    %swap3A_35 = arith.constant 0 : index
    %swap3A_36 = arith.constant 0 : index
    %swap3A_37 = vector.load %arg7[%swap3A_35, %swap3A_36] : memref<1024x128xf32, #tpu.memory_space<vmem>>, vector<1024x128xf32>
    tpu.vector_store %arg7[%swap3A_35, %swap3A_36], %mul3A_34 {strides = array<i32>} : memref<1024x128xf32, #tpu.memory_space<vmem>>, vector<1024x128xf32>,
    return
  }
  func.func @transform_0(%arg0: i32) -> (i32, i32, i32) {
    %c0_i32 = arith.constant 0 : i32
    %c0_i32_0 = arith.constant 0 : i32
    %c0_i32_1 = arith.constant 0 : i32
    return %c0_i32, %arg0, %c0_i32_0 : i32, i32, i32
  }
  func.func @transform_1(%arg0: i32) -> (i32, i32) {
    %c0_i32 = arith.constant 0 : i32
    %c0_i32_0 = arith.constant 0 : i32
    return %arg0, %c0_i32 : i32, i32
  }
  func.func @transform_2(%arg0: i32) -> (i32, i32) {
    %c0_i32 = arith.constant 0 : i32
    %c0_i32_0 = arith.constant 0 : i32
    return %arg0, %c0_i32 : i32, i32
  }
  func.func @transform_3(%arg0: i32) -> (i32, i32) {
    %c0_i32 = arith.constant 0 : i32
    %c0_i32_0 = arith.constant 0 : i32
    return %arg0, %c0_i32 : i32, i32
  }
  func.func @transform_4(%arg0: i32) -> (i32, i32) {
    %c0_i32 = arith.constant 0 : i32
    %c0_i32_0 = arith.constant 0 : i32
    %c0_i32_1 = arith.constant 0 : i32
    return %c0_i32, %c0_i32_0 : i32, i32
  }
  func.func @transform_5(%arg0: i32) -> (i32, i32) {
    %c0_i32 = arith.constant 0 : i32
    %c0_i32_0 = arith.constant 0 : i32
    return %arg0, %c0_i32 : i32, i32
  }
  func.func @transform_6(%arg0: i32) -> (i32, i32) {
    %c0_i32 = arith.constant 0 : i32
    %c0_i32_0 = arith.constant 0 : i32
    return %arg0, %c0_i32 : i32, i32
  }
}

module attributes {stable_mosaic.version = 14 : i64} {
  func.func @_tc3_body(%arg0: i32, %arg1: memref<2x1024x128xf32, #tpu.memory_space<vmem>>, %arg2: memref<1024x128xf32, #tpu.memory_space<vmem>>, %arg3: memref<1024x1xf32, #tpu.memory_space<vmem>>, %arg4: memref<1024x1xf32, #tpu.memory_space<vmem>>, %arg5: memref<128x64xf32, #tpu.memory_space<vmem>>, %arg6: memref<1x64xf32, #tpu.memory_space<vmem>>) attributes {dimension_semantics = [#tpu.dimension_semantics<arbitrary>], iteration_bounds = array<i64: 10>, scalar_prefetch = 0 : i64, scratch_operands = 0 : i64, tpu.core_type = #tpu.core_type<tc>, window_params = [{transform_indices = @transform_0, window_bounds = array<i64: 2, 1024, 128>}, {transform_indices = @transform_1, window_bounds = array<i64: 1024, 128>}, {transform_indices = @transform_2, window_bounds = array<i64: 1024, 1>}, {transform_indices = @transform_3, window_bounds = array<i64: 1024, 1>}, {pipeline_mode = #tpu.pipeline_mode<synchronous>, transform_indices = @transform_4, window_bounds = array<i64: 128, 64>}, {pipeline_mode = #tpu.pipeline_mode<synchronous>, transform_indices = @transform_5, window_bounds = array<i64: 1, 64>}]} {
    %get3A = arith.constant 0 : index
    %get3A_0 = arith.constant 0 : index
    %get3A_1 = arith.constant 0 : index
    %get3A_2 = vector.load %arg1[%get3A, %get3A_0, %get3A_1] : memref<2x1024x128xf32, #tpu.memory_space<vmem>>, vector<1x1024x128xf32>
    %get3A_3 = vector.shape_cast %get3A_2 : vector<1x1024x128xf32> to vector<1024x128xf32>
    %get3A_4 = arith.constant 1 : index
    %get3A_5 = arith.constant 0 : index
    %get3A_6 = arith.constant 0 : index
    %get3A_7 = vector.load %arg1[%get3A_4, %get3A_5, %get3A_6] : memref<2x1024x128xf32, #tpu.memory_space<vmem>>, vector<1x1024x128xf32>
    %get3A_8 = vector.shape_cast %get3A_7 : vector<1x1024x128xf32> to vector<1024x128xf32>
    %add3A = arith.addf %get3A_3, %get3A_8 : vector<1024x128xf32>
    %get3A_9 = arith.constant 0 : index
    %get3A_10 = arith.constant 0 : index
    %get3A_11 = vector.load %arg3[%get3A_9, %get3A_10] : memref<1024x1xf32, #tpu.memory_space<vmem>>, vector<1024x1xf32>
    %mul3A = vector.broadcast %get3A_11 : vector<1024x1xf32> to vector<1024x128xf32>
    %mul3A_12 = arith.mulf %mul3A, %add3A : vector<1024x128xf32>
    %get3A_13 = arith.constant 0 : index
    %get3A_14 = arith.constant 0 : index
    %get3A_15 = vector.load %arg4[%get3A_13, %get3A_14] : memref<1024x1xf32, #tpu.memory_space<vmem>>, vector<1024x1xf32>
    %get3A_16 = arith.constant 0 : index
    %get3A_17 = arith.constant 0 : index
    %get3A_18 = vector.load %arg2[%get3A_16, %get3A_17] : memref<1024x128xf32, #tpu.memory_space<vmem>>, vector<1024x128xf32>
    %mul3A_19 = vector.broadcast %get3A_15 : vector<1024x1xf32> to vector<1024x128xf32>
    %mul3A_20 = arith.mulf %mul3A_19, %get3A_18 : vector<1024x128xf32>
    %add3A_21 = arith.addf %mul3A_12, %mul3A_20 : vector<1024x128xf32>
    %max3A = arith.constant 0.000000e+00 : f32
    %max3A_22 = vector.broadcast %max3A : f32 to vector<1024x128xf32>
    %max3A_23 = arith.maximumf %add3A_21, %max3A_22 : vector<1024x128xf32>
    %get3A_24 = arith.constant 0 : index
    %get3A_25 = arith.constant 0 : index
    %get3A_26 = vector.load %arg5[%get3A_24, %get3A_25] : memref<128x64xf32, #tpu.memory_space<vmem>>, vector<128x64xf32>
    %dot_general3A = arith.constant dense<0.000000e+00> : vector<1024x64xf32>
    %dot_general3A_27 = tpu.matmul %max3A_23, %get3A_26, %dot_general3A {dimension_numbers = #tpu.dot_dimension_numbers<[1], [0], [0], [1], [0, 0, 1, 1], [], []>, transpose_lhs_hint = false} : vector<1024x128xf32>, vector<128x64xf32>, vector<1024x64xf32> -> vector<1024x64xf32>
    %max3A_28 = arith.constant 0.000000e+00 : f32
    %max3A_29 = vector.broadcast %max3A_28 : f32 to vector<1024x64xf32>
    %max3A_30 = arith.maximumf %dot_general3A_27, %max3A_29 : vector<1024x64xf32>
    %mul3A_31 = arith.constant 1024 : i32
    %mul3A_32 = arith.muli %arg0, %mul3A_31 : i32
    %iota3A = tpu.iota {dimensions = array<i32: 0>} : vector<1024x1xi32>
    %add3A_33 = vector.broadcast %mul3A_32 : i32 to vector<1024x1xi32>
    %add3A_34 = arith.addi %add3A_33, %iota3A : vector<1024x1xi32>
    %lt3A = arith.constant 10000 : i32
    %lt3A_35 = vector.broadcast %lt3A : i32 to vector<1024x1xi32>
    %lt3A_36 = arith.cmpi slt, %add3A_34, %lt3A_35 : vector<1024x1xi32>
    %jit3A = arith.constant 0.000000e+00 : f32
    %broadcast_in_dim3A = vector.shape_cast %lt3A_36 : vector<1024x1xi1> to vector<1024x1xi1>
    %broadcast_in_dim3A_37 = vector.broadcast %broadcast_in_dim3A : vector<1024x1xi1> to vector<1024x64xi1>
    %broadcast_in_dim3A_38 = vector.broadcast %jit3A : f32 to vector<1024x64xf32>
    %select_n3A = arith.select %broadcast_in_dim3A_37, %max3A_30, %broadcast_in_dim3A_38 : vector<1024x64xi1>, vector<1024x64xf32>
    %reduce_sum3A = arith.constant dense<0.000000e+00> : vector<64xf32>
    %reduce_sum3A_39 = vector.multi_reduction <add>, %select_n3A, %reduce_sum3A [0] : vector<1024x64xf32> to vector<64xf32>
    %broadcast_in_dim3A_40 = vector.shape_cast %reduce_sum3A_39 : vector<64xf32> to vector<1x64xf32>
    %eq3A = arith.constant 0 : i32
    %eq3A_41 = arith.cmpi eq, %arg0, %eq3A : i32
    %convert_element_type3A = arith.extui %eq3A_41 : i1 to i32
    %cond3A = arith.constant 0 : i32
    %cond3A_42 = arith.cmpi ne, %convert_element_type3A, %cond3A : i32
    scf.if %cond3A_42 {
      %broadcast_in_dim3A_49 = arith.constant 0.000000e+00 : f32
      %broadcast_in_dim3A_50 = vector.broadcast %broadcast_in_dim3A_49 : f32 to vector<1x64xf32>
      %swap3A_51 = arith.constant 0 : index
      %swap3A_52 = arith.constant 0 : index
      %swap3A_53 = vector.load %arg6[%swap3A_51, %swap3A_52] : memref<1x64xf32, #tpu.memory_space<vmem>>, vector<1x64xf32>
      tpu.vector_store %arg6[%swap3A_51, %swap3A_52], %broadcast_in_dim3A_50 {strides = array<i32>} : memref<1x64xf32, #tpu.memory_space<vmem>>, vector<1x64xf32>,
    } else {
    }
    %get3A_43 = arith.constant 0 : index
    %get3A_44 = arith.constant 0 : index
    %get3A_45 = vector.load %arg6[%get3A_43, %get3A_44] : memref<1x64xf32, #tpu.memory_space<vmem>>, vector<1x64xf32>
    %add3A_46 = arith.addf %get3A_45, %broadcast_in_dim3A_40 : vector<1x64xf32>
    %swap3A = arith.constant 0 : index
    %swap3A_47 = arith.constant 0 : index
    %swap3A_48 = vector.load %arg6[%swap3A, %swap3A_47] : memref<1x64xf32, #tpu.memory_space<vmem>>, vector<1x64xf32>
    tpu.vector_store %arg6[%swap3A, %swap3A_47], %add3A_46 {strides = array<i32>} : memref<1x64xf32, #tpu.memory_space<vmem>>, vector<1x64xf32>,
    return
  }
  func.func @transform_0(%arg0: i32) -> (i32, i32, i32) {
    %c0_i32 = arith.constant 0 : i32
    %c0_i32_0 = arith.constant 0 : i32
    %c0_i32_1 = arith.constant 0 : i32
    return %c0_i32, %arg0, %c0_i32_0 : i32, i32, i32
  }
  func.func @transform_1(%arg0: i32) -> (i32, i32) {
    %c0_i32 = arith.constant 0 : i32
    %c0_i32_0 = arith.constant 0 : i32
    return %arg0, %c0_i32 : i32, i32
  }
  func.func @transform_2(%arg0: i32) -> (i32, i32) {
    %c0_i32 = arith.constant 0 : i32
    %c0_i32_0 = arith.constant 0 : i32
    return %arg0, %c0_i32 : i32, i32
  }
  func.func @transform_3(%arg0: i32) -> (i32, i32) {
    %c0_i32 = arith.constant 0 : i32
    %c0_i32_0 = arith.constant 0 : i32
    return %arg0, %c0_i32 : i32, i32
  }
  func.func @transform_4(%arg0: i32) -> (i32, i32) {
    %c0_i32 = arith.constant 0 : i32
    %c0_i32_0 = arith.constant 0 : i32
    %c0_i32_1 = arith.constant 0 : i32
    return %c0_i32, %c0_i32_0 : i32, i32
  }
  func.func @transform_5(%arg0: i32) -> (i32, i32) {
    %c0_i32 = arith.constant 0 : i32
    %c0_i32_0 = arith.constant 0 : i32
    %c0_i32_1 = arith.constant 0 : i32
    return %c0_i32, %c0_i32_0 : i32, i32
  }
}

</mosaic_0001>

<sc_bundles>
// kernel: kernel.11.cloned.1.call-start
scs
__scs_entry_jumppad:
0x0: {  	(pc) =	sbr.rel $0x88, $3  }
0x1: {  	(tag) =	ssettag $0x0;
	lr =	simm.s32 $0x1  }
0x2: {  	[smem:$0x3F9C] =	sst lr;
	_ =	strace $0xD0000000  }
0x3: {  	_ = 	snop  }
0x4: {  	_ = 	snop  }
0x5: {  	_ = 	snop  }
0x6: {  	_ = 	snop  }
0x7: {  	_ = 	snop  }
__scs_overlays_trampoline_lowered:
0x8: {  	[smem:$0x3FAB] =	sst s0  }
0x9: {  	[smem:$0x3FAC] =	sst s1  }
0xa: {  	[smem:$0x3FAD] =	sst s2  }
0xb: {  	[smem:$0x3FAE] =	sst s3  }
0xc: {  	[smem:$0x3FAF] =	sst s4  }
0xd: {  	[smem:$0x3FB0] =	sst s5  }
0xe: {  	[smem:$0x3FB1] =	sst s6  }
0xf: {  	[smem:$0x3FB2] =	sst s7  }
0x10: {  	[smem:$0x3FB3] =	sst s8  }
0x11: {  	[smem:$0x3FB4] =	sst s9;
	s0 =	simm.s32 @!p0 $0x0  }
0x12: {  	s1 =	sld [smem:$0x3F9A];
	s0 =	simm.s32 @p0 $0x1  }
0x13: {  	[smem:$0x3FB5] =	sst s0;
	s0 =	simm.s32 @!p1 $0x0  }
0x14: {  	s2 =	sld [smem:$0x3F99];
	s0 =	simm.s32 @p1 $0x1  }
0x15: {  	[smem:$0x3FB6] =	sst s0;
	s0 =	simm.s32 @!p2 $0x0  }
0x16: {  	s3 =	sld [smem:$0x3FDB];
	s0 =	simm.s32 @p2 $0x1  }
0x17: {  	s4 =	simm.s32 $0x1BF5;
	[smem:$0x3FB8] =	sst s0  }
0x18: {  	s0 =	sld [smem:$0x3F9B];
	_ =	swait.ge [sflag:s4], $0x0  }
0x19: {  	s7 =	sld [smem:$0x3F9C]  }
0x1a: {  	s8 =	sadd.s32 $0xFFFFE003, lr  }
0x1b: {  	s9 =	sadd.s32 $0xFFFFFEF7, lr;
	s5 =	simm.s32 $0xFFFFFFFF;
	p2 =	slt.u32 s8, $0xFFFFF086  }
0x1c: {  	p1 =	slt.u32 s9, $0xF7A;
	s5 =	simm.s32 @!p2 $0x0  }
0x1d: {  	s5 =	simm.s32 @p1 $0x1;
	p0 =	seq.s32 s7, s2  }
0x1e: {  	s7 =	smul.u32 @!p0 $0xF7A, s2;
	p2 =	seq.s32 @!p0 s5, $0x0  }
0x1f: {  	s9 =	smul.u32 $0xF7A, s1;
	s8 =	simm.s32 @!p0 $0x1BF5;
	p2 =	por !p2, p0  }
0x20: {  	[sflag:s8] =	ssyncset.s32 @!p0 $0xFFFFF086;
	s6 =	sadd.s32 @!p0 s3, s7;
	s7 =	simm.s32 @!p0 $0x108  }
0x21: {  	s3 =	sadd.s32 s3, s9;
	s6 =	sadd.s32 @!p0 $0x88, s6;
	s7 =	simm.s32 @p2 $0x1082  }
0x22: {  	[simem:s7], [sflag:s8] =	dma.local @!p0 [hbm:s6], $0xF7A  }
0x23: {  	s9 =	sor.u32 $0xD0000000, s2;
	s6 =	simm.s32 $0x108;
	_ =	swait.ge @!p0 [sflag:s8], $0x0  }
0x24: {  	s3 =	sadd.s32 $0x88, s3;
	s6 =	simm.s32 @!p1 $0x1082;
	[sflag:s4] =	ssyncset.s32 $0xFFFFF086  }
0x25: {  	[simem:s6], [sflag:s4] =	dma.local [hbm:s3], $0xF7A  }
0x26: {  	[smem:$0x3F9C] =	sst s1;
	(tag) =	ssettag s2;
	_ =	strace s9  }
0x27: {  	s1 =	sld [smem:$0x3FAC]  }
0x28: {  	s2 =	sld [smem:$0x3FAD]  }
0x29: {  	s4 =	sld [smem:$0x3FAF]  }
0x2a: {  	p0 =	seq.s32 s5, $0x0;
	s5 =	sld [smem:$0x3FB0]  }
0x2b: {  	s6 =	sld [smem:$0x3FB1]  }
0x2c: {  	s7 =	sld [smem:$0x3FB2]  }
0x2d: {  	s3 =	simm.s32 $0x108;
	s8 =	sld [smem:$0x3FB3]  }
0x2e: {  	s3 =	simm.s32 @!p0 $0x1082;
	s9 =	sld [smem:$0x3FB4]  }
0x2f: {  	lr =	sadd.s32 s0, s3;
	s0 =	sld [smem:$0x3FAB]  }
0x30: {  	s3 =	sld [smem:$0x3FAE]  }
0x31: {  	[smem:$0x3FB7] =	sst s10  }
0x32: {  	s10 =	sld [smem:$0x3FB5];
	_ =	sdelay $0x3  }
0x33: {  	p0 =	seq.s32 s10, $0x1;
	s10 =	sld [smem:$0x3FB7];
	_ =	sdelay $0x3  }
0x34: {  	[smem:$0x3FB7] =	sst s10  }
0x35: {  	s10 =	sld [smem:$0x3FB6];
	_ =	sdelay $0x3  }
0x36: {  	p1 =	seq.s32 s10, $0x1;
	s10 =	sld [smem:$0x3FB7];
	_ =	sdelay $0x3  }
0x37: {  	[smem:$0x3FB7] =	sst s10  }
0x38: {  	s10 =	sld [smem:$0x3FB8]  }
0x39: {  	_ = 	snop;
	(pc) =	sbr.ind lr, $3  }
0x3a: {  	_ = 	snop  }
0x3b: {  	_ = 	snop  }
0x3c: {  	p2 =	seq.s32 s10, $0x1;
	s10 =	sld [smem:$0x3FB7]  }
0x3d: {  	_ =	shalt  }
0x3e: {  	_ =	shalt  }
0x3f: {  	_ =	shalt  }
0x40: {  	_ =	shalt  }
0x41: {  	_ =	shalt  }
0x42: {  	_ =	shalt  }
0x43: {  	_ =	shalt  }
0x44: {  	_ =	shalt  }
0x45: {  	_ =	shalt  }
0x46: {  	_ =	shalt  }
0x47: {  	_ =	shalt  }
0x48: {  	_ =	shalt  }
0x49: {  	_ =	shalt  }
0x4a: {  	_ =	shalt  }
0x4b: {  	_ =	shalt  }
0x4c: {  	_ =	shalt  }
0x4d: {  	_ =	shalt  }
0x4e: {  	_ =	shalt  }
0x4f: {  	_ =	shalt  }
0x50: {  	_ =	shalt  }
0x51: {  	_ =	shalt  }
0x52: {  	_ =	shalt  }
0x53: {  	_ =	shalt  }
0x54: {  	_ =	shalt  }
0x55: {  	_ =	shalt  }
0x56: {  	_ =	shalt  }
0x57: {  	_ =	shalt  }
0x58: {  	_ =	shalt  }
0x59: {  	_ =	shalt  }
0x5a: {  	_ =	shalt  }
0x5b: {  	_ =	shalt  }
0x5c: {  	_ =	shalt  }
0x5d: {  	_ =	shalt  }
0x5e: {  	_ =	shalt  }
0x5f: {  	_ =	shalt  }
0x60: {  	_ =	shalt  }
0x61: {  	_ =	shalt  }
0x62: {  	_ =	shalt  }
0x63: {  	_ =	shalt  }
0x64: {  	_ =	shalt  }
0x65: {  	_ =	shalt  }
0x66: {  	_ =	shalt  }
0x67: {  	_ =	shalt  }
0x68: {  	_ =	shalt  }
0x69: {  	_ =	shalt  }
0x6a: {  	_ =	shalt  }
0x6b: {  	_ =	shalt  }
0x6c: {  	_ =	shalt  }
0x6d: {  	_ =	shalt  }
0x6e: {  	_ =	shalt  }
0x6f: {  	_ =	shalt  }
0x70: {  	_ =	shalt  }
0x71: {  	_ =	shalt  }
0x72: {  	_ =	shalt  }
0x73: {  	_ =	shalt  }
0x74: {  	_ =	shalt  }
0x75: {  	_ =	shalt  }
0x76: {  	_ =	shalt  }
0x77: {  	_ =	shalt  }
0x78: {  	_ =	shalt  }
0x79: {  	_ =	shalt  }
0x7a: {  	_ =	shalt  }
0x7b: {  	_ =	shalt  }
0x7c: {  	_ =	shalt  }
0x7d: {  	_ =	shalt  }
0x7e: {  	_ =	shalt  }
0x7f: {  	_ =	shalt  }
0x80: {  	_ =	shalt  }
0x81: {  	_ =	shalt  }
0x82: {  	_ =	shalt  }
0x83: {  	_ =	shalt  }
0x84: {  	_ =	shalt  }
0x85: {  	_ =	shalt  }
0x86: {  	_ =	shalt  }
0x87: {  	_ =	shalt  }
.Lfunc_end0:
.L_simem_size_0:
called_computation.1_lowered:
.L_overlay_start_0:
0x88: {  	s2 =	sld [smem:$0x3FD9]  }
0x89: {  	s3 =	sld [smem:$0x3FFE];
	_ =	sdelay $0x1  }
0x8a: {  	s1 =	srdreg.scid  }
0x8b: {  	s0 =	sand.u32 $0x1, s1  }
0x8c: {  	s16 =	sshll.u32 s0, $0xA;
	s2 =	sadd.s32 s3, s2  }
0x8d: {  	s2 =	sadd.s32 s2, s16  }
0x8e: {  	[smem:$0x3FC3] =	sst s2  }
0x8f: {  	_ = 	snop  }
0x90: {  	(tm) =	ssettm $0x1  }
0x91: {  	s17 =	sld [smem:$0x3FFB];
	_ =	sdelay $0x3  }
0x92: {  	_ =	strace s17  }
0x93: {  	s2 =	sld [smem:$0x3FFC];
	_ =	sdelay $0x3  }
0x94: {  	_ =	strace s2  }
0x95: {  	s2 =	sld [smem:$0x3FFD];
	_ =	sdelay $0x3  }
0x96: {  	_ =	strace s2  }
0x97: {  	_ =	strace $0x8FFFFFFF  }
0x98: {  	s18 =	sld [smem:$0x3FDB];
	_ =	sdelay $0x1  }
0x99: {  	s19 =	simm.s32 $_scs_section_size  }
0x9a: {  	s4 =	simm.s32 $_size__tile_overlayer_lowered;
	s5 =	simm.s32 $_tile_overlayer_lowered  }
0x9b: {  	s22 =	simm.s32 $0x1BFF;
	s21 =	sshll.u32 s5, $0x1;
	s2 =	sadd.s32 s19, s18  }
0x9c: {  	s6 =	simm.s32 $0x0;
	s20 =	sshll.u32 s4, $0x1;
	s4 =	sadd.s32 s21, s2  }
0x9d: {  	[timem:s6], [sflag:s22] =	dma.local [hbm:s4], s20  }
0x9e: {  	_ =	swait.ge [sflag:s22], s20  }
0x9f: {  	s3 =	ssub.s32 $0x0, s20;
	[sflag:s22] =	ssyncset.done $0x0  }
0xa0: {  	[sflag:s22] =	ssyncadd.s32 s3;
	_ =	sdelay $0x1  }
0xa1: {  	s23 =	simm.s32 $0x1B8B  }
0xa2: {  	_ =	swait.ge [sflag:s23], $0x1  }
0xa3: {  	[sflag:s23] =	ssyncset.done $0x0  }
0xa4: {  	s25 =	simm.s32 $0x1B8E;
	s24 =	sld [smem:$0x3FFE];
	[sflag:s23] =	ssyncadd.s32 $0xFFFFFFFF  }
0xa5: {  	s26 =	simm.s32 $execute0_lowered;
	[smem:$0x3FD2] =	sst s25  }
0xa6: {  	s4 =	sshll.u32 s26, $0x1;
	_ =	strace $0x80000049;
	[dreg:$0x1] =	wrdreg $0xFFFFFFFF  }
0xa7: {  	s28 =	simm.s32 $_size_execute0_lowered;
	s2 =	sadd.s32 s2, s4;
	[dreg:$0x0] =	wrdreg $0x0  }
0xa8: {  	s4 =	sshll.u32 s28, $0x1;
	[dreg:$0x2] =	wrdreg s2  }
0xa9: {  	[dreg:$0x3] =	wrdreg s4  }
0xaa: {  	[dreg:$0x4] =	wrdreg $0xC0  }
0xab: {  	_ =	task [dreg:s6], $0x5FFFF  }
0xac: {  	[dreg:$0x1] =	wrdreg $0xFFFFFFFF  }
0xad: {  	[dreg:$0x0] =	wrdreg $0x60  }
0xae: {  	[dreg:$0x2] =	wrdreg s24  }
0xaf: {  	[dreg:$0x3] =	wrdreg $0x80000  }
0xb0: {  	[dreg:$0x4] =	wrdreg $0x9  }
0xb1: {  	_ =	task.clear_ibuf [dreg:s6], $0x5FFFF;
	_ =	strace $0x90000049  }
0xb2: {  	s29 =	simm.s32 $0x9;
	_ =	strace $0x8000004B  }
0xb3: {  	_ =	swait.ge [sflag:s29], $0x1  }
0xb4: {  	[sflag:s29] =	ssyncadd.s32 $0xFFFFFFFF  }
0xb5: {  	_ =	strace $0x9000004B  }
0xb6: {  	_ =	sfence  }
0xb7: {  	s30 =	sld [smem:$0x0];
	_ =	sdelay $0x2  }
0xb8: {  	s31 =	sshll.u32 s1, $0xD;
	s1 =	sshrl.u32 s1, $0x2  }
0xb9: {  	s3 =	sand.u32 $0x4000, s31;
	s1 =	sadd.s32 s1, s30  }
0xba: {  	s0 =	sor.u32 s3, s0;
	s1 =	sshll.u32 s1, $0x11  }
0xbb: {  	s0 =	sor.u32 s1, s0  }
0xbc: {  	s0 =	sadd.s32 $0x8F2B, s0  }
0xbd: {  	[sflag:s0] =	ssyncadd.remote.s32 $0x1  }
0xbe: {  	_ =	sfence.sel $0xFFFF  }
0xbf: {  	[dreg:$0x0] =	wrdreg $0xFFFFFFFF;
	(pc) =	sbr.abs _section_cstart, $3  }
0xc0: {  	[dreg:$0x1] =	wrdreg $0xFFFFFFFF  }
0xc1: {  	_ =	task.clear_ibuf [dreg:s6], $0x2FFFF;
	_ =	strace $0x9FFFFFFF  }
0xc2: {  	(tm) =	ssettm $0x7FFFFFFF  }
0xc3: {  	_ =	shalt  }
tec
execute0_lowered:
.L_overlay_start_1:
0x0: {  	(tag) =	ssettag $0x1  }
0x1: {  	s0 =	rddreg [dreg:$0x0]  }
0x2: {  	s1 =	rddreg [dreg:$0x1];
	s3 =	simm.s32 $0x0  }
0x3: {  	s2 =	srdreg.scid;
	s10 =	stileid.u32;
	s28 =	simm.s32 $0x300  }
0x4: {  	s29 =	simm.s32 $0x2;
	s30 =	simm.s32 $0x180;
	s7 =	smul.u32 $0x14000, s10  }
0x5: {  	s31 =	simm.s32 $0x4;
	s2 =	sand.u32 $0x1, s2;
	s9 =	smul.u32 $0x50000, s10  }
0x6: {  	[smem:$0x7FF] =	sst s3;
	s4 =	sadd.s32 $0x32200, s0;
	s6 =	smul.u32 $0x140000, s2  }
0x7: {  	_ =	strace $0x8000004A;
	s5 =	sshll.u32 s2, $0x4;
	s14 =	ssub.s32 $0x2, s2  }
0x8: {  	s2 =	smul.u32 $0x7D000, s2;
	s8 =	sor.u32 s10, s5;
	s5 =	sadd.s32 $0x12E00, s0  }
0x9: {  	s15 =	sshrl.u32 s14, $0x1;
	s10 =	smul.u32 $0x7D00, s10;
	s6 =	sadd.s32 s7, s6  }
0xa: {  	s16 =	sshrl.u32 s9, $0x2;
	s13 =	smul.u32 $0x7D00, s8;
	s6 =	sshrl.u32 s6, $0x3  }
0xb: {  	s8 =	ssub.s32 s14, s15;
	s2 =	sadd.s32 s10, s2;
	s0 =	sadd.s32 s6, s0  }
0xc: {  	s7 =	sshrl.u32 s13, $0x3;
	s6 =	sadd.s32 s16, s1;
	s18 =	sadd.s32 $0xF00, s2  }
0xd: {  	s20 =	sadd.s32 $0xE00, s2;
	s23 =	sadd.s32 $0xD00, s2;
	s25 =	sadd.s32 $0xB00, s2  }
0xe: {  	s26 =	sadd.s32 $0xA00, s2;
	s12 =	sadd.s32 $0x900, s2;
	s14 =	sadd.s32 $0x800, s2  }
0xf: {  	s15 =	sadd.s32 $0x700, s2;
	s11 =	sadd.s32 s5, s7;
	s9 =	sshrl.u32 s20, $0x3  }
0x10: {  	s24 =	sshrl.u32 s23, $0x3;
	s0 =	sadd.s32 $0x80600, s0;
	[dreg:$0xe] =	wrdreg s11  }
0x11: {  	s10 =	sshrl.u32 s26, $0x3;
	s26 =	smax.u32 s8, $0x1;
	[dreg:$0x13] =	wrdreg s0  }
0x12: {  	s13 =	sshrl.u32 s12, $0x3;
	s7 =	sadd.s32 $0x20, s11;
	[dreg:$0x14] =	wrdreg s26  }
0x13: {  	s8 =	simm.s32 $0x280;
	s17 =	sadd.s32 $0x40, s11;
	[dreg:$0xf] =	wrdreg s7  }
0x14: {  	s19 =	sadd.s32 $0x60, s11;
	s21 =	sadd.s32 $0xF80, s11;
	[dreg:$0x10] =	wrdreg s17  }
0x15: {  	s22 =	sadd.s32 s9, s5;
	s9 =	sshrl.u32 s25, $0x3;
	[dreg:$0x11] =	wrdreg s19  }
0x16: {  	s11 =	sadd.s32 s10, s5;
	s26 =	simm.s32 $0x5400;
	[dreg:$0x12] =	wrdreg s21  }
0x17: {  	s0 =	simm.s32 $0xA;
	s10 =	simm.s32 $0x380;
	[dreg:$0x4] =	wrdreg s22  }
0x18: {  	s7 =	sshrl.u32 s18, $0x3;
	s9 =	sadd.s32 s9, s5;
	[dreg:$0x7] =	wrdreg s11  }
0x19: {  	s17 =	sshrl.u32 s15, $0x3;
	s19 =	sadd.s32 $0x600, s2;
	s21 =	sadd.s32 $0x500, s2  }
0x1a: {  	s22 =	sadd.s32 $0x400, s2;
	s2 =	sadd.s32 $0xC00, s2;
	s15 =	simm.s32 $0x7C00  }
0x1b: {  	s11 =	simm.s32 $0x6;
	s7 =	sadd.s32 s7, s5;
	[dreg:$0x6] =	wrdreg s9  }
0x1c: {  	s9 =	sshrl.u32 s14, $0x3;
	s18 =	sadd.s32 s17, s5;
	s20 =	sshrl.u32 s19, $0x3  }
0x1d: {  	[dreg:$0x15] =	wrdreg s2;
	s17 =	simm.s32 $0x100;
	s19 =	simm.s32 $0x7  }
0x1e: {  	s2 =	simm.s32 $0x3;
	[dreg:$0x3] =	wrdreg s7;
	s7 =	sadd.s32 s24, s5  }
0x1f: {  	s16 =	sadd.s32 s9, s5;
	[dreg:$0xa] =	wrdreg s18;
	s9 =	sshrl.u32 s21, $0x3  }
0x20: {  	s24 =	sshrl.u32 s22, $0x3;
	s18 =	simm.s32 $0x200;
	s21 =	simm.s32 $0x400  }
0x21: {  	s22 =	simm.s32 $0x8;
	[dreg:$0x5] =	wrdreg s7;
	s7 =	sadd.s32 s13, s5  }
0x22: {  	[dreg:$0x9] =	wrdreg s16;
	s23 =	sadd.s32 s9, s5;
	s25 =	sadd.s32 s24, s5  }
0x23: {  	s16 =	simm.s32 $0x1;
	s24 =	simm.s32 $0x80;
	[dreg:$0x8] =	wrdreg s7  }
0x24: {  	s9 =	simm.s32 $0x5;
	s13 =	simm.s32 $0x0;
	[dreg:$0xc] =	wrdreg s23  }
0x25: {  	s7 =	sadd.s32 s20, s5;
	[dreg:$0xd] =	wrdreg s25;
	s20 =	simm.s32 $0x50  }
0x26: {  	v0 =	vimm.f32 $0.0e+00;
	s23 =	simm.s32 $0x2C00;
	s25 =	simm.s32 $0x9;
	[dreg:$0xb] =	wrdreg s7  }
.LBB2_1:
0x27: {  	[tilespmem:$0x7C00] =	vst v0  }
0x28: {  	[tilespmem:$0x7C10] =	vst v0  }
0x29: {  	[tilespmem:$0x7C20] =	vst v0  }
0x2a: {  	[tilespmem:$0x7C30] =	vst v0  }
0x2b: {  	[tilespmem:$0x7C40] =	vst v0  }
0x2c: {  	[tilespmem:$0x7C50] =	vst v0  }
0x2d: {  	[tilespmem:$0x7C60] =	vst v0  }
0x2e: {  	[tilespmem:$0x7C70] =	vst v0  }
0x2f: {  	[tilespmem:$0x7C80] =	vst v0  }
0x30: {  	[tilespmem:$0x7C90] =	vst v0  }
0x31: {  	[tilespmem:$0x7CA0] =	vst v0  }
0x32: {  	[tilespmem:$0x7CB0] =	vst v0  }
0x33: {  	[tilespmem:$0x7CC0] =	vst v0  }
0x34: {  	[tilespmem:$0x7CD0] =	vst v0  }
0x35: {  	[tilespmem:$0x7CE0] =	vst v0  }
0x36: {  	[tilespmem:$0x7CF0] =	vst v0  }
0x37: {  	[tilespmem:$0x7D00] =	vst v0  }
0x38: {  	[tilespmem:$0x7D10] =	vst v0  }
0x39: {  	[tilespmem:$0x7D20] =	vst v0  }
0x3a: {  	[tilespmem:$0x7D30] =	vst v0  }
0x3b: {  	[tilespmem:$0x7D40] =	vst v0  }
0x3c: {  	[tilespmem:$0x7D50] =	vst v0  }
0x3d: {  	[tilespmem:$0x7D60] =	vst v0  }
0x3e: {  	[tilespmem:$0x7D70] =	vst v0  }
0x3f: {  	[tilespmem:$0x7D80] =	vst v0  }
0x40: {  	[tilespmem:$0x7D90] =	vst v0  }
0x41: {  	[tilespmem:$0x7DA0] =	vst v0  }
0x42: {  	[tilespmem:$0x7DB0] =	vst v0  }
0x43: {  	[tilespmem:$0x7DC0] =	vst v0  }
0x44: {  	[tilespmem:$0x7DD0] =	vst v0  }
0x45: {  	[tilespmem:$0x7DE0] =	vst v0  }
0x46: {  	[tilespmem:$0x7DF0] =	vst v0  }
0x47: {  	[tilespmem:$0x7E00] =	vst v0  }
0x48: {  	[tilespmem:$0x7E10] =	vst v0  }
0x49: {  	[tilespmem:$0x7E20] =	vst v0  }
0x4a: {  	[tilespmem:$0x7E30] =	vst v0  }
0x4b: {  	[tilespmem:$0x7E40] =	vst v0  }
0x4c: {  	[tilespmem:$0x7E50] =	vst v0  }
0x4d: {  	[tilespmem:$0x7E60] =	vst v0  }
0x4e: {  	[tilespmem:$0x7E70] =	vst v0  }
0x4f: {  	[tilespmem:$0x7E80] =	vst v0  }
0x50: {  	[tilespmem:$0x7E90] =	vst v0  }
0x51: {  	[tilespmem:$0x7EA0] =	vst v0  }
0x52: {  	[tilespmem:$0x7EB0] =	vst v0  }
0x53: {  	[tilespmem:$0x7EC0] =	vst v0  }
0x54: {  	[tilespmem:$0x7ED0] =	vst v0  }
0x55: {  	[tilespmem:$0x7EE0] =	vst v0  }
0x56: {  	[tilespmem:$0x7EF0] =	vst v0  }
0x57: {  	[tilespmem:$0x7F00] =	vst v0  }
0x58: {  	[tilespmem:$0x7F10] =	vst v0  }
0x59: {  	[tilespmem:$0x7F20] =	vst v0  }
0x5a: {  	[tilespmem:$0x7F30] =	vst v0  }
0x5b: {  	[tilespmem:$0x7F40] =	vst v0  }
0x5c: {  	[tilespmem:$0x7F50] =	vst v0  }
0x5d: {  	[tilespmem:$0x7F60] =	vst v0  }
0x5e: {  	[tilespmem:$0x7F70] =	vst v0  }
0x5f: {  	[tilespmem:$0x7F80] =	vst v0  }
0x60: {  	[tilespmem:$0x7F90] =	vst v0  }
0x61: {  	[tilespmem:$0x7FA0] =	vst v0  }
0x62: {  	[tilespmem:$0x7FB0] =	vst v0  }
0x63: {  	[tilespmem:$0x7FC0] =	vst v0  }
0x64: {  	[tilespmem:$0x7FD0] =	vst v0  }
0x65: {  	[tilespmem:$0x7FE0] =	vst v0  }
0x66: {  	[tilespmem:$0x7FF0] =	vst v0;
	s7 =	simm.s32 $0x0  }
.LBB2_2:
0x67: {  	p0 =	sne.s32 s7, $0x4F000  }
.Ltmp0:
0x68: {  	_ = 	snop;
	(pc) =	sbr.rel @p0 .LBB2_2-.Ltmp0, $4  }
0x69: {  	_ = 	snop  }
0x6a: {  	s12 =	sshra.s32 s7, $0x2  }
0x6b: {  	s7 =	sadd.s32 $0x1000, s7;
	s12 =	sadd.s32 s12, s6  }
0x6c: {  	[spmem:s12] =	stream.linear.scatter [tilespmem:s15], [sflag:$0x1], $0x400, $0x38;
	[tilespmem:$0x1C000] =	vst v63  }
0x6d: {  	[dreg:$0x16] =	wrdreg s13  }
0x6e: {  	_ =	swait.ge [sflag:s16], $0x400  }
0x6f: {  	s7 =	simm.s32 $0x4F;
	[sflag:s16] =	ssyncset.done $0x0  }
.LBB2_4:
0x70: {  	p0 =	sne.s32 s7, $0x1;
	s7 =	sadd.s32 $0xFFFFFFFF, s7;
	[sflag:s16] =	ssyncadd.s32 $0xFFFFFC00  }
.Ltmp1:
0x71: {  	(pc) =	sbr.rel @p0 .LBB2_4-.Ltmp1, $3  }
0x72: {  	_ =	sdelay $0x1  }
0x73: {  	_ =	swait.ge [sflag:s16], $0x400  }
0x74: {  	[sflag:s16] =	ssyncset.done $0x0  }
0x75: {  	[sflag:s16] =	ssyncadd.s32 $0xFFFFFC00  }
0x76: {  	[bflag:$0x0] =	sbarrier.arrive $0xFFFF  }
0x77: {  	s7 =	simm.s32 $0x0;
	s12 =	rddreg [dreg:$0xe]  }
0x78: {  	[tilespmem:s7], [sflag:$0x7] =	stream.linear.gather [hbm4b:s12+s7], $0x100, $0x38;
	[tilespmem:$0x1C000] =	vst v63  }
0x79: {  	s14 =	rddreg [dreg:$0xf]  }
0x7a: {  	[tilespmem:s17], [sflag:$0x8] =	stream.linear.gather [hbm4b:s14+s7], $0x100, $0x38;
	[tilespmem:$0x1C000] =	vst v63  }
0x7b: {  	s13 =	rddreg [dreg:$0x10]  }
0x7c: {  	[tilespmem:s18], [sflag:$0x9] =	stream.linear.gather [hbm4b:s13+s7], $0x100, $0x38;
	[tilespmem:$0x1C000] =	vst v63  }
0x7d: {  	_ =	swait.ge [sflag:s19], $0x100  }
0x7e: {  	[sflag:s19] =	ssyncset.done $0x0  }
0x7f: {  	[sflag:s19] =	ssyncadd.s32 $0xFFFFFF00  }
0x80: {  	[tilespmem:s21], [sflag:$0x1] =	stream.indirect.gather [hbm4b:s4+s20], $0x80, s7, s20, $0xb8;
	[tilespmem:$0x1C000] =	vst v63  }
0x81: {  	_ =	swait.ge [sflag:s22], $0x100  }
0x82: {  	[sflag:s22] =	ssyncset.done $0x0  }
0x83: {  	[sflag:s22] =	ssyncadd.s32 $0xFFFFFF00  }
0x84: {  	[tilespmem:s23], [sflag:$0x2] =	stream.indirect.gather [hbm4b:s4+s20], $0x80, s17, s20, $0xb8;
	[tilespmem:$0x1C000] =	vst v63  }
0x85: {  	_ =	swait.ge [sflag:s16], $0x2800  }
0x86: {  	[sflag:s16] =	ssyncset.done $0x0  }
0x87: {  	[sflag:s16] =	ssyncadd.s32 $0xFFFFD800  }
0x88: {  	[spmem:s1] =	stream.indirect.scatter.add.f32 [tilespmem:s21], [sflag:$0x4], $0x80, s24, s20, $0xb8;
	[tilespmem:$0x1C000] =	vst v63  }
0x89: {  	_ =	swait.ge [sflag:s25], $0x100  }
0x8a: {  	[sflag:s25] =	ssyncset.done $0x0  }
0x8b: {  	[sflag:s25] =	ssyncadd.s32 $0xFFFFFF00  }
0x8c: {  	[tilespmem:s26], [sflag:$0x3] =	stream.indirect.gather [hbm4b:s4+s20], $0x80, s18, s20, $0xb8;
	[tilespmem:$0x1C000] =	vst v63  }
0x8d: {  	s14 =	rddreg [dreg:$0x11]  }
0x8e: {  	[tilespmem:s28], [sflag:$0xA] =	stream.linear.gather [hbm4b:s14+s7], $0x100, $0x38;
	[tilespmem:$0x1C000] =	vst v63  }
0x8f: {  	_ =	swait.ge [sflag:s29], $0x2800  }
0x90: {  	[sflag:s29] =	ssyncset.done $0x0  }
0x91: {  	[sflag:s29] =	ssyncadd.s32 $0xFFFFD800  }
0x92: {  	[spmem:s1] =	stream.indirect.scatter.add.f32 [tilespmem:s23], [sflag:$0x5], $0x80, s30, s20, $0xb8;
	[tilespmem:$0x1C000] =	vst v63  }
0x93: {  	_ =	swait.ge [sflag:s31], $0x2800  }
0x94: {  	[sflag:s31] =	ssyncset.done $0x0  }
0x95: {  	[sflag:s31] =	ssyncadd.s32 $0xFFFFD800  }
0x96: {  	_ =	swait.ge [sflag:s0], $0x100  }
0x97: {  	[sflag:s0] =	ssyncset.done $0x0  }
0x98: {  	s13 =	rddreg [dreg:$0xd];
	[sflag:s0] =	ssyncadd.s32 $0xFFFFFF00  }
0x99: {  	[tilespmem:s21], [sflag:$0x1] =	stream.indirect.gather [hbm4b:s4+s20], $0x80, s28, s20, $0xb8;
	[tilespmem:$0x1C000] =	vst v63  }
0x9a: {  	s7 =	sadd.s32 $0x0, s13  }
0x9b: {  	[tilespmem:s3], [sflag:$0x7] =	stream.linear.gather [hbm4b:s7+s3], $0x100, $0x38;
	[tilespmem:$0x1C000] =	vst v63  }
0x9c: {  	_ =	swait.ge [sflag:s2], $0x2800  }
0x9d: {  	[sflag:s2] =	ssyncset.done $0x0  }
0x9e: {  	[sflag:s2] =	ssyncadd.s32 $0xFFFFD800  }
0x9f: {  	[spmem:s1] =	stream.indirect.scatter.add.f32 [tilespmem:s26], [sflag:$0x6], $0x80, s8, s20, $0xb8;
	[tilespmem:$0x1C000] =	vst v63  }
0xa0: {  	_ =	swait.ge [sflag:s9], $0x2800  }
0xa1: {  	[sflag:s9] =	ssyncset.done $0x0  }
0xa2: {  	[sflag:s9] =	ssyncadd.s32 $0xFFFFD800  }
0xa3: {  	_ =	swait.ge [sflag:s19], $0x100  }
0xa4: {  	[sflag:s19] =	ssyncset.done $0x0  }
0xa5: {  	s14 =	rddreg [dreg:$0xc];
	[sflag:s19] =	ssyncadd.s32 $0xFFFFFF00  }
0xa6: {  	[tilespmem:s23], [sflag:$0x2] =	stream.indirect.gather [hbm4b:s4+s20], $0x80, s3, s20, $0xb8;
	[tilespmem:$0x1C000] =	vst v63  }
0xa7: {  	s7 =	sadd.s32 $0x0, s14  }
0xa8: {  	[tilespmem:s17], [sflag:$0x8] =	stream.linear.gather [hbm4b:s7+s3], $0x100, $0x38;
	[tilespmem:$0x1C000] =	vst v63  }
0xa9: {  	_ =	swait.ge [sflag:s16], $0x2800  }
0xaa: {  	[sflag:s16] =	ssyncset.done $0x0  }
0xab: {  	[sflag:s16] =	ssyncadd.s32 $0xFFFFD800  }
0xac: {  	[spmem:s1] =	stream.indirect.scatter.add.f32 [tilespmem:s21], [sflag:$0x4], $0x80, s10, s20, $0xb8;
	[tilespmem:$0x1C000] =	vst v63  }
0xad: {  	_ =	swait.ge [sflag:s11], $0x2800  }
0xae: {  	[sflag:s11] =	ssyncset.done $0x0  }
0xaf: {  	[sflag:s11] =	ssyncadd.s32 $0xFFFFD800  }
0xb0: {  	_ =	swait.ge [sflag:s22], $0x100  }
0xb1: {  	[sflag:s22] =	ssyncset.done $0x0  }
0xb2: {  	s12 =	rddreg [dreg:$0xb];
	[sflag:s22] =	ssyncadd.s32 $0xFFFFFF00  }
0xb3: {  	[tilespmem:s26], [sflag:$0x3] =	stream.indirect.gather [hbm4b:s4+s20], $0x80, s17, s20, $0xb8;
	[tilespmem:$0x1C000] =	vst v63  }
0xb4: {  	s7 =	sadd.s32 $0x0, s12  }
0xb5: {  	[tilespmem:s18], [sflag:$0x9] =	stream.linear.gather [hbm4b:s7+s3], $0x100, $0x38;
	[tilespmem:$0x1C000] =	vst v63  }
0xb6: {  	_ =	swait.ge [sflag:s29], $0x2800  }
0xb7: {  	[sflag:s29] =	ssyncset.done $0x0  }
0xb8: {  	[sflag:s29] =	ssyncadd.s32 $0xFFFFD800  }
0xb9: {  	[spmem:s1] =	stream.indirect.scatter.add.f32 [tilespmem:s23], [sflag:$0x5], $0x80, s24, s20, $0xb8;
	[tilespmem:$0x1C000] =	vst v63  }
0xba: {  	_ =	swait.ge [sflag:s31], $0x2800  }
0xbb: {  	[sflag:s31] =	ssyncset.done $0x0  }
0xbc: {  	[sflag:s31] =	ssyncadd.s32 $0xFFFFD800  }
0xbd: {  	_ =	swait.ge [sflag:s25], $0x100  }
0xbe: {  	[sflag:s25] =	ssyncset.done $0x0  }
0xbf: {  	s13 =	rddreg [dreg:$0xa];
	[sflag:s25] =	ssyncadd.s32 $0xFFFFFF00  }
0xc0: {  	[tilespmem:s21], [sflag:$0x1] =	stream.indirect.gather [hbm4b:s4+s20], $0x80, s18, s20, $0xb8;
	[tilespmem:$0x1C000] =	vst v63  }
0xc1: {  	s7 =	sadd.s32 $0x0, s13  }
0xc2: {  	[tilespmem:s28], [sflag:$0xA] =	stream.linear.gather [hbm4b:s7+s3], $0x100, $0x38;
	[tilespmem:$0x1C000] =	vst v63  }
0xc3: {  	_ =	swait.ge [sflag:s2], $0x2800  }
0xc4: {  	[sflag:s2] =	ssyncset.done $0x0  }
0xc5: {  	[sflag:s2] =	ssyncadd.s32 $0xFFFFD800  }
0xc6: {  	[spmem:s1] =	stream.indirect.scatter.add.f32 [tilespmem:s26], [sflag:$0x6], $0x80, s30, s20, $0xb8;
	[tilespmem:$0x1C000] =	vst v63  }
0xc7: {  	_ =	swait.ge [sflag:s9], $0x2800  }
0xc8: {  	[sflag:s9] =	ssyncset.done $0x0  }
0xc9: {  	[sflag:s9] =	ssyncadd.s32 $0xFFFFD800  }
0xca: {  	_ =	swait.ge [sflag:s0], $0x100  }
0xcb: {  	[sflag:s0] =	ssyncset.done $0x0  }
0xcc: {  	s14 =	rddreg [dreg:$0x9];
	[sflag:s0] =	ssyncadd.s32 $0xFFFFFF00  }
0xcd: {  	[tilespmem:s23], [sflag:$0x2] =	stream.indirect.gather [hbm4b:s4+s20], $0x80, s28, s20, $0xb8;
	[tilespmem:$0x1C000] =	vst v63  }
0xce: {  	s7 =	sadd.s32 $0x0, s14  }
0xcf: {  	[tilespmem:s3], [sflag:$0x7] =	stream.linear.gather [hbm4b:s7+s3], $0x100, $0x38;
	[tilespmem:$0x1C000] =	vst v63  }
0xd0: {  	_ =	swait.ge [sflag:s16], $0x2800  }
0xd1: {  	[sflag:s16] =	ssyncset.done $0x0  }
0xd2: {  	[sflag:s16] =	ssyncadd.s32 $0xFFFFD800  }
0xd3: {  	[spmem:s1] =	stream.indirect.scatter.add.f32 [tilespmem:s21], [sflag:$0x4], $0x80, s8, s20, $0xb8;
	[tilespmem:$0x1C000] =	vst v63  }
0xd4: {  	_ =	swait.ge [sflag:s11], $0x2800  }
0xd5: {  	[sflag:s11] =	ssyncset.done $0x0  }
0xd6: {  	[sflag:s11] =	ssyncadd.s32 $0xFFFFD800  }
0xd7: {  	_ =	swait.ge [sflag:s19], $0x100  }
0xd8: {  	[sflag:s19] =	ssyncset.done $0x0  }
0xd9: {  	s12 =	rddreg [dreg:$0x8];
	[sflag:s19] =	ssyncadd.s32 $0xFFFFFF00  }
0xda: {  	[tilespmem:s26], [sflag:$0x3] =	stream.indirect.gather [hbm4b:s4+s20], $0x80, s3, s20, $0xb8;
	[tilespmem:$0x1C000] =	vst v63  }
0xdb: {  	s7 =	sadd.s32 $0x0, s12  }
0xdc: {  	[tilespmem:s17], [sflag:$0x8] =	stream.linear.gather [hbm4b:s7+s3], $0x100, $0x38;
	[tilespmem:$0x1C000] =	vst v63  }
0xdd: {  	_ =	swait.ge [sflag:s29], $0x2800  }
0xde: {  	[sflag:s29] =	ssyncset.done $0x0  }
0xdf: {  	[sflag:s29] =	ssyncadd.s32 $0xFFFFD800  }
0xe0: {  	[spmem:s1] =	stream.indirect.scatter.add.f32 [tilespmem:s23], [sflag:$0x5], $0x80, s10, s20, $0xb8;
	[tilespmem:$0x1C000] =	vst v63  }
0xe1: {  	_ =	swait.ge [sflag:s31], $0x2800  }
0xe2: {  	[sflag:s31] =	ssyncset.done $0x0  }
0xe3: {  	[sflag:s31] =	ssyncadd.s32 $0xFFFFD800  }
0xe4: {  	_ =	swait.ge [sflag:s22], $0x100  }
0xe5: {  	[sflag:s22] =	ssyncset.done $0x0  }
0xe6: {  	s13 =	rddreg [dreg:$0x7];
	[sflag:s22] =	ssyncadd.s32 $0xFFFFFF00  }
0xe7: {  	[tilespmem:s21], [sflag:$0x1] =	stream.indirect.gather [hbm4b:s4+s20], $0x80, s17, s20, $0xb8;
	[tilespmem:$0x1C000] =	vst v63  }
0xe8: {  	s7 =	sadd.s32 $0x0, s13  }
0xe9: {  	[tilespmem:s18], [sflag:$0x9] =	stream.linear.gather [hbm4b:s7+s3], $0x100, $0x38;
	[tilespmem:$0x1C000] =	vst v63  }
0xea: {  	_ =	swait.ge [sflag:s2], $0x2800  }
0xeb: {  	[sflag:s2] =	ssyncset.done $0x0  }
0xec: {  	[sflag:s2] =	ssyncadd.s32 $0xFFFFD800  }
0xed: {  	[spmem:s1] =	stream.indirect.scatter.add.f32 [tilespmem:s26], [sflag:$0x6], $0x80, s24, s20, $0xb8;
	[tilespmem:$0x1C000] =	vst v63  }
0xee: {  	_ =	swait.ge [sflag:s9], $0x2800  }
0xef: {  	[sflag:s9] =	ssyncset.done $0x0  }
0xf0: {  	[sflag:s9] =	ssyncadd.s32 $0xFFFFD800  }
0xf1: {  	_ =	swait.ge [sflag:s25], $0x100  }
0xf2: {  	[sflag:s25] =	ssyncset.done $0x0  }
0xf3: {  	s14 =	rddreg [dreg:$0x6];
	[sflag:s25] =	ssyncadd.s32 $0xFFFFFF00  }
0xf4: {  	[tilespmem:s23], [sflag:$0x2] =	stream.indirect.gather [hbm4b:s4+s20], $0x80, s18, s20, $0xb8;
	[tilespmem:$0x1C000] =	vst v63  }
0xf5: {  	s7 =	sadd.s32 $0x0, s14  }
0xf6: {  	[tilespmem:s28], [sflag:$0xA] =	stream.linear.gather [hbm4b:s7+s3], $0x100, $0x38;
	[tilespmem:$0x1C000] =	vst v63  }
0xf7: {  	_ =	swait.ge [sflag:s16], $0x2800  }
0xf8: {  	[sflag:s16] =	ssyncset.done $0x0  }
0xf9: {  	[sflag:s16] =	ssyncadd.s32 $0xFFFFD800  }
0xfa: {  	[spmem:s1] =	stream.indirect.scatter.add.f32 [tilespmem:s21], [sflag:$0x4], $0x80, s30, s20, $0xb8;
	[tilespmem:$0x1C000] =	vst v63  }
0xfb: {  	_ =	swait.ge [sflag:s11], $0x2800  }
0xfc: {  	[sflag:s11] =	ssyncset.done $0x0  }
0xfd: {  	[sflag:s11] =	ssyncadd.s32 $0xFFFFD800  }
0xfe: {  	_ =	swait.ge [sflag:s0], $0x100  }
0xff: {  	[sflag:s0] =	ssyncset.done $0x0;
	s13 =	rddreg [dreg:$0x15]  }
0x100: {  	[sflag:s0] =	ssyncadd.s32 $0xFFFFFF00;
	s12 =	sshrl.u32 s13, $0x3  }
0x101: {  	[tilespmem:s26], [sflag:$0x3] =	stream.indirect.gather [hbm4b:s4+s20], $0x80, s28, s20, $0xb8;
	[tilespmem:$0x1C000] =	vst v63  }
0x102: {  	s7 =	sadd.s32 s5, s12  }
0x103: {  	[tilespmem:s3], [sflag:$0x7] =	stream.linear.gather [hbm4b:s7+s3], $0x100, $0x38;
	[tilespmem:$0x1C000] =	vst v63  }
0x104: {  	_ =	swait.ge [sflag:s29], $0x2800  }
0x105: {  	[sflag:s29] =	ssyncset.done $0x0  }
0x106: {  	[sflag:s29] =	ssyncadd.s32 $0xFFFFD800  }
0x107: {  	[spmem:s1] =	stream.indirect.scatter.add.f32 [tilespmem:s23], [sflag:$0x5], $0x80, s8, s20, $0xb8;
	[tilespmem:$0x1C000] =	vst v63  }
0x108: {  	_ =	swait.ge [sflag:s31], $0x2800  }
0x109: {  	[sflag:s31] =	ssyncset.done $0x0  }
0x10a: {  	[sflag:s31] =	ssyncadd.s32 $0xFFFFD800  }
0x10b: {  	_ =	swait.ge [sflag:s19], $0x100  }
0x10c: {  	[sflag:s19] =	ssyncset.done $0x0  }
0x10d: {  	s14 =	rddreg [dreg:$0x5];
	[sflag:s19] =	ssyncadd.s32 $0xFFFFFF00  }
0x10e: {  	[tilespmem:s21], [sflag:$0x1] =	stream.indirect.gather [hbm4b:s4+s20], $0x80, s3, s20, $0xb8;
	[tilespmem:$0x1C000] =	vst v63  }
0x10f: {  	s7 =	sadd.s32 $0x0, s14  }
0x110: {  	[tilespmem:s17], [sflag:$0x8] =	stream.linear.gather [hbm4b:s7+s3], $0x100, $0x38;
	[tilespmem:$0x1C000] =	vst v63  }
0x111: {  	_ =	swait.ge [sflag:s2], $0x2800  }
0x112: {  	[sflag:s2] =	ssyncset.done $0x0  }
0x113: {  	[sflag:s2] =	ssyncadd.s32 $0xFFFFD800  }
0x114: {  	[spmem:s1] =	stream.indirect.scatter.add.f32 [tilespmem:s26], [sflag:$0x6], $0x80, s10, s20, $0xb8;
	[tilespmem:$0x1C000] =	vst v63  }
0x115: {  	_ =	swait.ge [sflag:s9], $0x2800  }
0x116: {  	[sflag:s9] =	ssyncset.done $0x0  }
0x117: {  	[sflag:s9] =	ssyncadd.s32 $0xFFFFD800  }
0x118: {  	_ =	swait.ge [sflag:s22], $0x100  }
0x119: {  	[sflag:s22] =	ssyncset.done $0x0  }
0x11a: {  	s12 =	rddreg [dreg:$0x4];
	[sflag:s22] =	ssyncadd.s32 $0xFFFFFF00  }
0x11b: {  	[tilespmem:s23], [sflag:$0x2] =	stream.indirect.gather [hbm4b:s4+s20], $0x80, s17, s20, $0xb8;
	[tilespmem:$0x1C000] =	vst v63  }
0x11c: {  	s7 =	sadd.s32 $0x0, s12  }
0x11d: {  	[tilespmem:s18], [sflag:$0x9] =	stream.linear.gather [hbm4b:s7+s3], $0x100, $0x38;
	[tilespmem:$0x1C000] =	vst v63  }
0x11e: {  	_ =	swait.ge [sflag:s16], $0x2800  }
0x11f: {  	[sflag:s16] =	ssyncset.done $0x0  }
0x120: {  	[sflag:s16] =	ssyncadd.s32 $0xFFFFD800  }
0x121: {  	[spmem:s1] =	stream.indirect.scatter.add.f32 [tilespmem:s21], [sflag:$0x4], $0x80, s24, s20, $0xb8;
	[tilespmem:$0x1C000] =	vst v63  }
0x122: {  	_ =	swait.ge [sflag:s11], $0x2800  }
0x123: {  	[sflag:s11] =	ssyncset.done $0x0  }
0x124: {  	[sflag:s11] =	ssyncadd.s32 $0xFFFFD800  }
0x125: {  	_ =	swait.ge [sflag:s25], $0x100  }
0x126: {  	s12 =	sadd.s32 $0xC00, s13;
	[sflag:s25] =	ssyncset.done $0x0;
	s14 =	rddreg [dreg:$0x3]  }
0x127: {  	s7 =	simm.s32 $0x180;
	[sflag:s25] =	ssyncadd.s32 $0xFFFFFF00;
	s14 =	sadd.s32 $0x0, s14  }
0x128: {  	[tilespmem:s26], [sflag:$0x3] =	stream.indirect.gather [hbm4b:s4+s20], $0x80, s18, s20, $0xb8;
	[tilespmem:$0x1C000] =	vst v63  }
.LBB2_6:
0x129: {  	[tilespmem:s28], [sflag:$0xA] =	stream.linear.gather [hbm4b:s14+s3], $0x100, $0x38;
	[tilespmem:$0x1C000] =	vst v63  }
0x12a: {  	_ =	swait.ge [sflag:s29], $0x2800  }
0x12b: {  	[sflag:s29] =	ssyncset.done $0x0  }
0x12c: {  	[sflag:s29] =	ssyncadd.s32 $0xFFFFD800  }
0x12d: {  	[spmem:s1] =	stream.indirect.scatter.add.f32 [tilespmem:s23], [sflag:$0x5], $0x80, s30, s20, $0xb8;
	[tilespmem:$0x1C000] =	vst v63  }
0x12e: {  	_ =	swait.ge [sflag:s31], $0x2800  }
0x12f: {  	[sflag:s31] =	ssyncset.done $0x0  }
0x130: {  	[sflag:s31] =	ssyncadd.s32 $0xFFFFD800  }
0x131: {  	_ =	swait.ge [sflag:s0], $0x100  }
0x132: {  	[sflag:s0] =	ssyncset.done $0x0  }
0x133: {  	s14 =	smov.u32 s7;
	s13 =	rddreg [dreg:$0xd];
	[sflag:s0] =	ssyncadd.s32 $0xFFFFFF00  }
0x134: {  	[tilespmem:s21], [sflag:$0x1] =	stream.indirect.gather [hbm4b:s4+s20], $0x80, s28, s20, $0xb8;
	[tilespmem:$0x1C000] =	vst v63  }
0x135: {  	s13 =	sadd.s32 s14, s13  }
0x136: {  	[tilespmem:s3], [sflag:$0x7] =	stream.linear.gather [hbm4b:s13+s3], $0x100, $0x38;
	[tilespmem:$0x1C000] =	vst v63  }
0x137: {  	_ =	swait.ge [sflag:s2], $0x2800  }
0x138: {  	[sflag:s2] =	ssyncset.done $0x0  }
0x139: {  	[sflag:s2] =	ssyncadd.s32 $0xFFFFD800  }
0x13a: {  	[spmem:s1] =	stream.indirect.scatter.add.f32 [tilespmem:s26], [sflag:$0x6], $0x80, s8, s20, $0xb8;
	[tilespmem:$0x1C000] =	vst v63  }
0x13b: {  	_ =	swait.ge [sflag:s9], $0x2800  }
0x13c: {  	[sflag:s9] =	ssyncset.done $0x0  }
0x13d: {  	[sflag:s9] =	ssyncadd.s32 $0xFFFFD800  }
0x13e: {  	_ =	swait.ge [sflag:s19], $0x100  }
0x13f: {  	[sflag:s19] =	ssyncset.done $0x0  }
0x140: {  	s13 =	rddreg [dreg:$0xc];
	[sflag:s19] =	ssyncadd.s32 $0xFFFFFF00  }
0x141: {  	[tilespmem:s23], [sflag:$0x2] =	stream.indirect.gather [hbm4b:s4+s20], $0x80, s3, s20, $0xb8;
	[tilespmem:$0x1C000] =	vst v63  }
0x142: {  	s13 =	sadd.s32 s14, s13  }
0x143: {  	[tilespmem:s17], [sflag:$0x8] =	stream.linear.gather [hbm4b:s13+s3], $0x100, $0x38;
	[tilespmem:$0x1C000] =	vst v63  }
0x144: {  	_ =	swait.ge [sflag:s16], $0x2800  }
0x145: {  	[sflag:s16] =	ssyncset.done $0x0  }
0x146: {  	[sflag:s16] =	ssyncadd.s32 $0xFFFFD800  }
0x147: {  	[spmem:s1] =	stream.indirect.scatter.add.f32 [tilespmem:s21], [sflag:$0x4], $0x80, s10, s20, $0xb8;
	[tilespmem:$0x1C000] =	vst v63  }
0x148: {  	_ =	swait.ge [sflag:s11], $0x2800  }
0x149: {  	[sflag:s11] =	ssyncset.done $0x0  }
0x14a: {  	[sflag:s11] =	ssyncadd.s32 $0xFFFFD800  }
0x14b: {  	_ =	swait.ge [sflag:s22], $0x100  }
0x14c: {  	[sflag:s22] =	ssyncset.done $0x0  }
0x14d: {  	s13 =	rddreg [dreg:$0xb];
	[sflag:s22] =	ssyncadd.s32 $0xFFFFFF00  }
0x14e: {  	[tilespmem:s26], [sflag:$0x3] =	stream.indirect.gather [hbm4b:s4+s20], $0x80, s17, s20, $0xb8;
	[tilespmem:$0x1C000] =	vst v63  }
0x14f: {  	s13 =	sadd.s32 s14, s13  }
0x150: {  	[tilespmem:s18], [sflag:$0x9] =	stream.linear.gather [hbm4b:s13+s3], $0x100, $0x38;
	[tilespmem:$0x1C000] =	vst v63  }
0x151: {  	_ =	swait.ge [sflag:s29], $0x2800  }
0x152: {  	[sflag:s29] =	ssyncset.done $0x0  }
0x153: {  	[sflag:s29] =	ssyncadd.s32 $0xFFFFD800  }
0x154: {  	[spmem:s1] =	stream.indirect.scatter.add.f32 [tilespmem:s23], [sflag:$0x5], $0x80, s24, s20, $0xb8;
	[tilespmem:$0x1C000] =	vst v63  }
0x155: {  	_ =	swait.ge [sflag:s31], $0x2800  }
0x156: {  	[sflag:s31] =	ssyncset.done $0x0  }
0x157: {  	[sflag:s31] =	ssyncadd.s32 $0xFFFFD800  }
0x158: {  	_ =	swait.ge [sflag:s25], $0x100  }
0x159: {  	[sflag:s25] =	ssyncset.done $0x0  }
0x15a: {  	s13 =	rddreg [dreg:$0xa];
	[sflag:s25] =	ssyncadd.s32 $0xFFFFFF00  }
0x15b: {  	[tilespmem:s21], [sflag:$0x1] =	stream.indirect.gather [hbm4b:s4+s20], $0x80, s18, s20, $0xb8;
	[tilespmem:$0x1C000] =	vst v63  }
0x15c: {  	s13 =	sadd.s32 s14, s13  }
0x15d: {  	[tilespmem:s28], [sflag:$0xA] =	stream.linear.gather [hbm4b:s13+s3], $0x100, $0x38;
	[tilespmem:$0x1C000] =	vst v63  }
0x15e: {  	_ =	swait.ge [sflag:s2], $0x2800  }
0x15f: {  	[sflag:s2] =	ssyncset.done $0x0  }
0x160: {  	[sflag:s2] =	ssyncadd.s32 $0xFFFFD800  }
0x161: {  	[spmem:s1] =	stream.indirect.scatter.add.f32 [tilespmem:s26], [sflag:$0x6], $0x80, s30, s20, $0xb8;
	[tilespmem:$0x1C000] =	vst v63  }
0x162: {  	_ =	swait.ge [sflag:s9], $0x2800  }
0x163: {  	[sflag:s9] =	ssyncset.done $0x0  }
0x164: {  	[sflag:s9] =	ssyncadd.s32 $0xFFFFD800  }
0x165: {  	_ =	swait.ge [sflag:s0], $0x100  }
0x166: {  	[sflag:s0] =	ssyncset.done $0x0  }
0x167: {  	s13 =	rddreg [dreg:$0x9];
	[sflag:s0] =	ssyncadd.s32 $0xFFFFFF00  }
0x168: {  	[tilespmem:s23], [sflag:$0x2] =	stream.indirect.gather [hbm4b:s4+s20], $0x80, s28, s20, $0xb8;
	[tilespmem:$0x1C000] =	vst v63  }
0x169: {  	s13 =	sadd.s32 s14, s13  }
0x16a: {  	[tilespmem:s3], [sflag:$0x7] =	stream.linear.gather [hbm4b:s13+s3], $0x100, $0x38;
	[tilespmem:$0x1C000] =	vst v63  }
0x16b: {  	_ =	swait.ge [sflag:s16], $0x2800  }
0x16c: {  	[sflag:s16] =	ssyncset.done $0x0  }
0x16d: {  	[sflag:s16] =	ssyncadd.s32 $0xFFFFD800  }
0x16e: {  	[spmem:s1] =	stream.indirect.scatter.add.f32 [tilespmem:s21], [sflag:$0x4], $0x80, s8, s20, $0xb8;
	[tilespmem:$0x1C000] =	vst v63  }
0x16f: {  	_ =	swait.ge [sflag:s11], $0x2800  }
0x170: {  	[sflag:s11] =	ssyncset.done $0x0  }
0x171: {  	[sflag:s11] =	ssyncadd.s32 $0xFFFFD800  }
0x172: {  	_ =	swait.ge [sflag:s19], $0x100  }
0x173: {  	[sflag:s19] =	ssyncset.done $0x0  }
0x174: {  	s13 =	rddreg [dreg:$0x8];
	[sflag:s19] =	ssyncadd.s32 $0xFFFFFF00  }
0x175: {  	[tilespmem:s26], [sflag:$0x3] =	stream.indirect.gather [hbm4b:s4+s20], $0x80, s3, s20, $0xb8;
	[tilespmem:$0x1C000] =	vst v63  }
0x176: {  	s13 =	sadd.s32 s14, s13  }
0x177: {  	[tilespmem:s17], [sflag:$0x8] =	stream.linear.gather [hbm4b:s13+s3], $0x100, $0x38;
	[tilespmem:$0x1C000] =	vst v63  }
0x178: {  	_ =	swait.ge [sflag:s29], $0x2800  }
0x179: {  	[sflag:s29] =	ssyncset.done $0x0  }
0x17a: {  	[sflag:s29] =	ssyncadd.s32 $0xFFFFD800  }
0x17b: {  	[spmem:s1] =	stream.indirect.scatter.add.f32 [tilespmem:s23], [sflag:$0x5], $0x80, s10, s20, $0xb8;
	[tilespmem:$0x1C000] =	vst v63  }
0x17c: {  	_ =	swait.ge [sflag:s31], $0x2800  }
0x17d: {  	[sflag:s31] =	ssyncset.done $0x0  }
0x17e: {  	[sflag:s31] =	ssyncadd.s32 $0xFFFFD800  }
0x17f: {  	_ =	swait.ge [sflag:s22], $0x100  }
0x180: {  	[sflag:s22] =	ssyncset.done $0x0  }
0x181: {  	s13 =	rddreg [dreg:$0x7];
	[sflag:s22] =	ssyncadd.s32 $0xFFFFFF00  }
0x182: {  	[tilespmem:s21], [sflag:$0x1] =	stream.indirect.gather [hbm4b:s4+s20], $0x80, s17, s20, $0xb8;
	[tilespmem:$0x1C000] =	vst v63  }
0x183: {  	s13 =	sadd.s32 s14, s13  }
0x184: {  	[tilespmem:s18], [sflag:$0x9] =	stream.linear.gather [hbm4b:s13+s3], $0x100, $0x38;
	[tilespmem:$0x1C000] =	vst v63  }
0x185: {  	_ =	swait.ge [sflag:s2], $0x2800  }
0x186: {  	[sflag:s2] =	ssyncset.done $0x0  }
0x187: {  	[sflag:s2] =	ssyncadd.s32 $0xFFFFD800  }
0x188: {  	[spmem:s1] =	stream.indirect.scatter.add.f32 [tilespmem:s26], [sflag:$0x6], $0x80, s24, s20, $0xb8;
	[tilespmem:$0x1C000] =	vst v63  }
0x189: {  	_ =	swait.ge [sflag:s9], $0x2800  }
0x18a: {  	[sflag:s9] =	ssyncset.done $0x0  }
0x18b: {  	[sflag:s9] =	ssyncadd.s32 $0xFFFFD800  }
0x18c: {  	_ =	swait.ge [sflag:s25], $0x100  }
0x18d: {  	[sflag:s25] =	ssyncset.done $0x0  }
0x18e: {  	s13 =	rddreg [dreg:$0x6];
	[sflag:s25] =	ssyncadd.s32 $0xFFFFFF00  }
0x18f: {  	[tilespmem:s23], [sflag:$0x2] =	stream.indirect.gather [hbm4b:s4+s20], $0x80, s18, s20, $0xb8;
	[tilespmem:$0x1C000] =	vst v63  }
0x190: {  	s13 =	sadd.s32 s14, s13  }
0x191: {  	[tilespmem:s28], [sflag:$0xA] =	stream.linear.gather [hbm4b:s13+s3], $0x100, $0x38;
	[tilespmem:$0x1C000] =	vst v63  }
0x192: {  	_ =	swait.ge [sflag:s16], $0x2800  }
0x193: {  	[sflag:s16] =	ssyncset.done $0x0  }
0x194: {  	[sflag:s16] =	ssyncadd.s32 $0xFFFFD800  }
0x195: {  	[spmem:s1] =	stream.indirect.scatter.add.f32 [tilespmem:s21], [sflag:$0x4], $0x80, s30, s20, $0xb8;
	[tilespmem:$0x1C000] =	vst v63  }
0x196: {  	_ =	swait.ge [sflag:s11], $0x2800  }
0x197: {  	[sflag:s11] =	ssyncset.done $0x0  }
0x198: {  	[sflag:s11] =	ssyncadd.s32 $0xFFFFD800  }
0x199: {  	_ =	swait.ge [sflag:s0], $0x100  }
0x19a: {  	[sflag:s0] =	ssyncset.done $0x0  }
0x19b: {  	s13 =	sshrl.u32 s12, $0x3;
	[sflag:s0] =	ssyncadd.s32 $0xFFFFFF00  }
0x19c: {  	[tilespmem:s26], [sflag:$0x3] =	stream.indirect.gather [hbm4b:s4+s20], $0x80, s28, s20, $0xb8;
	[tilespmem:$0x1C000] =	vst v63  }
0x19d: {  	s13 =	sadd.s32 s5, s13  }
0x19e: {  	[tilespmem:s3], [sflag:$0x7] =	stream.linear.gather [hbm4b:s13+s3], $0x100, $0x38;
	[tilespmem:$0x1C000] =	vst v63  }
0x19f: {  	_ =	swait.ge [sflag:s29], $0x2800  }
0x1a0: {  	[sflag:s29] =	ssyncset.done $0x0  }
0x1a1: {  	[sflag:s29] =	ssyncadd.s32 $0xFFFFD800  }
0x1a2: {  	[spmem:s1] =	stream.indirect.scatter.add.f32 [tilespmem:s23], [sflag:$0x5], $0x80, s8, s20, $0xb8;
	[tilespmem:$0x1C000] =	vst v63  }
0x1a3: {  	_ =	swait.ge [sflag:s31], $0x2800  }
0x1a4: {  	[sflag:s31] =	ssyncset.done $0x0  }
0x1a5: {  	[sflag:s31] =	ssyncadd.s32 $0xFFFFD800  }
0x1a6: {  	_ =	swait.ge [sflag:s19], $0x100  }
0x1a7: {  	[sflag:s19] =	ssyncset.done $0x0  }
0x1a8: {  	s13 =	rddreg [dreg:$0x5];
	[sflag:s19] =	ssyncadd.s32 $0xFFFFFF00  }
0x1a9: {  	[tilespmem:s21], [sflag:$0x1] =	stream.indirect.gather [hbm4b:s4+s20], $0x80, s3, s20, $0xb8;
	[tilespmem:$0x1C000] =	vst v63  }
0x1aa: {  	s13 =	sadd.s32 s14, s13  }
0x1ab: {  	[tilespmem:s17], [sflag:$0x8] =	stream.linear.gather [hbm4b:s13+s3], $0x100, $0x38;
	[tilespmem:$0x1C000] =	vst v63  }
0x1ac: {  	_ =	swait.ge [sflag:s2], $0x2800  }
0x1ad: {  	[sflag:s2] =	ssyncset.done $0x0  }
0x1ae: {  	[sflag:s2] =	ssyncadd.s32 $0xFFFFD800  }
0x1af: {  	[spmem:s1] =	stream.indirect.scatter.add.f32 [tilespmem:s26], [sflag:$0x6], $0x80, s10, s20, $0xb8;
	[tilespmem:$0x1C000] =	vst v63  }
0x1b0: {  	_ =	swait.ge [sflag:s9], $0x2800  }
0x1b1: {  	[sflag:s9] =	ssyncset.done $0x0  }
0x1b2: {  	[sflag:s9] =	ssyncadd.s32 $0xFFFFD800  }
0x1b3: {  	_ =	swait.ge [sflag:s22], $0x100  }
0x1b4: {  	[sflag:s22] =	ssyncset.done $0x0  }
0x1b5: {  	s13 =	rddreg [dreg:$0x4];
	[sflag:s22] =	ssyncadd.s32 $0xFFFFFF00  }
0x1b6: {  	[tilespmem:s23], [sflag:$0x2] =	stream.indirect.gather [hbm4b:s4+s20], $0x80, s17, s20, $0xb8;
	[tilespmem:$0x1C000] =	vst v63  }
0x1b7: {  	s13 =	sadd.s32 s14, s13  }
0x1b8: {  	[tilespmem:s18], [sflag:$0x9] =	stream.linear.gather [hbm4b:s13+s3], $0x100, $0x38;
	[tilespmem:$0x1C000] =	vst v63  }
0x1b9: {  	_ =	swait.ge [sflag:s16], $0x2800  }
0x1ba: {  	[sflag:s16] =	ssyncset.done $0x0  }
0x1bb: {  	[sflag:s16] =	ssyncadd.s32 $0xFFFFD800  }
0x1bc: {  	[spmem:s1] =	stream.indirect.scatter.add.f32 [tilespmem:s21], [sflag:$0x4], $0x80, s24, s20, $0xb8;
	[tilespmem:$0x1C000] =	vst v63  }
0x1bd: {  	_ =	swait.ge [sflag:s11], $0x2800  }
0x1be: {  	p0 =	sne.s32 s7, $0xD80;
	[sflag:s11] =	ssyncset.done $0x0  }
.Ltmp2:
0x1bf: {  	[sflag:s11] =	ssyncadd.s32 $0xFFFFD800;
	(pc) =	sbr.rel @p0 .LBB2_6-.Ltmp2, $4  }
0x1c0: {  	_ =	swait.ge [sflag:s25], $0x100  }
0x1c1: {  	s7 =	sadd.s32 $0x180, s7;
	[sflag:s25] =	ssyncset.done $0x0;
	s13 =	rddreg [dreg:$0x3]  }
0x1c2: {  	s12 =	sadd.s32 $0xC00, s12;
	[sflag:s25] =	ssyncadd.s32 $0xFFFFFF00;
	s14 =	sadd.s32 s14, s13  }
0x1c3: {  	[tilespmem:s26], [sflag:$0x3] =	stream.indirect.gather [hbm4b:s4+s20], $0x80, s18, s20, $0xb8;
	[tilespmem:$0x1C000] =	vst v63  }
0x1c4: {  	[tilespmem:s28], [sflag:$0xA] =	stream.linear.gather [hbm4b:s14+s3], $0x100, $0x38;
	[tilespmem:$0x1C000] =	vst v63  }
0x1c5: {  	_ =	swait.ge [sflag:s29], $0x2800  }
0x1c6: {  	[sflag:s29] =	ssyncset.done $0x0  }
0x1c7: {  	[sflag:s29] =	ssyncadd.s32 $0xFFFFD800  }
0x1c8: {  	[spmem:s1] =	stream.indirect.scatter.add.f32 [tilespmem:s23], [sflag:$0x5], $0x80, s30, s20, $0xb8;
	[tilespmem:$0x1C000] =	vst v63  }
0x1c9: {  	_ =	swait.ge [sflag:s31], $0x2800  }
0x1ca: {  	[sflag:s31] =	ssyncset.done $0x0  }
0x1cb: {  	[sflag:s31] =	ssyncadd.s32 $0xFFFFD800  }
0x1cc: {  	_ =	swait.ge [sflag:s0], $0x100  }
0x1cd: {  	[sflag:s0] =	ssyncset.done $0x0  }
0x1ce: {  	[sflag:s0] =	ssyncadd.s32 $0xFFFFFF00  }
0x1cf: {  	[tilespmem:s21], [sflag:$0x1] =	stream.indirect.gather [hbm4b:s4+s20], $0x80, s28, s20, $0xb8;
	[tilespmem:$0x1C000] =	vst v63  }
0x1d0: {  	s7 =	rddreg [dreg:$0x12]  }
0x1d1: {  	[tilespmem:s3], [sflag:$0x7] =	stream.linear.gather [hbm4b:s7+s3], $0x100, $0x38;
	[tilespmem:$0x1C000] =	vst v63  }
0x1d2: {  	_ =	swait.ge [sflag:s2], $0x2800  }
0x1d3: {  	[sflag:s2] =	ssyncset.done $0x0  }
0x1d4: {  	[sflag:s2] =	ssyncadd.s32 $0xFFFFD800  }
0x1d5: {  	[spmem:s1] =	stream.indirect.scatter.add.f32 [tilespmem:s26], [sflag:$0x6], $0x80, s8, s20, $0xb8;
	[tilespmem:$0x1C000] =	vst v63  }
0x1d6: {  	_ =	swait.ge [sflag:s9], $0x2800  }
0x1d7: {  	[sflag:s9] =	ssyncset.done $0x0  }
0x1d8: {  	[sflag:s9] =	ssyncadd.s32 $0xFFFFD800  }
0x1d9: {  	_ =	swait.ge [sflag:s19], $0x100  }
0x1da: {  	[sflag:s19] =	ssyncset.done $0x0  }
0x1db: {  	[sflag:s19] =	ssyncadd.s32 $0xFFFFFF00  }
0x1dc: {  	[tilespmem:s23], [sflag:$0x2] =	stream.indirect.gather [hbm4b:s4+s20], $0x80, s3, s20, $0xb8;
	[tilespmem:$0x1C000] =	vst v63  }
0x1dd: {  	_ =	swait.ge [sflag:s16], $0x2800  }
0x1de: {  	[sflag:s16] =	ssyncset.done $0x0  }
0x1df: {  	[sflag:s16] =	ssyncadd.s32 $0xFFFFD800  }
0x1e0: {  	[spmem:s1] =	stream.indirect.scatter.add.f32 [tilespmem:s21], [sflag:$0x4], $0x80, s10, s20, $0xb8;
	[tilespmem:$0x1C000] =	vst v63  }
0x1e1: {  	_ =	swait.ge [sflag:s11], $0x2800  }
0x1e2: {  	[sflag:s11] =	ssyncset.done $0x0  }
0x1e3: {  	[sflag:s11] =	ssyncadd.s32 $0xFFFFD800  }
0x1e4: {  	_ =	swait.ge [sflag:s29], $0x2800  }
0x1e5: {  	[sflag:s29] =	ssyncset.done $0x0  }
0x1e6: {  	[sflag:s29] =	ssyncadd.s32 $0xFFFFD800  }
0x1e7: {  	[spmem:s1] =	stream.indirect.scatter.add.f32 [tilespmem:s23], [sflag:$0x5], $0x80, s24, s20, $0xb8;
	[tilespmem:$0x1C000] =	vst v63  }
0x1e8: {  	_ =	swait.ge [sflag:s31], $0x2800  }
0x1e9: {  	[sflag:s31] =	ssyncset.done $0x0  }
0x1ea: {  	[sflag:s31] =	ssyncadd.s32 $0xFFFFD800  }
0x1eb: {  	_ =	swait.ge [sflag:s9], $0x2800  }
0x1ec: {  	[sflag:s9] =	ssyncset.done $0x0  }
0x1ed: {  	s14 =	stileid.u32;
	[sflag:s9] =	ssyncadd.s32 $0xFFFFD800  }
0x1ee: {  	s7 =	sshll.u32 s14, $0x6;
	[bflag:$0x0] =	sbarrier.arrive $0xFFFF  }
0x1ef: {  	s12 =	sshrl.u32 s6, $0x3;
	s7 =	sor.u32 $0x1C0B, s7;
	s13 =	rddreg [dreg:$0x13]  }
0x1f0: {  	[hbm:s13], [sflag:s7] =	dma.local [spmem:s12], $0x2800  }
0x1f1: {  	s12 =	simm.s32 $0xB  }
0x1f2: {  	_ =	swait.ge [sflag:s12], $0x2800  }
0x1f3: {  	s7 =	rddreg [dreg:$0x16]  }
0x1f4: {  	s14 =	rddreg [dreg:$0x14];
	s13 =	sadd.s32 $0x1, s7  }
0x1f5: {  	p0 =	sne.s32 s13, s14  }
.Ltmp3:
0x1f6: {  	_ = 	snop;
	(pc) =	sbr.rel @p0 .LBB2_1-.Ltmp3, $3  }
0x1f7: {  	_ =	sdelay $0x1  }
0x1f8: {  	[sflag:s12] =	ssyncset.done $0x0  }
0x1f9: {  	[sflag:s12] =	ssyncadd.s32 $0xFFFFD800  }
0x1fa: {  	_ =	sfence.sel $0x180000  }
0x1fb: {  	[bflag:$0x0] =	sbarrier.arrive $0xFFFF  }
0x1fc: {  	_ =	strace $0x9000004A  }
0x1fd: {  	s0 =	stileid.u32;
	[bflag:$0x2] =	sbarrier.arrive $0xFFFF  }
0x1fe: {  	p0 =	sne.s32 s0, $0x0;
	s0 =	rddreg [dreg:$0x2]  }
0x1ff: {  	s0 =	sadd.s32 @!p0 $0x100000, s0  }
0x200: {  	[sflag:s0] =	ssyncadd.tile.s32 @!p0 $0x1;
	_ =	shalt  }
.Lfunc_end2:
_tile_overlayer_lowered:
.L_overlay_start_2:
0x201: {  	(tag) =	ssettag $0x2  }
0x202: {  	s0 =	rddreg [dreg:$0x0];
	s2 =	stileid.u32  }
0x203: {  	s1 =	rddreg [dreg:$0x1];
	p0 =	sne.s32 s2, $0x0  }
0x204: {  	s3 =	rddreg [dreg:$0x2];
	[bflag:$0x3] =	sbarrier.arrive $0xFFFF;
	s2 =	simm.s32 @!p0 $0x1C0B  }
0x205: {  	[timem:s3], [sflag:s2] =	dma.local @!p0 [hbm:s0], s1  }
0x206: {  	s0 =	simm.s32 @!p0 $0xB  }
0x207: {  	_ =	swait.ge @!p0 [sflag:s0], s1  }
0x208: {  	s1 =	ssub.s32 @!p0 $0x0, s1;
	[sflag:s0] =	ssyncset.done @!p0 $0x0  }
0x209: {  	[sflag:s0] =	ssyncadd.s32 @!p0 s1  }
0x20a: {  	[bflag:$0x3] =	sbarrier.arrive $0xFFFF  }
0x20b: {  	_ =	shalt  }

// kernel: kernel.14.cloned.1.call-start
scs
__scs_entry_jumppad:
0x0: {  	(pc) =	sbr.rel $0x88, $3  }
0x1: {  	(tag) =	ssettag $0x0;
	lr =	simm.s32 $0x1  }
0x2: {  	[smem:$0x3F9C] =	sst lr;
	_ =	strace $0xD0000000  }
0x3: {  	_ = 	snop  }
0x4: {  	_ = 	snop  }
0x5: {  	_ = 	snop  }
0x6: {  	_ = 	snop  }
0x7: {  	_ = 	snop  }
__scs_overlays_trampoline_lowered:
0x8: {  	[smem:$0x3FAB] =	sst s0  }
0x9: {  	[smem:$0x3FAC] =	sst s1  }
0xa: {  	[smem:$0x3FAD] =	sst s2  }
0xb: {  	[smem:$0x3FAE] =	sst s3  }
0xc: {  	[smem:$0x3FAF] =	sst s4  }
0xd: {  	[smem:$0x3FB0] =	sst s5  }
0xe: {  	[smem:$0x3FB1] =	sst s6  }
0xf: {  	[smem:$0x3FB2] =	sst s7  }
0x10: {  	[smem:$0x3FB3] =	sst s8  }
0x11: {  	[smem:$0x3FB4] =	sst s9;
	s0 =	simm.s32 @!p0 $0x0  }
0x12: {  	s1 =	sld [smem:$0x3F9A];
	s0 =	simm.s32 @p0 $0x1  }
0x13: {  	[smem:$0x3FB5] =	sst s0;
	s0 =	simm.s32 @!p1 $0x0  }
0x14: {  	s2 =	sld [smem:$0x3F99];
	s0 =	simm.s32 @p1 $0x1  }
0x15: {  	[smem:$0x3FB6] =	sst s0;
	s0 =	simm.s32 @!p2 $0x0  }
0x16: {  	s3 =	sld [smem:$0x3FDB];
	s0 =	simm.s32 @p2 $0x1  }
0x17: {  	s4 =	simm.s32 $0x1BF5;
	[smem:$0x3FB8] =	sst s0  }
0x18: {  	s0 =	sld [smem:$0x3F9B];
	_ =	swait.ge [sflag:s4], $0x0  }
0x19: {  	s7 =	sld [smem:$0x3F9C]  }
0x1a: {  	s8 =	sadd.s32 $0xFFFFE003, lr  }
0x1b: {  	s9 =	sadd.s32 $0xFFFFFEF7, lr;
	s5 =	simm.s32 $0xFFFFFFFF;
	p2 =	slt.u32 s8, $0xFFFFF086  }
0x1c: {  	p1 =	slt.u32 s9, $0xF7A;
	s5 =	simm.s32 @!p2 $0x0  }
0x1d: {  	s5 =	simm.s32 @p1 $0x1;
	p0 =	seq.s32 s7, s2  }
0x1e: {  	s7 =	smul.u32 @!p0 $0xF7A, s2;
	p2 =	seq.s32 @!p0 s5, $0x0  }
0x1f: {  	s9 =	smul.u32 $0xF7A, s1;
	s8 =	simm.s32 @!p0 $0x1BF5;
	p2 =	por !p2, p0  }
0x20: {  	[sflag:s8] =	ssyncset.s32 @!p0 $0xFFFFF086;
	s6 =	sadd.s32 @!p0 s3, s7;
	s7 =	simm.s32 @!p0 $0x108  }
0x21: {  	s3 =	sadd.s32 s3, s9;
	s6 =	sadd.s32 @!p0 $0x88, s6;
	s7 =	simm.s32 @p2 $0x1082  }
0x22: {  	[simem:s7], [sflag:s8] =	dma.local @!p0 [hbm:s6], $0xF7A  }
0x23: {  	s9 =	sor.u32 $0xD0000000, s2;
	s6 =	simm.s32 $0x108;
	_ =	swait.ge @!p0 [sflag:s8], $0x0  }
0x24: {  	s3 =	sadd.s32 $0x88, s3;
	s6 =	simm.s32 @!p1 $0x1082;
	[sflag:s4] =	ssyncset.s32 $0xFFFFF086  }
0x25: {  	[simem:s6], [sflag:s4] =	dma.local [hbm:s3], $0xF7A  }
0x26: {  	[smem:$0x3F9C] =	sst s1;
	(tag) =	ssettag s2;
	_ =	strace s9  }
0x27: {  	s1 =	sld [smem:$0x3FAC]  }
0x28: {  	s2 =	sld [smem:$0x3FAD]  }
0x29: {  	s4 =	sld [smem:$0x3FAF]  }
0x2a: {  	p0 =	seq.s32 s5, $0x0;
	s5 =	sld [smem:$0x3FB0]  }
0x2b: {  	s6 =	sld [smem:$0x3FB1]  }
0x2c: {  	s7 =	sld [smem:$0x3FB2]  }
0x2d: {  	s3 =	simm.s32 $0x108;
	s8 =	sld [smem:$0x3FB3]  }
0x2e: {  	s3 =	simm.s32 @!p0 $0x1082;
	s9 =	sld [smem:$0x3FB4]  }
0x2f: {  	lr =	sadd.s32 s0, s3;
	s0 =	sld [smem:$0x3FAB]  }
0x30: {  	s3 =	sld [smem:$0x3FAE]  }
0x31: {  	[smem:$0x3FB7] =	sst s10  }
0x32: {  	s10 =	sld [smem:$0x3FB5];
	_ =	sdelay $0x3  }
0x33: {  	p0 =	seq.s32 s10, $0x1;
	s10 =	sld [smem:$0x3FB7];
	_ =	sdelay $0x3  }
0x34: {  	[smem:$0x3FB7] =	sst s10  }
0x35: {  	s10 =	sld [smem:$0x3FB6];
	_ =	sdelay $0x3  }
0x36: {  	p1 =	seq.s32 s10, $0x1;
	s10 =	sld [smem:$0x3FB7];
	_ =	sdelay $0x3  }
0x37: {  	[smem:$0x3FB7] =	sst s10  }
0x38: {  	s10 =	sld [smem:$0x3FB8]  }
0x39: {  	_ = 	snop;
	(pc) =	sbr.ind lr, $3  }
0x3a: {  	_ = 	snop  }
0x3b: {  	_ = 	snop  }
0x3c: {  	p2 =	seq.s32 s10, $0x1;
	s10 =	sld [smem:$0x3FB7]  }
0x3d: {  	_ =	shalt  }
0x3e: {  	_ =	shalt  }
0x3f: {  	_ =	shalt  }
0x40: {  	_ =	shalt  }
0x41: {  	_ =	shalt  }
0x42: {  	_ =	shalt  }
0x43: {  	_ =	shalt  }
0x44: {  	_ =	shalt  }
0x45: {  	_ =	shalt  }
0x46: {  	_ =	shalt  }
0x47: {  	_ =	shalt  }
0x48: {  	_ =	shalt  }
0x49: {  	_ =	shalt  }
0x4a: {  	_ =	shalt  }
0x4b: {  	_ =	shalt  }
0x4c: {  	_ =	shalt  }
0x4d: {  	_ =	shalt  }
0x4e: {  	_ =	shalt  }
0x4f: {  	_ =	shalt  }
0x50: {  	_ =	shalt  }
0x51: {  	_ =	shalt  }
0x52: {  	_ =	shalt  }
0x53: {  	_ =	shalt  }
0x54: {  	_ =	shalt  }
0x55: {  	_ =	shalt  }
0x56: {  	_ =	shalt  }
0x57: {  	_ =	shalt  }
0x58: {  	_ =	shalt  }
0x59: {  	_ =	shalt  }
0x5a: {  	_ =	shalt  }
0x5b: {  	_ =	shalt  }
0x5c: {  	_ =	shalt  }
0x5d: {  	_ =	shalt  }
0x5e: {  	_ =	shalt  }
0x5f: {  	_ =	shalt  }
0x60: {  	_ =	shalt  }
0x61: {  	_ =	shalt  }
0x62: {  	_ =	shalt  }
0x63: {  	_ =	shalt  }
0x64: {  	_ =	shalt  }
0x65: {  	_ =	shalt  }
0x66: {  	_ =	shalt  }
0x67: {  	_ =	shalt  }
0x68: {  	_ =	shalt  }
0x69: {  	_ =	shalt  }
0x6a: {  	_ =	shalt  }
0x6b: {  	_ =	shalt  }
0x6c: {  	_ =	shalt  }
0x6d: {  	_ =	shalt  }
0x6e: {  	_ =	shalt  }
0x6f: {  	_ =	shalt  }
0x70: {  	_ =	shalt  }
0x71: {  	_ =	shalt  }
0x72: {  	_ =	shalt  }
0x73: {  	_ =	shalt  }
0x74: {  	_ =	shalt  }
0x75: {  	_ =	shalt  }
0x76: {  	_ =	shalt  }
0x77: {  	_ =	shalt  }
0x78: {  	_ =	shalt  }
0x79: {  	_ =	shalt  }
0x7a: {  	_ =	shalt  }
0x7b: {  	_ =	shalt  }
0x7c: {  	_ =	shalt  }
0x7d: {  	_ =	shalt  }
0x7e: {  	_ =	shalt  }
0x7f: {  	_ =	shalt  }
0x80: {  	_ =	shalt  }
0x81: {  	_ =	shalt  }
0x82: {  	_ =	shalt  }
0x83: {  	_ =	shalt  }
0x84: {  	_ =	shalt  }
0x85: {  	_ =	shalt  }
0x86: {  	_ =	shalt  }
0x87: {  	_ =	shalt  }
.Lfunc_end0:
.L_simem_size_0:
called_computation.2_lowered:
.L_overlay_start_0:
0x88: {  	s2 =	sld [smem:$0x3FD9]  }
0x89: {  	s3 =	sld [smem:$0x3FFE];
	_ =	sdelay $0x1  }
0x8a: {  	s1 =	srdreg.scid  }
0x8b: {  	s0 =	sand.u32 $0x1, s1  }
0x8c: {  	s16 =	sshll.u32 s0, $0xA;
	s2 =	sadd.s32 s3, s2  }
0x8d: {  	s2 =	sadd.s32 s2, s16  }
0x8e: {  	[smem:$0x3FC3] =	sst s2  }
0x8f: {  	_ = 	snop  }
0x90: {  	(tm) =	ssettm $0x1  }
0x91: {  	s17 =	sld [smem:$0x3FFB];
	_ =	sdelay $0x3  }
0x92: {  	_ =	strace s17  }
0x93: {  	s2 =	sld [smem:$0x3FFC];
	_ =	sdelay $0x3  }
0x94: {  	_ =	strace s2  }
0x95: {  	s2 =	sld [smem:$0x3FFD];
	_ =	sdelay $0x3  }
0x96: {  	_ =	strace s2  }
0x97: {  	_ =	strace $0x8FFFFFFF  }
0x98: {  	s18 =	sld [smem:$0x3FDB];
	_ =	sdelay $0x1  }
0x99: {  	s19 =	simm.s32 $_scs_section_size  }
0x9a: {  	s4 =	simm.s32 $_size__tile_overlayer_lowered;
	s5 =	simm.s32 $_tile_overlayer_lowered  }
0x9b: {  	s22 =	simm.s32 $0x1BFF;
	s21 =	sshll.u32 s5, $0x1;
	s2 =	sadd.s32 s19, s18  }
0x9c: {  	s6 =	simm.s32 $0x0;
	s20 =	sshll.u32 s4, $0x1;
	s4 =	sadd.s32 s21, s2  }
0x9d: {  	[timem:s6], [sflag:s22] =	dma.local [hbm:s4], s20  }
0x9e: {  	_ =	swait.ge [sflag:s22], s20  }
0x9f: {  	s3 =	ssub.s32 $0x0, s20;
	[sflag:s22] =	ssyncset.done $0x0  }
0xa0: {  	[sflag:s22] =	ssyncadd.s32 s3;
	_ =	sdelay $0x1  }
0xa1: {  	s23 =	simm.s32 $0x1B8B  }
0xa2: {  	_ =	swait.ge [sflag:s23], $0x1  }
0xa3: {  	[sflag:s23] =	ssyncset.done $0x0  }
0xa4: {  	s25 =	simm.s32 $0x1B8E;
	s24 =	sld [smem:$0x3FFE];
	[sflag:s23] =	ssyncadd.s32 $0xFFFFFFFF  }
0xa5: {  	s26 =	simm.s32 $execute0_lowered;
	[smem:$0x3FD2] =	sst s25  }
0xa6: {  	s4 =	sshll.u32 s26, $0x1;
	_ =	strace $0x8000004C;
	[dreg:$0x1] =	wrdreg $0xFFFFFFFF  }
0xa7: {  	s28 =	simm.s32 $_size_execute0_lowered;
	s2 =	sadd.s32 s2, s4;
	[dreg:$0x0] =	wrdreg $0x0  }
0xa8: {  	s4 =	sshll.u32 s28, $0x1;
	[dreg:$0x2] =	wrdreg s2  }
0xa9: {  	[dreg:$0x3] =	wrdreg s4  }
0xaa: {  	[dreg:$0x4] =	wrdreg $0xC0  }
0xab: {  	_ =	task [dreg:s6], $0x5FFFF  }
0xac: {  	[dreg:$0x1] =	wrdreg $0xFFFFFFFF  }
0xad: {  	[dreg:$0x0] =	wrdreg $0x60  }
0xae: {  	[dreg:$0x2] =	wrdreg s24  }
0xaf: {  	[dreg:$0x3] =	wrdreg $0x80000  }
0xb0: {  	[dreg:$0x4] =	wrdreg $0x9  }
0xb1: {  	_ =	task.clear_ibuf [dreg:s6], $0x5FFFF;
	_ =	strace $0x9000004C  }
0xb2: {  	s29 =	simm.s32 $0x9;
	_ =	strace $0x8000004E  }
0xb3: {  	_ =	swait.ge [sflag:s29], $0x1  }
0xb4: {  	[sflag:s29] =	ssyncadd.s32 $0xFFFFFFFF  }
0xb5: {  	_ =	strace $0x9000004E  }
0xb6: {  	_ =	sfence  }
0xb7: {  	s30 =	sld [smem:$0x0];
	_ =	sdelay $0x2  }
0xb8: {  	s31 =	sshll.u32 s1, $0xD;
	s1 =	sshrl.u32 s1, $0x2  }
0xb9: {  	s3 =	sand.u32 $0x4000, s31;
	s1 =	sadd.s32 s1, s30  }
0xba: {  	s0 =	sor.u32 s3, s0;
	s1 =	sshll.u32 s1, $0x11  }
0xbb: {  	s0 =	sor.u32 s1, s0  }
0xbc: {  	s0 =	sadd.s32 $0x8F2B, s0  }
0xbd: {  	[sflag:s0] =	ssyncadd.remote.s32 $0x1  }
0xbe: {  	_ =	sfence.sel $0xFFFF  }
0xbf: {  	[dreg:$0x0] =	wrdreg $0xFFFFFFFF;
	(pc) =	sbr.abs _section_cstart, $3  }
0xc0: {  	[dreg:$0x1] =	wrdreg $0xFFFFFFFF  }
0xc1: {  	_ =	task.clear_ibuf [dreg:s6], $0x2FFFF;
	_ =	strace $0x9FFFFFFF  }
0xc2: {  	(tm) =	ssettm $0x7FFFFFFF  }
0xc3: {  	_ =	shalt  }
tec
execute0_lowered:
.L_overlay_start_1:
0x0: {  	(tag) =	ssettag $0x1  }
0x1: {  	s0 =	rddreg [dreg:$0x0]  }
0x2: {  	s1 =	rddreg [dreg:$0x1];
	s3 =	simm.s32 $0x0  }
0x3: {  	s2 =	srdreg.scid;
	s10 =	stileid.u32;
	s28 =	simm.s32 $0x300  }
0x4: {  	s29 =	simm.s32 $0x2;
	s30 =	simm.s32 $0x180;
	s7 =	smul.u32 $0x14000, s10  }
0x5: {  	s31 =	simm.s32 $0x4;
	s2 =	sand.u32 $0x1, s2;
	s9 =	smul.u32 $0x50000, s10  }
0x6: {  	[smem:$0x7FF] =	sst s3;
	s4 =	sadd.s32 $0x32200, s0;
	s6 =	smul.u32 $0x140000, s2  }
0x7: {  	_ =	strace $0x8000004D;
	s5 =	sshll.u32 s2, $0x4;
	s14 =	ssub.s32 $0x2, s2  }
0x8: {  	s2 =	smul.u32 $0x7D000, s2;
	s8 =	sor.u32 s10, s5;
	s5 =	sadd.s32 $0x12E00, s0  }
0x9: {  	s15 =	sshrl.u32 s14, $0x1;
	s10 =	smul.u32 $0x7D00, s10;
	s6 =	sadd.s32 s7, s6  }
0xa: {  	s16 =	sshrl.u32 s9, $0x2;
	s13 =	smul.u32 $0x7D00, s8;
	s6 =	sshrl.u32 s6, $0x3  }
0xb: {  	s8 =	ssub.s32 s14, s15;
	s2 =	sadd.s32 s10, s2;
	s0 =	sadd.s32 s6, s0  }
0xc: {  	s7 =	sshrl.u32 s13, $0x3;
	s6 =	sadd.s32 s16, s1;
	s18 =	sadd.s32 $0xF00, s2  }
0xd: {  	s20 =	sadd.s32 $0xE00, s2;
	s23 =	sadd.s32 $0xD00, s2;
	s25 =	sadd.s32 $0xB00, s2  }
0xe: {  	s26 =	sadd.s32 $0xA00, s2;
	s12 =	sadd.s32 $0x900, s2;
	s14 =	sadd.s32 $0x800, s2  }
0xf: {  	s15 =	sadd.s32 $0x700, s2;
	s11 =	sadd.s32 s5, s7;
	s9 =	sshrl.u32 s20, $0x3  }
0x10: {  	s24 =	sshrl.u32 s23, $0x3;
	s0 =	sadd.s32 $0x80600, s0;
	[dreg:$0xe] =	wrdreg s11  }
0x11: {  	s10 =	sshrl.u32 s26, $0x3;
	s26 =	smax.u32 s8, $0x1;
	[dreg:$0x13] =	wrdreg s0  }
0x12: {  	s13 =	sshrl.u32 s12, $0x3;
	s7 =	sadd.s32 $0x20, s11;
	[dreg:$0x14] =	wrdreg s26  }
0x13: {  	s8 =	simm.s32 $0x280;
	s17 =	sadd.s32 $0x40, s11;
	[dreg:$0xf] =	wrdreg s7  }
0x14: {  	s19 =	sadd.s32 $0x60, s11;
	s21 =	sadd.s32 $0xF80, s11;
	[dreg:$0x10] =	wrdreg s17  }
0x15: {  	s22 =	sadd.s32 s9, s5;
	s9 =	sshrl.u32 s25, $0x3;
	[dreg:$0x11] =	wrdreg s19  }
0x16: {  	s11 =	sadd.s32 s10, s5;
	s26 =	simm.s32 $0x5400;
	[dreg:$0x12] =	wrdreg s21  }
0x17: {  	s0 =	simm.s32 $0xA;
	s10 =	simm.s32 $0x380;
	[dreg:$0x4] =	wrdreg s22  }
0x18: {  	s7 =	sshrl.u32 s18, $0x3;
	s9 =	sadd.s32 s9, s5;
	[dreg:$0x7] =	wrdreg s11  }
0x19: {  	s17 =	sshrl.u32 s15, $0x3;
	s19 =	sadd.s32 $0x600, s2;
	s21 =	sadd.s32 $0x500, s2  }
0x1a: {  	s22 =	sadd.s32 $0x400, s2;
	s2 =	sadd.s32 $0xC00, s2;
	s15 =	simm.s32 $0x7C00  }
0x1b: {  	s11 =	simm.s32 $0x6;
	s7 =	sadd.s32 s7, s5;
	[dreg:$0x6] =	wrdreg s9  }
0x1c: {  	s9 =	sshrl.u32 s14, $0x3;
	s18 =	sadd.s32 s17, s5;
	s20 =	sshrl.u32 s19, $0x3  }
0x1d: {  	[dreg:$0x15] =	wrdreg s2;
	s17 =	simm.s32 $0x100;
	s19 =	simm.s32 $0x7  }
0x1e: {  	s2 =	simm.s32 $0x3;
	[dreg:$0x3] =	wrdreg s7;
	s7 =	sadd.s32 s24, s5  }
0x1f: {  	s16 =	sadd.s32 s9, s5;
	[dreg:$0xa] =	wrdreg s18;
	s9 =	sshrl.u32 s21, $0x3  }
0x20: {  	s24 =	sshrl.u32 s22, $0x3;
	s18 =	simm.s32 $0x200;
	s21 =	simm.s32 $0x400  }
0x21: {  	s22 =	simm.s32 $0x8;
	[dreg:$0x5] =	wrdreg s7;
	s7 =	sadd.s32 s13, s5  }
0x22: {  	[dreg:$0x9] =	wrdreg s16;
	s23 =	sadd.s32 s9, s5;
	s25 =	sadd.s32 s24, s5  }
0x23: {  	s16 =	simm.s32 $0x1;
	s24 =	simm.s32 $0x80;
	[dreg:$0x8] =	wrdreg s7  }
0x24: {  	s9 =	simm.s32 $0x5;
	s13 =	simm.s32 $0x0;
	[dreg:$0xc] =	wrdreg s23  }
0x25: {  	s7 =	sadd.s32 s20, s5;
	[dreg:$0xd] =	wrdreg s25;
	s20 =	simm.s32 $0x50  }
0x26: {  	v0 =	vimm.f32 $0.0e+00;
	s23 =	simm.s32 $0x2C00;
	s25 =	simm.s32 $0x9;
	[dreg:$0xb] =	wrdreg s7  }
.LBB2_1:
0x27: {  	[tilespmem:$0x7C00] =	vst v0  }
0x28: {  	[tilespmem:$0x7C10] =	vst v0  }
0x29: {  	[tilespmem:$0x7C20] =	vst v0  }
0x2a: {  	[tilespmem:$0x7C30] =	vst v0  }
0x2b: {  	[tilespmem:$0x7C40] =	vst v0  }
0x2c: {  	[tilespmem:$0x7C50] =	vst v0  }
0x2d: {  	[tilespmem:$0x7C60] =	vst v0  }
0x2e: {  	[tilespmem:$0x7C70] =	vst v0  }
0x2f: {  	[tilespmem:$0x7C80] =	vst v0  }
0x30: {  	[tilespmem:$0x7C90] =	vst v0  }
0x31: {  	[tilespmem:$0x7CA0] =	vst v0  }
0x32: {  	[tilespmem:$0x7CB0] =	vst v0  }
0x33: {  	[tilespmem:$0x7CC0] =	vst v0  }
0x34: {  	[tilespmem:$0x7CD0] =	vst v0  }
0x35: {  	[tilespmem:$0x7CE0] =	vst v0  }
0x36: {  	[tilespmem:$0x7CF0] =	vst v0  }
0x37: {  	[tilespmem:$0x7D00] =	vst v0  }
0x38: {  	[tilespmem:$0x7D10] =	vst v0  }
0x39: {  	[tilespmem:$0x7D20] =	vst v0  }
0x3a: {  	[tilespmem:$0x7D30] =	vst v0  }
0x3b: {  	[tilespmem:$0x7D40] =	vst v0  }
0x3c: {  	[tilespmem:$0x7D50] =	vst v0  }
0x3d: {  	[tilespmem:$0x7D60] =	vst v0  }
0x3e: {  	[tilespmem:$0x7D70] =	vst v0  }
0x3f: {  	[tilespmem:$0x7D80] =	vst v0  }
0x40: {  	[tilespmem:$0x7D90] =	vst v0  }
0x41: {  	[tilespmem:$0x7DA0] =	vst v0  }
0x42: {  	[tilespmem:$0x7DB0] =	vst v0  }
0x43: {  	[tilespmem:$0x7DC0] =	vst v0  }
0x44: {  	[tilespmem:$0x7DD0] =	vst v0  }
0x45: {  	[tilespmem:$0x7DE0] =	vst v0  }
0x46: {  	[tilespmem:$0x7DF0] =	vst v0  }
0x47: {  	[tilespmem:$0x7E00] =	vst v0  }
0x48: {  	[tilespmem:$0x7E10] =	vst v0  }
0x49: {  	[tilespmem:$0x7E20] =	vst v0  }
0x4a: {  	[tilespmem:$0x7E30] =	vst v0  }
0x4b: {  	[tilespmem:$0x7E40] =	vst v0  }
0x4c: {  	[tilespmem:$0x7E50] =	vst v0  }
0x4d: {  	[tilespmem:$0x7E60] =	vst v0  }
0x4e: {  	[tilespmem:$0x7E70] =	vst v0  }
0x4f: {  	[tilespmem:$0x7E80] =	vst v0  }
0x50: {  	[tilespmem:$0x7E90] =	vst v0  }
0x51: {  	[tilespmem:$0x7EA0] =	vst v0  }
0x52: {  	[tilespmem:$0x7EB0] =	vst v0  }
0x53: {  	[tilespmem:$0x7EC0] =	vst v0  }
0x54: {  	[tilespmem:$0x7ED0] =	vst v0  }
0x55: {  	[tilespmem:$0x7EE0] =	vst v0  }
0x56: {  	[tilespmem:$0x7EF0] =	vst v0  }
0x57: {  	[tilespmem:$0x7F00] =	vst v0  }
0x58: {  	[tilespmem:$0x7F10] =	vst v0  }
0x59: {  	[tilespmem:$0x7F20] =	vst v0  }
0x5a: {  	[tilespmem:$0x7F30] =	vst v0  }
0x5b: {  	[tilespmem:$0x7F40] =	vst v0  }
0x5c: {  	[tilespmem:$0x7F50] =	vst v0  }
0x5d: {  	[tilespmem:$0x7F60] =	vst v0  }
0x5e: {  	[tilespmem:$0x7F70] =	vst v0  }
0x5f: {  	[tilespmem:$0x7F80] =	vst v0  }
0x60: {  	[tilespmem:$0x7F90] =	vst v0  }
0x61: {  	[tilespmem:$0x7FA0] =	vst v0  }
0x62: {  	[tilespmem:$0x7FB0] =	vst v0  }
0x63: {  	[tilespmem:$0x7FC0] =	vst v0  }
0x64: {  	[tilespmem:$0x7FD0] =	vst v0  }
0x65: {  	[tilespmem:$0x7FE0] =	vst v0  }
0x66: {  	[tilespmem:$0x7FF0] =	vst v0;
	s7 =	simm.s32 $0x0  }
.LBB2_2:
0x67: {  	p0 =	sne.s32 s7, $0x4F000  }
.Ltmp0:
0x68: {  	_ = 	snop;
	(pc) =	sbr.rel @p0 .LBB2_2-.Ltmp0, $4  }
0x69: {  	_ = 	snop  }
0x6a: {  	s12 =	sshra.s32 s7, $0x2  }
0x6b: {  	s7 =	sadd.s32 $0x1000, s7;
	s12 =	sadd.s32 s12, s6  }
0x6c: {  	[spmem:s12] =	stream.linear.scatter [tilespmem:s15], [sflag:$0x1], $0x400, $0x38;
	[tilespmem:$0x1C000] =	vst v63  }
0x6d: {  	[dreg:$0x16] =	wrdreg s13  }
0x6e: {  	_ =	swait.ge [sflag:s16], $0x400  }
0x6f: {  	s7 =	simm.s32 $0x4F;
	[sflag:s16] =	ssyncset.done $0x0  }
.LBB2_4:
0x70: {  	p0 =	sne.s32 s7, $0x1;
	s7 =	sadd.s32 $0xFFFFFFFF, s7;
	[sflag:s16] =	ssyncadd.s32 $0xFFFFFC00  }
.Ltmp1:
0x71: {  	(pc) =	sbr.rel @p0 .LBB2_4-.Ltmp1, $3  }
0x72: {  	_ =	sdelay $0x1  }
0x73: {  	_ =	swait.ge [sflag:s16], $0x400  }
0x74: {  	[sflag:s16] =	ssyncset.done $0x0  }
0x75: {  	[sflag:s16] =	ssyncadd.s32 $0xFFFFFC00  }
0x76: {  	[bflag:$0x0] =	sbarrier.arrive $0xFFFF  }
0x77: {  	s7 =	simm.s32 $0x0;
	s12 =	rddreg [dreg:$0xe]  }
0x78: {  	[tilespmem:s7], [sflag:$0x7] =	stream.linear.gather [hbm4b:s12+s7], $0x100, $0x38;
	[tilespmem:$0x1C000] =	vst v63  }
0x79: {  	s14 =	rddreg [dreg:$0xf]  }
0x7a: {  	[tilespmem:s17], [sflag:$0x8] =	stream.linear.gather [hbm4b:s14+s7], $0x100, $0x38;
	[tilespmem:$0x1C000] =	vst v63  }
0x7b: {  	s13 =	rddreg [dreg:$0x10]  }
0x7c: {  	[tilespmem:s18], [sflag:$0x9] =	stream.linear.gather [hbm4b:s13+s7], $0x100, $0x38;
	[tilespmem:$0x1C000] =	vst v63  }
0x7d: {  	_ =	swait.ge [sflag:s19], $0x100  }
0x7e: {  	[sflag:s19] =	ssyncset.done $0x0  }
0x7f: {  	[sflag:s19] =	ssyncadd.s32 $0xFFFFFF00  }
0x80: {  	[tilespmem:s21], [sflag:$0x1] =	stream.indirect.gather [hbm4b:s4+s20], $0x80, s7, s20, $0xb8;
	[tilespmem:$0x1C000] =	vst v63  }
0x81: {  	_ =	swait.ge [sflag:s22], $0x100  }
0x82: {  	[sflag:s22] =	ssyncset.done $0x0  }
0x83: {  	[sflag:s22] =	ssyncadd.s32 $0xFFFFFF00  }
0x84: {  	[tilespmem:s23], [sflag:$0x2] =	stream.indirect.gather [hbm4b:s4+s20], $0x80, s17, s20, $0xb8;
	[tilespmem:$0x1C000] =	vst v63  }
0x85: {  	_ =	swait.ge [sflag:s16], $0x2800  }
0x86: {  	[sflag:s16] =	ssyncset.done $0x0  }
0x87: {  	[sflag:s16] =	ssyncadd.s32 $0xFFFFD800  }
0x88: {  	[spmem:s1] =	stream.indirect.scatter.add.f32 [tilespmem:s21], [sflag:$0x4], $0x80, s24, s20, $0xb8;
	[tilespmem:$0x1C000] =	vst v63  }
0x89: {  	_ =	swait.ge [sflag:s25], $0x100  }
0x8a: {  	[sflag:s25] =	ssyncset.done $0x0  }
0x8b: {  	[sflag:s25] =	ssyncadd.s32 $0xFFFFFF00  }
0x8c: {  	[tilespmem:s26], [sflag:$0x3] =	stream.indirect.gather [hbm4b:s4+s20], $0x80, s18, s20, $0xb8;
	[tilespmem:$0x1C000] =	vst v63  }
0x8d: {  	s14 =	rddreg [dreg:$0x11]  }
0x8e: {  	[tilespmem:s28], [sflag:$0xA] =	stream.linear.gather [hbm4b:s14+s7], $0x100, $0x38;
	[tilespmem:$0x1C000] =	vst v63  }
0x8f: {  	_ =	swait.ge [sflag:s29], $0x2800  }
0x90: {  	[sflag:s29] =	ssyncset.done $0x0  }
0x91: {  	[sflag:s29] =	ssyncadd.s32 $0xFFFFD800  }
0x92: {  	[spmem:s1] =	stream.indirect.scatter.add.f32 [tilespmem:s23], [sflag:$0x5], $0x80, s30, s20, $0xb8;
	[tilespmem:$0x1C000] =	vst v63  }
0x93: {  	_ =	swait.ge [sflag:s31], $0x2800  }
0x94: {  	[sflag:s31] =	ssyncset.done $0x0  }
0x95: {  	[sflag:s31] =	ssyncadd.s32 $0xFFFFD800  }
0x96: {  	_ =	swait.ge [sflag:s0], $0x100  }
0x97: {  	[sflag:s0] =	ssyncset.done $0x0  }
0x98: {  	s13 =	rddreg [dreg:$0xd];
	[sflag:s0] =	ssyncadd.s32 $0xFFFFFF00  }
0x99: {  	[tilespmem:s21], [sflag:$0x1] =	stream.indirect.gather [hbm4b:s4+s20], $0x80, s28, s20, $0xb8;
	[tilespmem:$0x1C000] =	vst v63  }
0x9a: {  	s7 =	sadd.s32 $0x0, s13  }
0x9b: {  	[tilespmem:s3], [sflag:$0x7] =	stream.linear.gather [hbm4b:s7+s3], $0x100, $0x38;
	[tilespmem:$0x1C000] =	vst v63  }
0x9c: {  	_ =	swait.ge [sflag:s2], $0x2800  }
0x9d: {  	[sflag:s2] =	ssyncset.done $0x0  }
0x9e: {  	[sflag:s2] =	ssyncadd.s32 $0xFFFFD800  }
0x9f: {  	[spmem:s1] =	stream.indirect.scatter.add.f32 [tilespmem:s26], [sflag:$0x6], $0x80, s8, s20, $0xb8;
	[tilespmem:$0x1C000] =	vst v63  }
0xa0: {  	_ =	swait.ge [sflag:s9], $0x2800  }
0xa1: {  	[sflag:s9] =	ssyncset.done $0x0  }
0xa2: {  	[sflag:s9] =	ssyncadd.s32 $0xFFFFD800  }
0xa3: {  	_ =	swait.ge [sflag:s19], $0x100  }
0xa4: {  	[sflag:s19] =	ssyncset.done $0x0  }
0xa5: {  	s14 =	rddreg [dreg:$0xc];
	[sflag:s19] =	ssyncadd.s32 $0xFFFFFF00  }
0xa6: {  	[tilespmem:s23], [sflag:$0x2] =	stream.indirect.gather [hbm4b:s4+s20], $0x80, s3, s20, $0xb8;
	[tilespmem:$0x1C000] =	vst v63  }
0xa7: {  	s7 =	sadd.s32 $0x0, s14  }
0xa8: {  	[tilespmem:s17], [sflag:$0x8] =	stream.linear.gather [hbm4b:s7+s3], $0x100, $0x38;
	[tilespmem:$0x1C000] =	vst v63  }
0xa9: {  	_ =	swait.ge [sflag:s16], $0x2800  }
0xaa: {  	[sflag:s16] =	ssyncset.done $0x0  }
0xab: {  	[sflag:s16] =	ssyncadd.s32 $0xFFFFD800  }
0xac: {  	[spmem:s1] =	stream.indirect.scatter.add.f32 [tilespmem:s21], [sflag:$0x4], $0x80, s10, s20, $0xb8;
	[tilespmem:$0x1C000] =	vst v63  }
0xad: {  	_ =	swait.ge [sflag:s11], $0x2800  }
0xae: {  	[sflag:s11] =	ssyncset.done $0x0  }
0xaf: {  	[sflag:s11] =	ssyncadd.s32 $0xFFFFD800  }
0xb0: {  	_ =	swait.ge [sflag:s22], $0x100  }
0xb1: {  	[sflag:s22] =	ssyncset.done $0x0  }
0xb2: {  	s12 =	rddreg [dreg:$0xb];
	[sflag:s22] =	ssyncadd.s32 $0xFFFFFF00  }
0xb3: {  	[tilespmem:s26], [sflag:$0x3] =	stream.indirect.gather [hbm4b:s4+s20], $0x80, s17, s20, $0xb8;
	[tilespmem:$0x1C000] =	vst v63  }
0xb4: {  	s7 =	sadd.s32 $0x0, s12  }
0xb5: {  	[tilespmem:s18], [sflag:$0x9] =	stream.linear.gather [hbm4b:s7+s3], $0x100, $0x38;
	[tilespmem:$0x1C000] =	vst v63  }
0xb6: {  	_ =	swait.ge [sflag:s29], $0x2800  }
0xb7: {  	[sflag:s29] =	ssyncset.done $0x0  }
0xb8: {  	[sflag:s29] =	ssyncadd.s32 $0xFFFFD800  }
0xb9: {  	[spmem:s1] =	stream.indirect.scatter.add.f32 [tilespmem:s23], [sflag:$0x5], $0x80, s24, s20, $0xb8;
	[tilespmem:$0x1C000] =	vst v63  }
0xba: {  	_ =	swait.ge [sflag:s31], $0x2800  }
0xbb: {  	[sflag:s31] =	ssyncset.done $0x0  }
0xbc: {  	[sflag:s31] =	ssyncadd.s32 $0xFFFFD800  }
0xbd: {  	_ =	swait.ge [sflag:s25], $0x100  }
0xbe: {  	[sflag:s25] =	ssyncset.done $0x0  }
0xbf: {  	s13 =	rddreg [dreg:$0xa];
	[sflag:s25] =	ssyncadd.s32 $0xFFFFFF00  }
0xc0: {  	[tilespmem:s21], [sflag:$0x1] =	stream.indirect.gather [hbm4b:s4+s20], $0x80, s18, s20, $0xb8;
	[tilespmem:$0x1C000] =	vst v63  }
0xc1: {  	s7 =	sadd.s32 $0x0, s13  }
0xc2: {  	[tilespmem:s28], [sflag:$0xA] =	stream.linear.gather [hbm4b:s7+s3], $0x100, $0x38;
	[tilespmem:$0x1C000] =	vst v63  }
0xc3: {  	_ =	swait.ge [sflag:s2], $0x2800  }
0xc4: {  	[sflag:s2] =	ssyncset.done $0x0  }
0xc5: {  	[sflag:s2] =	ssyncadd.s32 $0xFFFFD800  }
0xc6: {  	[spmem:s1] =	stream.indirect.scatter.add.f32 [tilespmem:s26], [sflag:$0x6], $0x80, s30, s20, $0xb8;
	[tilespmem:$0x1C000] =	vst v63  }
0xc7: {  	_ =	swait.ge [sflag:s9], $0x2800  }
0xc8: {  	[sflag:s9] =	ssyncset.done $0x0  }
0xc9: {  	[sflag:s9] =	ssyncadd.s32 $0xFFFFD800  }
0xca: {  	_ =	swait.ge [sflag:s0], $0x100  }
0xcb: {  	[sflag:s0] =	ssyncset.done $0x0  }
0xcc: {  	s14 =	rddreg [dreg:$0x9];
	[sflag:s0] =	ssyncadd.s32 $0xFFFFFF00  }
0xcd: {  	[tilespmem:s23], [sflag:$0x2] =	stream.indirect.gather [hbm4b:s4+s20], $0x80, s28, s20, $0xb8;
	[tilespmem:$0x1C000] =	vst v63  }
0xce: {  	s7 =	sadd.s32 $0x0, s14  }
0xcf: {  	[tilespmem:s3], [sflag:$0x7] =	stream.linear.gather [hbm4b:s7+s3], $0x100, $0x38;
	[tilespmem:$0x1C000] =	vst v63  }
0xd0: {  	_ =	swait.ge [sflag:s16], $0x2800  }
0xd1: {  	[sflag:s16] =	ssyncset.done $0x0  }
0xd2: {  	[sflag:s16] =	ssyncadd.s32 $0xFFFFD800  }
0xd3: {  	[spmem:s1] =	stream.indirect.scatter.add.f32 [tilespmem:s21], [sflag:$0x4], $0x80, s8, s20, $0xb8;
	[tilespmem:$0x1C000] =	vst v63  }
0xd4: {  	_ =	swait.ge [sflag:s11], $0x2800  }
0xd5: {  	[sflag:s11] =	ssyncset.done $0x0  }
0xd6: {  	[sflag:s11] =	ssyncadd.s32 $0xFFFFD800  }
0xd7: {  	_ =	swait.ge [sflag:s19], $0x100  }
0xd8: {  	[sflag:s19] =	ssyncset.done $0x0  }
0xd9: {  	s12 =	rddreg [dreg:$0x8];
	[sflag:s19] =	ssyncadd.s32 $0xFFFFFF00  }
0xda: {  	[tilespmem:s26], [sflag:$0x3] =	stream.indirect.gather [hbm4b:s4+s20], $0x80, s3, s20, $0xb8;
	[tilespmem:$0x1C000] =	vst v63  }
0xdb: {  	s7 =	sadd.s32 $0x0, s12  }
0xdc: {  	[tilespmem:s17], [sflag:$0x8] =	stream.linear.gather [hbm4b:s7+s3], $0x100, $0x38;
	[tilespmem:$0x1C000] =	vst v63  }
0xdd: {  	_ =	swait.ge [sflag:s29], $0x2800  }
0xde: {  	[sflag:s29] =	ssyncset.done $0x0  }
0xdf: {  	[sflag:s29] =	ssyncadd.s32 $0xFFFFD800  }
0xe0: {  	[spmem:s1] =	stream.indirect.scatter.add.f32 [tilespmem:s23], [sflag:$0x5], $0x80, s10, s20, $0xb8;
	[tilespmem:$0x1C000] =	vst v63  }
0xe1: {  	_ =	swait.ge [sflag:s31], $0x2800  }
0xe2: {  	[sflag:s31] =	ssyncset.done $0x0  }
0xe3: {  	[sflag:s31] =	ssyncadd.s32 $0xFFFFD800  }
0xe4: {  	_ =	swait.ge [sflag:s22], $0x100  }
0xe5: {  	[sflag:s22] =	ssyncset.done $0x0  }
0xe6: {  	s13 =	rddreg [dreg:$0x7];
	[sflag:s22] =	ssyncadd.s32 $0xFFFFFF00  }
0xe7: {  	[tilespmem:s21], [sflag:$0x1] =	stream.indirect.gather [hbm4b:s4+s20], $0x80, s17, s20, $0xb8;
	[tilespmem:$0x1C000] =	vst v63  }
0xe8: {  	s7 =	sadd.s32 $0x0, s13  }
0xe9: {  	[tilespmem:s18], [sflag:$0x9] =	stream.linear.gather [hbm4b:s7+s3], $0x100, $0x38;
	[tilespmem:$0x1C000] =	vst v63  }
0xea: {  	_ =	swait.ge [sflag:s2], $0x2800  }
0xeb: {  	[sflag:s2] =	ssyncset.done $0x0  }
0xec: {  	[sflag:s2] =	ssyncadd.s32 $0xFFFFD800  }
0xed: {  	[spmem:s1] =	stream.indirect.scatter.add.f32 [tilespmem:s26], [sflag:$0x6], $0x80, s24, s20, $0xb8;
	[tilespmem:$0x1C000] =	vst v63  }
0xee: {  	_ =	swait.ge [sflag:s9], $0x2800  }
0xef: {  	[sflag:s9] =	ssyncset.done $0x0  }
0xf0: {  	[sflag:s9] =	ssyncadd.s32 $0xFFFFD800  }
0xf1: {  	_ =	swait.ge [sflag:s25], $0x100  }
0xf2: {  	[sflag:s25] =	ssyncset.done $0x0  }
0xf3: {  	s14 =	rddreg [dreg:$0x6];
	[sflag:s25] =	ssyncadd.s32 $0xFFFFFF00  }
0xf4: {  	[tilespmem:s23], [sflag:$0x2] =	stream.indirect.gather [hbm4b:s4+s20], $0x80, s18, s20, $0xb8;
	[tilespmem:$0x1C000] =	vst v63  }
0xf5: {  	s7 =	sadd.s32 $0x0, s14  }
0xf6: {  	[tilespmem:s28], [sflag:$0xA] =	stream.linear.gather [hbm4b:s7+s3], $0x100, $0x38;
	[tilespmem:$0x1C000] =	vst v63  }
0xf7: {  	_ =	swait.ge [sflag:s16], $0x2800  }
0xf8: {  	[sflag:s16] =	ssyncset.done $0x0  }
0xf9: {  	[sflag:s16] =	ssyncadd.s32 $0xFFFFD800  }
0xfa: {  	[spmem:s1] =	stream.indirect.scatter.add.f32 [tilespmem:s21], [sflag:$0x4], $0x80, s30, s20, $0xb8;
	[tilespmem:$0x1C000] =	vst v63  }
0xfb: {  	_ =	swait.ge [sflag:s11], $0x2800  }
0xfc: {  	[sflag:s11] =	ssyncset.done $0x0  }
0xfd: {  	[sflag:s11] =	ssyncadd.s32 $0xFFFFD800  }
0xfe: {  	_ =	swait.ge [sflag:s0], $0x100  }
0xff: {  	[sflag:s0] =	ssyncset.done $0x0;
	s13 =	rddreg [dreg:$0x15]  }
0x100: {  	[sflag:s0] =	ssyncadd.s32 $0xFFFFFF00;
	s12 =	sshrl.u32 s13, $0x3  }
0x101: {  	[tilespmem:s26], [sflag:$0x3] =	stream.indirect.gather [hbm4b:s4+s20], $0x80, s28, s20, $0xb8;
	[tilespmem:$0x1C000] =	vst v63  }
0x102: {  	s7 =	sadd.s32 s5, s12  }
0x103: {  	[tilespmem:s3], [sflag:$0x7] =	stream.linear.gather [hbm4b:s7+s3], $0x100, $0x38;
	[tilespmem:$0x1C000] =	vst v63  }
0x104: {  	_ =	swait.ge [sflag:s29], $0x2800  }
0x105: {  	[sflag:s29] =	ssyncset.done $0x0  }
0x106: {  	[sflag:s29] =	ssyncadd.s32 $0xFFFFD800  }
0x107: {  	[spmem:s1] =	stream.indirect.scatter.add.f32 [tilespmem:s23], [sflag:$0x5], $0x80, s8, s20, $0xb8;
	[tilespmem:$0x1C000] =	vst v63  }
0x108: {  	_ =	swait.ge [sflag:s31], $0x2800  }
0x109: {  	[sflag:s31] =	ssyncset.done $0x0  }
0x10a: {  	[sflag:s31] =	ssyncadd.s32 $0xFFFFD800  }
0x10b: {  	_ =	swait.ge [sflag:s19], $0x100  }
0x10c: {  	[sflag:s19] =	ssyncset.done $0x0  }
0x10d: {  	s14 =	rddreg [dreg:$0x5];
	[sflag:s19] =	ssyncadd.s32 $0xFFFFFF00  }
0x10e: {  	[tilespmem:s21], [sflag:$0x1] =	stream.indirect.gather [hbm4b:s4+s20], $0x80, s3, s20, $0xb8;
	[tilespmem:$0x1C000] =	vst v63  }
0x10f: {  	s7 =	sadd.s32 $0x0, s14  }
0x110: {  	[tilespmem:s17], [sflag:$0x8] =	stream.linear.gather [hbm4b:s7+s3], $0x100, $0x38;
	[tilespmem:$0x1C000] =	vst v63  }
0x111: {  	_ =	swait.ge [sflag:s2], $0x2800  }
0x112: {  	[sflag:s2] =	ssyncset.done $0x0  }
0x113: {  	[sflag:s2] =	ssyncadd.s32 $0xFFFFD800  }
0x114: {  	[spmem:s1] =	stream.indirect.scatter.add.f32 [tilespmem:s26], [sflag:$0x6], $0x80, s10, s20, $0xb8;
	[tilespmem:$0x1C000] =	vst v63  }
0x115: {  	_ =	swait.ge [sflag:s9], $0x2800  }
0x116: {  	[sflag:s9] =	ssyncset.done $0x0  }
0x117: {  	[sflag:s9] =	ssyncadd.s32 $0xFFFFD800  }
0x118: {  	_ =	swait.ge [sflag:s22], $0x100  }
0x119: {  	[sflag:s22] =	ssyncset.done $0x0  }
0x11a: {  	s12 =	rddreg [dreg:$0x4];
	[sflag:s22] =	ssyncadd.s32 $0xFFFFFF00  }
0x11b: {  	[tilespmem:s23], [sflag:$0x2] =	stream.indirect.gather [hbm4b:s4+s20], $0x80, s17, s20, $0xb8;
	[tilespmem:$0x1C000] =	vst v63  }
0x11c: {  	s7 =	sadd.s32 $0x0, s12  }
0x11d: {  	[tilespmem:s18], [sflag:$0x9] =	stream.linear.gather [hbm4b:s7+s3], $0x100, $0x38;
	[tilespmem:$0x1C000] =	vst v63  }
0x11e: {  	_ =	swait.ge [sflag:s16], $0x2800  }
0x11f: {  	[sflag:s16] =	ssyncset.done $0x0  }
0x120: {  	[sflag:s16] =	ssyncadd.s32 $0xFFFFD800  }
0x121: {  	[spmem:s1] =	stream.indirect.scatter.add.f32 [tilespmem:s21], [sflag:$0x4], $0x80, s24, s20, $0xb8;
	[tilespmem:$0x1C000] =	vst v63  }
0x122: {  	_ =	swait.ge [sflag:s11], $0x2800  }
0x123: {  	[sflag:s11] =	ssyncset.done $0x0  }
0x124: {  	[sflag:s11] =	ssyncadd.s32 $0xFFFFD800  }
0x125: {  	_ =	swait.ge [sflag:s25], $0x100  }
0x126: {  	s12 =	sadd.s32 $0xC00, s13;
	[sflag:s25] =	ssyncset.done $0x0;
	s14 =	rddreg [dreg:$0x3]  }
0x127: {  	s7 =	simm.s32 $0x180;
	[sflag:s25] =	ssyncadd.s32 $0xFFFFFF00;
	s14 =	sadd.s32 $0x0, s14  }
0x128: {  	[tilespmem:s26], [sflag:$0x3] =	stream.indirect.gather [hbm4b:s4+s20], $0x80, s18, s20, $0xb8;
	[tilespmem:$0x1C000] =	vst v63  }
.LBB2_6:
0x129: {  	[tilespmem:s28], [sflag:$0xA] =	stream.linear.gather [hbm4b:s14+s3], $0x100, $0x38;
	[tilespmem:$0x1C000] =	vst v63  }
0x12a: {  	_ =	swait.ge [sflag:s29], $0x2800  }
0x12b: {  	[sflag:s29] =	ssyncset.done $0x0  }
0x12c: {  	[sflag:s29] =	ssyncadd.s32 $0xFFFFD800  }
0x12d: {  	[spmem:s1] =	stream.indirect.scatter.add.f32 [tilespmem:s23], [sflag:$0x5], $0x80, s30, s20, $0xb8;
	[tilespmem:$0x1C000] =	vst v63  }
0x12e: {  	_ =	swait.ge [sflag:s31], $0x2800  }
0x12f: {  	[sflag:s31] =	ssyncset.done $0x0  }
0x130: {  	[sflag:s31] =	ssyncadd.s32 $0xFFFFD800  }
0x131: {  	_ =	swait.ge [sflag:s0], $0x100  }
0x132: {  	[sflag:s0] =	ssyncset.done $0x0  }
0x133: {  	s14 =	smov.u32 s7;
	s13 =	rddreg [dreg:$0xd];
	[sflag:s0] =	ssyncadd.s32 $0xFFFFFF00  }
0x134: {  	[tilespmem:s21], [sflag:$0x1] =	stream.indirect.gather [hbm4b:s4+s20], $0x80, s28, s20, $0xb8;
	[tilespmem:$0x1C000] =	vst v63  }
0x135: {  	s13 =	sadd.s32 s14, s13  }
0x136: {  	[tilespmem:s3], [sflag:$0x7] =	stream.linear.gather [hbm4b:s13+s3], $0x100, $0x38;
	[tilespmem:$0x1C000] =	vst v63  }
0x137: {  	_ =	swait.ge [sflag:s2], $0x2800  }
0x138: {  	[sflag:s2] =	ssyncset.done $0x0  }
0x139: {  	[sflag:s2] =	ssyncadd.s32 $0xFFFFD800  }
0x13a: {  	[spmem:s1] =	stream.indirect.scatter.add.f32 [tilespmem:s26], [sflag:$0x6], $0x80, s8, s20, $0xb8;
	[tilespmem:$0x1C000] =	vst v63  }
0x13b: {  	_ =	swait.ge [sflag:s9], $0x2800  }
0x13c: {  	[sflag:s9] =	ssyncset.done $0x0  }
0x13d: {  	[sflag:s9] =	ssyncadd.s32 $0xFFFFD800  }
0x13e: {  	_ =	swait.ge [sflag:s19], $0x100  }
0x13f: {  	[sflag:s19] =	ssyncset.done $0x0  }
0x140: {  	s13 =	rddreg [dreg:$0xc];
	[sflag:s19] =	ssyncadd.s32 $0xFFFFFF00  }
0x141: {  	[tilespmem:s23], [sflag:$0x2] =	stream.indirect.gather [hbm4b:s4+s20], $0x80, s3, s20, $0xb8;
	[tilespmem:$0x1C000] =	vst v63  }
0x142: {  	s13 =	sadd.s32 s14, s13  }
0x143: {  	[tilespmem:s17], [sflag:$0x8] =	stream.linear.gather [hbm4b:s13+s3], $0x100, $0x38;
	[tilespmem:$0x1C000] =	vst v63  }
0x144: {  	_ =	swait.ge [sflag:s16], $0x2800  }
0x145: {  	[sflag:s16] =	ssyncset.done $0x0  }
0x146: {  	[sflag:s16] =	ssyncadd.s32 $0xFFFFD800  }
0x147: {  	[spmem:s1] =	stream.indirect.scatter.add.f32 [tilespmem:s21], [sflag:$0x4], $0x80, s10, s20, $0xb8;
	[tilespmem:$0x1C000] =	vst v63  }
0x148: {  	_ =	swait.ge [sflag:s11], $0x2800  }
0x149: {  	[sflag:s11] =	ssyncset.done $0x0  }
0x14a: {  	[sflag:s11] =	ssyncadd.s32 $0xFFFFD800  }
0x14b: {  	_ =	swait.ge [sflag:s22], $0x100  }
0x14c: {  	[sflag:s22] =	ssyncset.done $0x0  }
0x14d: {  	s13 =	rddreg [dreg:$0xb];
	[sflag:s22] =	ssyncadd.s32 $0xFFFFFF00  }
0x14e: {  	[tilespmem:s26], [sflag:$0x3] =	stream.indirect.gather [hbm4b:s4+s20], $0x80, s17, s20, $0xb8;
	[tilespmem:$0x1C000] =	vst v63  }
0x14f: {  	s13 =	sadd.s32 s14, s13  }
0x150: {  	[tilespmem:s18], [sflag:$0x9] =	stream.linear.gather [hbm4b:s13+s3], $0x100, $0x38;
	[tilespmem:$0x1C000] =	vst v63  }
0x151: {  	_ =	swait.ge [sflag:s29], $0x2800  }
0x152: {  	[sflag:s29] =	ssyncset.done $0x0  }
0x153: {  	[sflag:s29] =	ssyncadd.s32 $0xFFFFD800  }
0x154: {  	[spmem:s1] =	stream.indirect.scatter.add.f32 [tilespmem:s23], [sflag:$0x5], $0x80, s24, s20, $0xb8;
	[tilespmem:$0x1C000] =	vst v63  }
0x155: {  	_ =	swait.ge [sflag:s31], $0x2800  }
0x156: {  	[sflag:s31] =	ssyncset.done $0x0  }
0x157: {  	[sflag:s31] =	ssyncadd.s32 $0xFFFFD800  }
0x158: {  	_ =	swait.ge [sflag:s25], $0x100  }
0x159: {  	[sflag:s25] =	ssyncset.done $0x0  }
0x15a: {  	s13 =	rddreg [dreg:$0xa];
	[sflag:s25] =	ssyncadd.s32 $0xFFFFFF00  }
0x15b: {  	[tilespmem:s21], [sflag:$0x1] =	stream.indirect.gather [hbm4b:s4+s20], $0x80, s18, s20, $0xb8;
	[tilespmem:$0x1C000] =	vst v63  }
0x15c: {  	s13 =	sadd.s32 s14, s13  }
0x15d: {  	[tilespmem:s28], [sflag:$0xA] =	stream.linear.gather [hbm4b:s13+s3], $0x100, $0x38;
	[tilespmem:$0x1C000] =	vst v63  }
0x15e: {  	_ =	swait.ge [sflag:s2], $0x2800  }
0x15f: {  	[sflag:s2] =	ssyncset.done $0x0  }
0x160: {  	[sflag:s2] =	ssyncadd.s32 $0xFFFFD800  }
0x161: {  	[spmem:s1] =	stream.indirect.scatter.add.f32 [tilespmem:s26], [sflag:$0x6], $0x80, s30, s20, $0xb8;
	[tilespmem:$0x1C000] =	vst v63  }
0x162: {  	_ =	swait.ge [sflag:s9], $0x2800  }
0x163: {  	[sflag:s9] =	ssyncset.done $0x0  }
0x164: {  	[sflag:s9] =	ssyncadd.s32 $0xFFFFD800  }
0x165: {  	_ =	swait.ge [sflag:s0], $0x100  }
0x166: {  	[sflag:s0] =	ssyncset.done $0x0  }
0x167: {  	s13 =	rddreg [dreg:$0x9];
	[sflag:s0] =	ssyncadd.s32 $0xFFFFFF00  }
0x168: {  	[tilespmem:s23], [sflag:$0x2] =	stream.indirect.gather [hbm4b:s4+s20], $0x80, s28, s20, $0xb8;
	[tilespmem:$0x1C000] =	vst v63  }
0x169: {  	s13 =	sadd.s32 s14, s13  }
0x16a: {  	[tilespmem:s3], [sflag:$0x7] =	stream.linear.gather [hbm4b:s13+s3], $0x100, $0x38;
	[tilespmem:$0x1C000] =	vst v63  }
0x16b: {  	_ =	swait.ge [sflag:s16], $0x2800  }
0x16c: {  	[sflag:s16] =	ssyncset.done $0x0  }
0x16d: {  	[sflag:s16] =	ssyncadd.s32 $0xFFFFD800  }
0x16e: {  	[spmem:s1] =	stream.indirect.scatter.add.f32 [tilespmem:s21], [sflag:$0x4], $0x80, s8, s20, $0xb8;
	[tilespmem:$0x1C000] =	vst v63  }
0x16f: {  	_ =	swait.ge [sflag:s11], $0x2800  }
0x170: {  	[sflag:s11] =	ssyncset.done $0x0  }
0x171: {  	[sflag:s11] =	ssyncadd.s32 $0xFFFFD800  }
0x172: {  	_ =	swait.ge [sflag:s19], $0x100  }
0x173: {  	[sflag:s19] =	ssyncset.done $0x0  }
0x174: {  	s13 =	rddreg [dreg:$0x8];
	[sflag:s19] =	ssyncadd.s32 $0xFFFFFF00  }
0x175: {  	[tilespmem:s26], [sflag:$0x3] =	stream.indirect.gather [hbm4b:s4+s20], $0x80, s3, s20, $0xb8;
	[tilespmem:$0x1C000] =	vst v63  }
0x176: {  	s13 =	sadd.s32 s14, s13  }
0x177: {  	[tilespmem:s17], [sflag:$0x8] =	stream.linear.gather [hbm4b:s13+s3], $0x100, $0x38;
	[tilespmem:$0x1C000] =	vst v63  }
0x178: {  	_ =	swait.ge [sflag:s29], $0x2800  }
0x179: {  	[sflag:s29] =	ssyncset.done $0x0  }
0x17a: {  	[sflag:s29] =	ssyncadd.s32 $0xFFFFD800  }
0x17b: {  	[spmem:s1] =	stream.indirect.scatter.add.f32 [tilespmem:s23], [sflag:$0x5], $0x80, s10, s20, $0xb8;
	[tilespmem:$0x1C000] =	vst v63  }
0x17c: {  	_ =	swait.ge [sflag:s31], $0x2800  }
0x17d: {  	[sflag:s31] =	ssyncset.done $0x0  }
0x17e: {  	[sflag:s31] =	ssyncadd.s32 $0xFFFFD800  }
0x17f: {  	_ =	swait.ge [sflag:s22], $0x100  }
0x180: {  	[sflag:s22] =	ssyncset.done $0x0  }
0x181: {  	s13 =	rddreg [dreg:$0x7];
	[sflag:s22] =	ssyncadd.s32 $0xFFFFFF00  }
0x182: {  	[tilespmem:s21], [sflag:$0x1] =	stream.indirect.gather [hbm4b:s4+s20], $0x80, s17, s20, $0xb8;
	[tilespmem:$0x1C000] =	vst v63  }
0x183: {  	s13 =	sadd.s32 s14, s13  }
0x184: {  	[tilespmem:s18], [sflag:$0x9] =	stream.linear.gather [hbm4b:s13+s3], $0x100, $0x38;
	[tilespmem:$0x1C000] =	vst v63  }
0x185: {  	_ =	swait.ge [sflag:s2], $0x2800  }
0x186: {  	[sflag:s2] =	ssyncset.done $0x0  }
0x187: {  	[sflag:s2] =	ssyncadd.s32 $0xFFFFD800  }
0x188: {  	[spmem:s1] =	stream.indirect.scatter.add.f32 [tilespmem:s26], [sflag:$0x6], $0x80, s24, s20, $0xb8;
	[tilespmem:$0x1C000] =	vst v63  }
0x189: {  	_ =	swait.ge [sflag:s9], $0x2800  }
0x18a: {  	[sflag:s9] =	ssyncset.done $0x0  }
0x18b: {  	[sflag:s9] =	ssyncadd.s32 $0xFFFFD800  }
0x18c: {  	_ =	swait.ge [sflag:s25], $0x100  }
0x18d: {  	[sflag:s25] =	ssyncset.done $0x0  }
0x18e: {  	s13 =	rddreg [dreg:$0x6];
	[sflag:s25] =	ssyncadd.s32 $0xFFFFFF00  }
0x18f: {  	[tilespmem:s23], [sflag:$0x2] =	stream.indirect.gather [hbm4b:s4+s20], $0x80, s18, s20, $0xb8;
	[tilespmem:$0x1C000] =	vst v63  }
0x190: {  	s13 =	sadd.s32 s14, s13  }
0x191: {  	[tilespmem:s28], [sflag:$0xA] =	stream.linear.gather [hbm4b:s13+s3], $0x100, $0x38;
	[tilespmem:$0x1C000] =	vst v63  }
0x192: {  	_ =	swait.ge [sflag:s16], $0x2800  }
0x193: {  	[sflag:s16] =	ssyncset.done $0x0  }
0x194: {  	[sflag:s16] =	ssyncadd.s32 $0xFFFFD800  }
0x195: {  	[spmem:s1] =	stream.indirect.scatter.add.f32 [tilespmem:s21], [sflag:$0x4], $0x80, s30, s20, $0xb8;
	[tilespmem:$0x1C000] =	vst v63  }
0x196: {  	_ =	swait.ge [sflag:s11], $0x2800  }
0x197: {  	[sflag:s11] =	ssyncset.done $0x0  }
0x198: {  	[sflag:s11] =	ssyncadd.s32 $0xFFFFD800  }
0x199: {  	_ =	swait.ge [sflag:s0], $0x100  }
0x19a: {  	[sflag:s0] =	ssyncset.done $0x0  }
0x19b: {  	s13 =	sshrl.u32 s12, $0x3;
	[sflag:s0] =	ssyncadd.s32 $0xFFFFFF00  }
0x19c: {  	[tilespmem:s26], [sflag:$0x3] =	stream.indirect.gather [hbm4b:s4+s20], $0x80, s28, s20, $0xb8;
	[tilespmem:$0x1C000] =	vst v63  }
0x19d: {  	s13 =	sadd.s32 s5, s13  }
0x19e: {  	[tilespmem:s3], [sflag:$0x7] =	stream.linear.gather [hbm4b:s13+s3], $0x100, $0x38;
	[tilespmem:$0x1C000] =	vst v63  }
0x19f: {  	_ =	swait.ge [sflag:s29], $0x2800  }
0x1a0: {  	[sflag:s29] =	ssyncset.done $0x0  }
0x1a1: {  	[sflag:s29] =	ssyncadd.s32 $0xFFFFD800  }
0x1a2: {  	[spmem:s1] =	stream.indirect.scatter.add.f32 [tilespmem:s23], [sflag:$0x5], $0x80, s8, s20, $0xb8;
	[tilespmem:$0x1C000] =	vst v63  }
0x1a3: {  	_ =	swait.ge [sflag:s31], $0x2800  }
0x1a4: {  	[sflag:s31] =	ssyncset.done $0x0  }
0x1a5: {  	[sflag:s31] =	ssyncadd.s32 $0xFFFFD800  }
0x1a6: {  	_ =	swait.ge [sflag:s19], $0x100  }
0x1a7: {  	[sflag:s19] =	ssyncset.done $0x0  }
0x1a8: {  	s13 =	rddreg [dreg:$0x5];
	[sflag:s19] =	ssyncadd.s32 $0xFFFFFF00  }
0x1a9: {  	[tilespmem:s21], [sflag:$0x1] =	stream.indirect.gather [hbm4b:s4+s20], $0x80, s3, s20, $0xb8;
	[tilespmem:$0x1C000] =	vst v63  }
0x1aa: {  	s13 =	sadd.s32 s14, s13  }
0x1ab: {  	[tilespmem:s17], [sflag:$0x8] =	stream.linear.gather [hbm4b:s13+s3], $0x100, $0x38;
	[tilespmem:$0x1C000] =	vst v63  }
0x1ac: {  	_ =	swait.ge [sflag:s2], $0x2800  }
0x1ad: {  	[sflag:s2] =	ssyncset.done $0x0  }
0x1ae: {  	[sflag:s2] =	ssyncadd.s32 $0xFFFFD800  }
0x1af: {  	[spmem:s1] =	stream.indirect.scatter.add.f32 [tilespmem:s26], [sflag:$0x6], $0x80, s10, s20, $0xb8;
	[tilespmem:$0x1C000] =	vst v63  }
0x1b0: {  	_ =	swait.ge [sflag:s9], $0x2800  }
0x1b1: {  	[sflag:s9] =	ssyncset.done $0x0  }
0x1b2: {  	[sflag:s9] =	ssyncadd.s32 $0xFFFFD800  }
0x1b3: {  	_ =	swait.ge [sflag:s22], $0x100  }
0x1b4: {  	[sflag:s22] =	ssyncset.done $0x0  }
0x1b5: {  	s13 =	rddreg [dreg:$0x4];
	[sflag:s22] =	ssyncadd.s32 $0xFFFFFF00  }
0x1b6: {  	[tilespmem:s23], [sflag:$0x2] =	stream.indirect.gather [hbm4b:s4+s20], $0x80, s17, s20, $0xb8;
	[tilespmem:$0x1C000] =	vst v63  }
0x1b7: {  	s13 =	sadd.s32 s14, s13  }
0x1b8: {  	[tilespmem:s18], [sflag:$0x9] =	stream.linear.gather [hbm4b:s13+s3], $0x100, $0x38;
	[tilespmem:$0x1C000] =	vst v63  }
0x1b9: {  	_ =	swait.ge [sflag:s16], $0x2800  }
0x1ba: {  	[sflag:s16] =	ssyncset.done $0x0  }
0x1bb: {  	[sflag:s16] =	ssyncadd.s32 $0xFFFFD800  }
0x1bc: {  	[spmem:s1] =	stream.indirect.scatter.add.f32 [tilespmem:s21], [sflag:$0x4], $0x80, s24, s20, $0xb8;
	[tilespmem:$0x1C000] =	vst v63  }
0x1bd: {  	_ =	swait.ge [sflag:s11], $0x2800  }
0x1be: {  	p0 =	sne.s32 s7, $0xD80;
	[sflag:s11] =	ssyncset.done $0x0  }
.Ltmp2:
0x1bf: {  	[sflag:s11] =	ssyncadd.s32 $0xFFFFD800;
	(pc) =	sbr.rel @p0 .LBB2_6-.Ltmp2, $4  }
0x1c0: {  	_ =	swait.ge [sflag:s25], $0x100  }
0x1c1: {  	s7 =	sadd.s32 $0x180, s7;
	[sflag:s25] =	ssyncset.done $0x0;
	s13 =	rddreg [dreg:$0x3]  }
0x1c2: {  	s12 =	sadd.s32 $0xC00, s12;
	[sflag:s25] =	ssyncadd.s32 $0xFFFFFF00;
	s14 =	sadd.s32 s14, s13  }
0x1c3: {  	[tilespmem:s26], [sflag:$0x3] =	stream.indirect.gather [hbm4b:s4+s20], $0x80, s18, s20, $0xb8;
	[tilespmem:$0x1C000] =	vst v63  }
0x1c4: {  	[tilespmem:s28], [sflag:$0xA] =	stream.linear.gather [hbm4b:s14+s3], $0x100, $0x38;
	[tilespmem:$0x1C000] =	vst v63  }
0x1c5: {  	_ =	swait.ge [sflag:s29], $0x2800  }
0x1c6: {  	[sflag:s29] =	ssyncset.done $0x0  }
0x1c7: {  	[sflag:s29] =	ssyncadd.s32 $0xFFFFD800  }
0x1c8: {  	[spmem:s1] =	stream.indirect.scatter.add.f32 [tilespmem:s23], [sflag:$0x5], $0x80, s30, s20, $0xb8;
	[tilespmem:$0x1C000] =	vst v63  }
0x1c9: {  	_ =	swait.ge [sflag:s31], $0x2800  }
0x1ca: {  	[sflag:s31] =	ssyncset.done $0x0  }
0x1cb: {  	[sflag:s31] =	ssyncadd.s32 $0xFFFFD800  }
0x1cc: {  	_ =	swait.ge [sflag:s0], $0x100  }
0x1cd: {  	[sflag:s0] =	ssyncset.done $0x0  }
0x1ce: {  	[sflag:s0] =	ssyncadd.s32 $0xFFFFFF00  }
0x1cf: {  	[tilespmem:s21], [sflag:$0x1] =	stream.indirect.gather [hbm4b:s4+s20], $0x80, s28, s20, $0xb8;
	[tilespmem:$0x1C000] =	vst v63  }
0x1d0: {  	s7 =	rddreg [dreg:$0x12]  }
0x1d1: {  	[tilespmem:s3], [sflag:$0x7] =	stream.linear.gather [hbm4b:s7+s3], $0x100, $0x38;
	[tilespmem:$0x1C000] =	vst v63  }
0x1d2: {  	_ =	swait.ge [sflag:s2], $0x2800  }
0x1d3: {  	[sflag:s2] =	ssyncset.done $0x0  }
0x1d4: {  	[sflag:s2] =	ssyncadd.s32 $0xFFFFD800  }
0x1d5: {  	[spmem:s1] =	stream.indirect.scatter.add.f32 [tilespmem:s26], [sflag:$0x6], $0x80, s8, s20, $0xb8;
	[tilespmem:$0x1C000] =	vst v63  }
0x1d6: {  	_ =	swait.ge [sflag:s9], $0x2800  }
0x1d7: {  	[sflag:s9] =	ssyncset.done $0x0  }
0x1d8: {  	[sflag:s9] =	ssyncadd.s32 $0xFFFFD800  }
0x1d9: {  	_ =	swait.ge [sflag:s19], $0x100  }
0x1da: {  	[sflag:s19] =	ssyncset.done $0x0  }
0x1db: {  	[sflag:s19] =	ssyncadd.s32 $0xFFFFFF00  }
0x1dc: {  	[tilespmem:s23], [sflag:$0x2] =	stream.indirect.gather [hbm4b:s4+s20], $0x80, s3, s20, $0xb8;
	[tilespmem:$0x1C000] =	vst v63  }
0x1dd: {  	_ =	swait.ge [sflag:s16], $0x2800  }
0x1de: {  	[sflag:s16] =	ssyncset.done $0x0  }
0x1df: {  	[sflag:s16] =	ssyncadd.s32 $0xFFFFD800  }
0x1e0: {  	[spmem:s1] =	stream.indirect.scatter.add.f32 [tilespmem:s21], [sflag:$0x4], $0x80, s10, s20, $0xb8;
	[tilespmem:$0x1C000] =	vst v63  }
0x1e1: {  	_ =	swait.ge [sflag:s11], $0x2800  }
0x1e2: {  	[sflag:s11] =	ssyncset.done $0x0  }
0x1e3: {  	[sflag:s11] =	ssyncadd.s32 $0xFFFFD800  }
0x1e4: {  	_ =	swait.ge [sflag:s29], $0x2800  }
0x1e5: {  	[sflag:s29] =	ssyncset.done $0x0  }
0x1e6: {  	[sflag:s29] =	ssyncadd.s32 $0xFFFFD800  }
0x1e7: {  	[spmem:s1] =	stream.indirect.scatter.add.f32 [tilespmem:s23], [sflag:$0x5], $0x80, s24, s20, $0xb8;
	[tilespmem:$0x1C000] =	vst v63  }
0x1e8: {  	_ =	swait.ge [sflag:s31], $0x2800  }
0x1e9: {  	[sflag:s31] =	ssyncset.done $0x0  }
0x1ea: {  	[sflag:s31] =	ssyncadd.s32 $0xFFFFD800  }
0x1eb: {  	_ =	swait.ge [sflag:s9], $0x2800  }
0x1ec: {  	[sflag:s9] =	ssyncset.done $0x0  }
0x1ed: {  	s14 =	stileid.u32;
	[sflag:s9] =	ssyncadd.s32 $0xFFFFD800  }
0x1ee: {  	s7 =	sshll.u32 s14, $0x6;
	[bflag:$0x0] =	sbarrier.arrive $0xFFFF  }
0x1ef: {  	s12 =	sshrl.u32 s6, $0x3;
	s7 =	sor.u32 $0x1C0B, s7;
	s13 =	rddreg [dreg:$0x13]  }
0x1f0: {  	[hbm:s13], [sflag:s7] =	dma.local [spmem:s12], $0x2800  }
0x1f1: {  	s12 =	simm.s32 $0xB  }
0x1f2: {  	_ =	swait.ge [sflag:s12], $0x2800  }
0x1f3: {  	s7 =	rddreg [dreg:$0x16]  }
0x1f4: {  	s14 =	rddreg [dreg:$0x14];
	s13 =	sadd.s32 $0x1, s7  }
0x1f5: {  	p0 =	sne.s32 s13, s14  }
.Ltmp3:
0x1f6: {  	_ = 	snop;
	(pc) =	sbr.rel @p0 .LBB2_1-.Ltmp3, $3  }
0x1f7: {  	_ =	sdelay $0x1  }
0x1f8: {  	[sflag:s12] =	ssyncset.done $0x0  }
0x1f9: {  	[sflag:s12] =	ssyncadd.s32 $0xFFFFD800  }
0x1fa: {  	_ =	sfence.sel $0x180000  }
0x1fb: {  	[bflag:$0x0] =	sbarrier.arrive $0xFFFF  }
0x1fc: {  	_ =	strace $0x9000004D  }
0x1fd: {  	s0 =	stileid.u32;
	[bflag:$0x2] =	sbarrier.arrive $0xFFFF  }
0x1fe: {  	p0 =	sne.s32 s0, $0x0;
	s0 =	rddreg [dreg:$0x2]  }
0x1ff: {  	s0 =	sadd.s32 @!p0 $0x100000, s0  }
0x200: {  	[sflag:s0] =	ssyncadd.tile.s32 @!p0 $0x1;
	_ =	shalt  }
.Lfunc_end2:
_tile_overlayer_lowered:
.L_overlay_start_2:
0x201: {  	(tag) =	ssettag $0x2  }
0x202: {  	s0 =	rddreg [dreg:$0x0];
	s2 =	stileid.u32  }
0x203: {  	s1 =	rddreg [dreg:$0x1];
	p0 =	sne.s32 s2, $0x0  }
0x204: {  	s3 =	rddreg [dreg:$0x2];
	[bflag:$0x3] =	sbarrier.arrive $0xFFFF;
	s2 =	simm.s32 @!p0 $0x1C0B  }
0x205: {  	[timem:s3], [sflag:s2] =	dma.local @!p0 [hbm:s0], s1  }
0x206: {  	s0 =	simm.s32 @!p0 $0xB  }
0x207: {  	_ =	swait.ge @!p0 [sflag:s0], s1  }
0x208: {  	s1 =	ssub.s32 @!p0 $0x0, s1;
	[sflag:s0] =	ssyncset.done @!p0 $0x0  }
0x209: {  	[sflag:s0] =	ssyncadd.s32 @!p0 s1  }
0x20a: {  	[bflag:$0x3] =	sbarrier.arrive $0xFFFF  }
0x20b: {  	_ =	shalt  }

// kernel: kernel.8.cloned.1.call-start
scs
__scs_entry_jumppad:
0x0: {  	(pc) =	sbr.rel $0x88, $3  }
0x1: {  	(tag) =	ssettag $0x0;
	lr =	simm.s32 $0x1  }
0x2: {  	[smem:$0x3F9C] =	sst lr;
	_ =	strace $0xD0000000  }
0x3: {  	_ = 	snop  }
0x4: {  	_ = 	snop  }
0x5: {  	_ = 	snop  }
0x6: {  	_ = 	snop  }
0x7: {  	_ = 	snop  }
__scs_overlays_trampoline_lowered:
0x8: {  	[smem:$0x3FAB] =	sst s0  }
0x9: {  	[smem:$0x3FAC] =	sst s1  }
0xa: {  	[smem:$0x3FAD] =	sst s2  }
0xb: {  	[smem:$0x3FAE] =	sst s3  }
0xc: {  	[smem:$0x3FAF] =	sst s4  }
0xd: {  	[smem:$0x3FB0] =	sst s5  }
0xe: {  	[smem:$0x3FB1] =	sst s6  }
0xf: {  	[smem:$0x3FB2] =	sst s7  }
0x10: {  	[smem:$0x3FB3] =	sst s8  }
0x11: {  	[smem:$0x3FB4] =	sst s9;
	s0 =	simm.s32 @!p0 $0x0  }
0x12: {  	s1 =	sld [smem:$0x3F9A];
	s0 =	simm.s32 @p0 $0x1  }
0x13: {  	[smem:$0x3FB5] =	sst s0;
	s0 =	simm.s32 @!p1 $0x0  }
0x14: {  	s2 =	sld [smem:$0x3F99];
	s0 =	simm.s32 @p1 $0x1  }
0x15: {  	[smem:$0x3FB6] =	sst s0;
	s0 =	simm.s32 @!p2 $0x0  }
0x16: {  	s3 =	sld [smem:$0x3FDB];
	s0 =	simm.s32 @p2 $0x1  }
0x17: {  	s4 =	simm.s32 $0x1BF5;
	[smem:$0x3FB8] =	sst s0  }
0x18: {  	s0 =	sld [smem:$0x3F9B];
	_ =	swait.ge [sflag:s4], $0x0  }
0x19: {  	s7 =	sld [smem:$0x3F9C]  }
0x1a: {  	s8 =	sadd.s32 $0xFFFFE003, lr  }
0x1b: {  	s9 =	sadd.s32 $0xFFFFFEF7, lr;
	s5 =	simm.s32 $0xFFFFFFFF;
	p2 =	slt.u32 s8, $0xFFFFF086  }
0x1c: {  	p1 =	slt.u32 s9, $0xF7A;
	s5 =	simm.s32 @!p2 $0x0  }
0x1d: {  	s5 =	simm.s32 @p1 $0x1;
	p0 =	seq.s32 s7, s2  }
0x1e: {  	s7 =	smul.u32 @!p0 $0xF7A, s2;
	p2 =	seq.s32 @!p0 s5, $0x0  }
0x1f: {  	s9 =	smul.u32 $0xF7A, s1;
	s8 =	simm.s32 @!p0 $0x1BF5;
	p2 =	por !p2, p0  }
0x20: {  	[sflag:s8] =	ssyncset.s32 @!p0 $0xFFFFF086;
	s6 =	sadd.s32 @!p0 s3, s7;
	s7 =	simm.s32 @!p0 $0x108  }
0x21: {  	s3 =	sadd.s32 s3, s9;
	s6 =	sadd.s32 @!p0 $0x88, s6;
	s7 =	simm.s32 @p2 $0x1082  }
0x22: {  	[simem:s7], [sflag:s8] =	dma.local @!p0 [hbm:s6], $0xF7A  }
0x23: {  	s9 =	sor.u32 $0xD0000000, s2;
	s6 =	simm.s32 $0x108;
	_ =	swait.ge @!p0 [sflag:s8], $0x0  }
0x24: {  	s3 =	sadd.s32 $0x88, s3;
	s6 =	simm.s32 @!p1 $0x1082;
	[sflag:s4] =	ssyncset.s32 $0xFFFFF086  }
0x25: {  	[simem:s6], [sflag:s4] =	dma.local [hbm:s3], $0xF7A  }
0x26: {  	[smem:$0x3F9C] =	sst s1;
	(tag) =	ssettag s2;
	_ =	strace s9  }
0x27: {  	s1 =	sld [smem:$0x3FAC]  }
0x28: {  	s2 =	sld [smem:$0x3FAD]  }
0x29: {  	s4 =	sld [smem:$0x3FAF]  }
0x2a: {  	p0 =	seq.s32 s5, $0x0;
	s5 =	sld [smem:$0x3FB0]  }
0x2b: {  	s6 =	sld [smem:$0x3FB1]  }
0x2c: {  	s7 =	sld [smem:$0x3FB2]  }
0x2d: {  	s3 =	simm.s32 $0x108;
	s8 =	sld [smem:$0x3FB3]  }
0x2e: {  	s3 =	simm.s32 @!p0 $0x1082;
	s9 =	sld [smem:$0x3FB4]  }
0x2f: {  	lr =	sadd.s32 s0, s3;
	s0 =	sld [smem:$0x3FAB]  }
0x30: {  	s3 =	sld [smem:$0x3FAE]  }
0x31: {  	[smem:$0x3FB7] =	sst s10  }
0x32: {  	s10 =	sld [smem:$0x3FB5];
	_ =	sdelay $0x3  }
0x33: {  	p0 =	seq.s32 s10, $0x1;
	s10 =	sld [smem:$0x3FB7];
	_ =	sdelay $0x3  }
0x34: {  	[smem:$0x3FB7] =	sst s10  }
0x35: {  	s10 =	sld [smem:$0x3FB6];
	_ =	sdelay $0x3  }
0x36: {  	p1 =	seq.s32 s10, $0x1;
	s10 =	sld [smem:$0x3FB7];
	_ =	sdelay $0x3  }
0x37: {  	[smem:$0x3FB7] =	sst s10  }
0x38: {  	s10 =	sld [smem:$0x3FB8]  }
0x39: {  	_ = 	snop;
	(pc) =	sbr.ind lr, $3  }
0x3a: {  	_ = 	snop  }
0x3b: {  	_ = 	snop  }
0x3c: {  	p2 =	seq.s32 s10, $0x1;
	s10 =	sld [smem:$0x3FB7]  }
0x3d: {  	_ =	shalt  }
0x3e: {  	_ =	shalt  }
0x3f: {  	_ =	shalt  }
0x40: {  	_ =	shalt  }
0x41: {  	_ =	shalt  }
0x42: {  	_ =	shalt  }
0x43: {  	_ =	shalt  }
0x44: {  	_ =	shalt  }
0x45: {  	_ =	shalt  }
0x46: {  	_ =	shalt  }
0x47: {  	_ =	shalt  }
0x48: {  	_ =	shalt  }
0x49: {  	_ =	shalt  }
0x4a: {  	_ =	shalt  }
0x4b: {  	_ =	shalt  }
0x4c: {  	_ =	shalt  }
0x4d: {  	_ =	shalt  }
0x4e: {  	_ =	shalt  }
0x4f: {  	_ =	shalt  }
0x50: {  	_ =	shalt  }
0x51: {  	_ =	shalt  }
0x52: {  	_ =	shalt  }
0x53: {  	_ =	shalt  }
0x54: {  	_ =	shalt  }
0x55: {  	_ =	shalt  }
0x56: {  	_ =	shalt  }
0x57: {  	_ =	shalt  }
0x58: {  	_ =	shalt  }
0x59: {  	_ =	shalt  }
0x5a: {  	_ =	shalt  }
0x5b: {  	_ =	shalt  }
0x5c: {  	_ =	shalt  }
0x5d: {  	_ =	shalt  }
0x5e: {  	_ =	shalt  }
0x5f: {  	_ =	shalt  }
0x60: {  	_ =	shalt  }
0x61: {  	_ =	shalt  }
0x62: {  	_ =	shalt  }
0x63: {  	_ =	shalt  }
0x64: {  	_ =	shalt  }
0x65: {  	_ =	shalt  }
0x66: {  	_ =	shalt  }
0x67: {  	_ =	shalt  }
0x68: {  	_ =	shalt  }
0x69: {  	_ =	shalt  }
0x6a: {  	_ =	shalt  }
0x6b: {  	_ =	shalt  }
0x6c: {  	_ =	shalt  }
0x6d: {  	_ =	shalt  }
0x6e: {  	_ =	shalt  }
0x6f: {  	_ =	shalt  }
0x70: {  	_ =	shalt  }
0x71: {  	_ =	shalt  }
0x72: {  	_ =	shalt  }
0x73: {  	_ =	shalt  }
0x74: {  	_ =	shalt  }
0x75: {  	_ =	shalt  }
0x76: {  	_ =	shalt  }
0x77: {  	_ =	shalt  }
0x78: {  	_ =	shalt  }
0x79: {  	_ =	shalt  }
0x7a: {  	_ =	shalt  }
0x7b: {  	_ =	shalt  }
0x7c: {  	_ =	shalt  }
0x7d: {  	_ =	shalt  }
0x7e: {  	_ =	shalt  }
0x7f: {  	_ =	shalt  }
0x80: {  	_ =	shalt  }
0x81: {  	_ =	shalt  }
0x82: {  	_ =	shalt  }
0x83: {  	_ =	shalt  }
0x84: {  	_ =	shalt  }
0x85: {  	_ =	shalt  }
0x86: {  	_ =	shalt  }
0x87: {  	_ =	shalt  }
.Lfunc_end0:
.L_simem_size_0:
called_computation_lowered:
.L_overlay_start_0:
0x88: {  	s2 =	sld [smem:$0x3FD9]  }
0x89: {  	s3 =	sld [smem:$0x3FFE];
	_ =	sdelay $0x1  }
0x8a: {  	s1 =	srdreg.scid  }
0x8b: {  	s0 =	sand.u32 $0x1, s1  }
0x8c: {  	s16 =	sshll.u32 s0, $0xA;
	s2 =	sadd.s32 s3, s2  }
0x8d: {  	s2 =	sadd.s32 s2, s16  }
0x8e: {  	[smem:$0x3FC3] =	sst s2  }
0x8f: {  	_ = 	snop  }
0x90: {  	(tm) =	ssettm $0x1  }
0x91: {  	s17 =	sld [smem:$0x3FFB];
	_ =	sdelay $0x3  }
0x92: {  	_ =	strace s17  }
0x93: {  	s2 =	sld [smem:$0x3FFC];
	_ =	sdelay $0x3  }
0x94: {  	_ =	strace s2  }
0x95: {  	s2 =	sld [smem:$0x3FFD];
	_ =	sdelay $0x3  }
0x96: {  	_ =	strace s2  }
0x97: {  	_ =	strace $0x8FFFFFFF  }
0x98: {  	s18 =	sld [smem:$0x3FDB];
	_ =	sdelay $0x1  }
0x99: {  	s19 =	simm.s32 $_scs_section_size  }
0x9a: {  	s4 =	simm.s32 $_size__tile_overlayer_lowered;
	s5 =	simm.s32 $_tile_overlayer_lowered  }
0x9b: {  	s22 =	simm.s32 $0x1BFF;
	s21 =	sshll.u32 s5, $0x1;
	s2 =	sadd.s32 s19, s18  }
0x9c: {  	s6 =	simm.s32 $0x0;
	s20 =	sshll.u32 s4, $0x1;
	s4 =	sadd.s32 s21, s2  }
0x9d: {  	[timem:s6], [sflag:s22] =	dma.local [hbm:s4], s20  }
0x9e: {  	_ =	swait.ge [sflag:s22], s20  }
0x9f: {  	s3 =	ssub.s32 $0x0, s20;
	[sflag:s22] =	ssyncset.done $0x0  }
0xa0: {  	[sflag:s22] =	ssyncadd.s32 s3;
	_ =	sdelay $0x1  }
0xa1: {  	s23 =	simm.s32 $0x1B8B  }
0xa2: {  	_ =	swait.ge [sflag:s23], $0x1  }
0xa3: {  	[sflag:s23] =	ssyncset.done $0x0  }
0xa4: {  	s25 =	simm.s32 $0x1B8E;
	s24 =	sld [smem:$0x3FFE];
	[sflag:s23] =	ssyncadd.s32 $0xFFFFFFFF  }
0xa5: {  	s26 =	simm.s32 $execute0_lowered;
	[smem:$0x3FD2] =	sst s25  }
0xa6: {  	s4 =	sshll.u32 s26, $0x1;
	_ =	strace $0x80000046;
	[dreg:$0x1] =	wrdreg $0xFFFFFFFF  }
0xa7: {  	s28 =	simm.s32 $_size_execute0_lowered;
	s2 =	sadd.s32 s2, s4;
	[dreg:$0x0] =	wrdreg $0x0  }
0xa8: {  	s4 =	sshll.u32 s28, $0x1;
	[dreg:$0x2] =	wrdreg s2  }
0xa9: {  	[dreg:$0x3] =	wrdreg s4  }
0xaa: {  	[dreg:$0x4] =	wrdreg $0xC0  }
0xab: {  	_ =	task [dreg:s6], $0x5FFFF  }
0xac: {  	[dreg:$0x1] =	wrdreg $0xFFFFFFFF  }
0xad: {  	[dreg:$0x0] =	wrdreg $0x60  }
0xae: {  	[dreg:$0x2] =	wrdreg s24  }
0xaf: {  	[dreg:$0x3] =	wrdreg $0x43000  }
0xb0: {  	[dreg:$0x4] =	wrdreg $0x9  }
0xb1: {  	_ =	task.clear_ibuf [dreg:s6], $0x5FFFF;
	_ =	strace $0x90000046  }
0xb2: {  	s29 =	simm.s32 $0x9;
	_ =	strace $0x80000048  }
0xb3: {  	_ =	swait.ge [sflag:s29], $0x1  }
0xb4: {  	[sflag:s29] =	ssyncadd.s32 $0xFFFFFFFF  }
0xb5: {  	_ =	strace $0x90000048  }
0xb6: {  	_ =	sfence  }
0xb7: {  	s30 =	sld [smem:$0x0];
	_ =	sdelay $0x2  }
0xb8: {  	s31 =	sshll.u32 s1, $0xD;
	s1 =	sshrl.u32 s1, $0x2  }
0xb9: {  	s3 =	sand.u32 $0x4000, s31;
	s1 =	sadd.s32 s1, s30  }
0xba: {  	s0 =	sor.u32 s3, s0;
	s1 =	sshll.u32 s1, $0x11  }
0xbb: {  	s0 =	sor.u32 s1, s0  }
0xbc: {  	s0 =	sadd.s32 $0x8F2B, s0  }
0xbd: {  	[sflag:s0] =	ssyncadd.remote.s32 $0x1  }
0xbe: {  	_ =	sfence.sel $0xFFFF  }
0xbf: {  	[dreg:$0x0] =	wrdreg $0xFFFFFFFF;
	(pc) =	sbr.abs _section_cstart, $3  }
0xc0: {  	[dreg:$0x1] =	wrdreg $0xFFFFFFFF  }
0xc1: {  	_ =	task.clear_ibuf [dreg:s6], $0x2FFFF;
	_ =	strace $0x9FFFFFFF  }
0xc2: {  	(tm) =	ssettm $0x7FFFFFFF  }
0xc3: {  	_ =	shalt  }
tec
execute0_lowered:
.L_overlay_start_1:
0x0: {  	(tag) =	ssettag $0x1  }
0x1: {  	s4 =	rddreg [dreg:$0x0]  }
0x2: {  	s2 =	rddreg [dreg:$0x1]  }
0x3: {  	s0 =	rddreg [dreg:$0x2]  }
0x4: {  	s1 =	stileid.u32;
	s5 =	srdreg.scid  }
0x5: {  	s3 =	simm.s32 $0x0;
	s10 =	simm.s32 $0x50;
	s11 =	simm.s32 $0x4000  }
0x6: {  	s12 =	simm.s32 $0x1;
	s15 =	simm.s32 $0x20;
	s16 =	simm.s32 $0x10  }
0x7: {  	s17 =	simm.s32 $0x0;
	s5 =	sand.u32 $0x1, s5;
	s6 =	smul.u32 $0x500, s1  }
0x8: {  	[smem:$0x7FF] =	sst s3;
	s7 =	sshll.u32 s1, $0xB;
	s9 =	smul.u32 $0xA00, s1  }
0x9: {  	s13 =	sshll.u32 s1, $0x6;
	s8 =	sshll.u32 s5, $0x7;
	_ =	strace $0x80000047  }
0xa: {  	s7 =	sadd.s32 s7, s4;
	s28 =	ssub.s32 $0x2, s5;
	s5 =	sshll.u32 s5, $0xF  }
0xb: {  	s13 =	sor.u32 $0x1C02, s13;
	s6 =	sor.u32 s8, s6;
	s29 =	sshrl.u32 s28, $0x1  }
0xc: {  	s30 =	sadd.s32 s5, s7;
	s31 =	sshrl.u32 s9, $0x2;
	s9 =	simm.s32 $0x4080  }
0xd: {  	s6 =	sshrl.u32 s6, $0x3;
	s8 =	ssub.s32 s28, s29;
	s5 =	sadd.s32 s31, s2  }
0xe: {  	s6 =	sadd.s32 s6, s4;
	s4 =	sadd.s32 $0x2400, s30;
	s7 =	smax.u32 s8, $0x1  }
0xf: {  	v0 =	vimm.f32 $0.0e+00;
	v1 =	vimm.f32 $1.000000000e+00;
	s8 =	simm.s32 $0x2;
	s14 =	sshrl.u32 s5, $0x3;
	s6 =	sadd.s32 $0x12400, s6  }
.LBB2_1:
0x10: {  	[tilespmem:s3], [sflag:$0x2] =	stream.linear.gather [hbm4b:s4+s3], $0x3E80, $0x38;
	[tilespmem:$0x4580] =	vst v63  }
0x11: {  	_ =	swait.ge [sflag:s8], $0x3E80  }
0x12: {  	[sflag:s8] =	ssyncset.done $0x0  }
0x13: {  	[sflag:s8] =	ssyncadd.s32 $0xFFFFC180  }
0x14: {  	[tilespmem:$0x4080] =	vst v0  }
0x15: {  	[tilespmem:$0x4090] =	vst v0  }
0x16: {  	[tilespmem:$0x40A0] =	vst v0  }
0x17: {  	[tilespmem:$0x40B0] =	vst v0  }
0x18: {  	[tilespmem:$0x40C0] =	vst v0  }
0x19: {  	[tilespmem:$0x40D0] =	vst v0  }
0x1a: {  	[tilespmem:$0x40E0] =	vst v0  }
0x1b: {  	[tilespmem:$0x40F0] =	vst v0  }
0x1c: {  	[tilespmem:$0x4100] =	vst v0  }
0x1d: {  	[tilespmem:$0x4110] =	vst v0  }
0x1e: {  	[tilespmem:$0x4120] =	vst v0  }
0x1f: {  	[tilespmem:$0x4130] =	vst v0  }
0x20: {  	[tilespmem:$0x4140] =	vst v0  }
0x21: {  	[tilespmem:$0x4150] =	vst v0  }
0x22: {  	[tilespmem:$0x4160] =	vst v0  }
0x23: {  	[tilespmem:$0x4170] =	vst v0  }
0x24: {  	[tilespmem:$0x4180] =	vst v0  }
0x25: {  	[tilespmem:$0x4190] =	vst v0  }
0x26: {  	[tilespmem:$0x41A0] =	vst v0  }
0x27: {  	[tilespmem:$0x41B0] =	vst v0  }
0x28: {  	[tilespmem:$0x41C0] =	vst v0  }
0x29: {  	[tilespmem:$0x41D0] =	vst v0  }
0x2a: {  	[tilespmem:$0x41E0] =	vst v0  }
0x2b: {  	[tilespmem:$0x41F0] =	vst v0  }
0x2c: {  	[tilespmem:$0x4200] =	vst v0  }
0x2d: {  	[tilespmem:$0x4210] =	vst v0  }
0x2e: {  	[tilespmem:$0x4220] =	vst v0  }
0x2f: {  	[tilespmem:$0x4230] =	vst v0  }
0x30: {  	[tilespmem:$0x4240] =	vst v0  }
0x31: {  	[tilespmem:$0x4250] =	vst v0  }
0x32: {  	[tilespmem:$0x4260] =	vst v0  }
0x33: {  	[tilespmem:$0x4270] =	vst v0  }
0x34: {  	[tilespmem:$0x4280] =	vst v0  }
0x35: {  	[tilespmem:$0x4290] =	vst v0  }
0x36: {  	[tilespmem:$0x42A0] =	vst v0  }
0x37: {  	[tilespmem:$0x42B0] =	vst v0  }
0x38: {  	[tilespmem:$0x42C0] =	vst v0  }
0x39: {  	[tilespmem:$0x42D0] =	vst v0  }
0x3a: {  	[tilespmem:$0x42E0] =	vst v0  }
0x3b: {  	[tilespmem:$0x42F0] =	vst v0  }
0x3c: {  	[tilespmem:$0x4000] =	vst v1  }
0x3d: {  	[tilespmem:$0x4010] =	vst v1  }
0x3e: {  	[tilespmem:$0x4020] =	vst v1  }
0x3f: {  	[tilespmem:$0x4030] =	vst v1  }
0x40: {  	[tilespmem:$0x4040] =	vst v1  }
0x41: {  	[spmem:s5] =	stream.linear.scatter [tilespmem:s9], [sflag:$0x2], $0x280, $0x38;
	[tilespmem:$0x4580] =	vst v63  }
0x42: {  	_ =	swait.ge [sflag:s8], $0x280  }
0x43: {  	[sflag:s8] =	ssyncset.done $0x0  }
0x44: {  	[sflag:s8] =	ssyncadd.s32 $0xFFFFFD80  }
0x45: {  	s18 =	simm.s32 $0x0;
	[bflag:$0x0] =	sbarrier.arrive $0xFFFF  }
.LBB2_2:
0x46: {  	p0 =	sne.s32 s18, $0xF800  }
.Ltmp0:
0x47: {  	_ = 	snop;
	(pc) =	sbr.rel @p0 .LBB2_2-.Ltmp0, $3  }
0x48: {  	_ =	sdelay $0x1  }
0x49: {  	s19 =	sshra.s32 s18, $0x2;
	s18 =	sadd.s32 $0x200, s18  }
0x4a: {  	[spmem:s2] =	stream.indirect.scatter.add.f32 [tilespmem:s11], [sflag:$0x1], $0x1, s19, s10, $0xb8;
	[tilespmem:$0x4580] =	vst v63  }
0x4b: {  	_ =	swait.ge [sflag:s12], $0x50  }
0x4c: {  	s18 =	simm.s32 $0x7C;
	[sflag:s12] =	ssyncset.done $0x0  }
.LBB2_4:
0x4d: {  	p0 =	sne.s32 s18, $0x1;
	s18 =	sadd.s32 $0xFFFFFFFF, s18;
	[sflag:s12] =	ssyncadd.s32 $0xFFFFFFB0  }
.Ltmp1:
0x4e: {  	(pc) =	sbr.rel @p0 .LBB2_4-.Ltmp1, $3  }
0x4f: {  	_ =	sdelay $0x1  }
0x50: {  	_ =	swait.ge [sflag:s12], $0x50  }
0x51: {  	[sflag:s12] =	ssyncset.done $0x0  }
0x52: {  	s17 =	sadd.s32 $0x1, s17  }
0x53: {  	[sflag:s12] =	ssyncadd.s32 $0xFFFFFFB0;
	p0 =	sne.s32 s17, s7  }
.Ltmp2:
0x54: {  	[bflag:$0x0] =	sbarrier.arrive $0xFFFF;
	(pc) =	sbr.rel @p0 .LBB2_1-.Ltmp2, $4  }
0x55: {  	[hbm:s6@s15], [sflag:s13] =	dma.strided [spmem:s14@s16], $0x50, s12, $0x10   }
0x56: {  	_ =	swait.ge [sflag:s8], $0x50  }
0x57: {  	[sflag:s8] =	ssyncset.done $0x0  }
0x58: {  	[sflag:s8] =	ssyncadd.s32 $0xFFFFFFB0  }
0x59: {  	_ =	sfence.sel $0x180000  }
0x5a: {  	[bflag:$0x0] =	sbarrier.arrive $0xFFFF  }
0x5b: {  	p0 =	sne.s32 s1, $0x0;
	_ =	strace $0x90000047  }
0x5c: {  	s0 =	sadd.s32 @!p0 $0x100000, s0;
	[bflag:$0x2] =	sbarrier.arrive $0xFFFF  }
0x5d: {  	[sflag:s0] =	ssyncadd.tile.s32 @!p0 $0x1;
	_ =	shalt  }
.Lfunc_end2:
_tile_overlayer_lowered:
.L_overlay_start_2:
0x5e: {  	(tag) =	ssettag $0x2  }
0x5f: {  	s0 =	rddreg [dreg:$0x0];
	s2 =	stileid.u32  }
0x60: {  	s1 =	rddreg [dreg:$0x1];
	p0 =	sne.s32 s2, $0x0  }
0x61: {  	s3 =	rddreg [dreg:$0x2];
	[bflag:$0x3] =	sbarrier.arrive $0xFFFF;
	s2 =	simm.s32 @!p0 $0x1C02  }
0x62: {  	[timem:s3], [sflag:s2] =	dma.local @!p0 [hbm:s0], s1  }
0x63: {  	s0 =	simm.s32 @!p0 $0x2  }
0x64: {  	_ =	swait.ge @!p0 [sflag:s0], s1  }
0x65: {  	s1 =	ssub.s32 @!p0 $0x0, s1;
	[sflag:s0] =	ssyncset.done @!p0 $0x0  }
0x66: {  	[sflag:s0] =	ssyncadd.s32 @!p0 s1  }
0x67: {  	[bflag:$0x3] =	sbarrier.arrive $0xFFFF  }
0x68: {  	_ =	shalt  }

</sc_bundles>
